<compile_context>
chip_gen: v7x
topology: tpu7x:2x2x1
jax: 0.10.2.dev20260603
libtpu: 0.0.44.dev20260713+nightly
codegen_flags: <defaults>
</compile_context>

<pallas_src>
import functools

import jax
import jax.numpy as jnp
from jax import lax
from jax.experimental import pallas as pl
from jax.experimental.pallas import tpu as pltpu
from jax.experimental.pallas import tpu_sc as plsc

EMBED_DIM = 300
PAD_DIM = 304
HW = 152
NUM_CORES = 2
NUM_SUBCORES = 16
NI, NJ = 4096, 200
IT = NI // 128
JT = NJ // 8
LH = 64
NPAIR = NJ // 2
NGRP = NPAIR * 2
NCHK = NGRP * 4
H1_W = EMBED_DIM - HW


def _make_gather():
  mesh = plsc.VectorSubcoreMesh(core_axis_name="c", subcore_axis_name="s")

  @functools.partial(
      pl.kernel,
      mesh=mesh,
      out_type=jax.ShapeDtypeStruct((EMBED_DIM, JT, IT, 8, 128), jnp.float32),
      scratch_types=[
          pltpu.VMEM((4, LH), jnp.int32),
          pltpu.VMEM((2, LH), jnp.int32),
          pltpu.VMEM((2, LH, HW), jnp.float32),
          pltpu.VMEM((2, HW, 2, 128), jnp.float32),
          pltpu.SemaphoreType.DMA,
          pltpu.SemaphoreType.DMA,
          pltpu.SemaphoreType.DMA,
          pltpu.SemaphoreType.DMA,
          pltpu.SemaphoreType.DMA,
          pltpu.SemaphoreType.DMA,
      ],
      compiler_params=pltpu.CompilerParams(
          use_tc_tiling_on_sc=False, needs_layout_passes=False,
          disable_bounds_checks=True, disable_semaphore_checks=True),
  )
  def gather_kernel(xt_hbm, table_hbm, out_hbm,
                    idxr_v, idxs_v, rows_v, stg_v,
                    isem0, isem1, gsem0, gsem1, wsem0, wsem1):
    wid = lax.axis_index("s") * NUM_CORES + lax.axis_index("c")
    it = wid
    isems = (isem0, isem1)
    gsems = (gsem0, gsem1)
    wsems = (wsem0, wsem1)
    iota16 = lax.iota(jnp.int32, 16)


    def x_slice(p, h, c):
      jcol = 2 * p + (c // 2)
      return xt_hbm.at[jcol, pl.ds(it * 128 + (c % 2) * LH, LH)]

    def stage_idx(p, h, c, kmod4):
      return pltpu.make_async_copy(x_slice(p, h, c), idxr_v.at[kmod4],
                                   isems[kmod4 % 2])

    def scale_idx(h, kmod4, kmod2):
      for g in range(LH // 16):
        v = idxr_v[kmod4, pl.ds(g * 16, 16)]
        idxs_v[kmod2, pl.ds(g * 16, 16)] = v * 2 + h

    def gather(kmod2):
      return pltpu.make_async_copy(
          table_hbm.at[idxs_v.at[kmod2]], rows_v.at[kmod2], gsems[kmod2])

    def transpose(c, cbuf, sbuf):
      sj = c // 2
      l0 = (c % 2) * LH

      def body(e2, carry):
        for de in range(2):
          e = e2 * 2 + de
          col = jnp.full((16,), e, jnp.int32)
          for g in range(LH // 16):
            vec = plsc.load_gather(rows_v.at[cbuf],
                                   [g * 16 + iota16, col])
            stg_v[sbuf, e, sj, pl.ds(l0 + g * 16, 16)] = vec
        return carry

      lax.fori_loop(0, HW // 2, body, 0)

    def write(p, h, sbuf):
      jt = p // 4
      s0 = 2 * (p % 4) if isinstance(p, int) else 2 * lax.rem(p, 4)
      if h == 0:
        return pltpu.make_async_copy(
            stg_v.at[sbuf],
            out_hbm.at[pl.ds(0, HW), jt, it, pl.ds(s0, 2)], wsems[sbuf])
      return pltpu.make_async_copy(
          stg_v.at[sbuf, pl.ds(0, H1_W)],
          out_hbm.at[pl.ds(HW, H1_W), jt, it, pl.ds(s0, 2)], wsems[sbuf])

    def next_chunk(p, h, c):
      if c < 2:
        return p, h, c + 2
      if h == 0:
        return p, 1, c - 2
      return p + 1, 0, c - 2

    def next4_chunk(p, h, c):
      if h == 0:
        return p, 1, c
      return p + 1, 0, c

    for c in range(4):
      stage_idx(0, 0, c, c).start()
    for c in range(2):
      stage_idx(0, 0, c, c).wait()
      scale_idx(0, c, c)
      gather(c).start()

    def group_body(p, h, sbuf):
      @pl.when((p * 2 + h) >= 2)
      def _():
        write(p - 1, h, sbuf).wait()

      for c in range(4):
        kmod2 = c % 2
        gather(kmod2).wait()
        transpose(c, kmod2, sbuf)
        np_, nh, nc = next_chunk(p, h, c)

        @pl.when((p * 2 + h) * 4 + c + 2 <= NCHK - 1)
        def _():
          stage_idx(np_, nh, nc, (c + 2) % 4).wait()
          scale_idx(nh, (c + 2) % 4, kmod2)
          gather(kmod2).start()
          n4p, n4h, n4c = next4_chunk(p, h, c)

          @pl.when((p * 2 + h) * 4 + c + 4 <= NCHK - 1)
          def _():
            stage_idx(n4p, n4h, n4c, c).start()

      write(p, h, sbuf).start()

    def loop_body(p, carry):
      for h in (0, 1):
        sbuf = h
        group_body(p, h, sbuf)
      return carry

    lax.fori_loop(0, NPAIR, loop_body, 0)

    write(NPAIR - 1, 0, 0).wait()
    write(NPAIR - 1, 1, 1).wait()

  return gather_kernel


def kernel(x, table):
  table_p = jnp.pad(table, ((0, 0), (0, PAD_DIM - EMBED_DIM)))
  table_h = table_p.reshape(table.shape[0] * 2, HW)
  out5d = _make_gather()(x.T, table_h)
  return out5d.transpose(2, 4, 1, 3, 0).reshape(NI, NJ, EMBED_DIM)

# --- scband reference (transcript-rebuilt; emitter-appended) ---
"""Pipeline reference for scband-embedding-google-news-26396869001838 (READ-ONLY COPY).

The authoritative reference and input builder live on the scoring server;
editing this copy changes nothing except your own understanding.
"""

import jax, jax.numpy as jnp
import numpy as np

VOCAB = 300000
EMBED_DIM = 300

def setup_inputs(seed: int = 0) -> dict:
    key = jax.random.key(seed)
    k1, k2 = jax.random.split(key)
    x = jax.random.randint(k1, (4096, 200), 0, VOCAB, dtype=jnp.int64 if jax.config.jax_enable_x64 else jnp.int32)
    table = jax.random.normal(k2, (VOCAB, EMBED_DIM), dtype=jnp.float32) * 0.02
    return {"x": x, "table": table}

def reference(x, table):
    # nn.Embedding lookup; dropout(p=0) is identity in eval and with p=0
    embed = jnp.take(table, x, axis=0)
    return embed

if __name__ == "__main__":
    import jax
    _d = setup_inputs()
    print(jax.jit(kernel)(*tuple(_d.values())))

</pallas_src>

<mosaic_0001>
#map = affine_map<(d0, d1) -> (0, 0)>
#map1 = affine_map<(d0, d1) -> (0, 0, 0, 0, 0)>
module attributes {stable_mosaic.version = 14 : i64} {
  func.func @gather_kernel(%arg0: i32, %arg1: i32, %arg2: memref<200x4096xi32, #tpu.memory_space<hbm>>, %arg3: memref<600000x152xf32, #tpu.memory_space<hbm>>, %arg4: memref<300x25x32x8x128xf32, #tpu.memory_space<hbm>>, %arg5: memref<4x64xi32, #tpu.memory_space<vmem>>, %arg6: memref<2x64xi32, #tpu.memory_space<vmem>>, %arg7: memref<2x64x152xf32, #tpu.memory_space<vmem>>, %arg8: memref<2x152x2x128xf32, #tpu.memory_space<vmem>>, %arg9: memref<!tpu.dma_semaphore, #tpu.memory_space<semaphore_mem>>, %arg10: memref<!tpu.dma_semaphore, #tpu.memory_space<semaphore_mem>>, %arg11: memref<!tpu.dma_semaphore, #tpu.memory_space<semaphore_mem>>, %arg12: memref<!tpu.dma_semaphore, #tpu.memory_space<semaphore_mem>>, %arg13: memref<!tpu.dma_semaphore, #tpu.memory_space<semaphore_mem>>, %arg14: memref<!tpu.dma_semaphore, #tpu.memory_space<semaphore_mem>>) attributes {dimension_semantics = [#tpu.dimension_semantics<core_parallel>, #tpu.dimension_semantics<subcore_parallel>], iteration_bounds = array<i64: 2, 16>, scalar_prefetch = 0 : i64, scratch_operands = 10 : i64, tpu.core_type = #tpu.core_type<sc_vector_subcore>, window_params = [{transform_indices = #map}, {transform_indices = #map}, {transform_indices = #map1}]} {
    %mul3A = arith.constant 2 : i32
    %mul3A_0 = arith.muli %arg1, %mul3A : i32
    %add3A = arith.addi %mul3A_0, %arg0 : i32
    %iota3A = tpu.iota {dimensions = array<i32: 0>} : vector<16xi32>
    %mul3A_1 = arith.constant 128 : i32
    %mul3A_2 = arith.muli %add3A, %mul3A_1 : i32
    %add3A_3 = arith.constant 0 : i32
    %add3A_4 = arith.addi %mul3A_2, %add3A_3 : i32
    %dma_start3A = arith.constant 0 : i32
    %dma_start3A_5 = arith.constant 0 : i32
    %dma_start3A_6 = arith.constant 0 : i32
    %dma_start3A_7 = tpu.memref_slice %arg5[%dma_start3A_5, %dma_start3A_6] : memref<4x64xi32, #tpu.memory_space<vmem>> -> memref<1x64xi32, #tpu.memory_space<vmem>>
    %dma_start3A_8 = tpu.memref_squeeze %dma_start3A_7 : memref<1x64xi32, #tpu.memory_space<vmem>> -> memref<64xi32, #tpu.memory_space<vmem>>
    %dma_start3A_9 = tpu.memref_slice %arg2[%dma_start3A, %add3A_4] : memref<200x4096xi32, #tpu.memory_space<hbm>> -> memref<1x64xi32, #tpu.memory_space<hbm>>
    %dma_start3A_10 = tpu.memref_squeeze %dma_start3A_9 : memref<1x64xi32, #tpu.memory_space<hbm>> -> memref<64xi32, #tpu.memory_space<hbm>>
    %dma_start3A_11 = arith.constant 0 : i32
    %dma_start3A_12 = tpu.memref_slice %arg5[%dma_start3A_5, %dma_start3A_11] : memref<4x64xi32, #tpu.memory_space<vmem>> -> memref<1x64xi32, #tpu.memory_space<vmem>>
    %dma_start3A_13 = tpu.memref_squeeze %dma_start3A_12 : memref<1x64xi32, #tpu.memory_space<vmem>> -> memref<64xi32, #tpu.memory_space<vmem>>
    %dma_start3A_14 = tpu.memref_slice %arg2[%dma_start3A, %add3A_4] : memref<200x4096xi32, #tpu.memory_space<hbm>> -> memref<1x64xi32, #tpu.memory_space<hbm>>
    %dma_start3A_15 = tpu.memref_squeeze %dma_start3A_14 : memref<1x64xi32, #tpu.memory_space<hbm>> -> memref<64xi32, #tpu.memory_space<hbm>>
    tpu.enqueue_dma source(%dma_start3A_15 : memref<64xi32, #tpu.memory_space<hbm>>) target(%dma_start3A_13 : memref<64xi32, #tpu.memory_space<vmem>>) target_semaphore(%arg9 : memref<!tpu.dma_semaphore, #tpu.memory_space<semaphore_mem>>)
    %mul3A_16 = arith.constant 128 : i32
    %mul3A_17 = arith.muli %add3A, %mul3A_16 : i32
    %add3A_18 = arith.constant 64 : i32
    %add3A_19 = arith.addi %mul3A_17, %add3A_18 : i32
    %dma_start3A_20 = arith.constant 0 : i32
    %dma_start3A_21 = arith.constant 1 : i32
    %dma_start3A_22 = arith.constant 0 : i32
    %dma_start3A_23 = tpu.memref_slice %arg5[%dma_start3A_21, %dma_start3A_22] : memref<4x64xi32, #tpu.memory_space<vmem>> -> memref<1x64xi32, #tpu.memory_space<vmem>>
    %dma_start3A_24 = tpu.memref_squeeze %dma_start3A_23 : memref<1x64xi32, #tpu.memory_space<vmem>> -> memref<64xi32, #tpu.memory_space<vmem>>
    %dma_start3A_25 = tpu.memref_slice %arg2[%dma_start3A_20, %add3A_19] : memref<200x4096xi32, #tpu.memory_space<hbm>> -> memref<1x64xi32, #tpu.memory_space<hbm>>
    %dma_start3A_26 = tpu.memref_squeeze %dma_start3A_25 : memref<1x64xi32, #tpu.memory_space<hbm>> -> memref<64xi32, #tpu.memory_space<hbm>>
    %dma_start3A_27 = arith.constant 0 : i32
    %dma_start3A_28 = tpu.memref_slice %arg5[%dma_start3A_21, %dma_start3A_27] : memref<4x64xi32, #tpu.memory_space<vmem>> -> memref<1x64xi32, #tpu.memory_space<vmem>>
    %dma_start3A_29 = tpu.memref_squeeze %dma_start3A_28 : memref<1x64xi32, #tpu.memory_space<vmem>> -> memref<64xi32, #tpu.memory_space<vmem>>
    %dma_start3A_30 = tpu.memref_slice %arg2[%dma_start3A_20, %add3A_19] : memref<200x4096xi32, #tpu.memory_space<hbm>> -> memref<1x64xi32, #tpu.memory_space<hbm>>
    %dma_start3A_31 = tpu.memref_squeeze %dma_start3A_30 : memref<1x64xi32, #tpu.memory_space<hbm>> -> memref<64xi32, #tpu.memory_space<hbm>>
    tpu.enqueue_dma source(%dma_start3A_31 : memref<64xi32, #tpu.memory_space<hbm>>) target(%dma_start3A_29 : memref<64xi32, #tpu.memory_space<vmem>>) target_semaphore(%arg10 : memref<!tpu.dma_semaphore, #tpu.memory_space<semaphore_mem>>)
    %mul3A_32 = arith.constant 128 : i32
    %mul3A_33 = arith.muli %add3A, %mul3A_32 : i32
    %add3A_34 = arith.constant 0 : i32
    %add3A_35 = arith.addi %mul3A_33, %add3A_34 : i32
    %dma_start3A_36 = arith.constant 1 : i32
    %dma_start3A_37 = arith.constant 2 : i32
    %dma_start3A_38 = arith.constant 0 : i32
    %dma_start3A_39 = tpu.memref_slice %arg5[%dma_start3A_37, %dma_start3A_38] : memref<4x64xi32, #tpu.memory_space<vmem>> -> memref<1x64xi32, #tpu.memory_space<vmem>>
    %dma_start3A_40 = tpu.memref_squeeze %dma_start3A_39 : memref<1x64xi32, #tpu.memory_space<vmem>> -> memref<64xi32, #tpu.memory_space<vmem>>
    %dma_start3A_41 = tpu.memref_slice %arg2[%dma_start3A_36, %add3A_35] : memref<200x4096xi32, #tpu.memory_space<hbm>> -> memref<1x64xi32, #tpu.memory_space<hbm>>
    %dma_start3A_42 = tpu.memref_squeeze %dma_start3A_41 : memref<1x64xi32, #tpu.memory_space<hbm>> -> memref<64xi32, #tpu.memory_space<hbm>>
    %dma_start3A_43 = arith.constant 0 : i32
    %dma_start3A_44 = tpu.memref_slice %arg5[%dma_start3A_37, %dma_start3A_43] : memref<4x64xi32, #tpu.memory_space<vmem>> -> memref<1x64xi32, #tpu.memory_space<vmem>>
    %dma_start3A_45 = tpu.memref_squeeze %dma_start3A_44 : memref<1x64xi32, #tpu.memory_space<vmem>> -> memref<64xi32, #tpu.memory_space<vmem>>
    %dma_start3A_46 = tpu.memref_slice %arg2[%dma_start3A_36, %add3A_35] : memref<200x4096xi32, #tpu.memory_space<hbm>> -> memref<1x64xi32, #tpu.memory_space<hbm>>
    %dma_start3A_47 = tpu.memref_squeeze %dma_start3A_46 : memref<1x64xi32, #tpu.memory_space<hbm>> -> memref<64xi32, #tpu.memory_space<hbm>>
    tpu.enqueue_dma source(%dma_start3A_47 : memref<64xi32, #tpu.memory_space<hbm>>) target(%dma_start3A_45 : memref<64xi32, #tpu.memory_space<vmem>>) target_semaphore(%arg9 : memref<!tpu.dma_semaphore, #tpu.memory_space<semaphore_mem>>)
    %mul3A_48 = arith.constant 128 : i32
    %mul3A_49 = arith.muli %add3A, %mul3A_48 : i32
    %add3A_50 = arith.constant 64 : i32
    %add3A_51 = arith.addi %mul3A_49, %add3A_50 : i32
    %dma_start3A_52 = arith.constant 1 : i32
    %dma_start3A_53 = arith.constant 3 : i32
    %dma_start3A_54 = arith.constant 0 : i32
    %dma_start3A_55 = tpu.memref_slice %arg5[%dma_start3A_53, %dma_start3A_54] : memref<4x64xi32, #tpu.memory_space<vmem>> -> memref<1x64xi32, #tpu.memory_space<vmem>>
    %dma_start3A_56 = tpu.memref_squeeze %dma_start3A_55 : memref<1x64xi32, #tpu.memory_space<vmem>> -> memref<64xi32, #tpu.memory_space<vmem>>
    %dma_start3A_57 = tpu.memref_slice %arg2[%dma_start3A_52, %add3A_51] : memref<200x4096xi32, #tpu.memory_space<hbm>> -> memref<1x64xi32, #tpu.memory_space<hbm>>
    %dma_start3A_58 = tpu.memref_squeeze %dma_start3A_57 : memref<1x64xi32, #tpu.memory_space<hbm>> -> memref<64xi32, #tpu.memory_space<hbm>>
    %dma_start3A_59 = arith.constant 0 : i32
    %dma_start3A_60 = tpu.memref_slice %arg5[%dma_start3A_53, %dma_start3A_59] : memref<4x64xi32, #tpu.memory_space<vmem>> -> memref<1x64xi32, #tpu.memory_space<vmem>>
    %dma_start3A_61 = tpu.memref_squeeze %dma_start3A_60 : memref<1x64xi32, #tpu.memory_space<vmem>> -> memref<64xi32, #tpu.memory_space<vmem>>
    %dma_start3A_62 = tpu.memref_slice %arg2[%dma_start3A_52, %add3A_51] : memref<200x4096xi32, #tpu.memory_space<hbm>> -> memref<1x64xi32, #tpu.memory_space<hbm>>
    %dma_start3A_63 = tpu.memref_squeeze %dma_start3A_62 : memref<1x64xi32, #tpu.memory_space<hbm>> -> memref<64xi32, #tpu.memory_space<hbm>>
    tpu.enqueue_dma source(%dma_start3A_63 : memref<64xi32, #tpu.memory_space<hbm>>) target(%dma_start3A_61 : memref<64xi32, #tpu.memory_space<vmem>>) target_semaphore(%arg10 : memref<!tpu.dma_semaphore, #tpu.memory_space<semaphore_mem>>)
    %mul3A_64 = arith.constant 128 : i32
    %mul3A_65 = arith.muli %add3A, %mul3A_64 : i32
    %add3A_66 = arith.constant 0 : i32
    %add3A_67 = arith.addi %mul3A_65, %add3A_66 : i32
    %dma_wait3A = arith.constant 0 : i32
    %dma_wait3A_68 = arith.constant 0 : i32
    %dma_wait3A_69 = arith.constant 0 : i32
    %dma_wait3A_70 = tpu.memref_slice %arg5[%dma_wait3A_68, %dma_wait3A_69] : memref<4x64xi32, #tpu.memory_space<vmem>> -> memref<1x64xi32, #tpu.memory_space<vmem>>
    %dma_wait3A_71 = tpu.memref_squeeze %dma_wait3A_70 : memref<1x64xi32, #tpu.memory_space<vmem>> -> memref<64xi32, #tpu.memory_space<vmem>>
    %dma_wait3A_72 = tpu.memref_slice %arg2[%dma_wait3A, %add3A_67] : memref<200x4096xi32, #tpu.memory_space<hbm>> -> memref<1x64xi32, #tpu.memory_space<hbm>>
    %dma_wait3A_73 = tpu.memref_squeeze %dma_wait3A_72 : memref<1x64xi32, #tpu.memory_space<hbm>> -> memref<64xi32, #tpu.memory_space<hbm>>
    %dma_wait3A_74 = arith.constant 0 : i32
    %dma_wait3A_75 = tpu.memref_slice %arg5[%dma_wait3A_68, %dma_wait3A_74] : memref<4x64xi32, #tpu.memory_space<vmem>> -> memref<1x64xi32, #tpu.memory_space<vmem>>
    %dma_wait3A_76 = tpu.memref_squeeze %dma_wait3A_75 : memref<1x64xi32, #tpu.memory_space<vmem>> -> memref<64xi32, #tpu.memory_space<vmem>>
    %dma_wait3A_77 = tpu.memref_slice %arg2[%dma_wait3A, %add3A_67] : memref<200x4096xi32, #tpu.memory_space<hbm>> -> memref<1x64xi32, #tpu.memory_space<hbm>>
    %dma_wait3A_78 = tpu.memref_squeeze %dma_wait3A_77 : memref<1x64xi32, #tpu.memory_space<hbm>> -> memref<64xi32, #tpu.memory_space<hbm>>
    tpu.wait_dma2 semaphore(%arg9 : memref<!tpu.dma_semaphore, #tpu.memory_space<semaphore_mem>>) src(%dma_wait3A_78 : memref<64xi32, #tpu.memory_space<hbm>>) dst(%dma_wait3A_76 : memref<64xi32, #tpu.memory_space<vmem>>)
    %get3A = arith.constant 0 : i32
    %get3A_79 = arith.index_cast %get3A : i32 to index
    %get3A_80 = arith.constant 0 : index
    %get3A_81 = tpu.vector_load %arg5[%get3A_79, %get3A_80] {strides = array<i32>} : memref<4x64xi32, #tpu.memory_space<vmem>>, vector<16xi32>,
    %mul3A_82 = arith.constant 2 : i32
    %mul3A_83 = vector.broadcast %mul3A_82 : i32 to vector<16xi32>
    %mul3A_84 = arith.muli %get3A_81, %mul3A_83 : vector<16xi32>
    %add3A_85 = arith.constant 0 : i32
    %add3A_86 = vector.broadcast %add3A_85 : i32 to vector<16xi32>
    %add3A_87 = arith.addi %mul3A_84, %add3A_86 : vector<16xi32>
    %swap3A = arith.constant 0 : i32
    %swap3A_88 = arith.index_cast %swap3A : i32 to index
    %swap3A_89 = arith.constant 0 : index
    %swap3A_90 = tpu.vector_load %arg6[%swap3A_88, %swap3A_89] {strides = array<i32>} : memref<2x64xi32, #tpu.memory_space<vmem>>, vector<16xi32>,
    tpu.vector_store %arg6[%swap3A_88, %swap3A_89], %add3A_87 {strides = array<i32>} : memref<2x64xi32, #tpu.memory_space<vmem>>, vector<16xi32>,
    %get3A_91 = arith.constant 0 : i32
    %get3A_92 = arith.index_cast %get3A_91 : i32 to index
    %get3A_93 = arith.constant 16 : index
    %get3A_94 = tpu.vector_load %arg5[%get3A_92, %get3A_93] {strides = array<i32>} : memref<4x64xi32, #tpu.memory_space<vmem>>, vector<16xi32>,
    %mul3A_95 = arith.constant 2 : i32
    %mul3A_96 = vector.broadcast %mul3A_95 : i32 to vector<16xi32>
    %mul3A_97 = arith.muli %get3A_94, %mul3A_96 : vector<16xi32>
    %add3A_98 = arith.constant 0 : i32
    %add3A_99 = vector.broadcast %add3A_98 : i32 to vector<16xi32>
    %add3A_100 = arith.addi %mul3A_97, %add3A_99 : vector<16xi32>
    %swap3A_101 = arith.constant 0 : i32
    %swap3A_102 = arith.index_cast %swap3A_101 : i32 to index
    %swap3A_103 = arith.constant 16 : index
    %swap3A_104 = tpu.vector_load %arg6[%swap3A_102, %swap3A_103] {strides = array<i32>} : memref<2x64xi32, #tpu.memory_space<vmem>>, vector<16xi32>,
    tpu.vector_store %arg6[%swap3A_102, %swap3A_103], %add3A_100 {strides = array<i32>} : memref<2x64xi32, #tpu.memory_space<vmem>>, vector<16xi32>,
    %get3A_105 = arith.constant 0 : i32
    %get3A_106 = arith.index_cast %get3A_105 : i32 to index
    %get3A_107 = arith.constant 32 : index
    %get3A_108 = tpu.vector_load %arg5[%get3A_106, %get3A_107] {strides = array<i32>} : memref<4x64xi32, #tpu.memory_space<vmem>>, vector<16xi32>,
    %mul3A_109 = arith.constant 2 : i32
    %mul3A_110 = vector.broadcast %mul3A_109 : i32 to vector<16xi32>
    %mul3A_111 = arith.muli %get3A_108, %mul3A_110 : vector<16xi32>
    %add3A_112 = arith.constant 0 : i32
    %add3A_113 = vector.broadcast %add3A_112 : i32 to vector<16xi32>
    %add3A_114 = arith.addi %mul3A_111, %add3A_113 : vector<16xi32>
    %swap3A_115 = arith.constant 0 : i32
    %swap3A_116 = arith.index_cast %swap3A_115 : i32 to index
    %swap3A_117 = arith.constant 32 : index
    %swap3A_118 = tpu.vector_load %arg6[%swap3A_116, %swap3A_117] {strides = array<i32>} : memref<2x64xi32, #tpu.memory_space<vmem>>, vector<16xi32>,
    tpu.vector_store %arg6[%swap3A_116, %swap3A_117], %add3A_114 {strides = array<i32>} : memref<2x64xi32, #tpu.memory_space<vmem>>, vector<16xi32>,
    %get3A_119 = arith.constant 0 : i32
    %get3A_120 = arith.index_cast %get3A_119 : i32 to index
    %get3A_121 = arith.constant 48 : index
    %get3A_122 = tpu.vector_load %arg5[%get3A_120, %get3A_121] {strides = array<i32>} : memref<4x64xi32, #tpu.memory_space<vmem>>, vector<16xi32>,
    %mul3A_123 = arith.constant 2 : i32
    %mul3A_124 = vector.broadcast %mul3A_123 : i32 to vector<16xi32>
    %mul3A_125 = arith.muli %get3A_122, %mul3A_124 : vector<16xi32>
    %add3A_126 = arith.constant 0 : i32
    %add3A_127 = vector.broadcast %add3A_126 : i32 to vector<16xi32>
    %add3A_128 = arith.addi %mul3A_125, %add3A_127 : vector<16xi32>
    %swap3A_129 = arith.constant 0 : i32
    %swap3A_130 = arith.index_cast %swap3A_129 : i32 to index
    %swap3A_131 = arith.constant 48 : index
    %swap3A_132 = tpu.vector_load %arg6[%swap3A_130, %swap3A_131] {strides = array<i32>} : memref<2x64xi32, #tpu.memory_space<vmem>>, vector<16xi32>,
    tpu.vector_store %arg6[%swap3A_130, %swap3A_131], %add3A_128 {strides = array<i32>} : memref<2x64xi32, #tpu.memory_space<vmem>>, vector<16xi32>,
    %dma_start3A_133 = arith.constant 0 : i32
    %dma_start3A_134 = arith.constant 0 : i32
    %dma_start3A_135 = arith.constant 0 : i32
    %dma_start3A_136 = arith.constant 0 : i32
    %dma_start3A_137 = tpu.memref_slice %arg7[%dma_start3A_134, %dma_start3A_135, %dma_start3A_136] : memref<2x64x152xf32, #tpu.memory_space<vmem>> -> memref<1x64x152xf32, #tpu.memory_space<vmem>>
    %dma_start3A_138 = tpu.memref_squeeze %dma_start3A_137 : memref<1x64x152xf32, #tpu.memory_space<vmem>> -> memref<64x152xf32, #tpu.memory_space<vmem>>
    %dma_start3A_139 = arith.constant 0 : i32
    %dma_start3A_140 = tpu.memref_slice %arg6[%dma_start3A_133, %dma_start3A_139] : memref<2x64xi32, #tpu.memory_space<vmem>> -> memref<1x64xi32, #tpu.memory_space<vmem>>
    %dma_start3A_141 = tpu.memref_squeeze %dma_start3A_140 : memref<1x64xi32, #tpu.memory_space<vmem>> -> memref<64xi32, #tpu.memory_space<vmem>>
    %dma_start3A_142 = arith.constant 0 : i32
    %dma_start3A_143 = arith.constant 0 : i32
    %dma_start3A_144 = tpu.memref_slice %arg3[%dma_start3A_142, %dma_start3A_143] : memref<600000x152xf32, #tpu.memory_space<hbm>> -> memref<600000x152xf32, #tpu.memory_space<hbm>>
    tpu.enqueue_indirect_dma source(%dma_start3A_144 : memref<600000x152xf32, #tpu.memory_space<hbm>>) target(%dma_start3A_138 : memref<64x152xf32, #tpu.memory_space<vmem>>) offsets(%dma_start3A_141 : memref<64xi32, #tpu.memory_space<vmem>>) semaphore(%arg11 : memref<!tpu.dma_semaphore, #tpu.memory_space<semaphore_mem>>)
    %mul3A_145 = arith.constant 128 : i32
    %mul3A_146 = arith.muli %add3A, %mul3A_145 : i32
    %add3A_147 = arith.constant 64 : i32
    %add3A_148 = arith.addi %mul3A_146, %add3A_147 : i32
    %dma_wait3A_149 = arith.constant 0 : i32
    %dma_wait3A_150 = arith.constant 1 : i32
    %dma_wait3A_151 = arith.constant 0 : i32
    %dma_wait3A_152 = tpu.memref_slice %arg5[%dma_wait3A_150, %dma_wait3A_151] : memref<4x64xi32, #tpu.memory_space<vmem>> -> memref<1x64xi32, #tpu.memory_space<vmem>>
    %dma_wait3A_153 = tpu.memref_squeeze %dma_wait3A_152 : memref<1x64xi32, #tpu.memory_space<vmem>> -> memref<64xi32, #tpu.memory_space<vmem>>
    %dma_wait3A_154 = tpu.memref_slice %arg2[%dma_wait3A_149, %add3A_148] : memref<200x4096xi32, #tpu.memory_space<hbm>> -> memref<1x64xi32, #tpu.memory_space<hbm>>
    %dma_wait3A_155 = tpu.memref_squeeze %dma_wait3A_154 : memref<1x64xi32, #tpu.memory_space<hbm>> -> memref<64xi32, #tpu.memory_space<hbm>>
    %dma_wait3A_156 = arith.constant 0 : i32
    %dma_wait3A_157 = tpu.memref_slice %arg5[%dma_wait3A_150, %dma_wait3A_156] : memref<4x64xi32, #tpu.memory_space<vmem>> -> memref<1x64xi32, #tpu.memory_space<vmem>>
    %dma_wait3A_158 = tpu.memref_squeeze %dma_wait3A_157 : memref<1x64xi32, #tpu.memory_space<vmem>> -> memref<64xi32, #tpu.memory_space<vmem>>
    %dma_wait3A_159 = tpu.memref_slice %arg2[%dma_wait3A_149, %add3A_148] : memref<200x4096xi32, #tpu.memory_space<hbm>> -> memref<1x64xi32, #tpu.memory_space<hbm>>
    %dma_wait3A_160 = tpu.memref_squeeze %dma_wait3A_159 : memref<1x64xi32, #tpu.memory_space<hbm>> -> memref<64xi32, #tpu.memory_space<hbm>>
    tpu.wait_dma2 semaphore(%arg10 : memref<!tpu.dma_semaphore, #tpu.memory_space<semaphore_mem>>) src(%dma_wait3A_160 : memref<64xi32, #tpu.memory_space<hbm>>) dst(%dma_wait3A_158 : memref<64xi32, #tpu.memory_space<vmem>>)
    %get3A_161 = arith.constant 1 : i32
    %get3A_162 = arith.index_cast %get3A_161 : i32 to index
    %get3A_163 = arith.constant 0 : index
    %get3A_164 = tpu.vector_load %arg5[%get3A_162, %get3A_163] {strides = array<i32>} : memref<4x64xi32, #tpu.memory_space<vmem>>, vector<16xi32>,
    %mul3A_165 = arith.constant 2 : i32
    %mul3A_166 = vector.broadcast %mul3A_165 : i32 to vector<16xi32>
    %mul3A_167 = arith.muli %get3A_164, %mul3A_166 : vector<16xi32>
    %add3A_168 = arith.constant 0 : i32
    %add3A_169 = vector.broadcast %add3A_168 : i32 to vector<16xi32>
    %add3A_170 = arith.addi %mul3A_167, %add3A_169 : vector<16xi32>
    %swap3A_171 = arith.constant 1 : i32
    %swap3A_172 = arith.index_cast %swap3A_171 : i32 to index
    %swap3A_173 = arith.constant 0 : index
    %swap3A_174 = tpu.vector_load %arg6[%swap3A_172, %swap3A_173] {strides = array<i32>} : memref<2x64xi32, #tpu.memory_space<vmem>>, vector<16xi32>,
    tpu.vector_store %arg6[%swap3A_172, %swap3A_173], %add3A_170 {strides = array<i32>} : memref<2x64xi32, #tpu.memory_space<vmem>>, vector<16xi32>,
    %get3A_175 = arith.constant 1 : i32
    %get3A_176 = arith.index_cast %get3A_175 : i32 to index
    %get3A_177 = arith.constant 16 : index
    %get3A_178 = tpu.vector_load %arg5[%get3A_176, %get3A_177] {strides = array<i32>} : memref<4x64xi32, #tpu.memory_space<vmem>>, vector<16xi32>,
    %mul3A_179 = arith.constant 2 : i32
    %mul3A_180 = vector.broadcast %mul3A_179 : i32 to vector<16xi32>
    %mul3A_181 = arith.muli %get3A_178, %mul3A_180 : vector<16xi32>
    %add3A_182 = arith.constant 0 : i32
    %add3A_183 = vector.broadcast %add3A_182 : i32 to vector<16xi32>
    %add3A_184 = arith.addi %mul3A_181, %add3A_183 : vector<16xi32>
    %swap3A_185 = arith.constant 1 : i32
    %swap3A_186 = arith.index_cast %swap3A_185 : i32 to index
    %swap3A_187 = arith.constant 16 : index
    %swap3A_188 = tpu.vector_load %arg6[%swap3A_186, %swap3A_187] {strides = array<i32>} : memref<2x64xi32, #tpu.memory_space<vmem>>, vector<16xi32>,
    tpu.vector_store %arg6[%swap3A_186, %swap3A_187], %add3A_184 {strides = array<i32>} : memref<2x64xi32, #tpu.memory_space<vmem>>, vector<16xi32>,
    %get3A_189 = arith.constant 1 : i32
    %get3A_190 = arith.index_cast %get3A_189 : i32 to index
    %get3A_191 = arith.constant 32 : index
    %get3A_192 = tpu.vector_load %arg5[%get3A_190, %get3A_191] {strides = array<i32>} : memref<4x64xi32, #tpu.memory_space<vmem>>, vector<16xi32>,
    %mul3A_193 = arith.constant 2 : i32
    %mul3A_194 = vector.broadcast %mul3A_193 : i32 to vector<16xi32>
    %mul3A_195 = arith.muli %get3A_192, %mul3A_194 : vector<16xi32>
    %add3A_196 = arith.constant 0 : i32
    %add3A_197 = vector.broadcast %add3A_196 : i32 to vector<16xi32>
    %add3A_198 = arith.addi %mul3A_195, %add3A_197 : vector<16xi32>
    %swap3A_199 = arith.constant 1 : i32
    %swap3A_200 = arith.index_cast %swap3A_199 : i32 to index
    %swap3A_201 = arith.constant 32 : index
    %swap3A_202 = tpu.vector_load %arg6[%swap3A_200, %swap3A_201] {strides = array<i32>} : memref<2x64xi32, #tpu.memory_space<vmem>>, vector<16xi32>,
    tpu.vector_store %arg6[%swap3A_200, %swap3A_201], %add3A_198 {strides = array<i32>} : memref<2x64xi32, #tpu.memory_space<vmem>>, vector<16xi32>,
    %get3A_203 = arith.constant 1 : i32
    %get3A_204 = arith.index_cast %get3A_203 : i32 to index
    %get3A_205 = arith.constant 48 : index
    %get3A_206 = tpu.vector_load %arg5[%get3A_204, %get3A_205] {strides = array<i32>} : memref<4x64xi32, #tpu.memory_space<vmem>>, vector<16xi32>,
    %mul3A_207 = arith.constant 2 : i32
    %mul3A_208 = vector.broadcast %mul3A_207 : i32 to vector<16xi32>
    %mul3A_209 = arith.muli %get3A_206, %mul3A_208 : vector<16xi32>
    %add3A_210 = arith.constant 0 : i32
    %add3A_211 = vector.broadcast %add3A_210 : i32 to vector<16xi32>
    %add3A_212 = arith.addi %mul3A_209, %add3A_211 : vector<16xi32>
    %swap3A_213 = arith.constant 1 : i32
    %swap3A_214 = arith.index_cast %swap3A_213 : i32 to index
    %swap3A_215 = arith.constant 48 : index
    %swap3A_216 = tpu.vector_load %arg6[%swap3A_214, %swap3A_215] {strides = array<i32>} : memref<2x64xi32, #tpu.memory_space<vmem>>, vector<16xi32>,
    tpu.vector_store %arg6[%swap3A_214, %swap3A_215], %add3A_212 {strides = array<i32>} : memref<2x64xi32, #tpu.memory_space<vmem>>, vector<16xi32>,
    %dma_start3A_217 = arith.constant 1 : i32
    %dma_start3A_218 = arith.constant 1 : i32
    %dma_start3A_219 = arith.constant 0 : i32
    %dma_start3A_220 = arith.constant 0 : i32
    %dma_start3A_221 = tpu.memref_slice %arg7[%dma_start3A_218, %dma_start3A_219, %dma_start3A_220] : memref<2x64x152xf32, #tpu.memory_space<vmem>> -> memref<1x64x152xf32, #tpu.memory_space<vmem>>
    %dma_start3A_222 = tpu.memref_squeeze %dma_start3A_221 : memref<1x64x152xf32, #tpu.memory_space<vmem>> -> memref<64x152xf32, #tpu.memory_space<vmem>>
    %dma_start3A_223 = arith.constant 0 : i32
    %dma_start3A_224 = tpu.memref_slice %arg6[%dma_start3A_217, %dma_start3A_223] : memref<2x64xi32, #tpu.memory_space<vmem>> -> memref<1x64xi32, #tpu.memory_space<vmem>>
    %dma_start3A_225 = tpu.memref_squeeze %dma_start3A_224 : memref<1x64xi32, #tpu.memory_space<vmem>> -> memref<64xi32, #tpu.memory_space<vmem>>
    %dma_start3A_226 = arith.constant 0 : i32
    %dma_start3A_227 = arith.constant 0 : i32
    %dma_start3A_228 = tpu.memref_slice %arg3[%dma_start3A_226, %dma_start3A_227] : memref<600000x152xf32, #tpu.memory_space<hbm>> -> memref<600000x152xf32, #tpu.memory_space<hbm>>
    tpu.enqueue_indirect_dma source(%dma_start3A_228 : memref<600000x152xf32, #tpu.memory_space<hbm>>) target(%dma_start3A_222 : memref<64x152xf32, #tpu.memory_space<vmem>>) offsets(%dma_start3A_225 : memref<64xi32, #tpu.memory_space<vmem>>) semaphore(%arg12 : memref<!tpu.dma_semaphore, #tpu.memory_space<semaphore_mem>>)
    %scan3A = arith.constant 0 : i32
    %scan3A_229 = arith.constant 0 : i32
    %scan3A_230 = arith.constant 100 : i32
    %scan3A_231 = arith.addi %scan3A_229, %scan3A_230 : i32
    %scan3A_232 = arith.constant 1 : i32
    scf.for %scan3A_278 = %scan3A_229 to %scan3A_231 step %scan3A_232  : i32 {
      %mul3A_279 = arith.constant 2 : i32
      %mul3A_280 = arith.muli %scan3A_278, %mul3A_279 : i32
      %add3A_281 = arith.constant 0 : i32
      %add3A_282 = arith.addi %mul3A_280, %add3A_281 : i32
      %ge3A = arith.constant 2 : i32
      %ge3A_283 = arith.cmpi sge, %add3A_282, %ge3A : i32
      %convert_element_type3A = arith.extui %ge3A_283 : i1 to i32
      %cond3A = arith.constant 0 : i32
      %cond3A_284 = arith.cmpi ne, %convert_element_type3A, %cond3A : i32
      scf.if %cond3A_284 {
        %sub3A_647 = arith.constant 1 : i32
        %sub3A_648 = arith.subi %scan3A_278, %sub3A_647 : i32
        %jit3A_649 = arith.constant 4 : i32
        %div3A_650 = arith.divsi %sub3A_648, %jit3A_649 : i32
        %sign3A_651 = arith.constant 0 : i32
        %sign3A_652 = arith.cmpi sgt, %sub3A_648, %sign3A_651 : i32
        %sign3A_653 = arith.extui %sign3A_652 : i1 to i32
        %sign3A_654 = arith.constant 0 : i32
        %sign3A_655 = arith.cmpi slt, %sub3A_648, %sign3A_654 : i32
        %sign3A_656 = arith.extui %sign3A_655 : i1 to i32
        %sign3A_657 = arith.subi %sign3A_653, %sign3A_656 : i32
        %sign3A_658 = arith.constant 0 : i32
        %sign3A_659 = arith.cmpi sgt, %jit3A_649, %sign3A_658 : i32
        %sign3A_660 = arith.extui %sign3A_659 : i1 to i32
        %sign3A_661 = arith.constant 0 : i32
        %sign3A_662 = arith.cmpi slt, %jit3A_649, %sign3A_661 : i32
        %sign3A_663 = arith.extui %sign3A_662 : i1 to i32
        %sign3A_664 = arith.subi %sign3A_660, %sign3A_663 : i32
        %ne3A_665 = arith.cmpi ne, %sign3A_657, %sign3A_664 : i32
        %rem3A_666 = arith.remsi %sub3A_648, %jit3A_649 : i32
        %ne3A_667 = arith.constant 0 : i32
        %ne3A_668 = arith.cmpi ne, %rem3A_666, %ne3A_667 : i32
        %and3A_669 = arith.andi %ne3A_665, %ne3A_668 : i1
        %sub3A_670 = arith.constant 1 : i32
        %sub3A_671 = arith.subi %div3A_650, %sub3A_670 : i32
        %select_n3A_672 = arith.select %and3A_669, %sub3A_671, %div3A_650 : i32
        %rem3A_673 = arith.constant 4 : i32
        %rem3A_674 = arith.remsi %sub3A_648, %rem3A_673 : i32
        %mul3A_675 = arith.constant 2 : i32
        %mul3A_676 = arith.muli %mul3A_675, %rem3A_674 : i32
        %dma_wait3A_677 = arith.constant 0 : i32
        %dma_wait3A_678 = arith.constant 0 : i32
        %dma_wait3A_679 = arith.constant 0 : i32
        %dma_wait3A_680 = arith.constant 0 : i32
        %dma_wait3A_681 = tpu.memref_slice %arg8[%dma_wait3A_677, %dma_wait3A_678, %dma_wait3A_679, %dma_wait3A_680] : memref<2x152x2x128xf32, #tpu.memory_space<vmem>> -> memref<1x152x2x128xf32, #tpu.memory_space<vmem>>
        %dma_wait3A_682 = tpu.memref_squeeze %dma_wait3A_681 : memref<1x152x2x128xf32, #tpu.memory_space<vmem>> -> memref<152x2x128xf32, #tpu.memory_space<vmem>>
        %dma_wait3A_683 = arith.constant 0 : i32
        %dma_wait3A_684 = arith.constant 0 : i32
        %dma_wait3A_685 = tpu.memref_slice %arg4[%dma_wait3A_683, %select_n3A_672, %add3A, %mul3A_676, %dma_wait3A_684] : memref<300x25x32x8x128xf32, #tpu.memory_space<hbm>> -> memref<152x1x1x2x128xf32, #tpu.memory_space<hbm>>
        %dma_wait3A_686 = tpu.memref_squeeze %dma_wait3A_685 : memref<152x1x1x2x128xf32, #tpu.memory_space<hbm>> -> memref<152x2x128xf32, #tpu.memory_space<hbm>>
        %dma_wait3A_687 = arith.constant 0 : i32
        %dma_wait3A_688 = arith.constant 0 : i32
        %dma_wait3A_689 = tpu.memref_slice %arg4[%dma_wait3A_687, %select_n3A_672, %add3A, %mul3A_676, %dma_wait3A_688] : memref<300x25x32x8x128xf32, #tpu.memory_space<hbm>> -> memref<152x1x1x2x128xf32, #tpu.memory_space<hbm>>
        %dma_wait3A_690 = tpu.memref_squeeze %dma_wait3A_689 : memref<152x1x1x2x128xf32, #tpu.memory_space<hbm>> -> memref<152x2x128xf32, #tpu.memory_space<hbm>>
        %dma_wait3A_691 = arith.constant 0 : i32
        %dma_wait3A_692 = arith.constant 0 : i32
        %dma_wait3A_693 = arith.constant 0 : i32
        %dma_wait3A_694 = tpu.memref_slice %arg8[%dma_wait3A_677, %dma_wait3A_691, %dma_wait3A_692, %dma_wait3A_693] : memref<2x152x2x128xf32, #tpu.memory_space<vmem>> -> memref<1x152x2x128xf32, #tpu.memory_space<vmem>>
        %dma_wait3A_695 = tpu.memref_squeeze %dma_wait3A_694 : memref<1x152x2x128xf32, #tpu.memory_space<vmem>> -> memref<152x2x128xf32, #tpu.memory_space<vmem>>
        tpu.wait_dma2 semaphore(%arg13 : memref<!tpu.dma_semaphore, #tpu.memory_space<semaphore_mem>>) src(%dma_wait3A_695 : memref<152x2x128xf32, #tpu.memory_space<vmem>>) dst(%dma_wait3A_690 : memref<152x2x128xf32, #tpu.memory_space<hbm>>)
      } else {
      }
      %dma_wait3A_285 = arith.constant 0 : i32
      %dma_wait3A_286 = arith.constant 0 : i32
      %dma_wait3A_287 = arith.constant 0 : i32
      %dma_wait3A_288 = arith.constant 0 : i32
      %dma_wait3A_289 = tpu.memref_slice %arg7[%dma_wait3A_286, %dma_wait3A_287, %dma_wait3A_288] : memref<2x64x152xf32, #tpu.memory_space<vmem>> -> memref<1x64x152xf32, #tpu.memory_space<vmem>>
      %dma_wait3A_290 = tpu.memref_squeeze %dma_wait3A_289 : memref<1x64x152xf32, #tpu.memory_space<vmem>> -> memref<64x152xf32, #tpu.memory_space<vmem>>
      %dma_wait3A_291 = arith.constant 0 : i32
      %dma_wait3A_292 = tpu.memref_slice %arg6[%dma_wait3A_285, %dma_wait3A_291] : memref<2x64xi32, #tpu.memory_space<vmem>> -> memref<1x64xi32, #tpu.memory_space<vmem>>
      %dma_wait3A_293 = tpu.memref_squeeze %dma_wait3A_292 : memref<1x64xi32, #tpu.memory_space<vmem>> -> memref<64xi32, #tpu.memory_space<vmem>>
      %dma_wait3A_294 = arith.constant 0 : i32
      %dma_wait3A_295 = arith.constant 0 : i32
      %dma_wait3A_296 = tpu.memref_slice %arg3[%dma_wait3A_294, %dma_wait3A_295] : memref<600000x152xf32, #tpu.memory_space<hbm>> -> memref<600000x152xf32, #tpu.memory_space<hbm>>
      tpu.wait_indirect_dma semaphore(%arg11 : memref<!tpu.dma_semaphore, #tpu.memory_space<semaphore_mem>>) src(%dma_wait3A_296 : memref<600000x152xf32, #tpu.memory_space<hbm>>) dst(%dma_wait3A_290 : memref<64x152xf32, #tpu.memory_space<vmem>>)
      %scan3A_297 = arith.constant 0 : i32
      %scan3A_298 = arith.constant 0 : i32
      %scan3A_299 = arith.constant 76 : i32
      %scan3A_300 = arith.addi %scan3A_298, %scan3A_299 : i32
      %scan3A_301 = arith.constant 1 : i32
      scf.for %scan3A_647 = %scan3A_298 to %scan3A_300 step %scan3A_301  : i32 {
        %mul3A_648 = arith.constant 2 : i32
        %mul3A_649 = arith.muli %scan3A_647, %mul3A_648 : i32
        %add3A_650 = arith.constant 0 : i32
        %add3A_651 = arith.addi %mul3A_649, %add3A_650 : i32
        %broadcast_in_dim3A = vector.broadcast %add3A_651 : i32 to vector<16xi32>
        %add3A_652 = arith.constant 0 : i32
        %add3A_653 = vector.broadcast %add3A_652 : i32 to vector<16xi32>
        %add3A_654 = arith.addi %add3A_653, %iota3A : vector<16xi32>
        %gather3A = arith.constant 0 : i32
        %gather3A_655 = arith.constant 0 : i32
        %gather3A_656 = arith.constant 0 : i32
        %gather3A_657 = tpu.memref_slice %arg7[%gather3A, %gather3A_655, %gather3A_656] : memref<2x64x152xf32, #tpu.memory_space<vmem>> -> memref<1x64x152xf32, #tpu.memory_space<vmem>>
        %gather3A_658 = tpu.memref_squeeze %gather3A_657 : memref<1x64x152xf32, #tpu.memory_space<vmem>> -> memref<64x152xf32, #tpu.memory_space<vmem>>
        %gather3A_659 = tpu.vector_load_idx %gather3A_658[%add3A_654, %broadcast_in_dim3A] : memref<64x152xf32, #tpu.memory_space<vmem>>[vector<16xi32>, vector<16xi32>], vector<16xf32>,
        %swap3A_660 = arith.constant 0 : i32
        %swap3A_661 = arith.constant 0 : i32
        %swap3A_662 = arith.index_cast %swap3A_660 : i32 to index
        %swap3A_663 = arith.index_cast %add3A_651 : i32 to index
        %swap3A_664 = arith.index_cast %swap3A_661 : i32 to index
        %swap3A_665 = arith.constant 0 : index
        %swap3A_666 = tpu.vector_load %arg8[%swap3A_662, %swap3A_663, %swap3A_664, %swap3A_665] {strides = array<i32>} : memref<2x152x2x128xf32, #tpu.memory_space<vmem>>, vector<16xf32>,
        tpu.vector_store %arg8[%swap3A_662, %swap3A_663, %swap3A_664, %swap3A_665], %gather3A_659 {strides = array<i32>} : memref<2x152x2x128xf32, #tpu.memory_space<vmem>>, vector<16xf32>,
        %add3A_667 = arith.constant 16 : i32
        %add3A_668 = vector.broadcast %add3A_667 : i32 to vector<16xi32>
        %add3A_669 = arith.addi %add3A_668, %iota3A : vector<16xi32>
        %gather3A_670 = arith.constant 0 : i32
        %gather3A_671 = arith.constant 0 : i32
        %gather3A_672 = arith.constant 0 : i32
        %gather3A_673 = tpu.memref_slice %arg7[%gather3A_670, %gather3A_671, %gather3A_672] : memref<2x64x152xf32, #tpu.memory_space<vmem>> -> memref<1x64x152xf32, #tpu.memory_space<vmem>>
        %gather3A_674 = tpu.memref_squeeze %gather3A_673 : memref<1x64x152xf32, #tpu.memory_space<vmem>> -> memref<64x152xf32, #tpu.memory_space<vmem>>
        %gather3A_675 = tpu.vector_load_idx %gather3A_674[%add3A_669, %broadcast_in_dim3A] : memref<64x152xf32, #tpu.memory_space<vmem>>[vector<16xi32>, vector<16xi32>], vector<16xf32>,
        %swap3A_676 = arith.constant 0 : i32
        %swap3A_677 = arith.constant 0 : i32
        %swap3A_678 = arith.index_cast %swap3A_676 : i32 to index
        %swap3A_679 = arith.index_cast %add3A_651 : i32 to index
        %swap3A_680 = arith.index_cast %swap3A_677 : i32 to index
        %swap3A_681 = arith.constant 16 : index
        %swap3A_682 = tpu.vector_load %arg8[%swap3A_678, %swap3A_679, %swap3A_680, %swap3A_681] {strides = array<i32>} : memref<2x152x2x128xf32, #tpu.memory_space<vmem>>, vector<16xf32>,
        tpu.vector_store %arg8[%swap3A_678, %swap3A_679, %swap3A_680, %swap3A_681], %gather3A_675 {strides = array<i32>} : memref<2x152x2x128xf32, #tpu.memory_space<vmem>>, vector<16xf32>,
        %add3A_683 = arith.constant 32 : i32
        %add3A_684 = vector.broadcast %add3A_683 : i32 to vector<16xi32>
        %add3A_685 = arith.addi %add3A_684, %iota3A : vector<16xi32>
        %gather3A_686 = arith.constant 0 : i32
        %gather3A_687 = arith.constant 0 : i32
        %gather3A_688 = arith.constant 0 : i32
        %gather3A_689 = tpu.memref_slice %arg7[%gather3A_686, %gather3A_687, %gather3A_688] : memref<2x64x152xf32, #tpu.memory_space<vmem>> -> memref<1x64x152xf32, #tpu.memory_space<vmem>>
        %gather3A_690 = tpu.memref_squeeze %gather3A_689 : memref<1x64x152xf32, #tpu.memory_space<vmem>> -> memref<64x152xf32, #tpu.memory_space<vmem>>
        %gather3A_691 = tpu.vector_load_idx %gather3A_690[%add3A_685, %broadcast_in_dim3A] : memref<64x152xf32, #tpu.memory_space<vmem>>[vector<16xi32>, vector<16xi32>], vector<16xf32>,
        %swap3A_692 = arith.constant 0 : i32
        %swap3A_693 = arith.constant 0 : i32
        %swap3A_694 = arith.index_cast %swap3A_692 : i32 to index
        %swap3A_695 = arith.index_cast %add3A_651 : i32 to index
        %swap3A_696 = arith.index_cast %swap3A_693 : i32 to index
        %swap3A_697 = arith.constant 32 : index
        %swap3A_698 = tpu.vector_load %arg8[%swap3A_694, %swap3A_695, %swap3A_696, %swap3A_697] {strides = array<i32>} : memref<2x152x2x128xf32, #tpu.memory_space<vmem>>, vector<16xf32>,
        tpu.vector_store %arg8[%swap3A_694, %swap3A_695, %swap3A_696, %swap3A_697], %gather3A_691 {strides = array<i32>} : memref<2x152x2x128xf32, #tpu.memory_space<vmem>>, vector<16xf32>,
        %add3A_699 = arith.constant 48 : i32
        %add3A_700 = vector.broadcast %add3A_699 : i32 to vector<16xi32>
        %add3A_701 = arith.addi %add3A_700, %iota3A : vector<16xi32>
        %gather3A_702 = arith.constant 0 : i32
        %gather3A_703 = arith.constant 0 : i32
        %gather3A_704 = arith.constant 0 : i32
        %gather3A_705 = tpu.memref_slice %arg7[%gather3A_702, %gather3A_703, %gather3A_704] : memref<2x64x152xf32, #tpu.memory_space<vmem>> -> memref<1x64x152xf32, #tpu.memory_space<vmem>>
        %gather3A_706 = tpu.memref_squeeze %gather3A_705 : memref<1x64x152xf32, #tpu.memory_space<vmem>> -> memref<64x152xf32, #tpu.memory_space<vmem>>
        %gather3A_707 = tpu.vector_load_idx %gather3A_706[%add3A_701, %broadcast_in_dim3A] : memref<64x152xf32, #tpu.memory_space<vmem>>[vector<16xi32>, vector<16xi32>], vector<16xf32>,
        %swap3A_708 = arith.constant 0 : i32
        %swap3A_709 = arith.constant 0 : i32
        %swap3A_710 = arith.index_cast %swap3A_708 : i32 to index
        %swap3A_711 = arith.index_cast %add3A_651 : i32 to index
        %swap3A_712 = arith.index_cast %swap3A_709 : i32 to index
        %swap3A_713 = arith.constant 48 : index
        %swap3A_714 = tpu.vector_load %arg8[%swap3A_710, %swap3A_711, %swap3A_712, %swap3A_713] {strides = array<i32>} : memref<2x152x2x128xf32, #tpu.memory_space<vmem>>, vector<16xf32>,
        tpu.vector_store %arg8[%swap3A_710, %swap3A_711, %swap3A_712, %swap3A_713], %gather3A_707 {strides = array<i32>} : memref<2x152x2x128xf32, #tpu.memory_space<vmem>>, vector<16xf32>,
        %mul3A_715 = arith.constant 2 : i32
        %mul3A_716 = arith.muli %scan3A_647, %mul3A_715 : i32
        %add3A_717 = arith.constant 1 : i32
        %add3A_718 = arith.addi %mul3A_716, %add3A_717 : i32
        %broadcast_in_dim3A_719 = vector.broadcast %add3A_718 : i32 to vector<16xi32>
        %add3A_720 = arith.constant 0 : i32
        %add3A_721 = vector.broadcast %add3A_720 : i32 to vector<16xi32>
        %add3A_722 = arith.addi %add3A_721, %iota3A : vector<16xi32>
        %gather3A_723 = arith.constant 0 : i32
        %gather3A_724 = arith.constant 0 : i32
        %gather3A_725 = arith.constant 0 : i32
        %gather3A_726 = tpu.memref_slice %arg7[%gather3A_723, %gather3A_724, %gather3A_725] : memref<2x64x152xf32, #tpu.memory_space<vmem>> -> memref<1x64x152xf32, #tpu.memory_space<vmem>>
        %gather3A_727 = tpu.memref_squeeze %gather3A_726 : memref<1x64x152xf32, #tpu.memory_space<vmem>> -> memref<64x152xf32, #tpu.memory_space<vmem>>
        %gather3A_728 = tpu.vector_load_idx %gather3A_727[%add3A_722, %broadcast_in_dim3A_719] : memref<64x152xf32, #tpu.memory_space<vmem>>[vector<16xi32>, vector<16xi32>], vector<16xf32>,
        %swap3A_729 = arith.constant 0 : i32
        %swap3A_730 = arith.constant 0 : i32
        %swap3A_731 = arith.index_cast %swap3A_729 : i32 to index
        %swap3A_732 = arith.index_cast %add3A_718 : i32 to index
        %swap3A_733 = arith.index_cast %swap3A_730 : i32 to index
        %swap3A_734 = arith.constant 0 : index
        %swap3A_735 = tpu.vector_load %arg8[%swap3A_731, %swap3A_732, %swap3A_733, %swap3A_734] {strides = array<i32>} : memref<2x152x2x128xf32, #tpu.memory_space<vmem>>, vector<16xf32>,
        tpu.vector_store %arg8[%swap3A_731, %swap3A_732, %swap3A_733, %swap3A_734], %gather3A_728 {strides = array<i32>} : memref<2x152x2x128xf32, #tpu.memory_space<vmem>>, vector<16xf32>,
        %add3A_736 = arith.constant 16 : i32
        %add3A_737 = vector.broadcast %add3A_736 : i32 to vector<16xi32>
        %add3A_738 = arith.addi %add3A_737, %iota3A : vector<16xi32>
        %gather3A_739 = arith.constant 0 : i32
        %gather3A_740 = arith.constant 0 : i32
        %gather3A_741 = arith.constant 0 : i32
        %gather3A_742 = tpu.memref_slice %arg7[%gather3A_739, %gather3A_740, %gather3A_741] : memref<2x64x152xf32, #tpu.memory_space<vmem>> -> memref<1x64x152xf32, #tpu.memory_space<vmem>>
        %gather3A_743 = tpu.memref_squeeze %gather3A_742 : memref<1x64x152xf32, #tpu.memory_space<vmem>> -> memref<64x152xf32, #tpu.memory_space<vmem>>
        %gather3A_744 = tpu.vector_load_idx %gather3A_743[%add3A_738, %broadcast_in_dim3A_719] : memref<64x152xf32, #tpu.memory_space<vmem>>[vector<16xi32>, vector<16xi32>], vector<16xf32>,
        %swap3A_745 = arith.constant 0 : i32
        %swap3A_746 = arith.constant 0 : i32
        %swap3A_747 = arith.index_cast %swap3A_745 : i32 to index
        %swap3A_748 = arith.index_cast %add3A_718 : i32 to index
        %swap3A_749 = arith.index_cast %swap3A_746 : i32 to index
        %swap3A_750 = arith.constant 16 : index
        %swap3A_751 = tpu.vector_load %arg8[%swap3A_747, %swap3A_748, %swap3A_749, %swap3A_750] {strides = array<i32>} : memref<2x152x2x128xf32, #tpu.memory_space<vmem>>, vector<16xf32>,
        tpu.vector_store %arg8[%swap3A_747, %swap3A_748, %swap3A_749, %swap3A_750], %gather3A_744 {strides = array<i32>} : memref<2x152x2x128xf32, #tpu.memory_space<vmem>>, vector<16xf32>,
        %add3A_752 = arith.constant 32 : i32
        %add3A_753 = vector.broadcast %add3A_752 : i32 to vector<16xi32>
        %add3A_754 = arith.addi %add3A_753, %iota3A : vector<16xi32>
        %gather3A_755 = arith.constant 0 : i32
        %gather3A_756 = arith.constant 0 : i32
        %gather3A_757 = arith.constant 0 : i32
        %gather3A_758 = tpu.memref_slice %arg7[%gather3A_755, %gather3A_756, %gather3A_757] : memref<2x64x152xf32, #tpu.memory_space<vmem>> -> memref<1x64x152xf32, #tpu.memory_space<vmem>>
        %gather3A_759 = tpu.memref_squeeze %gather3A_758 : memref<1x64x152xf32, #tpu.memory_space<vmem>> -> memref<64x152xf32, #tpu.memory_space<vmem>>
        %gather3A_760 = tpu.vector_load_idx %gather3A_759[%add3A_754, %broadcast_in_dim3A_719] : memref<64x152xf32, #tpu.memory_space<vmem>>[vector<16xi32>, vector<16xi32>], vector<16xf32>,
        %swap3A_761 = arith.constant 0 : i32
        %swap3A_762 = arith.constant 0 : i32
        %swap3A_763 = arith.index_cast %swap3A_761 : i32 to index
        %swap3A_764 = arith.index_cast %add3A_718 : i32 to index
        %swap3A_765 = arith.index_cast %swap3A_762 : i32 to index
        %swap3A_766 = arith.constant 32 : index
        %swap3A_767 = tpu.vector_load %arg8[%swap3A_763, %swap3A_764, %swap3A_765, %swap3A_766] {strides = array<i32>} : memref<2x152x2x128xf32, #tpu.memory_space<vmem>>, vector<16xf32>,
        tpu.vector_store %arg8[%swap3A_763, %swap3A_764, %swap3A_765, %swap3A_766], %gather3A_760 {strides = array<i32>} : memref<2x152x2x128xf32, #tpu.memory_space<vmem>>, vector<16xf32>,
        %add3A_768 = arith.constant 48 : i32
        %add3A_769 = vector.broadcast %add3A_768 : i32 to vector<16xi32>
        %add3A_770 = arith.addi %add3A_769, %iota3A : vector<16xi32>
        %gather3A_771 = arith.constant 0 : i32
        %gather3A_772 = arith.constant 0 : i32
        %gather3A_773 = arith.constant 0 : i32
        %gather3A_774 = tpu.memref_slice %arg7[%gather3A_771, %gather3A_772, %gather3A_773] : memref<2x64x152xf32, #tpu.memory_space<vmem>> -> memref<1x64x152xf32, #tpu.memory_space<vmem>>
        %gather3A_775 = tpu.memref_squeeze %gather3A_774 : memref<1x64x152xf32, #tpu.memory_space<vmem>> -> memref<64x152xf32, #tpu.memory_space<vmem>>
        %gather3A_776 = tpu.vector_load_idx %gather3A_775[%add3A_770, %broadcast_in_dim3A_719] : memref<64x152xf32, #tpu.memory_space<vmem>>[vector<16xi32>, vector<16xi32>], vector<16xf32>,
        %swap3A_777 = arith.constant 0 : i32
        %swap3A_778 = arith.constant 0 : i32
        %swap3A_779 = arith.index_cast %swap3A_777 : i32 to index
        %swap3A_780 = arith.index_cast %add3A_718 : i32 to index
        %swap3A_781 = arith.index_cast %swap3A_778 : i32 to index
        %swap3A_782 = arith.constant 48 : index
        %swap3A_783 = tpu.vector_load %arg8[%swap3A_779, %swap3A_780, %swap3A_781, %swap3A_782] {strides = array<i32>} : memref<2x152x2x128xf32, #tpu.memory_space<vmem>>, vector<16xf32>,
        tpu.vector_store %arg8[%swap3A_779, %swap3A_780, %swap3A_781, %swap3A_782], %gather3A_776 {strides = array<i32>} : memref<2x152x2x128xf32, #tpu.memory_space<vmem>>, vector<16xf32>,
      }
      %scan3A_302 = arith.constant 76 : i32
      %mul3A_303 = arith.constant 2 : i32
      %mul3A_304 = arith.muli %scan3A_278, %mul3A_303 : i32
      %add3A_305 = arith.constant 0 : i32
      %add3A_306 = arith.addi %mul3A_304, %add3A_305 : i32
      %mul3A_307 = arith.constant 4 : i32
      %mul3A_308 = arith.muli %add3A_306, %mul3A_307 : i32
      %add3A_309 = arith.constant 0 : i32
      %add3A_310 = arith.addi %mul3A_308, %add3A_309 : i32
      %add3A_311 = arith.constant 2 : i32
      %add3A_312 = arith.addi %add3A_310, %add3A_311 : i32
      %le3A = arith.constant 799 : i32
      %le3A_313 = arith.cmpi sle, %add3A_312, %le3A : i32
      %convert_element_type3A_314 = arith.extui %le3A_313 : i1 to i32
      %cond3A_315 = arith.constant 0 : i32
      %cond3A_316 = arith.cmpi ne, %convert_element_type3A_314, %cond3A_315 : i32
      scf.if %cond3A_316 {
        %mul3A_647 = arith.constant 2 : i32
        %mul3A_648 = arith.muli %mul3A_647, %scan3A_278 : i32
        %add3A_649 = arith.constant 1 : i32
        %add3A_650 = arith.addi %mul3A_648, %add3A_649 : i32
        %mul3A_651 = arith.constant 128 : i32
        %mul3A_652 = arith.muli %add3A, %mul3A_651 : i32
        %add3A_653 = arith.constant 0 : i32
        %add3A_654 = arith.addi %mul3A_652, %add3A_653 : i32
        %dma_wait3A_655 = arith.constant 2 : i32
        %dma_wait3A_656 = arith.constant 0 : i32
        %dma_wait3A_657 = tpu.memref_slice %arg5[%dma_wait3A_655, %dma_wait3A_656] : memref<4x64xi32, #tpu.memory_space<vmem>> -> memref<1x64xi32, #tpu.memory_space<vmem>>
        %dma_wait3A_658 = tpu.memref_squeeze %dma_wait3A_657 : memref<1x64xi32, #tpu.memory_space<vmem>> -> memref<64xi32, #tpu.memory_space<vmem>>
        %dma_wait3A_659 = tpu.memref_slice %arg2[%add3A_650, %add3A_654] : memref<200x4096xi32, #tpu.memory_space<hbm>> -> memref<1x64xi32, #tpu.memory_space<hbm>>
        %dma_wait3A_660 = tpu.memref_squeeze %dma_wait3A_659 : memref<1x64xi32, #tpu.memory_space<hbm>> -> memref<64xi32, #tpu.memory_space<hbm>>
        %dma_wait3A_661 = arith.constant 0 : i32
        %dma_wait3A_662 = tpu.memref_slice %arg5[%dma_wait3A_655, %dma_wait3A_661] : memref<4x64xi32, #tpu.memory_space<vmem>> -> memref<1x64xi32, #tpu.memory_space<vmem>>
        %dma_wait3A_663 = tpu.memref_squeeze %dma_wait3A_662 : memref<1x64xi32, #tpu.memory_space<vmem>> -> memref<64xi32, #tpu.memory_space<vmem>>
        %dma_wait3A_664 = tpu.memref_slice %arg2[%add3A_650, %add3A_654] : memref<200x4096xi32, #tpu.memory_space<hbm>> -> memref<1x64xi32, #tpu.memory_space<hbm>>
        %dma_wait3A_665 = tpu.memref_squeeze %dma_wait3A_664 : memref<1x64xi32, #tpu.memory_space<hbm>> -> memref<64xi32, #tpu.memory_space<hbm>>
        tpu.wait_dma2 semaphore(%arg9 : memref<!tpu.dma_semaphore, #tpu.memory_space<semaphore_mem>>) src(%dma_wait3A_665 : memref<64xi32, #tpu.memory_space<hbm>>) dst(%dma_wait3A_663 : memref<64xi32, #tpu.memory_space<vmem>>)
        %get3A_666 = arith.constant 2 : i32
        %get3A_667 = arith.index_cast %get3A_666 : i32 to index
        %get3A_668 = arith.constant 0 : index
        %get3A_669 = tpu.vector_load %arg5[%get3A_667, %get3A_668] {strides = array<i32>} : memref<4x64xi32, #tpu.memory_space<vmem>>, vector<16xi32>,
        %mul3A_670 = arith.constant 2 : i32
        %mul3A_671 = vector.broadcast %mul3A_670 : i32 to vector<16xi32>
        %mul3A_672 = arith.muli %get3A_669, %mul3A_671 : vector<16xi32>
        %add3A_673 = arith.constant 0 : i32
        %add3A_674 = vector.broadcast %add3A_673 : i32 to vector<16xi32>
        %add3A_675 = arith.addi %mul3A_672, %add3A_674 : vector<16xi32>
        %swap3A_676 = arith.constant 0 : i32
        %swap3A_677 = arith.index_cast %swap3A_676 : i32 to index
        %swap3A_678 = arith.constant 0 : index
        %swap3A_679 = tpu.vector_load %arg6[%swap3A_677, %swap3A_678] {strides = array<i32>} : memref<2x64xi32, #tpu.memory_space<vmem>>, vector<16xi32>,
        tpu.vector_store %arg6[%swap3A_677, %swap3A_678], %add3A_675 {strides = array<i32>} : memref<2x64xi32, #tpu.memory_space<vmem>>, vector<16xi32>,
        %get3A_680 = arith.constant 2 : i32
        %get3A_681 = arith.index_cast %get3A_680 : i32 to index
        %get3A_682 = arith.constant 16 : index
        %get3A_683 = tpu.vector_load %arg5[%get3A_681, %get3A_682] {strides = array<i32>} : memref<4x64xi32, #tpu.memory_space<vmem>>, vector<16xi32>,
        %mul3A_684 = arith.constant 2 : i32
        %mul3A_685 = vector.broadcast %mul3A_684 : i32 to vector<16xi32>
        %mul3A_686 = arith.muli %get3A_683, %mul3A_685 : vector<16xi32>
        %add3A_687 = arith.constant 0 : i32
        %add3A_688 = vector.broadcast %add3A_687 : i32 to vector<16xi32>
        %add3A_689 = arith.addi %mul3A_686, %add3A_688 : vector<16xi32>
        %swap3A_690 = arith.constant 0 : i32
        %swap3A_691 = arith.index_cast %swap3A_690 : i32 to index
        %swap3A_692 = arith.constant 16 : index
        %swap3A_693 = tpu.vector_load %arg6[%swap3A_691, %swap3A_692] {strides = array<i32>} : memref<2x64xi32, #tpu.memory_space<vmem>>, vector<16xi32>,
        tpu.vector_store %arg6[%swap3A_691, %swap3A_692], %add3A_689 {strides = array<i32>} : memref<2x64xi32, #tpu.memory_space<vmem>>, vector<16xi32>,
        %get3A_694 = arith.constant 2 : i32
        %get3A_695 = arith.index_cast %get3A_694 : i32 to index
        %get3A_696 = arith.constant 32 : index
        %get3A_697 = tpu.vector_load %arg5[%get3A_695, %get3A_696] {strides = array<i32>} : memref<4x64xi32, #tpu.memory_space<vmem>>, vector<16xi32>,
        %mul3A_698 = arith.constant 2 : i32
        %mul3A_699 = vector.broadcast %mul3A_698 : i32 to vector<16xi32>
        %mul3A_700 = arith.muli %get3A_697, %mul3A_699 : vector<16xi32>
        %add3A_701 = arith.constant 0 : i32
        %add3A_702 = vector.broadcast %add3A_701 : i32 to vector<16xi32>
        %add3A_703 = arith.addi %mul3A_700, %add3A_702 : vector<16xi32>
        %swap3A_704 = arith.constant 0 : i32
        %swap3A_705 = arith.index_cast %swap3A_704 : i32 to index
        %swap3A_706 = arith.constant 32 : index
        %swap3A_707 = tpu.vector_load %arg6[%swap3A_705, %swap3A_706] {strides = array<i32>} : memref<2x64xi32, #tpu.memory_space<vmem>>, vector<16xi32>,
        tpu.vector_store %arg6[%swap3A_705, %swap3A_706], %add3A_703 {strides = array<i32>} : memref<2x64xi32, #tpu.memory_space<vmem>>, vector<16xi32>,
        %get3A_708 = arith.constant 2 : i32
        %get3A_709 = arith.index_cast %get3A_708 : i32 to index
        %get3A_710 = arith.constant 48 : index
        %get3A_711 = tpu.vector_load %arg5[%get3A_709, %get3A_710] {strides = array<i32>} : memref<4x64xi32, #tpu.memory_space<vmem>>, vector<16xi32>,
        %mul3A_712 = arith.constant 2 : i32
        %mul3A_713 = vector.broadcast %mul3A_712 : i32 to vector<16xi32>
        %mul3A_714 = arith.muli %get3A_711, %mul3A_713 : vector<16xi32>
        %add3A_715 = arith.constant 0 : i32
        %add3A_716 = vector.broadcast %add3A_715 : i32 to vector<16xi32>
        %add3A_717 = arith.addi %mul3A_714, %add3A_716 : vector<16xi32>
        %swap3A_718 = arith.constant 0 : i32
        %swap3A_719 = arith.index_cast %swap3A_718 : i32 to index
        %swap3A_720 = arith.constant 48 : index
        %swap3A_721 = tpu.vector_load %arg6[%swap3A_719, %swap3A_720] {strides = array<i32>} : memref<2x64xi32, #tpu.memory_space<vmem>>, vector<16xi32>,
        tpu.vector_store %arg6[%swap3A_719, %swap3A_720], %add3A_717 {strides = array<i32>} : memref<2x64xi32, #tpu.memory_space<vmem>>, vector<16xi32>,
        %dma_start3A_722 = arith.constant 0 : i32
        %dma_start3A_723 = arith.constant 0 : i32
        %dma_start3A_724 = arith.constant 0 : i32
        %dma_start3A_725 = arith.constant 0 : i32
        %dma_start3A_726 = tpu.memref_slice %arg7[%dma_start3A_723, %dma_start3A_724, %dma_start3A_725] : memref<2x64x152xf32, #tpu.memory_space<vmem>> -> memref<1x64x152xf32, #tpu.memory_space<vmem>>
        %dma_start3A_727 = tpu.memref_squeeze %dma_start3A_726 : memref<1x64x152xf32, #tpu.memory_space<vmem>> -> memref<64x152xf32, #tpu.memory_space<vmem>>
        %dma_start3A_728 = arith.constant 0 : i32
        %dma_start3A_729 = tpu.memref_slice %arg6[%dma_start3A_722, %dma_start3A_728] : memref<2x64xi32, #tpu.memory_space<vmem>> -> memref<1x64xi32, #tpu.memory_space<vmem>>
        %dma_start3A_730 = tpu.memref_squeeze %dma_start3A_729 : memref<1x64xi32, #tpu.memory_space<vmem>> -> memref<64xi32, #tpu.memory_space<vmem>>
        %dma_start3A_731 = arith.constant 0 : i32
        %dma_start3A_732 = arith.constant 0 : i32
        %dma_start3A_733 = tpu.memref_slice %arg3[%dma_start3A_731, %dma_start3A_732] : memref<600000x152xf32, #tpu.memory_space<hbm>> -> memref<600000x152xf32, #tpu.memory_space<hbm>>
        tpu.enqueue_indirect_dma source(%dma_start3A_733 : memref<600000x152xf32, #tpu.memory_space<hbm>>) target(%dma_start3A_727 : memref<64x152xf32, #tpu.memory_space<vmem>>) offsets(%dma_start3A_730 : memref<64xi32, #tpu.memory_space<vmem>>) semaphore(%arg11 : memref<!tpu.dma_semaphore, #tpu.memory_space<semaphore_mem>>)
        %mul3A_734 = arith.constant 2 : i32
        %mul3A_735 = arith.muli %scan3A_278, %mul3A_734 : i32
        %add3A_736 = arith.constant 0 : i32
        %add3A_737 = arith.addi %mul3A_735, %add3A_736 : i32
        %mul3A_738 = arith.constant 4 : i32
        %mul3A_739 = arith.muli %add3A_737, %mul3A_738 : i32
        %add3A_740 = arith.constant 0 : i32
        %add3A_741 = arith.addi %mul3A_739, %add3A_740 : i32
        %add3A_742 = arith.constant 4 : i32
        %add3A_743 = arith.addi %add3A_741, %add3A_742 : i32
        %le3A_744 = arith.constant 799 : i32
        %le3A_745 = arith.cmpi sle, %add3A_743, %le3A_744 : i32
        %convert_element_type3A_746 = arith.extui %le3A_745 : i1 to i32
        %cond3A_747 = arith.constant 0 : i32
        %cond3A_748 = arith.cmpi ne, %convert_element_type3A_746, %cond3A_747 : i32
        scf.if %cond3A_748 {
          %mul3A_749 = arith.constant 2 : i32
          %mul3A_750 = arith.muli %mul3A_749, %scan3A_278 : i32
          %add3A_751 = arith.constant 0 : i32
          %add3A_752 = arith.addi %mul3A_750, %add3A_751 : i32
          %mul3A_753 = arith.constant 128 : i32
          %mul3A_754 = arith.muli %add3A, %mul3A_753 : i32
          %add3A_755 = arith.constant 0 : i32
          %add3A_756 = arith.addi %mul3A_754, %add3A_755 : i32
          %dma_start3A_757 = arith.constant 0 : i32
          %dma_start3A_758 = arith.constant 0 : i32
          %dma_start3A_759 = tpu.memref_slice %arg5[%dma_start3A_757, %dma_start3A_758] : memref<4x64xi32, #tpu.memory_space<vmem>> -> memref<1x64xi32, #tpu.memory_space<vmem>>
          %dma_start3A_760 = tpu.memref_squeeze %dma_start3A_759 : memref<1x64xi32, #tpu.memory_space<vmem>> -> memref<64xi32, #tpu.memory_space<vmem>>
          %dma_start3A_761 = tpu.memref_slice %arg2[%add3A_752, %add3A_756] : memref<200x4096xi32, #tpu.memory_space<hbm>> -> memref<1x64xi32, #tpu.memory_space<hbm>>
          %dma_start3A_762 = tpu.memref_squeeze %dma_start3A_761 : memref<1x64xi32, #tpu.memory_space<hbm>> -> memref<64xi32, #tpu.memory_space<hbm>>
          %dma_start3A_763 = arith.constant 0 : i32
          %dma_start3A_764 = tpu.memref_slice %arg5[%dma_start3A_757, %dma_start3A_763] : memref<4x64xi32, #tpu.memory_space<vmem>> -> memref<1x64xi32, #tpu.memory_space<vmem>>
          %dma_start3A_765 = tpu.memref_squeeze %dma_start3A_764 : memref<1x64xi32, #tpu.memory_space<vmem>> -> memref<64xi32, #tpu.memory_space<vmem>>
          %dma_start3A_766 = tpu.memref_slice %arg2[%add3A_752, %add3A_756] : memref<200x4096xi32, #tpu.memory_space<hbm>> -> memref<1x64xi32, #tpu.memory_space<hbm>>
          %dma_start3A_767 = tpu.memref_squeeze %dma_start3A_766 : memref<1x64xi32, #tpu.memory_space<hbm>> -> memref<64xi32, #tpu.memory_space<hbm>>
          tpu.enqueue_dma source(%dma_start3A_767 : memref<64xi32, #tpu.memory_space<hbm>>) target(%dma_start3A_765 : memref<64xi32, #tpu.memory_space<vmem>>) target_semaphore(%arg9 : memref<!tpu.dma_semaphore, #tpu.memory_space<semaphore_mem>>)
        } else {
        }
      } else {
      }
      %dma_wait3A_317 = arith.constant 1 : i32
      %dma_wait3A_318 = arith.constant 1 : i32
      %dma_wait3A_319 = arith.constant 0 : i32
      %dma_wait3A_320 = arith.constant 0 : i32
      %dma_wait3A_321 = tpu.memref_slice %arg7[%dma_wait3A_318, %dma_wait3A_319, %dma_wait3A_320] : memref<2x64x152xf32, #tpu.memory_space<vmem>> -> memref<1x64x152xf32, #tpu.memory_space<vmem>>
      %dma_wait3A_322 = tpu.memref_squeeze %dma_wait3A_321 : memref<1x64x152xf32, #tpu.memory_space<vmem>> -> memref<64x152xf32, #tpu.memory_space<vmem>>
      %dma_wait3A_323 = arith.constant 0 : i32
      %dma_wait3A_324 = tpu.memref_slice %arg6[%dma_wait3A_317, %dma_wait3A_323] : memref<2x64xi32, #tpu.memory_space<vmem>> -> memref<1x64xi32, #tpu.memory_space<vmem>>
      %dma_wait3A_325 = tpu.memref_squeeze %dma_wait3A_324 : memref<1x64xi32, #tpu.memory_space<vmem>> -> memref<64xi32, #tpu.memory_space<vmem>>
      %dma_wait3A_326 = arith.constant 0 : i32
      %dma_wait3A_327 = arith.constant 0 : i32
      %dma_wait3A_328 = tpu.memref_slice %arg3[%dma_wait3A_326, %dma_wait3A_327] : memref<600000x152xf32, #tpu.memory_space<hbm>> -> memref<600000x152xf32, #tpu.memory_space<hbm>>
      tpu.wait_indirect_dma semaphore(%arg12 : memref<!tpu.dma_semaphore, #tpu.memory_space<semaphore_mem>>) src(%dma_wait3A_328 : memref<600000x152xf32, #tpu.memory_space<hbm>>) dst(%dma_wait3A_322 : memref<64x152xf32, #tpu.memory_space<vmem>>)
      %scan3A_329 = arith.constant 0 : i32
      %scan3A_330 = arith.constant 0 : i32
      %scan3A_331 = arith.constant 76 : i32
      %scan3A_332 = arith.addi %scan3A_330, %scan3A_331 : i32
      %scan3A_333 = arith.constant 1 : i32
      scf.for %scan3A_647 = %scan3A_330 to %scan3A_332 step %scan3A_333  : i32 {
        %mul3A_648 = arith.constant 2 : i32
        %mul3A_649 = arith.muli %scan3A_647, %mul3A_648 : i32
        %add3A_650 = arith.constant 0 : i32
        %add3A_651 = arith.addi %mul3A_649, %add3A_650 : i32
        %broadcast_in_dim3A = vector.broadcast %add3A_651 : i32 to vector<16xi32>
        %add3A_652 = arith.constant 0 : i32
        %add3A_653 = vector.broadcast %add3A_652 : i32 to vector<16xi32>
        %add3A_654 = arith.addi %add3A_653, %iota3A : vector<16xi32>
        %gather3A = arith.constant 1 : i32
        %gather3A_655 = arith.constant 0 : i32
        %gather3A_656 = arith.constant 0 : i32
        %gather3A_657 = tpu.memref_slice %arg7[%gather3A, %gather3A_655, %gather3A_656] : memref<2x64x152xf32, #tpu.memory_space<vmem>> -> memref<1x64x152xf32, #tpu.memory_space<vmem>>
        %gather3A_658 = tpu.memref_squeeze %gather3A_657 : memref<1x64x152xf32, #tpu.memory_space<vmem>> -> memref<64x152xf32, #tpu.memory_space<vmem>>
        %gather3A_659 = tpu.vector_load_idx %gather3A_658[%add3A_654, %broadcast_in_dim3A] : memref<64x152xf32, #tpu.memory_space<vmem>>[vector<16xi32>, vector<16xi32>], vector<16xf32>,
        %swap3A_660 = arith.constant 0 : i32
        %swap3A_661 = arith.constant 0 : i32
        %swap3A_662 = arith.index_cast %swap3A_660 : i32 to index
        %swap3A_663 = arith.index_cast %add3A_651 : i32 to index
        %swap3A_664 = arith.index_cast %swap3A_661 : i32 to index
        %swap3A_665 = arith.constant 64 : index
        %swap3A_666 = tpu.vector_load %arg8[%swap3A_662, %swap3A_663, %swap3A_664, %swap3A_665] {strides = array<i32>} : memref<2x152x2x128xf32, #tpu.memory_space<vmem>>, vector<16xf32>,
        tpu.vector_store %arg8[%swap3A_662, %swap3A_663, %swap3A_664, %swap3A_665], %gather3A_659 {strides = array<i32>} : memref<2x152x2x128xf32, #tpu.memory_space<vmem>>, vector<16xf32>,
        %add3A_667 = arith.constant 16 : i32
        %add3A_668 = vector.broadcast %add3A_667 : i32 to vector<16xi32>
        %add3A_669 = arith.addi %add3A_668, %iota3A : vector<16xi32>
        %gather3A_670 = arith.constant 1 : i32
        %gather3A_671 = arith.constant 0 : i32
        %gather3A_672 = arith.constant 0 : i32
        %gather3A_673 = tpu.memref_slice %arg7[%gather3A_670, %gather3A_671, %gather3A_672] : memref<2x64x152xf32, #tpu.memory_space<vmem>> -> memref<1x64x152xf32, #tpu.memory_space<vmem>>
        %gather3A_674 = tpu.memref_squeeze %gather3A_673 : memref<1x64x152xf32, #tpu.memory_space<vmem>> -> memref<64x152xf32, #tpu.memory_space<vmem>>
        %gather3A_675 = tpu.vector_load_idx %gather3A_674[%add3A_669, %broadcast_in_dim3A] : memref<64x152xf32, #tpu.memory_space<vmem>>[vector<16xi32>, vector<16xi32>], vector<16xf32>,
        %swap3A_676 = arith.constant 0 : i32
        %swap3A_677 = arith.constant 0 : i32
        %swap3A_678 = arith.index_cast %swap3A_676 : i32 to index
        %swap3A_679 = arith.index_cast %add3A_651 : i32 to index
        %swap3A_680 = arith.index_cast %swap3A_677 : i32 to index
        %swap3A_681 = arith.constant 80 : index
        %swap3A_682 = tpu.vector_load %arg8[%swap3A_678, %swap3A_679, %swap3A_680, %swap3A_681] {strides = array<i32>} : memref<2x152x2x128xf32, #tpu.memory_space<vmem>>, vector<16xf32>,
        tpu.vector_store %arg8[%swap3A_678, %swap3A_679, %swap3A_680, %swap3A_681], %gather3A_675 {strides = array<i32>} : memref<2x152x2x128xf32, #tpu.memory_space<vmem>>, vector<16xf32>,
        %add3A_683 = arith.constant 32 : i32
        %add3A_684 = vector.broadcast %add3A_683 : i32 to vector<16xi32>
        %add3A_685 = arith.addi %add3A_684, %iota3A : vector<16xi32>
        %gather3A_686 = arith.constant 1 : i32
        %gather3A_687 = arith.constant 0 : i32
        %gather3A_688 = arith.constant 0 : i32
        %gather3A_689 = tpu.memref_slice %arg7[%gather3A_686, %gather3A_687, %gather3A_688] : memref<2x64x152xf32, #tpu.memory_space<vmem>> -> memref<1x64x152xf32, #tpu.memory_space<vmem>>
        %gather3A_690 = tpu.memref_squeeze %gather3A_689 : memref<1x64x152xf32, #tpu.memory_space<vmem>> -> memref<64x152xf32, #tpu.memory_space<vmem>>
        %gather3A_691 = tpu.vector_load_idx %gather3A_690[%add3A_685, %broadcast_in_dim3A] : memref<64x152xf32, #tpu.memory_space<vmem>>[vector<16xi32>, vector<16xi32>], vector<16xf32>,
        %swap3A_692 = arith.constant 0 : i32
        %swap3A_693 = arith.constant 0 : i32
        %swap3A_694 = arith.index_cast %swap3A_692 : i32 to index
        %swap3A_695 = arith.index_cast %add3A_651 : i32 to index
        %swap3A_696 = arith.index_cast %swap3A_693 : i32 to index
        %swap3A_697 = arith.constant 96 : index
        %swap3A_698 = tpu.vector_load %arg8[%swap3A_694, %swap3A_695, %swap3A_696, %swap3A_697] {strides = array<i32>} : memref<2x152x2x128xf32, #tpu.memory_space<vmem>>, vector<16xf32>,
        tpu.vector_store %arg8[%swap3A_694, %swap3A_695, %swap3A_696, %swap3A_697], %gather3A_691 {strides = array<i32>} : memref<2x152x2x128xf32, #tpu.memory_space<vmem>>, vector<16xf32>,
        %add3A_699 = arith.constant 48 : i32
        %add3A_700 = vector.broadcast %add3A_699 : i32 to vector<16xi32>
        %add3A_701 = arith.addi %add3A_700, %iota3A : vector<16xi32>
        %gather3A_702 = arith.constant 1 : i32
        %gather3A_703 = arith.constant 0 : i32
        %gather3A_704 = arith.constant 0 : i32
        %gather3A_705 = tpu.memref_slice %arg7[%gather3A_702, %gather3A_703, %gather3A_704] : memref<2x64x152xf32, #tpu.memory_space<vmem>> -> memref<1x64x152xf32, #tpu.memory_space<vmem>>
        %gather3A_706 = tpu.memref_squeeze %gather3A_705 : memref<1x64x152xf32, #tpu.memory_space<vmem>> -> memref<64x152xf32, #tpu.memory_space<vmem>>
        %gather3A_707 = tpu.vector_load_idx %gather3A_706[%add3A_701, %broadcast_in_dim3A] : memref<64x152xf32, #tpu.memory_space<vmem>>[vector<16xi32>, vector<16xi32>], vector<16xf32>,
        %swap3A_708 = arith.constant 0 : i32
        %swap3A_709 = arith.constant 0 : i32
        %swap3A_710 = arith.index_cast %swap3A_708 : i32 to index
        %swap3A_711 = arith.index_cast %add3A_651 : i32 to index
        %swap3A_712 = arith.index_cast %swap3A_709 : i32 to index
        %swap3A_713 = arith.constant 112 : index
        %swap3A_714 = tpu.vector_load %arg8[%swap3A_710, %swap3A_711, %swap3A_712, %swap3A_713] {strides = array<i32>} : memref<2x152x2x128xf32, #tpu.memory_space<vmem>>, vector<16xf32>,
        tpu.vector_store %arg8[%swap3A_710, %swap3A_711, %swap3A_712, %swap3A_713], %gather3A_707 {strides = array<i32>} : memref<2x152x2x128xf32, #tpu.memory_space<vmem>>, vector<16xf32>,
        %mul3A_715 = arith.constant 2 : i32
        %mul3A_716 = arith.muli %scan3A_647, %mul3A_715 : i32
        %add3A_717 = arith.constant 1 : i32
        %add3A_718 = arith.addi %mul3A_716, %add3A_717 : i32
        %broadcast_in_dim3A_719 = vector.broadcast %add3A_718 : i32 to vector<16xi32>
        %add3A_720 = arith.constant 0 : i32
        %add3A_721 = vector.broadcast %add3A_720 : i32 to vector<16xi32>
        %add3A_722 = arith.addi %add3A_721, %iota3A : vector<16xi32>
        %gather3A_723 = arith.constant 1 : i32
        %gather3A_724 = arith.constant 0 : i32
        %gather3A_725 = arith.constant 0 : i32
        %gather3A_726 = tpu.memref_slice %arg7[%gather3A_723, %gather3A_724, %gather3A_725] : memref<2x64x152xf32, #tpu.memory_space<vmem>> -> memref<1x64x152xf32, #tpu.memory_space<vmem>>
        %gather3A_727 = tpu.memref_squeeze %gather3A_726 : memref<1x64x152xf32, #tpu.memory_space<vmem>> -> memref<64x152xf32, #tpu.memory_space<vmem>>
        %gather3A_728 = tpu.vector_load_idx %gather3A_727[%add3A_722, %broadcast_in_dim3A_719] : memref<64x152xf32, #tpu.memory_space<vmem>>[vector<16xi32>, vector<16xi32>], vector<16xf32>,
        %swap3A_729 = arith.constant 0 : i32
        %swap3A_730 = arith.constant 0 : i32
        %swap3A_731 = arith.index_cast %swap3A_729 : i32 to index
        %swap3A_732 = arith.index_cast %add3A_718 : i32 to index
        %swap3A_733 = arith.index_cast %swap3A_730 : i32 to index
        %swap3A_734 = arith.constant 64 : index
        %swap3A_735 = tpu.vector_load %arg8[%swap3A_731, %swap3A_732, %swap3A_733, %swap3A_734] {strides = array<i32>} : memref<2x152x2x128xf32, #tpu.memory_space<vmem>>, vector<16xf32>,
        tpu.vector_store %arg8[%swap3A_731, %swap3A_732, %swap3A_733, %swap3A_734], %gather3A_728 {strides = array<i32>} : memref<2x152x2x128xf32, #tpu.memory_space<vmem>>, vector<16xf32>,
        %add3A_736 = arith.constant 16 : i32
        %add3A_737 = vector.broadcast %add3A_736 : i32 to vector<16xi32>
        %add3A_738 = arith.addi %add3A_737, %iota3A : vector<16xi32>
        %gather3A_739 = arith.constant 1 : i32
        %gather3A_740 = arith.constant 0 : i32
        %gather3A_741 = arith.constant 0 : i32
        %gather3A_742 = tpu.memref_slice %arg7[%gather3A_739, %gather3A_740, %gather3A_741] : memref<2x64x152xf32, #tpu.memory_space<vmem>> -> memref<1x64x152xf32, #tpu.memory_space<vmem>>
        %gather3A_743 = tpu.memref_squeeze %gather3A_742 : memref<1x64x152xf32, #tpu.memory_space<vmem>> -> memref<64x152xf32, #tpu.memory_space<vmem>>
        %gather3A_744 = tpu.vector_load_idx %gather3A_743[%add3A_738, %broadcast_in_dim3A_719] : memref<64x152xf32, #tpu.memory_space<vmem>>[vector<16xi32>, vector<16xi32>], vector<16xf32>,
        %swap3A_745 = arith.constant 0 : i32
        %swap3A_746 = arith.constant 0 : i32
        %swap3A_747 = arith.index_cast %swap3A_745 : i32 to index
        %swap3A_748 = arith.index_cast %add3A_718 : i32 to index
        %swap3A_749 = arith.index_cast %swap3A_746 : i32 to index
        %swap3A_750 = arith.constant 80 : index
        %swap3A_751 = tpu.vector_load %arg8[%swap3A_747, %swap3A_748, %swap3A_749, %swap3A_750] {strides = array<i32>} : memref<2x152x2x128xf32, #tpu.memory_space<vmem>>, vector<16xf32>,
        tpu.vector_store %arg8[%swap3A_747, %swap3A_748, %swap3A_749, %swap3A_750], %gather3A_744 {strides = array<i32>} : memref<2x152x2x128xf32, #tpu.memory_space<vmem>>, vector<16xf32>,
        %add3A_752 = arith.constant 32 : i32
        %add3A_753 = vector.broadcast %add3A_752 : i32 to vector<16xi32>
        %add3A_754 = arith.addi %add3A_753, %iota3A : vector<16xi32>
        %gather3A_755 = arith.constant 1 : i32
        %gather3A_756 = arith.constant 0 : i32
        %gather3A_757 = arith.constant 0 : i32
        %gather3A_758 = tpu.memref_slice %arg7[%gather3A_755, %gather3A_756, %gather3A_757] : memref<2x64x152xf32, #tpu.memory_space<vmem>> -> memref<1x64x152xf32, #tpu.memory_space<vmem>>
        %gather3A_759 = tpu.memref_squeeze %gather3A_758 : memref<1x64x152xf32, #tpu.memory_space<vmem>> -> memref<64x152xf32, #tpu.memory_space<vmem>>
        %gather3A_760 = tpu.vector_load_idx %gather3A_759[%add3A_754, %broadcast_in_dim3A_719] : memref<64x152xf32, #tpu.memory_space<vmem>>[vector<16xi32>, vector<16xi32>], vector<16xf32>,
        %swap3A_761 = arith.constant 0 : i32
        %swap3A_762 = arith.constant 0 : i32
        %swap3A_763 = arith.index_cast %swap3A_761 : i32 to index
        %swap3A_764 = arith.index_cast %add3A_718 : i32 to index
        %swap3A_765 = arith.index_cast %swap3A_762 : i32 to index
        %swap3A_766 = arith.constant 96 : index
        %swap3A_767 = tpu.vector_load %arg8[%swap3A_763, %swap3A_764, %swap3A_765, %swap3A_766] {strides = array<i32>} : memref<2x152x2x128xf32, #tpu.memory_space<vmem>>, vector<16xf32>,
        tpu.vector_store %arg8[%swap3A_763, %swap3A_764, %swap3A_765, %swap3A_766], %gather3A_760 {strides = array<i32>} : memref<2x152x2x128xf32, #tpu.memory_space<vmem>>, vector<16xf32>,
        %add3A_768 = arith.constant 48 : i32
        %add3A_769 = vector.broadcast %add3A_768 : i32 to vector<16xi32>
        %add3A_770 = arith.addi %add3A_769, %iota3A : vector<16xi32>
        %gather3A_771 = arith.constant 1 : i32
        %gather3A_772 = arith.constant 0 : i32
        %gather3A_773 = arith.constant 0 : i32
        %gather3A_774 = tpu.memref_slice %arg7[%gather3A_771, %gather3A_772, %gather3A_773] : memref<2x64x152xf32, #tpu.memory_space<vmem>> -> memref<1x64x152xf32, #tpu.memory_space<vmem>>
        %gather3A_775 = tpu.memref_squeeze %gather3A_774 : memref<1x64x152xf32, #tpu.memory_space<vmem>> -> memref<64x152xf32, #tpu.memory_space<vmem>>
        %gather3A_776 = tpu.vector_load_idx %gather3A_775[%add3A_770, %broadcast_in_dim3A_719] : memref<64x152xf32, #tpu.memory_space<vmem>>[vector<16xi32>, vector<16xi32>], vector<16xf32>,
        %swap3A_777 = arith.constant 0 : i32
        %swap3A_778 = arith.constant 0 : i32
        %swap3A_779 = arith.index_cast %swap3A_777 : i32 to index
        %swap3A_780 = arith.index_cast %add3A_718 : i32 to index
        %swap3A_781 = arith.index_cast %swap3A_778 : i32 to index
        %swap3A_782 = arith.constant 112 : index
        %swap3A_783 = tpu.vector_load %arg8[%swap3A_779, %swap3A_780, %swap3A_781, %swap3A_782] {strides = array<i32>} : memref<2x152x2x128xf32, #tpu.memory_space<vmem>>, vector<16xf32>,
        tpu.vector_store %arg8[%swap3A_779, %swap3A_780, %swap3A_781, %swap3A_782], %gather3A_776 {strides = array<i32>} : memref<2x152x2x128xf32, #tpu.memory_space<vmem>>, vector<16xf32>,
      }
      %scan3A_334 = arith.constant 76 : i32
      %mul3A_335 = arith.constant 2 : i32
      %mul3A_336 = arith.muli %scan3A_278, %mul3A_335 : i32
      %add3A_337 = arith.constant 0 : i32
      %add3A_338 = arith.addi %mul3A_336, %add3A_337 : i32
      %mul3A_339 = arith.constant 4 : i32
      %mul3A_340 = arith.muli %add3A_338, %mul3A_339 : i32
      %add3A_341 = arith.constant 1 : i32
      %add3A_342 = arith.addi %mul3A_340, %add3A_341 : i32
      %add3A_343 = arith.constant 2 : i32
      %add3A_344 = arith.addi %add3A_342, %add3A_343 : i32
      %le3A_345 = arith.constant 799 : i32
      %le3A_346 = arith.cmpi sle, %add3A_344, %le3A_345 : i32
      %convert_element_type3A_347 = arith.extui %le3A_346 : i1 to i32
      %cond3A_348 = arith.constant 0 : i32
      %cond3A_349 = arith.cmpi ne, %convert_element_type3A_347, %cond3A_348 : i32
      scf.if %cond3A_349 {
        %mul3A_647 = arith.constant 2 : i32
        %mul3A_648 = arith.muli %mul3A_647, %scan3A_278 : i32
        %add3A_649 = arith.constant 1 : i32
        %add3A_650 = arith.addi %mul3A_648, %add3A_649 : i32
        %mul3A_651 = arith.constant 128 : i32
        %mul3A_652 = arith.muli %add3A, %mul3A_651 : i32
        %add3A_653 = arith.constant 64 : i32
        %add3A_654 = arith.addi %mul3A_652, %add3A_653 : i32
        %dma_wait3A_655 = arith.constant 3 : i32
        %dma_wait3A_656 = arith.constant 0 : i32
        %dma_wait3A_657 = tpu.memref_slice %arg5[%dma_wait3A_655, %dma_wait3A_656] : memref<4x64xi32, #tpu.memory_space<vmem>> -> memref<1x64xi32, #tpu.memory_space<vmem>>
        %dma_wait3A_658 = tpu.memref_squeeze %dma_wait3A_657 : memref<1x64xi32, #tpu.memory_space<vmem>> -> memref<64xi32, #tpu.memory_space<vmem>>
        %dma_wait3A_659 = tpu.memref_slice %arg2[%add3A_650, %add3A_654] : memref<200x4096xi32, #tpu.memory_space<hbm>> -> memref<1x64xi32, #tpu.memory_space<hbm>>
        %dma_wait3A_660 = tpu.memref_squeeze %dma_wait3A_659 : memref<1x64xi32, #tpu.memory_space<hbm>> -> memref<64xi32, #tpu.memory_space<hbm>>
        %dma_wait3A_661 = arith.constant 0 : i32
        %dma_wait3A_662 = tpu.memref_slice %arg5[%dma_wait3A_655, %dma_wait3A_661] : memref<4x64xi32, #tpu.memory_space<vmem>> -> memref<1x64xi32, #tpu.memory_space<vmem>>
        %dma_wait3A_663 = tpu.memref_squeeze %dma_wait3A_662 : memref<1x64xi32, #tpu.memory_space<vmem>> -> memref<64xi32, #tpu.memory_space<vmem>>
        %dma_wait3A_664 = tpu.memref_slice %arg2[%add3A_650, %add3A_654] : memref<200x4096xi32, #tpu.memory_space<hbm>> -> memref<1x64xi32, #tpu.memory_space<hbm>>
        %dma_wait3A_665 = tpu.memref_squeeze %dma_wait3A_664 : memref<1x64xi32, #tpu.memory_space<hbm>> -> memref<64xi32, #tpu.memory_space<hbm>>
        tpu.wait_dma2 semaphore(%arg10 : memref<!tpu.dma_semaphore, #tpu.memory_space<semaphore_mem>>) src(%dma_wait3A_665 : memref<64xi32, #tpu.memory_space<hbm>>) dst(%dma_wait3A_663 : memref<64xi32, #tpu.memory_space<vmem>>)
        %get3A_666 = arith.constant 3 : i32
        %get3A_667 = arith.index_cast %get3A_666 : i32 to index
        %get3A_668 = arith.constant 0 : index
        %get3A_669 = tpu.vector_load %arg5[%get3A_667, %get3A_668] {strides = array<i32>} : memref<4x64xi32, #tpu.memory_space<vmem>>, vector<16xi32>,
        %mul3A_670 = arith.constant 2 : i32
        %mul3A_671 = vector.broadcast %mul3A_670 : i32 to vector<16xi32>
        %mul3A_672 = arith.muli %get3A_669, %mul3A_671 : vector<16xi32>
        %add3A_673 = arith.constant 0 : i32
        %add3A_674 = vector.broadcast %add3A_673 : i32 to vector<16xi32>
        %add3A_675 = arith.addi %mul3A_672, %add3A_674 : vector<16xi32>
        %swap3A_676 = arith.constant 1 : i32
        %swap3A_677 = arith.index_cast %swap3A_676 : i32 to index
        %swap3A_678 = arith.constant 0 : index
        %swap3A_679 = tpu.vector_load %arg6[%swap3A_677, %swap3A_678] {strides = array<i32>} : memref<2x64xi32, #tpu.memory_space<vmem>>, vector<16xi32>,
        tpu.vector_store %arg6[%swap3A_677, %swap3A_678], %add3A_675 {strides = array<i32>} : memref<2x64xi32, #tpu.memory_space<vmem>>, vector<16xi32>,
        %get3A_680 = arith.constant 3 : i32
        %get3A_681 = arith.index_cast %get3A_680 : i32 to index
        %get3A_682 = arith.constant 16 : index
        %get3A_683 = tpu.vector_load %arg5[%get3A_681, %get3A_682] {strides = array<i32>} : memref<4x64xi32, #tpu.memory_space<vmem>>, vector<16xi32>,
        %mul3A_684 = arith.constant 2 : i32
        %mul3A_685 = vector.broadcast %mul3A_684 : i32 to vector<16xi32>
        %mul3A_686 = arith.muli %get3A_683, %mul3A_685 : vector<16xi32>
        %add3A_687 = arith.constant 0 : i32
        %add3A_688 = vector.broadcast %add3A_687 : i32 to vector<16xi32>
        %add3A_689 = arith.addi %mul3A_686, %add3A_688 : vector<16xi32>
        %swap3A_690 = arith.constant 1 : i32
        %swap3A_691 = arith.index_cast %swap3A_690 : i32 to index
        %swap3A_692 = arith.constant 16 : index
        %swap3A_693 = tpu.vector_load %arg6[%swap3A_691, %swap3A_692] {strides = array<i32>} : memref<2x64xi32, #tpu.memory_space<vmem>>, vector<16xi32>,
        tpu.vector_store %arg6[%swap3A_691, %swap3A_692], %add3A_689 {strides = array<i32>} : memref<2x64xi32, #tpu.memory_space<vmem>>, vector<16xi32>,
        %get3A_694 = arith.constant 3 : i32
        %get3A_695 = arith.index_cast %get3A_694 : i32 to index
        %get3A_696 = arith.constant 32 : index
        %get3A_697 = tpu.vector_load %arg5[%get3A_695, %get3A_696] {strides = array<i32>} : memref<4x64xi32, #tpu.memory_space<vmem>>, vector<16xi32>,
        %mul3A_698 = arith.constant 2 : i32
        %mul3A_699 = vector.broadcast %mul3A_698 : i32 to vector<16xi32>
        %mul3A_700 = arith.muli %get3A_697, %mul3A_699 : vector<16xi32>
        %add3A_701 = arith.constant 0 : i32
        %add3A_702 = vector.broadcast %add3A_701 : i32 to vector<16xi32>
        %add3A_703 = arith.addi %mul3A_700, %add3A_702 : vector<16xi32>
        %swap3A_704 = arith.constant 1 : i32
        %swap3A_705 = arith.index_cast %swap3A_704 : i32 to index
        %swap3A_706 = arith.constant 32 : index
        %swap3A_707 = tpu.vector_load %arg6[%swap3A_705, %swap3A_706] {strides = array<i32>} : memref<2x64xi32, #tpu.memory_space<vmem>>, vector<16xi32>,
        tpu.vector_store %arg6[%swap3A_705, %swap3A_706], %add3A_703 {strides = array<i32>} : memref<2x64xi32, #tpu.memory_space<vmem>>, vector<16xi32>,
        %get3A_708 = arith.constant 3 : i32
        %get3A_709 = arith.index_cast %get3A_708 : i32 to index
        %get3A_710 = arith.constant 48 : index
        %get3A_711 = tpu.vector_load %arg5[%get3A_709, %get3A_710] {strides = array<i32>} : memref<4x64xi32, #tpu.memory_space<vmem>>, vector<16xi32>,
        %mul3A_712 = arith.constant 2 : i32
        %mul3A_713 = vector.broadcast %mul3A_712 : i32 to vector<16xi32>
        %mul3A_714 = arith.muli %get3A_711, %mul3A_713 : vector<16xi32>
        %add3A_715 = arith.constant 0 : i32
        %add3A_716 = vector.broadcast %add3A_715 : i32 to vector<16xi32>
        %add3A_717 = arith.addi %mul3A_714, %add3A_716 : vector<16xi32>
        %swap3A_718 = arith.constant 1 : i32
        %swap3A_719 = arith.index_cast %swap3A_718 : i32 to index
        %swap3A_720 = arith.constant 48 : index
        %swap3A_721 = tpu.vector_load %arg6[%swap3A_719, %swap3A_720] {strides = array<i32>} : memref<2x64xi32, #tpu.memory_space<vmem>>, vector<16xi32>,
        tpu.vector_store %arg6[%swap3A_719, %swap3A_720], %add3A_717 {strides = array<i32>} : memref<2x64xi32, #tpu.memory_space<vmem>>, vector<16xi32>,
        %dma_start3A_722 = arith.constant 1 : i32
        %dma_start3A_723 = arith.constant 1 : i32
        %dma_start3A_724 = arith.constant 0 : i32
        %dma_start3A_725 = arith.constant 0 : i32
        %dma_start3A_726 = tpu.memref_slice %arg7[%dma_start3A_723, %dma_start3A_724, %dma_start3A_725] : memref<2x64x152xf32, #tpu.memory_space<vmem>> -> memref<1x64x152xf32, #tpu.memory_space<vmem>>
        %dma_start3A_727 = tpu.memref_squeeze %dma_start3A_726 : memref<1x64x152xf32, #tpu.memory_space<vmem>> -> memref<64x152xf32, #tpu.memory_space<vmem>>
        %dma_start3A_728 = arith.constant 0 : i32
        %dma_start3A_729 = tpu.memref_slice %arg6[%dma_start3A_722, %dma_start3A_728] : memref<2x64xi32, #tpu.memory_space<vmem>> -> memref<1x64xi32, #tpu.memory_space<vmem>>
        %dma_start3A_730 = tpu.memref_squeeze %dma_start3A_729 : memref<1x64xi32, #tpu.memory_space<vmem>> -> memref<64xi32, #tpu.memory_space<vmem>>
        %dma_start3A_731 = arith.constant 0 : i32
        %dma_start3A_732 = arith.constant 0 : i32
        %dma_start3A_733 = tpu.memref_slice %arg3[%dma_start3A_731, %dma_start3A_732] : memref<600000x152xf32, #tpu.memory_space<hbm>> -> memref<600000x152xf32, #tpu.memory_space<hbm>>
        tpu.enqueue_indirect_dma source(%dma_start3A_733 : memref<600000x152xf32, #tpu.memory_space<hbm>>) target(%dma_start3A_727 : memref<64x152xf32, #tpu.memory_space<vmem>>) offsets(%dma_start3A_730 : memref<64xi32, #tpu.memory_space<vmem>>) semaphore(%arg12 : memref<!tpu.dma_semaphore, #tpu.memory_space<semaphore_mem>>)
        %mul3A_734 = arith.constant 2 : i32
        %mul3A_735 = arith.muli %scan3A_278, %mul3A_734 : i32
        %add3A_736 = arith.constant 0 : i32
        %add3A_737 = arith.addi %mul3A_735, %add3A_736 : i32
        %mul3A_738 = arith.constant 4 : i32
        %mul3A_739 = arith.muli %add3A_737, %mul3A_738 : i32
        %add3A_740 = arith.constant 1 : i32
        %add3A_741 = arith.addi %mul3A_739, %add3A_740 : i32
        %add3A_742 = arith.constant 4 : i32
        %add3A_743 = arith.addi %add3A_741, %add3A_742 : i32
        %le3A_744 = arith.constant 799 : i32
        %le3A_745 = arith.cmpi sle, %add3A_743, %le3A_744 : i32
        %convert_element_type3A_746 = arith.extui %le3A_745 : i1 to i32
        %cond3A_747 = arith.constant 0 : i32
        %cond3A_748 = arith.cmpi ne, %convert_element_type3A_746, %cond3A_747 : i32
        scf.if %cond3A_748 {
          %mul3A_749 = arith.constant 2 : i32
          %mul3A_750 = arith.muli %mul3A_749, %scan3A_278 : i32
          %add3A_751 = arith.constant 0 : i32
          %add3A_752 = arith.addi %mul3A_750, %add3A_751 : i32
          %mul3A_753 = arith.constant 128 : i32
          %mul3A_754 = arith.muli %add3A, %mul3A_753 : i32
          %add3A_755 = arith.constant 64 : i32
          %add3A_756 = arith.addi %mul3A_754, %add3A_755 : i32
          %dma_start3A_757 = arith.constant 1 : i32
          %dma_start3A_758 = arith.constant 0 : i32
          %dma_start3A_759 = tpu.memref_slice %arg5[%dma_start3A_757, %dma_start3A_758] : memref<4x64xi32, #tpu.memory_space<vmem>> -> memref<1x64xi32, #tpu.memory_space<vmem>>
          %dma_start3A_760 = tpu.memref_squeeze %dma_start3A_759 : memref<1x64xi32, #tpu.memory_space<vmem>> -> memref<64xi32, #tpu.memory_space<vmem>>
          %dma_start3A_761 = tpu.memref_slice %arg2[%add3A_752, %add3A_756] : memref<200x4096xi32, #tpu.memory_space<hbm>> -> memref<1x64xi32, #tpu.memory_space<hbm>>
          %dma_start3A_762 = tpu.memref_squeeze %dma_start3A_761 : memref<1x64xi32, #tpu.memory_space<hbm>> -> memref<64xi32, #tpu.memory_space<hbm>>
          %dma_start3A_763 = arith.constant 0 : i32
          %dma_start3A_764 = tpu.memref_slice %arg5[%dma_start3A_757, %dma_start3A_763] : memref<4x64xi32, #tpu.memory_space<vmem>> -> memref<1x64xi32, #tpu.memory_space<vmem>>
          %dma_start3A_765 = tpu.memref_squeeze %dma_start3A_764 : memref<1x64xi32, #tpu.memory_space<vmem>> -> memref<64xi32, #tpu.memory_space<vmem>>
          %dma_start3A_766 = tpu.memref_slice %arg2[%add3A_752, %add3A_756] : memref<200x4096xi32, #tpu.memory_space<hbm>> -> memref<1x64xi32, #tpu.memory_space<hbm>>
          %dma_start3A_767 = tpu.memref_squeeze %dma_start3A_766 : memref<1x64xi32, #tpu.memory_space<hbm>> -> memref<64xi32, #tpu.memory_space<hbm>>
          tpu.enqueue_dma source(%dma_start3A_767 : memref<64xi32, #tpu.memory_space<hbm>>) target(%dma_start3A_765 : memref<64xi32, #tpu.memory_space<vmem>>) target_semaphore(%arg10 : memref<!tpu.dma_semaphore, #tpu.memory_space<semaphore_mem>>)
        } else {
        }
      } else {
      }
      %dma_wait3A_350 = arith.constant 0 : i32
      %dma_wait3A_351 = arith.constant 0 : i32
      %dma_wait3A_352 = arith.constant 0 : i32
      %dma_wait3A_353 = arith.constant 0 : i32
      %dma_wait3A_354 = tpu.memref_slice %arg7[%dma_wait3A_351, %dma_wait3A_352, %dma_wait3A_353] : memref<2x64x152xf32, #tpu.memory_space<vmem>> -> memref<1x64x152xf32, #tpu.memory_space<vmem>>
      %dma_wait3A_355 = tpu.memref_squeeze %dma_wait3A_354 : memref<1x64x152xf32, #tpu.memory_space<vmem>> -> memref<64x152xf32, #tpu.memory_space<vmem>>
      %dma_wait3A_356 = arith.constant 0 : i32
      %dma_wait3A_357 = tpu.memref_slice %arg6[%dma_wait3A_350, %dma_wait3A_356] : memref<2x64xi32, #tpu.memory_space<vmem>> -> memref<1x64xi32, #tpu.memory_space<vmem>>
      %dma_wait3A_358 = tpu.memref_squeeze %dma_wait3A_357 : memref<1x64xi32, #tpu.memory_space<vmem>> -> memref<64xi32, #tpu.memory_space<vmem>>
      %dma_wait3A_359 = arith.constant 0 : i32
      %dma_wait3A_360 = arith.constant 0 : i32
      %dma_wait3A_361 = tpu.memref_slice %arg3[%dma_wait3A_359, %dma_wait3A_360] : memref<600000x152xf32, #tpu.memory_space<hbm>> -> memref<600000x152xf32, #tpu.memory_space<hbm>>
      tpu.wait_indirect_dma semaphore(%arg11 : memref<!tpu.dma_semaphore, #tpu.memory_space<semaphore_mem>>) src(%dma_wait3A_361 : memref<600000x152xf32, #tpu.memory_space<hbm>>) dst(%dma_wait3A_355 : memref<64x152xf32, #tpu.memory_space<vmem>>)
      %scan3A_362 = arith.constant 0 : i32
      %scan3A_363 = arith.constant 0 : i32
      %scan3A_364 = arith.constant 76 : i32
      %scan3A_365 = arith.addi %scan3A_363, %scan3A_364 : i32
      %scan3A_366 = arith.constant 1 : i32
      scf.for %scan3A_647 = %scan3A_363 to %scan3A_365 step %scan3A_366  : i32 {
        %mul3A_648 = arith.constant 2 : i32
        %mul3A_649 = arith.muli %scan3A_647, %mul3A_648 : i32
        %add3A_650 = arith.constant 0 : i32
        %add3A_651 = arith.addi %mul3A_649, %add3A_650 : i32
        %broadcast_in_dim3A = vector.broadcast %add3A_651 : i32 to vector<16xi32>
        %add3A_652 = arith.constant 0 : i32
        %add3A_653 = vector.broadcast %add3A_652 : i32 to vector<16xi32>
        %add3A_654 = arith.addi %add3A_653, %iota3A : vector<16xi32>
        %gather3A = arith.constant 0 : i32
        %gather3A_655 = arith.constant 0 : i32
        %gather3A_656 = arith.constant 0 : i32
        %gather3A_657 = tpu.memref_slice %arg7[%gather3A, %gather3A_655, %gather3A_656] : memref<2x64x152xf32, #tpu.memory_space<vmem>> -> memref<1x64x152xf32, #tpu.memory_space<vmem>>
        %gather3A_658 = tpu.memref_squeeze %gather3A_657 : memref<1x64x152xf32, #tpu.memory_space<vmem>> -> memref<64x152xf32, #tpu.memory_space<vmem>>
        %gather3A_659 = tpu.vector_load_idx %gather3A_658[%add3A_654, %broadcast_in_dim3A] : memref<64x152xf32, #tpu.memory_space<vmem>>[vector<16xi32>, vector<16xi32>], vector<16xf32>,
        %swap3A_660 = arith.constant 0 : i32
        %swap3A_661 = arith.constant 1 : i32
        %swap3A_662 = arith.index_cast %swap3A_660 : i32 to index
        %swap3A_663 = arith.index_cast %add3A_651 : i32 to index
        %swap3A_664 = arith.index_cast %swap3A_661 : i32 to index
        %swap3A_665 = arith.constant 0 : index
        %swap3A_666 = tpu.vector_load %arg8[%swap3A_662, %swap3A_663, %swap3A_664, %swap3A_665] {strides = array<i32>} : memref<2x152x2x128xf32, #tpu.memory_space<vmem>>, vector<16xf32>,
        tpu.vector_store %arg8[%swap3A_662, %swap3A_663, %swap3A_664, %swap3A_665], %gather3A_659 {strides = array<i32>} : memref<2x152x2x128xf32, #tpu.memory_space<vmem>>, vector<16xf32>,
        %add3A_667 = arith.constant 16 : i32
        %add3A_668 = vector.broadcast %add3A_667 : i32 to vector<16xi32>
        %add3A_669 = arith.addi %add3A_668, %iota3A : vector<16xi32>
        %gather3A_670 = arith.constant 0 : i32
        %gather3A_671 = arith.constant 0 : i32
        %gather3A_672 = arith.constant 0 : i32
        %gather3A_673 = tpu.memref_slice %arg7[%gather3A_670, %gather3A_671, %gather3A_672] : memref<2x64x152xf32, #tpu.memory_space<vmem>> -> memref<1x64x152xf32, #tpu.memory_space<vmem>>
        %gather3A_674 = tpu.memref_squeeze %gather3A_673 : memref<1x64x152xf32, #tpu.memory_space<vmem>> -> memref<64x152xf32, #tpu.memory_space<vmem>>
        %gather3A_675 = tpu.vector_load_idx %gather3A_674[%add3A_669, %broadcast_in_dim3A] : memref<64x152xf32, #tpu.memory_space<vmem>>[vector<16xi32>, vector<16xi32>], vector<16xf32>,
        %swap3A_676 = arith.constant 0 : i32
        %swap3A_677 = arith.constant 1 : i32
        %swap3A_678 = arith.index_cast %swap3A_676 : i32 to index
        %swap3A_679 = arith.index_cast %add3A_651 : i32 to index
        %swap3A_680 = arith.index_cast %swap3A_677 : i32 to index
        %swap3A_681 = arith.constant 16 : index
        %swap3A_682 = tpu.vector_load %arg8[%swap3A_678, %swap3A_679, %swap3A_680, %swap3A_681] {strides = array<i32>} : memref<2x152x2x128xf32, #tpu.memory_space<vmem>>, vector<16xf32>,
        tpu.vector_store %arg8[%swap3A_678, %swap3A_679, %swap3A_680, %swap3A_681], %gather3A_675 {strides = array<i32>} : memref<2x152x2x128xf32, #tpu.memory_space<vmem>>, vector<16xf32>,
        %add3A_683 = arith.constant 32 : i32
        %add3A_684 = vector.broadcast %add3A_683 : i32 to vector<16xi32>
        %add3A_685 = arith.addi %add3A_684, %iota3A : vector<16xi32>
        %gather3A_686 = arith.constant 0 : i32
        %gather3A_687 = arith.constant 0 : i32
        %gather3A_688 = arith.constant 0 : i32
        %gather3A_689 = tpu.memref_slice %arg7[%gather3A_686, %gather3A_687, %gather3A_688] : memref<2x64x152xf32, #tpu.memory_space<vmem>> -> memref<1x64x152xf32, #tpu.memory_space<vmem>>
        %gather3A_690 = tpu.memref_squeeze %gather3A_689 : memref<1x64x152xf32, #tpu.memory_space<vmem>> -> memref<64x152xf32, #tpu.memory_space<vmem>>
        %gather3A_691 = tpu.vector_load_idx %gather3A_690[%add3A_685, %broadcast_in_dim3A] : memref<64x152xf32, #tpu.memory_space<vmem>>[vector<16xi32>, vector<16xi32>], vector<16xf32>,
        %swap3A_692 = arith.constant 0 : i32
        %swap3A_693 = arith.constant 1 : i32
        %swap3A_694 = arith.index_cast %swap3A_692 : i32 to index
        %swap3A_695 = arith.index_cast %add3A_651 : i32 to index
        %swap3A_696 = arith.index_cast %swap3A_693 : i32 to index
        %swap3A_697 = arith.constant 32 : index
        %swap3A_698 = tpu.vector_load %arg8[%swap3A_694, %swap3A_695, %swap3A_696, %swap3A_697] {strides = array<i32>} : memref<2x152x2x128xf32, #tpu.memory_space<vmem>>, vector<16xf32>,
        tpu.vector_store %arg8[%swap3A_694, %swap3A_695, %swap3A_696, %swap3A_697], %gather3A_691 {strides = array<i32>} : memref<2x152x2x128xf32, #tpu.memory_space<vmem>>, vector<16xf32>,
        %add3A_699 = arith.constant 48 : i32
        %add3A_700 = vector.broadcast %add3A_699 : i32 to vector<16xi32>
        %add3A_701 = arith.addi %add3A_700, %iota3A : vector<16xi32>
        %gather3A_702 = arith.constant 0 : i32
        %gather3A_703 = arith.constant 0 : i32
        %gather3A_704 = arith.constant 0 : i32
        %gather3A_705 = tpu.memref_slice %arg7[%gather3A_702, %gather3A_703, %gather3A_704] : memref<2x64x152xf32, #tpu.memory_space<vmem>> -> memref<1x64x152xf32, #tpu.memory_space<vmem>>
        %gather3A_706 = tpu.memref_squeeze %gather3A_705 : memref<1x64x152xf32, #tpu.memory_space<vmem>> -> memref<64x152xf32, #tpu.memory_space<vmem>>
        %gather3A_707 = tpu.vector_load_idx %gather3A_706[%add3A_701, %broadcast_in_dim3A] : memref<64x152xf32, #tpu.memory_space<vmem>>[vector<16xi32>, vector<16xi32>], vector<16xf32>,
        %swap3A_708 = arith.constant 0 : i32
        %swap3A_709 = arith.constant 1 : i32
        %swap3A_710 = arith.index_cast %swap3A_708 : i32 to index
        %swap3A_711 = arith.index_cast %add3A_651 : i32 to index
        %swap3A_712 = arith.index_cast %swap3A_709 : i32 to index
        %swap3A_713 = arith.constant 48 : index
        %swap3A_714 = tpu.vector_load %arg8[%swap3A_710, %swap3A_711, %swap3A_712, %swap3A_713] {strides = array<i32>} : memref<2x152x2x128xf32, #tpu.memory_space<vmem>>, vector<16xf32>,
        tpu.vector_store %arg8[%swap3A_710, %swap3A_711, %swap3A_712, %swap3A_713], %gather3A_707 {strides = array<i32>} : memref<2x152x2x128xf32, #tpu.memory_space<vmem>>, vector<16xf32>,
        %mul3A_715 = arith.constant 2 : i32
        %mul3A_716 = arith.muli %scan3A_647, %mul3A_715 : i32
        %add3A_717 = arith.constant 1 : i32
        %add3A_718 = arith.addi %mul3A_716, %add3A_717 : i32
        %broadcast_in_dim3A_719 = vector.broadcast %add3A_718 : i32 to vector<16xi32>
        %add3A_720 = arith.constant 0 : i32
        %add3A_721 = vector.broadcast %add3A_720 : i32 to vector<16xi32>
        %add3A_722 = arith.addi %add3A_721, %iota3A : vector<16xi32>
        %gather3A_723 = arith.constant 0 : i32
        %gather3A_724 = arith.constant 0 : i32
        %gather3A_725 = arith.constant 0 : i32
        %gather3A_726 = tpu.memref_slice %arg7[%gather3A_723, %gather3A_724, %gather3A_725] : memref<2x64x152xf32, #tpu.memory_space<vmem>> -> memref<1x64x152xf32, #tpu.memory_space<vmem>>
        %gather3A_727 = tpu.memref_squeeze %gather3A_726 : memref<1x64x152xf32, #tpu.memory_space<vmem>> -> memref<64x152xf32, #tpu.memory_space<vmem>>
        %gather3A_728 = tpu.vector_load_idx %gather3A_727[%add3A_722, %broadcast_in_dim3A_719] : memref<64x152xf32, #tpu.memory_space<vmem>>[vector<16xi32>, vector<16xi32>], vector<16xf32>,
        %swap3A_729 = arith.constant 0 : i32
        %swap3A_730 = arith.constant 1 : i32
        %swap3A_731 = arith.index_cast %swap3A_729 : i32 to index
        %swap3A_732 = arith.index_cast %add3A_718 : i32 to index
        %swap3A_733 = arith.index_cast %swap3A_730 : i32 to index
        %swap3A_734 = arith.constant 0 : index
        %swap3A_735 = tpu.vector_load %arg8[%swap3A_731, %swap3A_732, %swap3A_733, %swap3A_734] {strides = array<i32>} : memref<2x152x2x128xf32, #tpu.memory_space<vmem>>, vector<16xf32>,
        tpu.vector_store %arg8[%swap3A_731, %swap3A_732, %swap3A_733, %swap3A_734], %gather3A_728 {strides = array<i32>} : memref<2x152x2x128xf32, #tpu.memory_space<vmem>>, vector<16xf32>,
        %add3A_736 = arith.constant 16 : i32
        %add3A_737 = vector.broadcast %add3A_736 : i32 to vector<16xi32>
        %add3A_738 = arith.addi %add3A_737, %iota3A : vector<16xi32>
        %gather3A_739 = arith.constant 0 : i32
        %gather3A_740 = arith.constant 0 : i32
        %gather3A_741 = arith.constant 0 : i32
        %gather3A_742 = tpu.memref_slice %arg7[%gather3A_739, %gather3A_740, %gather3A_741] : memref<2x64x152xf32, #tpu.memory_space<vmem>> -> memref<1x64x152xf32, #tpu.memory_space<vmem>>
        %gather3A_743 = tpu.memref_squeeze %gather3A_742 : memref<1x64x152xf32, #tpu.memory_space<vmem>> -> memref<64x152xf32, #tpu.memory_space<vmem>>
        %gather3A_744 = tpu.vector_load_idx %gather3A_743[%add3A_738, %broadcast_in_dim3A_719] : memref<64x152xf32, #tpu.memory_space<vmem>>[vector<16xi32>, vector<16xi32>], vector<16xf32>,
        %swap3A_745 = arith.constant 0 : i32
        %swap3A_746 = arith.constant 1 : i32
        %swap3A_747 = arith.index_cast %swap3A_745 : i32 to index
        %swap3A_748 = arith.index_cast %add3A_718 : i32 to index
        %swap3A_749 = arith.index_cast %swap3A_746 : i32 to index
        %swap3A_750 = arith.constant 16 : index
        %swap3A_751 = tpu.vector_load %arg8[%swap3A_747, %swap3A_748, %swap3A_749, %swap3A_750] {strides = array<i32>} : memref<2x152x2x128xf32, #tpu.memory_space<vmem>>, vector<16xf32>,
        tpu.vector_store %arg8[%swap3A_747, %swap3A_748, %swap3A_749, %swap3A_750], %gather3A_744 {strides = array<i32>} : memref<2x152x2x128xf32, #tpu.memory_space<vmem>>, vector<16xf32>,
        %add3A_752 = arith.constant 32 : i32
        %add3A_753 = vector.broadcast %add3A_752 : i32 to vector<16xi32>
        %add3A_754 = arith.addi %add3A_753, %iota3A : vector<16xi32>
        %gather3A_755 = arith.constant 0 : i32
        %gather3A_756 = arith.constant 0 : i32
        %gather3A_757 = arith.constant 0 : i32
        %gather3A_758 = tpu.memref_slice %arg7[%gather3A_755, %gather3A_756, %gather3A_757] : memref<2x64x152xf32, #tpu.memory_space<vmem>> -> memref<1x64x152xf32, #tpu.memory_space<vmem>>
        %gather3A_759 = tpu.memref_squeeze %gather3A_758 : memref<1x64x152xf32, #tpu.memory_space<vmem>> -> memref<64x152xf32, #tpu.memory_space<vmem>>
        %gather3A_760 = tpu.vector_load_idx %gather3A_759[%add3A_754, %broadcast_in_dim3A_719] : memref<64x152xf32, #tpu.memory_space<vmem>>[vector<16xi32>, vector<16xi32>], vector<16xf32>,
        %swap3A_761 = arith.constant 0 : i32
        %swap3A_762 = arith.constant 1 : i32
        %swap3A_763 = arith.index_cast %swap3A_761 : i32 to index
        %swap3A_764 = arith.index_cast %add3A_718 : i32 to index
        %swap3A_765 = arith.index_cast %swap3A_762 : i32 to index
        %swap3A_766 = arith.constant 32 : index
        %swap3A_767 = tpu.vector_load %arg8[%swap3A_763, %swap3A_764, %swap3A_765, %swap3A_766] {strides = array<i32>} : memref<2x152x2x128xf32, #tpu.memory_space<vmem>>, vector<16xf32>,
        tpu.vector_store %arg8[%swap3A_763, %swap3A_764, %swap3A_765, %swap3A_766], %gather3A_760 {strides = array<i32>} : memref<2x152x2x128xf32, #tpu.memory_space<vmem>>, vector<16xf32>,
        %add3A_768 = arith.constant 48 : i32
        %add3A_769 = vector.broadcast %add3A_768 : i32 to vector<16xi32>
        %add3A_770 = arith.addi %add3A_769, %iota3A : vector<16xi32>
        %gather3A_771 = arith.constant 0 : i32
        %gather3A_772 = arith.constant 0 : i32
        %gather3A_773 = arith.constant 0 : i32
        %gather3A_774 = tpu.memref_slice %arg7[%gather3A_771, %gather3A_772, %gather3A_773] : memref<2x64x152xf32, #tpu.memory_space<vmem>> -> memref<1x64x152xf32, #tpu.memory_space<vmem>>
        %gather3A_775 = tpu.memref_squeeze %gather3A_774 : memref<1x64x152xf32, #tpu.memory_space<vmem>> -> memref<64x152xf32, #tpu.memory_space<vmem>>
        %gather3A_776 = tpu.vector_load_idx %gather3A_775[%add3A_770, %broadcast_in_dim3A_719] : memref<64x152xf32, #tpu.memory_space<vmem>>[vector<16xi32>, vector<16xi32>], vector<16xf32>,
        %swap3A_777 = arith.constant 0 : i32
        %swap3A_778 = arith.constant 1 : i32
        %swap3A_779 = arith.index_cast %swap3A_777 : i32 to index
        %swap3A_780 = arith.index_cast %add3A_718 : i32 to index
        %swap3A_781 = arith.index_cast %swap3A_778 : i32 to index
        %swap3A_782 = arith.constant 48 : index
        %swap3A_783 = tpu.vector_load %arg8[%swap3A_779, %swap3A_780, %swap3A_781, %swap3A_782] {strides = array<i32>} : memref<2x152x2x128xf32, #tpu.memory_space<vmem>>, vector<16xf32>,
        tpu.vector_store %arg8[%swap3A_779, %swap3A_780, %swap3A_781, %swap3A_782], %gather3A_776 {strides = array<i32>} : memref<2x152x2x128xf32, #tpu.memory_space<vmem>>, vector<16xf32>,
      }
      %scan3A_367 = arith.constant 76 : i32
      %mul3A_368 = arith.constant 2 : i32
      %mul3A_369 = arith.muli %scan3A_278, %mul3A_368 : i32
      %add3A_370 = arith.constant 0 : i32
      %add3A_371 = arith.addi %mul3A_369, %add3A_370 : i32
      %mul3A_372 = arith.constant 4 : i32
      %mul3A_373 = arith.muli %add3A_371, %mul3A_372 : i32
      %add3A_374 = arith.constant 2 : i32
      %add3A_375 = arith.addi %mul3A_373, %add3A_374 : i32
      %add3A_376 = arith.constant 2 : i32
      %add3A_377 = arith.addi %add3A_375, %add3A_376 : i32
      %le3A_378 = arith.constant 799 : i32
      %le3A_379 = arith.cmpi sle, %add3A_377, %le3A_378 : i32
      %convert_element_type3A_380 = arith.extui %le3A_379 : i1 to i32
      %cond3A_381 = arith.constant 0 : i32
      %cond3A_382 = arith.cmpi ne, %convert_element_type3A_380, %cond3A_381 : i32
      scf.if %cond3A_382 {
        %mul3A_647 = arith.constant 2 : i32
        %mul3A_648 = arith.muli %mul3A_647, %scan3A_278 : i32
        %add3A_649 = arith.constant 0 : i32
        %add3A_650 = arith.addi %mul3A_648, %add3A_649 : i32
        %mul3A_651 = arith.constant 128 : i32
        %mul3A_652 = arith.muli %add3A, %mul3A_651 : i32
        %add3A_653 = arith.constant 0 : i32
        %add3A_654 = arith.addi %mul3A_652, %add3A_653 : i32
        %dma_wait3A_655 = arith.constant 0 : i32
        %dma_wait3A_656 = arith.constant 0 : i32
        %dma_wait3A_657 = tpu.memref_slice %arg5[%dma_wait3A_655, %dma_wait3A_656] : memref<4x64xi32, #tpu.memory_space<vmem>> -> memref<1x64xi32, #tpu.memory_space<vmem>>
        %dma_wait3A_658 = tpu.memref_squeeze %dma_wait3A_657 : memref<1x64xi32, #tpu.memory_space<vmem>> -> memref<64xi32, #tpu.memory_space<vmem>>
        %dma_wait3A_659 = tpu.memref_slice %arg2[%add3A_650, %add3A_654] : memref<200x4096xi32, #tpu.memory_space<hbm>> -> memref<1x64xi32, #tpu.memory_space<hbm>>
        %dma_wait3A_660 = tpu.memref_squeeze %dma_wait3A_659 : memref<1x64xi32, #tpu.memory_space<hbm>> -> memref<64xi32, #tpu.memory_space<hbm>>
        %dma_wait3A_661 = arith.constant 0 : i32
        %dma_wait3A_662 = tpu.memref_slice %arg5[%dma_wait3A_655, %dma_wait3A_661] : memref<4x64xi32, #tpu.memory_space<vmem>> -> memref<1x64xi32, #tpu.memory_space<vmem>>
        %dma_wait3A_663 = tpu.memref_squeeze %dma_wait3A_662 : memref<1x64xi32, #tpu.memory_space<vmem>> -> memref<64xi32, #tpu.memory_space<vmem>>
        %dma_wait3A_664 = tpu.memref_slice %arg2[%add3A_650, %add3A_654] : memref<200x4096xi32, #tpu.memory_space<hbm>> -> memref<1x64xi32, #tpu.memory_space<hbm>>
        %dma_wait3A_665 = tpu.memref_squeeze %dma_wait3A_664 : memref<1x64xi32, #tpu.memory_space<hbm>> -> memref<64xi32, #tpu.memory_space<hbm>>
        tpu.wait_dma2 semaphore(%arg9 : memref<!tpu.dma_semaphore, #tpu.memory_space<semaphore_mem>>) src(%dma_wait3A_665 : memref<64xi32, #tpu.memory_space<hbm>>) dst(%dma_wait3A_663 : memref<64xi32, #tpu.memory_space<vmem>>)
        %get3A_666 = arith.constant 0 : i32
        %get3A_667 = arith.index_cast %get3A_666 : i32 to index
        %get3A_668 = arith.constant 0 : index
        %get3A_669 = tpu.vector_load %arg5[%get3A_667, %get3A_668] {strides = array<i32>} : memref<4x64xi32, #tpu.memory_space<vmem>>, vector<16xi32>,
        %mul3A_670 = arith.constant 2 : i32
        %mul3A_671 = vector.broadcast %mul3A_670 : i32 to vector<16xi32>
        %mul3A_672 = arith.muli %get3A_669, %mul3A_671 : vector<16xi32>
        %add3A_673 = arith.constant 1 : i32
        %add3A_674 = vector.broadcast %add3A_673 : i32 to vector<16xi32>
        %add3A_675 = arith.addi %mul3A_672, %add3A_674 : vector<16xi32>
        %swap3A_676 = arith.constant 0 : i32
        %swap3A_677 = arith.index_cast %swap3A_676 : i32 to index
        %swap3A_678 = arith.constant 0 : index
        %swap3A_679 = tpu.vector_load %arg6[%swap3A_677, %swap3A_678] {strides = array<i32>} : memref<2x64xi32, #tpu.memory_space<vmem>>, vector<16xi32>,
        tpu.vector_store %arg6[%swap3A_677, %swap3A_678], %add3A_675 {strides = array<i32>} : memref<2x64xi32, #tpu.memory_space<vmem>>, vector<16xi32>,
        %get3A_680 = arith.constant 0 : i32
        %get3A_681 = arith.index_cast %get3A_680 : i32 to index
        %get3A_682 = arith.constant 16 : index
        %get3A_683 = tpu.vector_load %arg5[%get3A_681, %get3A_682] {strides = array<i32>} : memref<4x64xi32, #tpu.memory_space<vmem>>, vector<16xi32>,
        %mul3A_684 = arith.constant 2 : i32
        %mul3A_685 = vector.broadcast %mul3A_684 : i32 to vector<16xi32>
        %mul3A_686 = arith.muli %get3A_683, %mul3A_685 : vector<16xi32>
        %add3A_687 = arith.constant 1 : i32
        %add3A_688 = vector.broadcast %add3A_687 : i32 to vector<16xi32>
        %add3A_689 = arith.addi %mul3A_686, %add3A_688 : vector<16xi32>
        %swap3A_690 = arith.constant 0 : i32
        %swap3A_691 = arith.index_cast %swap3A_690 : i32 to index
        %swap3A_692 = arith.constant 16 : index
        %swap3A_693 = tpu.vector_load %arg6[%swap3A_691, %swap3A_692] {strides = array<i32>} : memref<2x64xi32, #tpu.memory_space<vmem>>, vector<16xi32>,
        tpu.vector_store %arg6[%swap3A_691, %swap3A_692], %add3A_689 {strides = array<i32>} : memref<2x64xi32, #tpu.memory_space<vmem>>, vector<16xi32>,
        %get3A_694 = arith.constant 0 : i32
        %get3A_695 = arith.index_cast %get3A_694 : i32 to index
        %get3A_696 = arith.constant 32 : index
        %get3A_697 = tpu.vector_load %arg5[%get3A_695, %get3A_696] {strides = array<i32>} : memref<4x64xi32, #tpu.memory_space<vmem>>, vector<16xi32>,
        %mul3A_698 = arith.constant 2 : i32
        %mul3A_699 = vector.broadcast %mul3A_698 : i32 to vector<16xi32>
        %mul3A_700 = arith.muli %get3A_697, %mul3A_699 : vector<16xi32>
        %add3A_701 = arith.constant 1 : i32
        %add3A_702 = vector.broadcast %add3A_701 : i32 to vector<16xi32>
        %add3A_703 = arith.addi %mul3A_700, %add3A_702 : vector<16xi32>
        %swap3A_704 = arith.constant 0 : i32
        %swap3A_705 = arith.index_cast %swap3A_704 : i32 to index
        %swap3A_706 = arith.constant 32 : index
        %swap3A_707 = tpu.vector_load %arg6[%swap3A_705, %swap3A_706] {strides = array<i32>} : memref<2x64xi32, #tpu.memory_space<vmem>>, vector<16xi32>,
        tpu.vector_store %arg6[%swap3A_705, %swap3A_706], %add3A_703 {strides = array<i32>} : memref<2x64xi32, #tpu.memory_space<vmem>>, vector<16xi32>,
        %get3A_708 = arith.constant 0 : i32
        %get3A_709 = arith.index_cast %get3A_708 : i32 to index
        %get3A_710 = arith.constant 48 : index
        %get3A_711 = tpu.vector_load %arg5[%get3A_709, %get3A_710] {strides = array<i32>} : memref<4x64xi32, #tpu.memory_space<vmem>>, vector<16xi32>,
        %mul3A_712 = arith.constant 2 : i32
        %mul3A_713 = vector.broadcast %mul3A_712 : i32 to vector<16xi32>
        %mul3A_714 = arith.muli %get3A_711, %mul3A_713 : vector<16xi32>
        %add3A_715 = arith.constant 1 : i32
        %add3A_716 = vector.broadcast %add3A_715 : i32 to vector<16xi32>
        %add3A_717 = arith.addi %mul3A_714, %add3A_716 : vector<16xi32>
        %swap3A_718 = arith.constant 0 : i32
        %swap3A_719 = arith.index_cast %swap3A_718 : i32 to index
        %swap3A_720 = arith.constant 48 : index
        %swap3A_721 = tpu.vector_load %arg6[%swap3A_719, %swap3A_720] {strides = array<i32>} : memref<2x64xi32, #tpu.memory_space<vmem>>, vector<16xi32>,
        tpu.vector_store %arg6[%swap3A_719, %swap3A_720], %add3A_717 {strides = array<i32>} : memref<2x64xi32, #tpu.memory_space<vmem>>, vector<16xi32>,
        %dma_start3A_722 = arith.constant 0 : i32
        %dma_start3A_723 = arith.constant 0 : i32
        %dma_start3A_724 = arith.constant 0 : i32
        %dma_start3A_725 = arith.constant 0 : i32
        %dma_start3A_726 = tpu.memref_slice %arg7[%dma_start3A_723, %dma_start3A_724, %dma_start3A_725] : memref<2x64x152xf32, #tpu.memory_space<vmem>> -> memref<1x64x152xf32, #tpu.memory_space<vmem>>
        %dma_start3A_727 = tpu.memref_squeeze %dma_start3A_726 : memref<1x64x152xf32, #tpu.memory_space<vmem>> -> memref<64x152xf32, #tpu.memory_space<vmem>>
        %dma_start3A_728 = arith.constant 0 : i32
        %dma_start3A_729 = tpu.memref_slice %arg6[%dma_start3A_722, %dma_start3A_728] : memref<2x64xi32, #tpu.memory_space<vmem>> -> memref<1x64xi32, #tpu.memory_space<vmem>>
        %dma_start3A_730 = tpu.memref_squeeze %dma_start3A_729 : memref<1x64xi32, #tpu.memory_space<vmem>> -> memref<64xi32, #tpu.memory_space<vmem>>
        %dma_start3A_731 = arith.constant 0 : i32
        %dma_start3A_732 = arith.constant 0 : i32
        %dma_start3A_733 = tpu.memref_slice %arg3[%dma_start3A_731, %dma_start3A_732] : memref<600000x152xf32, #tpu.memory_space<hbm>> -> memref<600000x152xf32, #tpu.memory_space<hbm>>
        tpu.enqueue_indirect_dma source(%dma_start3A_733 : memref<600000x152xf32, #tpu.memory_space<hbm>>) target(%dma_start3A_727 : memref<64x152xf32, #tpu.memory_space<vmem>>) offsets(%dma_start3A_730 : memref<64xi32, #tpu.memory_space<vmem>>) semaphore(%arg11 : memref<!tpu.dma_semaphore, #tpu.memory_space<semaphore_mem>>)
        %mul3A_734 = arith.constant 2 : i32
        %mul3A_735 = arith.muli %scan3A_278, %mul3A_734 : i32
        %add3A_736 = arith.constant 0 : i32
        %add3A_737 = arith.addi %mul3A_735, %add3A_736 : i32
        %mul3A_738 = arith.constant 4 : i32
        %mul3A_739 = arith.muli %add3A_737, %mul3A_738 : i32
        %add3A_740 = arith.constant 2 : i32
        %add3A_741 = arith.addi %mul3A_739, %add3A_740 : i32
        %add3A_742 = arith.constant 4 : i32
        %add3A_743 = arith.addi %add3A_741, %add3A_742 : i32
        %le3A_744 = arith.constant 799 : i32
        %le3A_745 = arith.cmpi sle, %add3A_743, %le3A_744 : i32
        %convert_element_type3A_746 = arith.extui %le3A_745 : i1 to i32
        %cond3A_747 = arith.constant 0 : i32
        %cond3A_748 = arith.cmpi ne, %convert_element_type3A_746, %cond3A_747 : i32
        scf.if %cond3A_748 {
          %mul3A_749 = arith.constant 2 : i32
          %mul3A_750 = arith.muli %mul3A_749, %scan3A_278 : i32
          %add3A_751 = arith.constant 1 : i32
          %add3A_752 = arith.addi %mul3A_750, %add3A_751 : i32
          %mul3A_753 = arith.constant 128 : i32
          %mul3A_754 = arith.muli %add3A, %mul3A_753 : i32
          %add3A_755 = arith.constant 0 : i32
          %add3A_756 = arith.addi %mul3A_754, %add3A_755 : i32
          %dma_start3A_757 = arith.constant 2 : i32
          %dma_start3A_758 = arith.constant 0 : i32
          %dma_start3A_759 = tpu.memref_slice %arg5[%dma_start3A_757, %dma_start3A_758] : memref<4x64xi32, #tpu.memory_space<vmem>> -> memref<1x64xi32, #tpu.memory_space<vmem>>
          %dma_start3A_760 = tpu.memref_squeeze %dma_start3A_759 : memref<1x64xi32, #tpu.memory_space<vmem>> -> memref<64xi32, #tpu.memory_space<vmem>>
          %dma_start3A_761 = tpu.memref_slice %arg2[%add3A_752, %add3A_756] : memref<200x4096xi32, #tpu.memory_space<hbm>> -> memref<1x64xi32, #tpu.memory_space<hbm>>
          %dma_start3A_762 = tpu.memref_squeeze %dma_start3A_761 : memref<1x64xi32, #tpu.memory_space<hbm>> -> memref<64xi32, #tpu.memory_space<hbm>>
          %dma_start3A_763 = arith.constant 0 : i32
          %dma_start3A_764 = tpu.memref_slice %arg5[%dma_start3A_757, %dma_start3A_763] : memref<4x64xi32, #tpu.memory_space<vmem>> -> memref<1x64xi32, #tpu.memory_space<vmem>>
          %dma_start3A_765 = tpu.memref_squeeze %dma_start3A_764 : memref<1x64xi32, #tpu.memory_space<vmem>> -> memref<64xi32, #tpu.memory_space<vmem>>
          %dma_start3A_766 = tpu.memref_slice %arg2[%add3A_752, %add3A_756] : memref<200x4096xi32, #tpu.memory_space<hbm>> -> memref<1x64xi32, #tpu.memory_space<hbm>>
          %dma_start3A_767 = tpu.memref_squeeze %dma_start3A_766 : memref<1x64xi32, #tpu.memory_space<hbm>> -> memref<64xi32, #tpu.memory_space<hbm>>
          tpu.enqueue_dma source(%dma_start3A_767 : memref<64xi32, #tpu.memory_space<hbm>>) target(%dma_start3A_765 : memref<64xi32, #tpu.memory_space<vmem>>) target_semaphore(%arg9 : memref<!tpu.dma_semaphore, #tpu.memory_space<semaphore_mem>>)
        } else {
        }
      } else {
      }
      %dma_wait3A_383 = arith.constant 1 : i32
      %dma_wait3A_384 = arith.constant 1 : i32
      %dma_wait3A_385 = arith.constant 0 : i32
      %dma_wait3A_386 = arith.constant 0 : i32
      %dma_wait3A_387 = tpu.memref_slice %arg7[%dma_wait3A_384, %dma_wait3A_385, %dma_wait3A_386] : memref<2x64x152xf32, #tpu.memory_space<vmem>> -> memref<1x64x152xf32, #tpu.memory_space<vmem>>
      %dma_wait3A_388 = tpu.memref_squeeze %dma_wait3A_387 : memref<1x64x152xf32, #tpu.memory_space<vmem>> -> memref<64x152xf32, #tpu.memory_space<vmem>>
      %dma_wait3A_389 = arith.constant 0 : i32
      %dma_wait3A_390 = tpu.memref_slice %arg6[%dma_wait3A_383, %dma_wait3A_389] : memref<2x64xi32, #tpu.memory_space<vmem>> -> memref<1x64xi32, #tpu.memory_space<vmem>>
      %dma_wait3A_391 = tpu.memref_squeeze %dma_wait3A_390 : memref<1x64xi32, #tpu.memory_space<vmem>> -> memref<64xi32, #tpu.memory_space<vmem>>
      %dma_wait3A_392 = arith.constant 0 : i32
      %dma_wait3A_393 = arith.constant 0 : i32
      %dma_wait3A_394 = tpu.memref_slice %arg3[%dma_wait3A_392, %dma_wait3A_393] : memref<600000x152xf32, #tpu.memory_space<hbm>> -> memref<600000x152xf32, #tpu.memory_space<hbm>>
      tpu.wait_indirect_dma semaphore(%arg12 : memref<!tpu.dma_semaphore, #tpu.memory_space<semaphore_mem>>) src(%dma_wait3A_394 : memref<600000x152xf32, #tpu.memory_space<hbm>>) dst(%dma_wait3A_388 : memref<64x152xf32, #tpu.memory_space<vmem>>)
      %scan3A_395 = arith.constant 0 : i32
      %scan3A_396 = arith.constant 0 : i32
      %scan3A_397 = arith.constant 76 : i32
      %scan3A_398 = arith.addi %scan3A_396, %scan3A_397 : i32
      %scan3A_399 = arith.constant 1 : i32
      scf.for %scan3A_647 = %scan3A_396 to %scan3A_398 step %scan3A_399  : i32 {
        %mul3A_648 = arith.constant 2 : i32
        %mul3A_649 = arith.muli %scan3A_647, %mul3A_648 : i32
        %add3A_650 = arith.constant 0 : i32
        %add3A_651 = arith.addi %mul3A_649, %add3A_650 : i32
        %broadcast_in_dim3A = vector.broadcast %add3A_651 : i32 to vector<16xi32>
        %add3A_652 = arith.constant 0 : i32
        %add3A_653 = vector.broadcast %add3A_652 : i32 to vector<16xi32>
        %add3A_654 = arith.addi %add3A_653, %iota3A : vector<16xi32>
        %gather3A = arith.constant 1 : i32
        %gather3A_655 = arith.constant 0 : i32
        %gather3A_656 = arith.constant 0 : i32
        %gather3A_657 = tpu.memref_slice %arg7[%gather3A, %gather3A_655, %gather3A_656] : memref<2x64x152xf32, #tpu.memory_space<vmem>> -> memref<1x64x152xf32, #tpu.memory_space<vmem>>
        %gather3A_658 = tpu.memref_squeeze %gather3A_657 : memref<1x64x152xf32, #tpu.memory_space<vmem>> -> memref<64x152xf32, #tpu.memory_space<vmem>>
        %gather3A_659 = tpu.vector_load_idx %gather3A_658[%add3A_654, %broadcast_in_dim3A] : memref<64x152xf32, #tpu.memory_space<vmem>>[vector<16xi32>, vector<16xi32>], vector<16xf32>,
        %swap3A_660 = arith.constant 0 : i32
        %swap3A_661 = arith.constant 1 : i32
        %swap3A_662 = arith.index_cast %swap3A_660 : i32 to index
        %swap3A_663 = arith.index_cast %add3A_651 : i32 to index
        %swap3A_664 = arith.index_cast %swap3A_661 : i32 to index
        %swap3A_665 = arith.constant 64 : index
        %swap3A_666 = tpu.vector_load %arg8[%swap3A_662, %swap3A_663, %swap3A_664, %swap3A_665] {strides = array<i32>} : memref<2x152x2x128xf32, #tpu.memory_space<vmem>>, vector<16xf32>,
        tpu.vector_store %arg8[%swap3A_662, %swap3A_663, %swap3A_664, %swap3A_665], %gather3A_659 {strides = array<i32>} : memref<2x152x2x128xf32, #tpu.memory_space<vmem>>, vector<16xf32>,
        %add3A_667 = arith.constant 16 : i32
        %add3A_668 = vector.broadcast %add3A_667 : i32 to vector<16xi32>
        %add3A_669 = arith.addi %add3A_668, %iota3A : vector<16xi32>
        %gather3A_670 = arith.constant 1 : i32
        %gather3A_671 = arith.constant 0 : i32
        %gather3A_672 = arith.constant 0 : i32
        %gather3A_673 = tpu.memref_slice %arg7[%gather3A_670, %gather3A_671, %gather3A_672] : memref<2x64x152xf32, #tpu.memory_space<vmem>> -> memref<1x64x152xf32, #tpu.memory_space<vmem>>
        %gather3A_674 = tpu.memref_squeeze %gather3A_673 : memref<1x64x152xf32, #tpu.memory_space<vmem>> -> memref<64x152xf32, #tpu.memory_space<vmem>>
        %gather3A_675 = tpu.vector_load_idx %gather3A_674[%add3A_669, %broadcast_in_dim3A] : memref<64x152xf32, #tpu.memory_space<vmem>>[vector<16xi32>, vector<16xi32>], vector<16xf32>,
        %swap3A_676 = arith.constant 0 : i32
        %swap3A_677 = arith.constant 1 : i32
        %swap3A_678 = arith.index_cast %swap3A_676 : i32 to index
        %swap3A_679 = arith.index_cast %add3A_651 : i32 to index
        %swap3A_680 = arith.index_cast %swap3A_677 : i32 to index
        %swap3A_681 = arith.constant 80 : index
        %swap3A_682 = tpu.vector_load %arg8[%swap3A_678, %swap3A_679, %swap3A_680, %swap3A_681] {strides = array<i32>} : memref<2x152x2x128xf32, #tpu.memory_space<vmem>>, vector<16xf32>,
        tpu.vector_store %arg8[%swap3A_678, %swap3A_679, %swap3A_680, %swap3A_681], %gather3A_675 {strides = array<i32>} : memref<2x152x2x128xf32, #tpu.memory_space<vmem>>, vector<16xf32>,
        %add3A_683 = arith.constant 32 : i32
        %add3A_684 = vector.broadcast %add3A_683 : i32 to vector<16xi32>
        %add3A_685 = arith.addi %add3A_684, %iota3A : vector<16xi32>
        %gather3A_686 = arith.constant 1 : i32
        %gather3A_687 = arith.constant 0 : i32
        %gather3A_688 = arith.constant 0 : i32
        %gather3A_689 = tpu.memref_slice %arg7[%gather3A_686, %gather3A_687, %gather3A_688] : memref<2x64x152xf32, #tpu.memory_space<vmem>> -> memref<1x64x152xf32, #tpu.memory_space<vmem>>
        %gather3A_690 = tpu.memref_squeeze %gather3A_689 : memref<1x64x152xf32, #tpu.memory_space<vmem>> -> memref<64x152xf32, #tpu.memory_space<vmem>>
        %gather3A_691 = tpu.vector_load_idx %gather3A_690[%add3A_685, %broadcast_in_dim3A] : memref<64x152xf32, #tpu.memory_space<vmem>>[vector<16xi32>, vector<16xi32>], vector<16xf32>,
        %swap3A_692 = arith.constant 0 : i32
        %swap3A_693 = arith.constant 1 : i32
        %swap3A_694 = arith.index_cast %swap3A_692 : i32 to index
        %swap3A_695 = arith.index_cast %add3A_651 : i32 to index
        %swap3A_696 = arith.index_cast %swap3A_693 : i32 to index
        %swap3A_697 = arith.constant 96 : index
        %swap3A_698 = tpu.vector_load %arg8[%swap3A_694, %swap3A_695, %swap3A_696, %swap3A_697] {strides = array<i32>} : memref<2x152x2x128xf32, #tpu.memory_space<vmem>>, vector<16xf32>,
        tpu.vector_store %arg8[%swap3A_694, %swap3A_695, %swap3A_696, %swap3A_697], %gather3A_691 {strides = array<i32>} : memref<2x152x2x128xf32, #tpu.memory_space<vmem>>, vector<16xf32>,
        %add3A_699 = arith.constant 48 : i32
        %add3A_700 = vector.broadcast %add3A_699 : i32 to vector<16xi32>
        %add3A_701 = arith.addi %add3A_700, %iota3A : vector<16xi32>
        %gather3A_702 = arith.constant 1 : i32
        %gather3A_703 = arith.constant 0 : i32
        %gather3A_704 = arith.constant 0 : i32
        %gather3A_705 = tpu.memref_slice %arg7[%gather3A_702, %gather3A_703, %gather3A_704] : memref<2x64x152xf32, #tpu.memory_space<vmem>> -> memref<1x64x152xf32, #tpu.memory_space<vmem>>
        %gather3A_706 = tpu.memref_squeeze %gather3A_705 : memref<1x64x152xf32, #tpu.memory_space<vmem>> -> memref<64x152xf32, #tpu.memory_space<vmem>>
        %gather3A_707 = tpu.vector_load_idx %gather3A_706[%add3A_701, %broadcast_in_dim3A] : memref<64x152xf32, #tpu.memory_space<vmem>>[vector<16xi32>, vector<16xi32>], vector<16xf32>,
        %swap3A_708 = arith.constant 0 : i32
        %swap3A_709 = arith.constant 1 : i32
        %swap3A_710 = arith.index_cast %swap3A_708 : i32 to index
        %swap3A_711 = arith.index_cast %add3A_651 : i32 to index
        %swap3A_712 = arith.index_cast %swap3A_709 : i32 to index
        %swap3A_713 = arith.constant 112 : index
        %swap3A_714 = tpu.vector_load %arg8[%swap3A_710, %swap3A_711, %swap3A_712, %swap3A_713] {strides = array<i32>} : memref<2x152x2x128xf32, #tpu.memory_space<vmem>>, vector<16xf32>,
        tpu.vector_store %arg8[%swap3A_710, %swap3A_711, %swap3A_712, %swap3A_713], %gather3A_707 {strides = array<i32>} : memref<2x152x2x128xf32, #tpu.memory_space<vmem>>, vector<16xf32>,
        %mul3A_715 = arith.constant 2 : i32
        %mul3A_716 = arith.muli %scan3A_647, %mul3A_715 : i32
        %add3A_717 = arith.constant 1 : i32
        %add3A_718 = arith.addi %mul3A_716, %add3A_717 : i32
        %broadcast_in_dim3A_719 = vector.broadcast %add3A_718 : i32 to vector<16xi32>
        %add3A_720 = arith.constant 0 : i32
        %add3A_721 = vector.broadcast %add3A_720 : i32 to vector<16xi32>
        %add3A_722 = arith.addi %add3A_721, %iota3A : vector<16xi32>
        %gather3A_723 = arith.constant 1 : i32
        %gather3A_724 = arith.constant 0 : i32
        %gather3A_725 = arith.constant 0 : i32
        %gather3A_726 = tpu.memref_slice %arg7[%gather3A_723, %gather3A_724, %gather3A_725] : memref<2x64x152xf32, #tpu.memory_space<vmem>> -> memref<1x64x152xf32, #tpu.memory_space<vmem>>
        %gather3A_727 = tpu.memref_squeeze %gather3A_726 : memref<1x64x152xf32, #tpu.memory_space<vmem>> -> memref<64x152xf32, #tpu.memory_space<vmem>>
        %gather3A_728 = tpu.vector_load_idx %gather3A_727[%add3A_722, %broadcast_in_dim3A_719] : memref<64x152xf32, #tpu.memory_space<vmem>>[vector<16xi32>, vector<16xi32>], vector<16xf32>,
        %swap3A_729 = arith.constant 0 : i32
        %swap3A_730 = arith.constant 1 : i32
        %swap3A_731 = arith.index_cast %swap3A_729 : i32 to index
        %swap3A_732 = arith.index_cast %add3A_718 : i32 to index
        %swap3A_733 = arith.index_cast %swap3A_730 : i32 to index
        %swap3A_734 = arith.constant 64 : index
        %swap3A_735 = tpu.vector_load %arg8[%swap3A_731, %swap3A_732, %swap3A_733, %swap3A_734] {strides = array<i32>} : memref<2x152x2x128xf32, #tpu.memory_space<vmem>>, vector<16xf32>,
        tpu.vector_store %arg8[%swap3A_731, %swap3A_732, %swap3A_733, %swap3A_734], %gather3A_728 {strides = array<i32>} : memref<2x152x2x128xf32, #tpu.memory_space<vmem>>, vector<16xf32>,
        %add3A_736 = arith.constant 16 : i32
        %add3A_737 = vector.broadcast %add3A_736 : i32 to vector<16xi32>
        %add3A_738 = arith.addi %add3A_737, %iota3A : vector<16xi32>
        %gather3A_739 = arith.constant 1 : i32
        %gather3A_740 = arith.constant 0 : i32
        %gather3A_741 = arith.constant 0 : i32
        %gather3A_742 = tpu.memref_slice %arg7[%gather3A_739, %gather3A_740, %gather3A_741] : memref<2x64x152xf32, #tpu.memory_space<vmem>> -> memref<1x64x152xf32, #tpu.memory_space<vmem>>
        %gather3A_743 = tpu.memref_squeeze %gather3A_742 : memref<1x64x152xf32, #tpu.memory_space<vmem>> -> memref<64x152xf32, #tpu.memory_space<vmem>>
        %gather3A_744 = tpu.vector_load_idx %gather3A_743[%add3A_738, %broadcast_in_dim3A_719] : memref<64x152xf32, #tpu.memory_space<vmem>>[vector<16xi32>, vector<16xi32>], vector<16xf32>,
        %swap3A_745 = arith.constant 0 : i32
        %swap3A_746 = arith.constant 1 : i32
        %swap3A_747 = arith.index_cast %swap3A_745 : i32 to index
        %swap3A_748 = arith.index_cast %add3A_718 : i32 to index
        %swap3A_749 = arith.index_cast %swap3A_746 : i32 to index
        %swap3A_750 = arith.constant 80 : index
        %swap3A_751 = tpu.vector_load %arg8[%swap3A_747, %swap3A_748, %swap3A_749, %swap3A_750] {strides = array<i32>} : memref<2x152x2x128xf32, #tpu.memory_space<vmem>>, vector<16xf32>,
        tpu.vector_store %arg8[%swap3A_747, %swap3A_748, %swap3A_749, %swap3A_750], %gather3A_744 {strides = array<i32>} : memref<2x152x2x128xf32, #tpu.memory_space<vmem>>, vector<16xf32>,
        %add3A_752 = arith.constant 32 : i32
        %add3A_753 = vector.broadcast %add3A_752 : i32 to vector<16xi32>
        %add3A_754 = arith.addi %add3A_753, %iota3A : vector<16xi32>
        %gather3A_755 = arith.constant 1 : i32
        %gather3A_756 = arith.constant 0 : i32
        %gather3A_757 = arith.constant 0 : i32
        %gather3A_758 = tpu.memref_slice %arg7[%gather3A_755, %gather3A_756, %gather3A_757] : memref<2x64x152xf32, #tpu.memory_space<vmem>> -> memref<1x64x152xf32, #tpu.memory_space<vmem>>
        %gather3A_759 = tpu.memref_squeeze %gather3A_758 : memref<1x64x152xf32, #tpu.memory_space<vmem>> -> memref<64x152xf32, #tpu.memory_space<vmem>>
        %gather3A_760 = tpu.vector_load_idx %gather3A_759[%add3A_754, %broadcast_in_dim3A_719] : memref<64x152xf32, #tpu.memory_space<vmem>>[vector<16xi32>, vector<16xi32>], vector<16xf32>,
        %swap3A_761 = arith.constant 0 : i32
        %swap3A_762 = arith.constant 1 : i32
        %swap3A_763 = arith.index_cast %swap3A_761 : i32 to index
        %swap3A_764 = arith.index_cast %add3A_718 : i32 to index
        %swap3A_765 = arith.index_cast %swap3A_762 : i32 to index
        %swap3A_766 = arith.constant 96 : index
        %swap3A_767 = tpu.vector_load %arg8[%swap3A_763, %swap3A_764, %swap3A_765, %swap3A_766] {strides = array<i32>} : memref<2x152x2x128xf32, #tpu.memory_space<vmem>>, vector<16xf32>,
        tpu.vector_store %arg8[%swap3A_763, %swap3A_764, %swap3A_765, %swap3A_766], %gather3A_760 {strides = array<i32>} : memref<2x152x2x128xf32, #tpu.memory_space<vmem>>, vector<16xf32>,
        %add3A_768 = arith.constant 48 : i32
        %add3A_769 = vector.broadcast %add3A_768 : i32 to vector<16xi32>
        %add3A_770 = arith.addi %add3A_769, %iota3A : vector<16xi32>
        %gather3A_771 = arith.constant 1 : i32
        %gather3A_772 = arith.constant 0 : i32
        %gather3A_773 = arith.constant 0 : i32
        %gather3A_774 = tpu.memref_slice %arg7[%gather3A_771, %gather3A_772, %gather3A_773] : memref<2x64x152xf32, #tpu.memory_space<vmem>> -> memref<1x64x152xf32, #tpu.memory_space<vmem>>
        %gather3A_775 = tpu.memref_squeeze %gather3A_774 : memref<1x64x152xf32, #tpu.memory_space<vmem>> -> memref<64x152xf32, #tpu.memory_space<vmem>>
        %gather3A_776 = tpu.vector_load_idx %gather3A_775[%add3A_770, %broadcast_in_dim3A_719] : memref<64x152xf32, #tpu.memory_space<vmem>>[vector<16xi32>, vector<16xi32>], vector<16xf32>,
        %swap3A_777 = arith.constant 0 : i32
        %swap3A_778 = arith.constant 1 : i32
        %swap3A_779 = arith.index_cast %swap3A_777 : i32 to index
        %swap3A_780 = arith.index_cast %add3A_718 : i32 to index
        %swap3A_781 = arith.index_cast %swap3A_778 : i32 to index
        %swap3A_782 = arith.constant 112 : index
        %swap3A_783 = tpu.vector_load %arg8[%swap3A_779, %swap3A_780, %swap3A_781, %swap3A_782] {strides = array<i32>} : memref<2x152x2x128xf32, #tpu.memory_space<vmem>>, vector<16xf32>,
        tpu.vector_store %arg8[%swap3A_779, %swap3A_780, %swap3A_781, %swap3A_782], %gather3A_776 {strides = array<i32>} : memref<2x152x2x128xf32, #tpu.memory_space<vmem>>, vector<16xf32>,
      }
      %scan3A_400 = arith.constant 76 : i32
      %mul3A_401 = arith.constant 2 : i32
      %mul3A_402 = arith.muli %scan3A_278, %mul3A_401 : i32
      %add3A_403 = arith.constant 0 : i32
      %add3A_404 = arith.addi %mul3A_402, %add3A_403 : i32
      %mul3A_405 = arith.constant 4 : i32
      %mul3A_406 = arith.muli %add3A_404, %mul3A_405 : i32
      %add3A_407 = arith.constant 3 : i32
      %add3A_408 = arith.addi %mul3A_406, %add3A_407 : i32
      %add3A_409 = arith.constant 2 : i32
      %add3A_410 = arith.addi %add3A_408, %add3A_409 : i32
      %le3A_411 = arith.constant 799 : i32
      %le3A_412 = arith.cmpi sle, %add3A_410, %le3A_411 : i32
      %convert_element_type3A_413 = arith.extui %le3A_412 : i1 to i32
      %cond3A_414 = arith.constant 0 : i32
      %cond3A_415 = arith.cmpi ne, %convert_element_type3A_413, %cond3A_414 : i32
      scf.if %cond3A_415 {
        %mul3A_647 = arith.constant 2 : i32
        %mul3A_648 = arith.muli %mul3A_647, %scan3A_278 : i32
        %add3A_649 = arith.constant 0 : i32
        %add3A_650 = arith.addi %mul3A_648, %add3A_649 : i32
        %mul3A_651 = arith.constant 128 : i32
        %mul3A_652 = arith.muli %add3A, %mul3A_651 : i32
        %add3A_653 = arith.constant 64 : i32
        %add3A_654 = arith.addi %mul3A_652, %add3A_653 : i32
        %dma_wait3A_655 = arith.constant 1 : i32
        %dma_wait3A_656 = arith.constant 0 : i32
        %dma_wait3A_657 = tpu.memref_slice %arg5[%dma_wait3A_655, %dma_wait3A_656] : memref<4x64xi32, #tpu.memory_space<vmem>> -> memref<1x64xi32, #tpu.memory_space<vmem>>
        %dma_wait3A_658 = tpu.memref_squeeze %dma_wait3A_657 : memref<1x64xi32, #tpu.memory_space<vmem>> -> memref<64xi32, #tpu.memory_space<vmem>>
        %dma_wait3A_659 = tpu.memref_slice %arg2[%add3A_650, %add3A_654] : memref<200x4096xi32, #tpu.memory_space<hbm>> -> memref<1x64xi32, #tpu.memory_space<hbm>>
        %dma_wait3A_660 = tpu.memref_squeeze %dma_wait3A_659 : memref<1x64xi32, #tpu.memory_space<hbm>> -> memref<64xi32, #tpu.memory_space<hbm>>
        %dma_wait3A_661 = arith.constant 0 : i32
        %dma_wait3A_662 = tpu.memref_slice %arg5[%dma_wait3A_655, %dma_wait3A_661] : memref<4x64xi32, #tpu.memory_space<vmem>> -> memref<1x64xi32, #tpu.memory_space<vmem>>
        %dma_wait3A_663 = tpu.memref_squeeze %dma_wait3A_662 : memref<1x64xi32, #tpu.memory_space<vmem>> -> memref<64xi32, #tpu.memory_space<vmem>>
        %dma_wait3A_664 = tpu.memref_slice %arg2[%add3A_650, %add3A_654] : memref<200x4096xi32, #tpu.memory_space<hbm>> -> memref<1x64xi32, #tpu.memory_space<hbm>>
        %dma_wait3A_665 = tpu.memref_squeeze %dma_wait3A_664 : memref<1x64xi32, #tpu.memory_space<hbm>> -> memref<64xi32, #tpu.memory_space<hbm>>
        tpu.wait_dma2 semaphore(%arg10 : memref<!tpu.dma_semaphore, #tpu.memory_space<semaphore_mem>>) src(%dma_wait3A_665 : memref<64xi32, #tpu.memory_space<hbm>>) dst(%dma_wait3A_663 : memref<64xi32, #tpu.memory_space<vmem>>)
        %get3A_666 = arith.constant 1 : i32
        %get3A_667 = arith.index_cast %get3A_666 : i32 to index
        %get3A_668 = arith.constant 0 : index
        %get3A_669 = tpu.vector_load %arg5[%get3A_667, %get3A_668] {strides = array<i32>} : memref<4x64xi32, #tpu.memory_space<vmem>>, vector<16xi32>,
        %mul3A_670 = arith.constant 2 : i32
        %mul3A_671 = vector.broadcast %mul3A_670 : i32 to vector<16xi32>
        %mul3A_672 = arith.muli %get3A_669, %mul3A_671 : vector<16xi32>
        %add3A_673 = arith.constant 1 : i32
        %add3A_674 = vector.broadcast %add3A_673 : i32 to vector<16xi32>
        %add3A_675 = arith.addi %mul3A_672, %add3A_674 : vector<16xi32>
        %swap3A_676 = arith.constant 1 : i32
        %swap3A_677 = arith.index_cast %swap3A_676 : i32 to index
        %swap3A_678 = arith.constant 0 : index
        %swap3A_679 = tpu.vector_load %arg6[%swap3A_677, %swap3A_678] {strides = array<i32>} : memref<2x64xi32, #tpu.memory_space<vmem>>, vector<16xi32>,
        tpu.vector_store %arg6[%swap3A_677, %swap3A_678], %add3A_675 {strides = array<i32>} : memref<2x64xi32, #tpu.memory_space<vmem>>, vector<16xi32>,
        %get3A_680 = arith.constant 1 : i32
        %get3A_681 = arith.index_cast %get3A_680 : i32 to index
        %get3A_682 = arith.constant 16 : index
        %get3A_683 = tpu.vector_load %arg5[%get3A_681, %get3A_682] {strides = array<i32>} : memref<4x64xi32, #tpu.memory_space<vmem>>, vector<16xi32>,
        %mul3A_684 = arith.constant 2 : i32
        %mul3A_685 = vector.broadcast %mul3A_684 : i32 to vector<16xi32>
        %mul3A_686 = arith.muli %get3A_683, %mul3A_685 : vector<16xi32>
        %add3A_687 = arith.constant 1 : i32
        %add3A_688 = vector.broadcast %add3A_687 : i32 to vector<16xi32>
        %add3A_689 = arith.addi %mul3A_686, %add3A_688 : vector<16xi32>
        %swap3A_690 = arith.constant 1 : i32
        %swap3A_691 = arith.index_cast %swap3A_690 : i32 to index
        %swap3A_692 = arith.constant 16 : index
        %swap3A_693 = tpu.vector_load %arg6[%swap3A_691, %swap3A_692] {strides = array<i32>} : memref<2x64xi32, #tpu.memory_space<vmem>>, vector<16xi32>,
        tpu.vector_store %arg6[%swap3A_691, %swap3A_692], %add3A_689 {strides = array<i32>} : memref<2x64xi32, #tpu.memory_space<vmem>>, vector<16xi32>,
        %get3A_694 = arith.constant 1 : i32
        %get3A_695 = arith.index_cast %get3A_694 : i32 to index
        %get3A_696 = arith.constant 32 : index
        %get3A_697 = tpu.vector_load %arg5[%get3A_695, %get3A_696] {strides = array<i32>} : memref<4x64xi32, #tpu.memory_space<vmem>>, vector<16xi32>,
        %mul3A_698 = arith.constant 2 : i32
        %mul3A_699 = vector.broadcast %mul3A_698 : i32 to vector<16xi32>
        %mul3A_700 = arith.muli %get3A_697, %mul3A_699 : vector<16xi32>
        %add3A_701 = arith.constant 1 : i32
        %add3A_702 = vector.broadcast %add3A_701 : i32 to vector<16xi32>
        %add3A_703 = arith.addi %mul3A_700, %add3A_702 : vector<16xi32>
        %swap3A_704 = arith.constant 1 : i32
        %swap3A_705 = arith.index_cast %swap3A_704 : i32 to index
        %swap3A_706 = arith.constant 32 : index
        %swap3A_707 = tpu.vector_load %arg6[%swap3A_705, %swap3A_706] {strides = array<i32>} : memref<2x64xi32, #tpu.memory_space<vmem>>, vector<16xi32>,
        tpu.vector_store %arg6[%swap3A_705, %swap3A_706], %add3A_703 {strides = array<i32>} : memref<2x64xi32, #tpu.memory_space<vmem>>, vector<16xi32>,
        %get3A_708 = arith.constant 1 : i32
        %get3A_709 = arith.index_cast %get3A_708 : i32 to index
        %get3A_710 = arith.constant 48 : index
        %get3A_711 = tpu.vector_load %arg5[%get3A_709, %get3A_710] {strides = array<i32>} : memref<4x64xi32, #tpu.memory_space<vmem>>, vector<16xi32>,
        %mul3A_712 = arith.constant 2 : i32
        %mul3A_713 = vector.broadcast %mul3A_712 : i32 to vector<16xi32>
        %mul3A_714 = arith.muli %get3A_711, %mul3A_713 : vector<16xi32>
        %add3A_715 = arith.constant 1 : i32
        %add3A_716 = vector.broadcast %add3A_715 : i32 to vector<16xi32>
        %add3A_717 = arith.addi %mul3A_714, %add3A_716 : vector<16xi32>
        %swap3A_718 = arith.constant 1 : i32
        %swap3A_719 = arith.index_cast %swap3A_718 : i32 to index
        %swap3A_720 = arith.constant 48 : index
        %swap3A_721 = tpu.vector_load %arg6[%swap3A_719, %swap3A_720] {strides = array<i32>} : memref<2x64xi32, #tpu.memory_space<vmem>>, vector<16xi32>,
        tpu.vector_store %arg6[%swap3A_719, %swap3A_720], %add3A_717 {strides = array<i32>} : memref<2x64xi32, #tpu.memory_space<vmem>>, vector<16xi32>,
        %dma_start3A_722 = arith.constant 1 : i32
        %dma_start3A_723 = arith.constant 1 : i32
        %dma_start3A_724 = arith.constant 0 : i32
        %dma_start3A_725 = arith.constant 0 : i32
        %dma_start3A_726 = tpu.memref_slice %arg7[%dma_start3A_723, %dma_start3A_724, %dma_start3A_725] : memref<2x64x152xf32, #tpu.memory_space<vmem>> -> memref<1x64x152xf32, #tpu.memory_space<vmem>>
        %dma_start3A_727 = tpu.memref_squeeze %dma_start3A_726 : memref<1x64x152xf32, #tpu.memory_space<vmem>> -> memref<64x152xf32, #tpu.memory_space<vmem>>
        %dma_start3A_728 = arith.constant 0 : i32
        %dma_start3A_729 = tpu.memref_slice %arg6[%dma_start3A_722, %dma_start3A_728] : memref<2x64xi32, #tpu.memory_space<vmem>> -> memref<1x64xi32, #tpu.memory_space<vmem>>
        %dma_start3A_730 = tpu.memref_squeeze %dma_start3A_729 : memref<1x64xi32, #tpu.memory_space<vmem>> -> memref<64xi32, #tpu.memory_space<vmem>>
        %dma_start3A_731 = arith.constant 0 : i32
        %dma_start3A_732 = arith.constant 0 : i32
        %dma_start3A_733 = tpu.memref_slice %arg3[%dma_start3A_731, %dma_start3A_732] : memref<600000x152xf32, #tpu.memory_space<hbm>> -> memref<600000x152xf32, #tpu.memory_space<hbm>>
        tpu.enqueue_indirect_dma source(%dma_start3A_733 : memref<600000x152xf32, #tpu.memory_space<hbm>>) target(%dma_start3A_727 : memref<64x152xf32, #tpu.memory_space<vmem>>) offsets(%dma_start3A_730 : memref<64xi32, #tpu.memory_space<vmem>>) semaphore(%arg12 : memref<!tpu.dma_semaphore, #tpu.memory_space<semaphore_mem>>)
        %mul3A_734 = arith.constant 2 : i32
        %mul3A_735 = arith.muli %scan3A_278, %mul3A_734 : i32
        %add3A_736 = arith.constant 0 : i32
        %add3A_737 = arith.addi %mul3A_735, %add3A_736 : i32
        %mul3A_738 = arith.constant 4 : i32
        %mul3A_739 = arith.muli %add3A_737, %mul3A_738 : i32
        %add3A_740 = arith.constant 3 : i32
        %add3A_741 = arith.addi %mul3A_739, %add3A_740 : i32
        %add3A_742 = arith.constant 4 : i32
        %add3A_743 = arith.addi %add3A_741, %add3A_742 : i32
        %le3A_744 = arith.constant 799 : i32
        %le3A_745 = arith.cmpi sle, %add3A_743, %le3A_744 : i32
        %convert_element_type3A_746 = arith.extui %le3A_745 : i1 to i32
        %cond3A_747 = arith.constant 0 : i32
        %cond3A_748 = arith.cmpi ne, %convert_element_type3A_746, %cond3A_747 : i32
        scf.if %cond3A_748 {
          %mul3A_749 = arith.constant 2 : i32
          %mul3A_750 = arith.muli %mul3A_749, %scan3A_278 : i32
          %add3A_751 = arith.constant 1 : i32
          %add3A_752 = arith.addi %mul3A_750, %add3A_751 : i32
          %mul3A_753 = arith.constant 128 : i32
          %mul3A_754 = arith.muli %add3A, %mul3A_753 : i32
          %add3A_755 = arith.constant 64 : i32
          %add3A_756 = arith.addi %mul3A_754, %add3A_755 : i32
          %dma_start3A_757 = arith.constant 3 : i32
          %dma_start3A_758 = arith.constant 0 : i32
          %dma_start3A_759 = tpu.memref_slice %arg5[%dma_start3A_757, %dma_start3A_758] : memref<4x64xi32, #tpu.memory_space<vmem>> -> memref<1x64xi32, #tpu.memory_space<vmem>>
          %dma_start3A_760 = tpu.memref_squeeze %dma_start3A_759 : memref<1x64xi32, #tpu.memory_space<vmem>> -> memref<64xi32, #tpu.memory_space<vmem>>
          %dma_start3A_761 = tpu.memref_slice %arg2[%add3A_752, %add3A_756] : memref<200x4096xi32, #tpu.memory_space<hbm>> -> memref<1x64xi32, #tpu.memory_space<hbm>>
          %dma_start3A_762 = tpu.memref_squeeze %dma_start3A_761 : memref<1x64xi32, #tpu.memory_space<hbm>> -> memref<64xi32, #tpu.memory_space<hbm>>
          %dma_start3A_763 = arith.constant 0 : i32
          %dma_start3A_764 = tpu.memref_slice %arg5[%dma_start3A_757, %dma_start3A_763] : memref<4x64xi32, #tpu.memory_space<vmem>> -> memref<1x64xi32, #tpu.memory_space<vmem>>
          %dma_start3A_765 = tpu.memref_squeeze %dma_start3A_764 : memref<1x64xi32, #tpu.memory_space<vmem>> -> memref<64xi32, #tpu.memory_space<vmem>>
          %dma_start3A_766 = tpu.memref_slice %arg2[%add3A_752, %add3A_756] : memref<200x4096xi32, #tpu.memory_space<hbm>> -> memref<1x64xi32, #tpu.memory_space<hbm>>
          %dma_start3A_767 = tpu.memref_squeeze %dma_start3A_766 : memref<1x64xi32, #tpu.memory_space<hbm>> -> memref<64xi32, #tpu.memory_space<hbm>>
          tpu.enqueue_dma source(%dma_start3A_767 : memref<64xi32, #tpu.memory_space<hbm>>) target(%dma_start3A_765 : memref<64xi32, #tpu.memory_space<vmem>>) target_semaphore(%arg10 : memref<!tpu.dma_semaphore, #tpu.memory_space<semaphore_mem>>)
        } else {
        }
      } else {
      }
      %jit3A = arith.constant 4 : i32
      %div3A = arith.divsi %scan3A_278, %jit3A : i32
      %sign3A = arith.constant 0 : i32
      %sign3A_416 = arith.cmpi sgt, %scan3A_278, %sign3A : i32
      %sign3A_417 = arith.extui %sign3A_416 : i1 to i32
      %sign3A_418 = arith.constant 0 : i32
      %sign3A_419 = arith.cmpi slt, %scan3A_278, %sign3A_418 : i32
      %sign3A_420 = arith.extui %sign3A_419 : i1 to i32
      %sign3A_421 = arith.subi %sign3A_417, %sign3A_420 : i32
      %sign3A_422 = arith.constant 0 : i32
      %sign3A_423 = arith.cmpi sgt, %jit3A, %sign3A_422 : i32
      %sign3A_424 = arith.extui %sign3A_423 : i1 to i32
      %sign3A_425 = arith.constant 0 : i32
      %sign3A_426 = arith.cmpi slt, %jit3A, %sign3A_425 : i32
      %sign3A_427 = arith.extui %sign3A_426 : i1 to i32
      %sign3A_428 = arith.subi %sign3A_424, %sign3A_427 : i32
      %ne3A = arith.cmpi ne, %sign3A_421, %sign3A_428 : i32
      %rem3A = arith.remsi %scan3A_278, %jit3A : i32
      %ne3A_429 = arith.constant 0 : i32
      %ne3A_430 = arith.cmpi ne, %rem3A, %ne3A_429 : i32
      %and3A = arith.andi %ne3A, %ne3A_430 : i1
      %sub3A = arith.constant 1 : i32
      %sub3A_431 = arith.subi %div3A, %sub3A : i32
      %select_n3A = arith.select %and3A, %sub3A_431, %div3A : i32
      %rem3A_432 = arith.constant 4 : i32
      %rem3A_433 = arith.remsi %scan3A_278, %rem3A_432 : i32
      %mul3A_434 = arith.constant 2 : i32
      %mul3A_435 = arith.muli %mul3A_434, %rem3A_433 : i32
      %dma_start3A_436 = arith.constant 0 : i32
      %dma_start3A_437 = arith.constant 0 : i32
      %dma_start3A_438 = arith.constant 0 : i32
      %dma_start3A_439 = arith.constant 0 : i32
      %dma_start3A_440 = tpu.memref_slice %arg8[%dma_start3A_436, %dma_start3A_437, %dma_start3A_438, %dma_start3A_439] : memref<2x152x2x128xf32, #tpu.memory_space<vmem>> -> memref<1x152x2x128xf32, #tpu.memory_space<vmem>>
      %dma_start3A_441 = tpu.memref_squeeze %dma_start3A_440 : memref<1x152x2x128xf32, #tpu.memory_space<vmem>> -> memref<152x2x128xf32, #tpu.memory_space<vmem>>
      %dma_start3A_442 = arith.constant 0 : i32
      %dma_start3A_443 = arith.constant 0 : i32
      %dma_start3A_444 = tpu.memref_slice %arg4[%dma_start3A_442, %select_n3A, %add3A, %mul3A_435, %dma_start3A_443] : memref<300x25x32x8x128xf32, #tpu.memory_space<hbm>> -> memref<152x1x1x2x128xf32, #tpu.memory_space<hbm>>
      %dma_start3A_445 = tpu.memref_squeeze %dma_start3A_444 : memref<152x1x1x2x128xf32, #tpu.memory_space<hbm>> -> memref<152x2x128xf32, #tpu.memory_space<hbm>>
      %dma_start3A_446 = arith.constant 0 : i32
      %dma_start3A_447 = arith.constant 0 : i32
      %dma_start3A_448 = tpu.memref_slice %arg4[%dma_start3A_446, %select_n3A, %add3A, %mul3A_435, %dma_start3A_447] : memref<300x25x32x8x128xf32, #tpu.memory_space<hbm>> -> memref<152x1x1x2x128xf32, #tpu.memory_space<hbm>>
      %dma_start3A_449 = tpu.memref_squeeze %dma_start3A_448 : memref<152x1x1x2x128xf32, #tpu.memory_space<hbm>> -> memref<152x2x128xf32, #tpu.memory_space<hbm>>
      %dma_start3A_450 = arith.constant 0 : i32
      %dma_start3A_451 = arith.constant 0 : i32
      %dma_start3A_452 = arith.constant 0 : i32
      %dma_start3A_453 = tpu.memref_slice %arg8[%dma_start3A_436, %dma_start3A_450, %dma_start3A_451, %dma_start3A_452] : memref<2x152x2x128xf32, #tpu.memory_space<vmem>> -> memref<1x152x2x128xf32, #tpu.memory_space<vmem>>
      %dma_start3A_454 = tpu.memref_squeeze %dma_start3A_453 : memref<1x152x2x128xf32, #tpu.memory_space<vmem>> -> memref<152x2x128xf32, #tpu.memory_space<vmem>>
      tpu.enqueue_dma source(%dma_start3A_454 : memref<152x2x128xf32, #tpu.memory_space<vmem>>) target(%dma_start3A_449 : memref<152x2x128xf32, #tpu.memory_space<hbm>>) target_semaphore(%arg13 : memref<!tpu.dma_semaphore, #tpu.memory_space<semaphore_mem>>)
      %mul3A_455 = arith.constant 2 : i32
      %mul3A_456 = arith.muli %scan3A_278, %mul3A_455 : i32
      %add3A_457 = arith.constant 1 : i32
      %add3A_458 = arith.addi %mul3A_456, %add3A_457 : i32
      %ge3A_459 = arith.constant 2 : i32
      %ge3A_460 = arith.cmpi sge, %add3A_458, %ge3A_459 : i32
      %convert_element_type3A_461 = arith.extui %ge3A_460 : i1 to i32
      %cond3A_462 = arith.constant 0 : i32
      %cond3A_463 = arith.cmpi ne, %convert_element_type3A_461, %cond3A_462 : i32
      scf.if %cond3A_463 {
        %sub3A_647 = arith.constant 1 : i32
        %sub3A_648 = arith.subi %scan3A_278, %sub3A_647 : i32
        %jit3A_649 = arith.constant 4 : i32
        %div3A_650 = arith.divsi %sub3A_648, %jit3A_649 : i32
        %sign3A_651 = arith.constant 0 : i32
        %sign3A_652 = arith.cmpi sgt, %sub3A_648, %sign3A_651 : i32
        %sign3A_653 = arith.extui %sign3A_652 : i1 to i32
        %sign3A_654 = arith.constant 0 : i32
        %sign3A_655 = arith.cmpi slt, %sub3A_648, %sign3A_654 : i32
        %sign3A_656 = arith.extui %sign3A_655 : i1 to i32
        %sign3A_657 = arith.subi %sign3A_653, %sign3A_656 : i32
        %sign3A_658 = arith.constant 0 : i32
        %sign3A_659 = arith.cmpi sgt, %jit3A_649, %sign3A_658 : i32
        %sign3A_660 = arith.extui %sign3A_659 : i1 to i32
        %sign3A_661 = arith.constant 0 : i32
        %sign3A_662 = arith.cmpi slt, %jit3A_649, %sign3A_661 : i32
        %sign3A_663 = arith.extui %sign3A_662 : i1 to i32
        %sign3A_664 = arith.subi %sign3A_660, %sign3A_663 : i32
        %ne3A_665 = arith.cmpi ne, %sign3A_657, %sign3A_664 : i32
        %rem3A_666 = arith.remsi %sub3A_648, %jit3A_649 : i32
        %ne3A_667 = arith.constant 0 : i32
        %ne3A_668 = arith.cmpi ne, %rem3A_666, %ne3A_667 : i32
        %and3A_669 = arith.andi %ne3A_665, %ne3A_668 : i1
        %sub3A_670 = arith.constant 1 : i32
        %sub3A_671 = arith.subi %div3A_650, %sub3A_670 : i32
        %select_n3A_672 = arith.select %and3A_669, %sub3A_671, %div3A_650 : i32
        %rem3A_673 = arith.constant 4 : i32
        %rem3A_674 = arith.remsi %sub3A_648, %rem3A_673 : i32
        %mul3A_675 = arith.constant 2 : i32
        %mul3A_676 = arith.muli %mul3A_675, %rem3A_674 : i32
        %dma_wait3A_677 = arith.constant 1 : i32
        %dma_wait3A_678 = arith.constant 0 : i32
        %dma_wait3A_679 = arith.constant 0 : i32
        %dma_wait3A_680 = arith.constant 0 : i32
        %dma_wait3A_681 = tpu.memref_slice %arg8[%dma_wait3A_677, %dma_wait3A_678, %dma_wait3A_679, %dma_wait3A_680] : memref<2x152x2x128xf32, #tpu.memory_space<vmem>> -> memref<1x148x2x128xf32, #tpu.memory_space<vmem>>
        %dma_wait3A_682 = tpu.memref_squeeze %dma_wait3A_681 : memref<1x148x2x128xf32, #tpu.memory_space<vmem>> -> memref<148x2x128xf32, #tpu.memory_space<vmem>>
        %dma_wait3A_683 = arith.constant 152 : i32
        %dma_wait3A_684 = arith.constant 0 : i32
        %dma_wait3A_685 = tpu.memref_slice %arg4[%dma_wait3A_683, %select_n3A_672, %add3A, %mul3A_676, %dma_wait3A_684] : memref<300x25x32x8x128xf32, #tpu.memory_space<hbm>> -> memref<148x1x1x2x128xf32, #tpu.memory_space<hbm>>
        %dma_wait3A_686 = tpu.memref_squeeze %dma_wait3A_685 : memref<148x1x1x2x128xf32, #tpu.memory_space<hbm>> -> memref<148x2x128xf32, #tpu.memory_space<hbm>>
        %dma_wait3A_687 = arith.constant 152 : i32
        %dma_wait3A_688 = arith.constant 0 : i32
        %dma_wait3A_689 = tpu.memref_slice %arg4[%dma_wait3A_687, %select_n3A_672, %add3A, %mul3A_676, %dma_wait3A_688] : memref<300x25x32x8x128xf32, #tpu.memory_space<hbm>> -> memref<148x1x1x2x128xf32, #tpu.memory_space<hbm>>
        %dma_wait3A_690 = tpu.memref_squeeze %dma_wait3A_689 : memref<148x1x1x2x128xf32, #tpu.memory_space<hbm>> -> memref<148x2x128xf32, #tpu.memory_space<hbm>>
        %dma_wait3A_691 = arith.constant 0 : i32
        %dma_wait3A_692 = arith.constant 0 : i32
        %dma_wait3A_693 = arith.constant 0 : i32
        %dma_wait3A_694 = tpu.memref_slice %arg8[%dma_wait3A_677, %dma_wait3A_691, %dma_wait3A_692, %dma_wait3A_693] : memref<2x152x2x128xf32, #tpu.memory_space<vmem>> -> memref<1x148x2x128xf32, #tpu.memory_space<vmem>>
        %dma_wait3A_695 = tpu.memref_squeeze %dma_wait3A_694 : memref<1x148x2x128xf32, #tpu.memory_space<vmem>> -> memref<148x2x128xf32, #tpu.memory_space<vmem>>
        tpu.wait_dma2 semaphore(%arg14 : memref<!tpu.dma_semaphore, #tpu.memory_space<semaphore_mem>>) src(%dma_wait3A_695 : memref<148x2x128xf32, #tpu.memory_space<vmem>>) dst(%dma_wait3A_690 : memref<148x2x128xf32, #tpu.memory_space<hbm>>)
      } else {
      }
      %dma_wait3A_464 = arith.constant 0 : i32
      %dma_wait3A_465 = arith.constant 0 : i32
      %dma_wait3A_466 = arith.constant 0 : i32
      %dma_wait3A_467 = arith.constant 0 : i32
      %dma_wait3A_468 = tpu.memref_slice %arg7[%dma_wait3A_465, %dma_wait3A_466, %dma_wait3A_467] : memref<2x64x152xf32, #tpu.memory_space<vmem>> -> memref<1x64x152xf32, #tpu.memory_space<vmem>>
      %dma_wait3A_469 = tpu.memref_squeeze %dma_wait3A_468 : memref<1x64x152xf32, #tpu.memory_space<vmem>> -> memref<64x152xf32, #tpu.memory_space<vmem>>
      %dma_wait3A_470 = arith.constant 0 : i32
      %dma_wait3A_471 = tpu.memref_slice %arg6[%dma_wait3A_464, %dma_wait3A_470] : memref<2x64xi32, #tpu.memory_space<vmem>> -> memref<1x64xi32, #tpu.memory_space<vmem>>
      %dma_wait3A_472 = tpu.memref_squeeze %dma_wait3A_471 : memref<1x64xi32, #tpu.memory_space<vmem>> -> memref<64xi32, #tpu.memory_space<vmem>>
      %dma_wait3A_473 = arith.constant 0 : i32
      %dma_wait3A_474 = arith.constant 0 : i32
      %dma_wait3A_475 = tpu.memref_slice %arg3[%dma_wait3A_473, %dma_wait3A_474] : memref<600000x152xf32, #tpu.memory_space<hbm>> -> memref<600000x152xf32, #tpu.memory_space<hbm>>
      tpu.wait_indirect_dma semaphore(%arg11 : memref<!tpu.dma_semaphore, #tpu.memory_space<semaphore_mem>>) src(%dma_wait3A_475 : memref<600000x152xf32, #tpu.memory_space<hbm>>) dst(%dma_wait3A_469 : memref<64x152xf32, #tpu.memory_space<vmem>>)
      %scan3A_476 = arith.constant 0 : i32
      %scan3A_477 = arith.constant 0 : i32
      %scan3A_478 = arith.constant 76 : i32
      %scan3A_479 = arith.addi %scan3A_477, %scan3A_478 : i32
      %scan3A_480 = arith.constant 1 : i32
      scf.for %scan3A_647 = %scan3A_477 to %scan3A_479 step %scan3A_480  : i32 {
        %mul3A_648 = arith.constant 2 : i32
        %mul3A_649 = arith.muli %scan3A_647, %mul3A_648 : i32
        %add3A_650 = arith.constant 0 : i32
        %add3A_651 = arith.addi %mul3A_649, %add3A_650 : i32
        %broadcast_in_dim3A = vector.broadcast %add3A_651 : i32 to vector<16xi32>
        %add3A_652 = arith.constant 0 : i32
        %add3A_653 = vector.broadcast %add3A_652 : i32 to vector<16xi32>
        %add3A_654 = arith.addi %add3A_653, %iota3A : vector<16xi32>
        %gather3A = arith.constant 0 : i32
        %gather3A_655 = arith.constant 0 : i32
        %gather3A_656 = arith.constant 0 : i32
        %gather3A_657 = tpu.memref_slice %arg7[%gather3A, %gather3A_655, %gather3A_656] : memref<2x64x152xf32, #tpu.memory_space<vmem>> -> memref<1x64x152xf32, #tpu.memory_space<vmem>>
        %gather3A_658 = tpu.memref_squeeze %gather3A_657 : memref<1x64x152xf32, #tpu.memory_space<vmem>> -> memref<64x152xf32, #tpu.memory_space<vmem>>
        %gather3A_659 = tpu.vector_load_idx %gather3A_658[%add3A_654, %broadcast_in_dim3A] : memref<64x152xf32, #tpu.memory_space<vmem>>[vector<16xi32>, vector<16xi32>], vector<16xf32>,
        %swap3A_660 = arith.constant 1 : i32
        %swap3A_661 = arith.constant 0 : i32
        %swap3A_662 = arith.index_cast %swap3A_660 : i32 to index
        %swap3A_663 = arith.index_cast %add3A_651 : i32 to index
        %swap3A_664 = arith.index_cast %swap3A_661 : i32 to index
        %swap3A_665 = arith.constant 0 : index
        %swap3A_666 = tpu.vector_load %arg8[%swap3A_662, %swap3A_663, %swap3A_664, %swap3A_665] {strides = array<i32>} : memref<2x152x2x128xf32, #tpu.memory_space<vmem>>, vector<16xf32>,
        tpu.vector_store %arg8[%swap3A_662, %swap3A_663, %swap3A_664, %swap3A_665], %gather3A_659 {strides = array<i32>} : memref<2x152x2x128xf32, #tpu.memory_space<vmem>>, vector<16xf32>,
        %add3A_667 = arith.constant 16 : i32
        %add3A_668 = vector.broadcast %add3A_667 : i32 to vector<16xi32>
        %add3A_669 = arith.addi %add3A_668, %iota3A : vector<16xi32>
        %gather3A_670 = arith.constant 0 : i32
        %gather3A_671 = arith.constant 0 : i32
        %gather3A_672 = arith.constant 0 : i32
        %gather3A_673 = tpu.memref_slice %arg7[%gather3A_670, %gather3A_671, %gather3A_672] : memref<2x64x152xf32, #tpu.memory_space<vmem>> -> memref<1x64x152xf32, #tpu.memory_space<vmem>>
        %gather3A_674 = tpu.memref_squeeze %gather3A_673 : memref<1x64x152xf32, #tpu.memory_space<vmem>> -> memref<64x152xf32, #tpu.memory_space<vmem>>
        %gather3A_675 = tpu.vector_load_idx %gather3A_674[%add3A_669, %broadcast_in_dim3A] : memref<64x152xf32, #tpu.memory_space<vmem>>[vector<16xi32>, vector<16xi32>], vector<16xf32>,
        %swap3A_676 = arith.constant 1 : i32
        %swap3A_677 = arith.constant 0 : i32
        %swap3A_678 = arith.index_cast %swap3A_676 : i32 to index
        %swap3A_679 = arith.index_cast %add3A_651 : i32 to index
        %swap3A_680 = arith.index_cast %swap3A_677 : i32 to index
        %swap3A_681 = arith.constant 16 : index
        %swap3A_682 = tpu.vector_load %arg8[%swap3A_678, %swap3A_679, %swap3A_680, %swap3A_681] {strides = array<i32>} : memref<2x152x2x128xf32, #tpu.memory_space<vmem>>, vector<16xf32>,
        tpu.vector_store %arg8[%swap3A_678, %swap3A_679, %swap3A_680, %swap3A_681], %gather3A_675 {strides = array<i32>} : memref<2x152x2x128xf32, #tpu.memory_space<vmem>>, vector<16xf32>,
        %add3A_683 = arith.constant 32 : i32
        %add3A_684 = vector.broadcast %add3A_683 : i32 to vector<16xi32>
        %add3A_685 = arith.addi %add3A_684, %iota3A : vector<16xi32>
        %gather3A_686 = arith.constant 0 : i32
        %gather3A_687 = arith.constant 0 : i32
        %gather3A_688 = arith.constant 0 : i32
        %gather3A_689 = tpu.memref_slice %arg7[%gather3A_686, %gather3A_687, %gather3A_688] : memref<2x64x152xf32, #tpu.memory_space<vmem>> -> memref<1x64x152xf32, #tpu.memory_space<vmem>>
        %gather3A_690 = tpu.memref_squeeze %gather3A_689 : memref<1x64x152xf32, #tpu.memory_space<vmem>> -> memref<64x152xf32, #tpu.memory_space<vmem>>
        %gather3A_691 = tpu.vector_load_idx %gather3A_690[%add3A_685, %broadcast_in_dim3A] : memref<64x152xf32, #tpu.memory_space<vmem>>[vector<16xi32>, vector<16xi32>], vector<16xf32>,
        %swap3A_692 = arith.constant 1 : i32
        %swap3A_693 = arith.constant 0 : i32
        %swap3A_694 = arith.index_cast %swap3A_692 : i32 to index
        %swap3A_695 = arith.index_cast %add3A_651 : i32 to index
        %swap3A_696 = arith.index_cast %swap3A_693 : i32 to index
        %swap3A_697 = arith.constant 32 : index
        %swap3A_698 = tpu.vector_load %arg8[%swap3A_694, %swap3A_695, %swap3A_696, %swap3A_697] {strides = array<i32>} : memref<2x152x2x128xf32, #tpu.memory_space<vmem>>, vector<16xf32>,
        tpu.vector_store %arg8[%swap3A_694, %swap3A_695, %swap3A_696, %swap3A_697], %gather3A_691 {strides = array<i32>} : memref<2x152x2x128xf32, #tpu.memory_space<vmem>>, vector<16xf32>,
        %add3A_699 = arith.constant 48 : i32
        %add3A_700 = vector.broadcast %add3A_699 : i32 to vector<16xi32>
        %add3A_701 = arith.addi %add3A_700, %iota3A : vector<16xi32>
        %gather3A_702 = arith.constant 0 : i32
        %gather3A_703 = arith.constant 0 : i32
        %gather3A_704 = arith.constant 0 : i32
        %gather3A_705 = tpu.memref_slice %arg7[%gather3A_702, %gather3A_703, %gather3A_704] : memref<2x64x152xf32, #tpu.memory_space<vmem>> -> memref<1x64x152xf32, #tpu.memory_space<vmem>>
        %gather3A_706 = tpu.memref_squeeze %gather3A_705 : memref<1x64x152xf32, #tpu.memory_space<vmem>> -> memref<64x152xf32, #tpu.memory_space<vmem>>
        %gather3A_707 = tpu.vector_load_idx %gather3A_706[%add3A_701, %broadcast_in_dim3A] : memref<64x152xf32, #tpu.memory_space<vmem>>[vector<16xi32>, vector<16xi32>], vector<16xf32>,
        %swap3A_708 = arith.constant 1 : i32
        %swap3A_709 = arith.constant 0 : i32
        %swap3A_710 = arith.index_cast %swap3A_708 : i32 to index
        %swap3A_711 = arith.index_cast %add3A_651 : i32 to index
        %swap3A_712 = arith.index_cast %swap3A_709 : i32 to index
        %swap3A_713 = arith.constant 48 : index
        %swap3A_714 = tpu.vector_load %arg8[%swap3A_710, %swap3A_711, %swap3A_712, %swap3A_713] {strides = array<i32>} : memref<2x152x2x128xf32, #tpu.memory_space<vmem>>, vector<16xf32>,
        tpu.vector_store %arg8[%swap3A_710, %swap3A_711, %swap3A_712, %swap3A_713], %gather3A_707 {strides = array<i32>} : memref<2x152x2x128xf32, #tpu.memory_space<vmem>>, vector<16xf32>,
        %mul3A_715 = arith.constant 2 : i32
        %mul3A_716 = arith.muli %scan3A_647, %mul3A_715 : i32
        %add3A_717 = arith.constant 1 : i32
        %add3A_718 = arith.addi %mul3A_716, %add3A_717 : i32
        %broadcast_in_dim3A_719 = vector.broadcast %add3A_718 : i32 to vector<16xi32>
        %add3A_720 = arith.constant 0 : i32
        %add3A_721 = vector.broadcast %add3A_720 : i32 to vector<16xi32>
        %add3A_722 = arith.addi %add3A_721, %iota3A : vector<16xi32>
        %gather3A_723 = arith.constant 0 : i32
        %gather3A_724 = arith.constant 0 : i32
        %gather3A_725 = arith.constant 0 : i32
        %gather3A_726 = tpu.memref_slice %arg7[%gather3A_723, %gather3A_724, %gather3A_725] : memref<2x64x152xf32, #tpu.memory_space<vmem>> -> memref<1x64x152xf32, #tpu.memory_space<vmem>>
        %gather3A_727 = tpu.memref_squeeze %gather3A_726 : memref<1x64x152xf32, #tpu.memory_space<vmem>> -> memref<64x152xf32, #tpu.memory_space<vmem>>
        %gather3A_728 = tpu.vector_load_idx %gather3A_727[%add3A_722, %broadcast_in_dim3A_719] : memref<64x152xf32, #tpu.memory_space<vmem>>[vector<16xi32>, vector<16xi32>], vector<16xf32>,
        %swap3A_729 = arith.constant 1 : i32
        %swap3A_730 = arith.constant 0 : i32
        %swap3A_731 = arith.index_cast %swap3A_729 : i32 to index
        %swap3A_732 = arith.index_cast %add3A_718 : i32 to index
        %swap3A_733 = arith.index_cast %swap3A_730 : i32 to index
        %swap3A_734 = arith.constant 0 : index
        %swap3A_735 = tpu.vector_load %arg8[%swap3A_731, %swap3A_732, %swap3A_733, %swap3A_734] {strides = array<i32>} : memref<2x152x2x128xf32, #tpu.memory_space<vmem>>, vector<16xf32>,
        tpu.vector_store %arg8[%swap3A_731, %swap3A_732, %swap3A_733, %swap3A_734], %gather3A_728 {strides = array<i32>} : memref<2x152x2x128xf32, #tpu.memory_space<vmem>>, vector<16xf32>,
        %add3A_736 = arith.constant 16 : i32
        %add3A_737 = vector.broadcast %add3A_736 : i32 to vector<16xi32>
        %add3A_738 = arith.addi %add3A_737, %iota3A : vector<16xi32>
        %gather3A_739 = arith.constant 0 : i32
        %gather3A_740 = arith.constant 0 : i32
        %gather3A_741 = arith.constant 0 : i32
        %gather3A_742 = tpu.memref_slice %arg7[%gather3A_739, %gather3A_740, %gather3A_741] : memref<2x64x152xf32, #tpu.memory_space<vmem>> -> memref<1x64x152xf32, #tpu.memory_space<vmem>>
        %gather3A_743 = tpu.memref_squeeze %gather3A_742 : memref<1x64x152xf32, #tpu.memory_space<vmem>> -> memref<64x152xf32, #tpu.memory_space<vmem>>
        %gather3A_744 = tpu.vector_load_idx %gather3A_743[%add3A_738, %broadcast_in_dim3A_719] : memref<64x152xf32, #tpu.memory_space<vmem>>[vector<16xi32>, vector<16xi32>], vector<16xf32>,
        %swap3A_745 = arith.constant 1 : i32
        %swap3A_746 = arith.constant 0 : i32
        %swap3A_747 = arith.index_cast %swap3A_745 : i32 to index
        %swap3A_748 = arith.index_cast %add3A_718 : i32 to index
        %swap3A_749 = arith.index_cast %swap3A_746 : i32 to index
        %swap3A_750 = arith.constant 16 : index
        %swap3A_751 = tpu.vector_load %arg8[%swap3A_747, %swap3A_748, %swap3A_749, %swap3A_750] {strides = array<i32>} : memref<2x152x2x128xf32, #tpu.memory_space<vmem>>, vector<16xf32>,
        tpu.vector_store %arg8[%swap3A_747, %swap3A_748, %swap3A_749, %swap3A_750], %gather3A_744 {strides = array<i32>} : memref<2x152x2x128xf32, #tpu.memory_space<vmem>>, vector<16xf32>,
        %add3A_752 = arith.constant 32 : i32
        %add3A_753 = vector.broadcast %add3A_752 : i32 to vector<16xi32>
        %add3A_754 = arith.addi %add3A_753, %iota3A : vector<16xi32>
        %gather3A_755 = arith.constant 0 : i32
        %gather3A_756 = arith.constant 0 : i32
        %gather3A_757 = arith.constant 0 : i32
        %gather3A_758 = tpu.memref_slice %arg7[%gather3A_755, %gather3A_756, %gather3A_757] : memref<2x64x152xf32, #tpu.memory_space<vmem>> -> memref<1x64x152xf32, #tpu.memory_space<vmem>>
        %gather3A_759 = tpu.memref_squeeze %gather3A_758 : memref<1x64x152xf32, #tpu.memory_space<vmem>> -> memref<64x152xf32, #tpu.memory_space<vmem>>
        %gather3A_760 = tpu.vector_load_idx %gather3A_759[%add3A_754, %broadcast_in_dim3A_719] : memref<64x152xf32, #tpu.memory_space<vmem>>[vector<16xi32>, vector<16xi32>], vector<16xf32>,
        %swap3A_761 = arith.constant 1 : i32
        %swap3A_762 = arith.constant 0 : i32
        %swap3A_763 = arith.index_cast %swap3A_761 : i32 to index
        %swap3A_764 = arith.index_cast %add3A_718 : i32 to index
        %swap3A_765 = arith.index_cast %swap3A_762 : i32 to index
        %swap3A_766 = arith.constant 32 : index
        %swap3A_767 = tpu.vector_load %arg8[%swap3A_763, %swap3A_764, %swap3A_765, %swap3A_766] {strides = array<i32>} : memref<2x152x2x128xf32, #tpu.memory_space<vmem>>, vector<16xf32>,
        tpu.vector_store %arg8[%swap3A_763, %swap3A_764, %swap3A_765, %swap3A_766], %gather3A_760 {strides = array<i32>} : memref<2x152x2x128xf32, #tpu.memory_space<vmem>>, vector<16xf32>,
        %add3A_768 = arith.constant 48 : i32
        %add3A_769 = vector.broadcast %add3A_768 : i32 to vector<16xi32>
        %add3A_770 = arith.addi %add3A_769, %iota3A : vector<16xi32>
        %gather3A_771 = arith.constant 0 : i32
        %gather3A_772 = arith.constant 0 : i32
        %gather3A_773 = arith.constant 0 : i32
        %gather3A_774 = tpu.memref_slice %arg7[%gather3A_771, %gather3A_772, %gather3A_773] : memref<2x64x152xf32, #tpu.memory_space<vmem>> -> memref<1x64x152xf32, #tpu.memory_space<vmem>>
        %gather3A_775 = tpu.memref_squeeze %gather3A_774 : memref<1x64x152xf32, #tpu.memory_space<vmem>> -> memref<64x152xf32, #tpu.memory_space<vmem>>
        %gather3A_776 = tpu.vector_load_idx %gather3A_775[%add3A_770, %broadcast_in_dim3A_719] : memref<64x152xf32, #tpu.memory_space<vmem>>[vector<16xi32>, vector<16xi32>], vector<16xf32>,
        %swap3A_777 = arith.constant 1 : i32
        %swap3A_778 = arith.constant 0 : i32
        %swap3A_779 = arith.index_cast %swap3A_777 : i32 to index
        %swap3A_780 = arith.index_cast %add3A_718 : i32 to index
        %swap3A_781 = arith.index_cast %swap3A_778 : i32 to index
        %swap3A_782 = arith.constant 48 : index
        %swap3A_783 = tpu.vector_load %arg8[%swap3A_779, %swap3A_780, %swap3A_781, %swap3A_782] {strides = array<i32>} : memref<2x152x2x128xf32, #tpu.memory_space<vmem>>, vector<16xf32>,
        tpu.vector_store %arg8[%swap3A_779, %swap3A_780, %swap3A_781, %swap3A_782], %gather3A_776 {strides = array<i32>} : memref<2x152x2x128xf32, #tpu.memory_space<vmem>>, vector<16xf32>,
      }
      %scan3A_481 = arith.constant 76 : i32
      %mul3A_482 = arith.constant 2 : i32
      %mul3A_483 = arith.muli %scan3A_278, %mul3A_482 : i32
      %add3A_484 = arith.constant 1 : i32
      %add3A_485 = arith.addi %mul3A_483, %add3A_484 : i32
      %mul3A_486 = arith.constant 4 : i32
      %mul3A_487 = arith.muli %add3A_485, %mul3A_486 : i32
      %add3A_488 = arith.constant 0 : i32
      %add3A_489 = arith.addi %mul3A_487, %add3A_488 : i32
      %add3A_490 = arith.constant 2 : i32
      %add3A_491 = arith.addi %add3A_489, %add3A_490 : i32
      %le3A_492 = arith.constant 799 : i32
      %le3A_493 = arith.cmpi sle, %add3A_491, %le3A_492 : i32
      %convert_element_type3A_494 = arith.extui %le3A_493 : i1 to i32
      %cond3A_495 = arith.constant 0 : i32
      %cond3A_496 = arith.cmpi ne, %convert_element_type3A_494, %cond3A_495 : i32
      scf.if %cond3A_496 {
        %mul3A_647 = arith.constant 2 : i32
        %mul3A_648 = arith.muli %mul3A_647, %scan3A_278 : i32
        %add3A_649 = arith.constant 1 : i32
        %add3A_650 = arith.addi %mul3A_648, %add3A_649 : i32
        %mul3A_651 = arith.constant 128 : i32
        %mul3A_652 = arith.muli %add3A, %mul3A_651 : i32
        %add3A_653 = arith.constant 0 : i32
        %add3A_654 = arith.addi %mul3A_652, %add3A_653 : i32
        %dma_wait3A_655 = arith.constant 2 : i32
        %dma_wait3A_656 = arith.constant 0 : i32
        %dma_wait3A_657 = tpu.memref_slice %arg5[%dma_wait3A_655, %dma_wait3A_656] : memref<4x64xi32, #tpu.memory_space<vmem>> -> memref<1x64xi32, #tpu.memory_space<vmem>>
        %dma_wait3A_658 = tpu.memref_squeeze %dma_wait3A_657 : memref<1x64xi32, #tpu.memory_space<vmem>> -> memref<64xi32, #tpu.memory_space<vmem>>
        %dma_wait3A_659 = tpu.memref_slice %arg2[%add3A_650, %add3A_654] : memref<200x4096xi32, #tpu.memory_space<hbm>> -> memref<1x64xi32, #tpu.memory_space<hbm>>
        %dma_wait3A_660 = tpu.memref_squeeze %dma_wait3A_659 : memref<1x64xi32, #tpu.memory_space<hbm>> -> memref<64xi32, #tpu.memory_space<hbm>>
        %dma_wait3A_661 = arith.constant 0 : i32
        %dma_wait3A_662 = tpu.memref_slice %arg5[%dma_wait3A_655, %dma_wait3A_661] : memref<4x64xi32, #tpu.memory_space<vmem>> -> memref<1x64xi32, #tpu.memory_space<vmem>>
        %dma_wait3A_663 = tpu.memref_squeeze %dma_wait3A_662 : memref<1x64xi32, #tpu.memory_space<vmem>> -> memref<64xi32, #tpu.memory_space<vmem>>
        %dma_wait3A_664 = tpu.memref_slice %arg2[%add3A_650, %add3A_654] : memref<200x4096xi32, #tpu.memory_space<hbm>> -> memref<1x64xi32, #tpu.memory_space<hbm>>
        %dma_wait3A_665 = tpu.memref_squeeze %dma_wait3A_664 : memref<1x64xi32, #tpu.memory_space<hbm>> -> memref<64xi32, #tpu.memory_space<hbm>>
        tpu.wait_dma2 semaphore(%arg9 : memref<!tpu.dma_semaphore, #tpu.memory_space<semaphore_mem>>) src(%dma_wait3A_665 : memref<64xi32, #tpu.memory_space<hbm>>) dst(%dma_wait3A_663 : memref<64xi32, #tpu.memory_space<vmem>>)
        %get3A_666 = arith.constant 2 : i32
        %get3A_667 = arith.index_cast %get3A_666 : i32 to index
        %get3A_668 = arith.constant 0 : index
        %get3A_669 = tpu.vector_load %arg5[%get3A_667, %get3A_668] {strides = array<i32>} : memref<4x64xi32, #tpu.memory_space<vmem>>, vector<16xi32>,
        %mul3A_670 = arith.constant 2 : i32
        %mul3A_671 = vector.broadcast %mul3A_670 : i32 to vector<16xi32>
        %mul3A_672 = arith.muli %get3A_669, %mul3A_671 : vector<16xi32>
        %add3A_673 = arith.constant 1 : i32
        %add3A_674 = vector.broadcast %add3A_673 : i32 to vector<16xi32>
        %add3A_675 = arith.addi %mul3A_672, %add3A_674 : vector<16xi32>
        %swap3A_676 = arith.constant 0 : i32
        %swap3A_677 = arith.index_cast %swap3A_676 : i32 to index
        %swap3A_678 = arith.constant 0 : index
        %swap3A_679 = tpu.vector_load %arg6[%swap3A_677, %swap3A_678] {strides = array<i32>} : memref<2x64xi32, #tpu.memory_space<vmem>>, vector<16xi32>,
        tpu.vector_store %arg6[%swap3A_677, %swap3A_678], %add3A_675 {strides = array<i32>} : memref<2x64xi32, #tpu.memory_space<vmem>>, vector<16xi32>,
        %get3A_680 = arith.constant 2 : i32
        %get3A_681 = arith.index_cast %get3A_680 : i32 to index
        %get3A_682 = arith.constant 16 : index
        %get3A_683 = tpu.vector_load %arg5[%get3A_681, %get3A_682] {strides = array<i32>} : memref<4x64xi32, #tpu.memory_space<vmem>>, vector<16xi32>,
        %mul3A_684 = arith.constant 2 : i32
        %mul3A_685 = vector.broadcast %mul3A_684 : i32 to vector<16xi32>
        %mul3A_686 = arith.muli %get3A_683, %mul3A_685 : vector<16xi32>
        %add3A_687 = arith.constant 1 : i32
        %add3A_688 = vector.broadcast %add3A_687 : i32 to vector<16xi32>
        %add3A_689 = arith.addi %mul3A_686, %add3A_688 : vector<16xi32>
        %swap3A_690 = arith.constant 0 : i32
        %swap3A_691 = arith.index_cast %swap3A_690 : i32 to index
        %swap3A_692 = arith.constant 16 : index
        %swap3A_693 = tpu.vector_load %arg6[%swap3A_691, %swap3A_692] {strides = array<i32>} : memref<2x64xi32, #tpu.memory_space<vmem>>, vector<16xi32>,
        tpu.vector_store %arg6[%swap3A_691, %swap3A_692], %add3A_689 {strides = array<i32>} : memref<2x64xi32, #tpu.memory_space<vmem>>, vector<16xi32>,
        %get3A_694 = arith.constant 2 : i32
        %get3A_695 = arith.index_cast %get3A_694 : i32 to index
        %get3A_696 = arith.constant 32 : index
        %get3A_697 = tpu.vector_load %arg5[%get3A_695, %get3A_696] {strides = array<i32>} : memref<4x64xi32, #tpu.memory_space<vmem>>, vector<16xi32>,
        %mul3A_698 = arith.constant 2 : i32
        %mul3A_699 = vector.broadcast %mul3A_698 : i32 to vector<16xi32>
        %mul3A_700 = arith.muli %get3A_697, %mul3A_699 : vector<16xi32>
        %add3A_701 = arith.constant 1 : i32
        %add3A_702 = vector.broadcast %add3A_701 : i32 to vector<16xi32>
        %add3A_703 = arith.addi %mul3A_700, %add3A_702 : vector<16xi32>
        %swap3A_704 = arith.constant 0 : i32
        %swap3A_705 = arith.index_cast %swap3A_704 : i32 to index
        %swap3A_706 = arith.constant 32 : index
        %swap3A_707 = tpu.vector_load %arg6[%swap3A_705, %swap3A_706] {strides = array<i32>} : memref<2x64xi32, #tpu.memory_space<vmem>>, vector<16xi32>,
        tpu.vector_store %arg6[%swap3A_705, %swap3A_706], %add3A_703 {strides = array<i32>} : memref<2x64xi32, #tpu.memory_space<vmem>>, vector<16xi32>,
        %get3A_708 = arith.constant 2 : i32
        %get3A_709 = arith.index_cast %get3A_708 : i32 to index
        %get3A_710 = arith.constant 48 : index
        %get3A_711 = tpu.vector_load %arg5[%get3A_709, %get3A_710] {strides = array<i32>} : memref<4x64xi32, #tpu.memory_space<vmem>>, vector<16xi32>,
        %mul3A_712 = arith.constant 2 : i32
        %mul3A_713 = vector.broadcast %mul3A_712 : i32 to vector<16xi32>
        %mul3A_714 = arith.muli %get3A_711, %mul3A_713 : vector<16xi32>
        %add3A_715 = arith.constant 1 : i32
        %add3A_716 = vector.broadcast %add3A_715 : i32 to vector<16xi32>
        %add3A_717 = arith.addi %mul3A_714, %add3A_716 : vector<16xi32>
        %swap3A_718 = arith.constant 0 : i32
        %swap3A_719 = arith.index_cast %swap3A_718 : i32 to index
        %swap3A_720 = arith.constant 48 : index
        %swap3A_721 = tpu.vector_load %arg6[%swap3A_719, %swap3A_720] {strides = array<i32>} : memref<2x64xi32, #tpu.memory_space<vmem>>, vector<16xi32>,
        tpu.vector_store %arg6[%swap3A_719, %swap3A_720], %add3A_717 {strides = array<i32>} : memref<2x64xi32, #tpu.memory_space<vmem>>, vector<16xi32>,
        %dma_start3A_722 = arith.constant 0 : i32
        %dma_start3A_723 = arith.constant 0 : i32
        %dma_start3A_724 = arith.constant 0 : i32
        %dma_start3A_725 = arith.constant 0 : i32
        %dma_start3A_726 = tpu.memref_slice %arg7[%dma_start3A_723, %dma_start3A_724, %dma_start3A_725] : memref<2x64x152xf32, #tpu.memory_space<vmem>> -> memref<1x64x152xf32, #tpu.memory_space<vmem>>
        %dma_start3A_727 = tpu.memref_squeeze %dma_start3A_726 : memref<1x64x152xf32, #tpu.memory_space<vmem>> -> memref<64x152xf32, #tpu.memory_space<vmem>>
        %dma_start3A_728 = arith.constant 0 : i32
        %dma_start3A_729 = tpu.memref_slice %arg6[%dma_start3A_722, %dma_start3A_728] : memref<2x64xi32, #tpu.memory_space<vmem>> -> memref<1x64xi32, #tpu.memory_space<vmem>>
        %dma_start3A_730 = tpu.memref_squeeze %dma_start3A_729 : memref<1x64xi32, #tpu.memory_space<vmem>> -> memref<64xi32, #tpu.memory_space<vmem>>
        %dma_start3A_731 = arith.constant 0 : i32
        %dma_start3A_732 = arith.constant 0 : i32
        %dma_start3A_733 = tpu.memref_slice %arg3[%dma_start3A_731, %dma_start3A_732] : memref<600000x152xf32, #tpu.memory_space<hbm>> -> memref<600000x152xf32, #tpu.memory_space<hbm>>
        tpu.enqueue_indirect_dma source(%dma_start3A_733 : memref<600000x152xf32, #tpu.memory_space<hbm>>) target(%dma_start3A_727 : memref<64x152xf32, #tpu.memory_space<vmem>>) offsets(%dma_start3A_730 : memref<64xi32, #tpu.memory_space<vmem>>) semaphore(%arg11 : memref<!tpu.dma_semaphore, #tpu.memory_space<semaphore_mem>>)
        %add3A_734 = arith.constant 1 : i32
        %add3A_735 = arith.addi %scan3A_278, %add3A_734 : i32
        %mul3A_736 = arith.constant 2 : i32
        %mul3A_737 = arith.muli %scan3A_278, %mul3A_736 : i32
        %add3A_738 = arith.constant 1 : i32
        %add3A_739 = arith.addi %mul3A_737, %add3A_738 : i32
        %mul3A_740 = arith.constant 4 : i32
        %mul3A_741 = arith.muli %add3A_739, %mul3A_740 : i32
        %add3A_742 = arith.constant 0 : i32
        %add3A_743 = arith.addi %mul3A_741, %add3A_742 : i32
        %add3A_744 = arith.constant 4 : i32
        %add3A_745 = arith.addi %add3A_743, %add3A_744 : i32
        %le3A_746 = arith.constant 799 : i32
        %le3A_747 = arith.cmpi sle, %add3A_745, %le3A_746 : i32
        %convert_element_type3A_748 = arith.extui %le3A_747 : i1 to i32
        %cond3A_749 = arith.constant 0 : i32
        %cond3A_750 = arith.cmpi ne, %convert_element_type3A_748, %cond3A_749 : i32
        scf.if %cond3A_750 {
          %mul3A_751 = arith.constant 2 : i32
          %mul3A_752 = arith.muli %mul3A_751, %add3A_735 : i32
          %add3A_753 = arith.constant 0 : i32
          %add3A_754 = arith.addi %mul3A_752, %add3A_753 : i32
          %mul3A_755 = arith.constant 128 : i32
          %mul3A_756 = arith.muli %add3A, %mul3A_755 : i32
          %add3A_757 = arith.constant 0 : i32
          %add3A_758 = arith.addi %mul3A_756, %add3A_757 : i32
          %dma_start3A_759 = arith.constant 0 : i32
          %dma_start3A_760 = arith.constant 0 : i32
          %dma_start3A_761 = tpu.memref_slice %arg5[%dma_start3A_759, %dma_start3A_760] : memref<4x64xi32, #tpu.memory_space<vmem>> -> memref<1x64xi32, #tpu.memory_space<vmem>>
          %dma_start3A_762 = tpu.memref_squeeze %dma_start3A_761 : memref<1x64xi32, #tpu.memory_space<vmem>> -> memref<64xi32, #tpu.memory_space<vmem>>
          %dma_start3A_763 = tpu.memref_slice %arg2[%add3A_754, %add3A_758] : memref<200x4096xi32, #tpu.memory_space<hbm>> -> memref<1x64xi32, #tpu.memory_space<hbm>>
          %dma_start3A_764 = tpu.memref_squeeze %dma_start3A_763 : memref<1x64xi32, #tpu.memory_space<hbm>> -> memref<64xi32, #tpu.memory_space<hbm>>
          %dma_start3A_765 = arith.constant 0 : i32
          %dma_start3A_766 = tpu.memref_slice %arg5[%dma_start3A_759, %dma_start3A_765] : memref<4x64xi32, #tpu.memory_space<vmem>> -> memref<1x64xi32, #tpu.memory_space<vmem>>
          %dma_start3A_767 = tpu.memref_squeeze %dma_start3A_766 : memref<1x64xi32, #tpu.memory_space<vmem>> -> memref<64xi32, #tpu.memory_space<vmem>>
          %dma_start3A_768 = tpu.memref_slice %arg2[%add3A_754, %add3A_758] : memref<200x4096xi32, #tpu.memory_space<hbm>> -> memref<1x64xi32, #tpu.memory_space<hbm>>
          %dma_start3A_769 = tpu.memref_squeeze %dma_start3A_768 : memref<1x64xi32, #tpu.memory_space<hbm>> -> memref<64xi32, #tpu.memory_space<hbm>>
          tpu.enqueue_dma source(%dma_start3A_769 : memref<64xi32, #tpu.memory_space<hbm>>) target(%dma_start3A_767 : memref<64xi32, #tpu.memory_space<vmem>>) target_semaphore(%arg9 : memref<!tpu.dma_semaphore, #tpu.memory_space<semaphore_mem>>)
        } else {
        }
      } else {
      }
      %dma_wait3A_497 = arith.constant 1 : i32
      %dma_wait3A_498 = arith.constant 1 : i32
      %dma_wait3A_499 = arith.constant 0 : i32
      %dma_wait3A_500 = arith.constant 0 : i32
      %dma_wait3A_501 = tpu.memref_slice %arg7[%dma_wait3A_498, %dma_wait3A_499, %dma_wait3A_500] : memref<2x64x152xf32, #tpu.memory_space<vmem>> -> memref<1x64x152xf32, #tpu.memory_space<vmem>>
      %dma_wait3A_502 = tpu.memref_squeeze %dma_wait3A_501 : memref<1x64x152xf32, #tpu.memory_space<vmem>> -> memref<64x152xf32, #tpu.memory_space<vmem>>
      %dma_wait3A_503 = arith.constant 0 : i32
      %dma_wait3A_504 = tpu.memref_slice %arg6[%dma_wait3A_497, %dma_wait3A_503] : memref<2x64xi32, #tpu.memory_space<vmem>> -> memref<1x64xi32, #tpu.memory_space<vmem>>
      %dma_wait3A_505 = tpu.memref_squeeze %dma_wait3A_504 : memref<1x64xi32, #tpu.memory_space<vmem>> -> memref<64xi32, #tpu.memory_space<vmem>>
      %dma_wait3A_506 = arith.constant 0 : i32
      %dma_wait3A_507 = arith.constant 0 : i32
      %dma_wait3A_508 = tpu.memref_slice %arg3[%dma_wait3A_506, %dma_wait3A_507] : memref<600000x152xf32, #tpu.memory_space<hbm>> -> memref<600000x152xf32, #tpu.memory_space<hbm>>
      tpu.wait_indirect_dma semaphore(%arg12 : memref<!tpu.dma_semaphore, #tpu.memory_space<semaphore_mem>>) src(%dma_wait3A_508 : memref<600000x152xf32, #tpu.memory_space<hbm>>) dst(%dma_wait3A_502 : memref<64x152xf32, #tpu.memory_space<vmem>>)
      %scan3A_509 = arith.constant 0 : i32
      %scan3A_510 = arith.constant 0 : i32
      %scan3A_511 = arith.constant 76 : i32
      %scan3A_512 = arith.addi %scan3A_510, %scan3A_511 : i32
      %scan3A_513 = arith.constant 1 : i32
      scf.for %scan3A_647 = %scan3A_510 to %scan3A_512 step %scan3A_513  : i32 {
        %mul3A_648 = arith.constant 2 : i32
        %mul3A_649 = arith.muli %scan3A_647, %mul3A_648 : i32
        %add3A_650 = arith.constant 0 : i32
        %add3A_651 = arith.addi %mul3A_649, %add3A_650 : i32
        %broadcast_in_dim3A = vector.broadcast %add3A_651 : i32 to vector<16xi32>
        %add3A_652 = arith.constant 0 : i32
        %add3A_653 = vector.broadcast %add3A_652 : i32 to vector<16xi32>
        %add3A_654 = arith.addi %add3A_653, %iota3A : vector<16xi32>
        %gather3A = arith.constant 1 : i32
        %gather3A_655 = arith.constant 0 : i32
        %gather3A_656 = arith.constant 0 : i32
        %gather3A_657 = tpu.memref_slice %arg7[%gather3A, %gather3A_655, %gather3A_656] : memref<2x64x152xf32, #tpu.memory_space<vmem>> -> memref<1x64x152xf32, #tpu.memory_space<vmem>>
        %gather3A_658 = tpu.memref_squeeze %gather3A_657 : memref<1x64x152xf32, #tpu.memory_space<vmem>> -> memref<64x152xf32, #tpu.memory_space<vmem>>
        %gather3A_659 = tpu.vector_load_idx %gather3A_658[%add3A_654, %broadcast_in_dim3A] : memref<64x152xf32, #tpu.memory_space<vmem>>[vector<16xi32>, vector<16xi32>], vector<16xf32>,
        %swap3A_660 = arith.constant 1 : i32
        %swap3A_661 = arith.constant 0 : i32
        %swap3A_662 = arith.index_cast %swap3A_660 : i32 to index
        %swap3A_663 = arith.index_cast %add3A_651 : i32 to index
        %swap3A_664 = arith.index_cast %swap3A_661 : i32 to index
        %swap3A_665 = arith.constant 64 : index
        %swap3A_666 = tpu.vector_load %arg8[%swap3A_662, %swap3A_663, %swap3A_664, %swap3A_665] {strides = array<i32>} : memref<2x152x2x128xf32, #tpu.memory_space<vmem>>, vector<16xf32>,
        tpu.vector_store %arg8[%swap3A_662, %swap3A_663, %swap3A_664, %swap3A_665], %gather3A_659 {strides = array<i32>} : memref<2x152x2x128xf32, #tpu.memory_space<vmem>>, vector<16xf32>,
        %add3A_667 = arith.constant 16 : i32
        %add3A_668 = vector.broadcast %add3A_667 : i32 to vector<16xi32>
        %add3A_669 = arith.addi %add3A_668, %iota3A : vector<16xi32>
        %gather3A_670 = arith.constant 1 : i32
        %gather3A_671 = arith.constant 0 : i32
        %gather3A_672 = arith.constant 0 : i32
        %gather3A_673 = tpu.memref_slice %arg7[%gather3A_670, %gather3A_671, %gather3A_672] : memref<2x64x152xf32, #tpu.memory_space<vmem>> -> memref<1x64x152xf32, #tpu.memory_space<vmem>>
        %gather3A_674 = tpu.memref_squeeze %gather3A_673 : memref<1x64x152xf32, #tpu.memory_space<vmem>> -> memref<64x152xf32, #tpu.memory_space<vmem>>
        %gather3A_675 = tpu.vector_load_idx %gather3A_674[%add3A_669, %broadcast_in_dim3A] : memref<64x152xf32, #tpu.memory_space<vmem>>[vector<16xi32>, vector<16xi32>], vector<16xf32>,
        %swap3A_676 = arith.constant 1 : i32
        %swap3A_677 = arith.constant 0 : i32
        %swap3A_678 = arith.index_cast %swap3A_676 : i32 to index
        %swap3A_679 = arith.index_cast %add3A_651 : i32 to index
        %swap3A_680 = arith.index_cast %swap3A_677 : i32 to index
        %swap3A_681 = arith.constant 80 : index
        %swap3A_682 = tpu.vector_load %arg8[%swap3A_678, %swap3A_679, %swap3A_680, %swap3A_681] {strides = array<i32>} : memref<2x152x2x128xf32, #tpu.memory_space<vmem>>, vector<16xf32>,
        tpu.vector_store %arg8[%swap3A_678, %swap3A_679, %swap3A_680, %swap3A_681], %gather3A_675 {strides = array<i32>} : memref<2x152x2x128xf32, #tpu.memory_space<vmem>>, vector<16xf32>,
        %add3A_683 = arith.constant 32 : i32
        %add3A_684 = vector.broadcast %add3A_683 : i32 to vector<16xi32>
        %add3A_685 = arith.addi %add3A_684, %iota3A : vector<16xi32>
        %gather3A_686 = arith.constant 1 : i32
        %gather3A_687 = arith.constant 0 : i32
        %gather3A_688 = arith.constant 0 : i32
        %gather3A_689 = tpu.memref_slice %arg7[%gather3A_686, %gather3A_687, %gather3A_688] : memref<2x64x152xf32, #tpu.memory_space<vmem>> -> memref<1x64x152xf32, #tpu.memory_space<vmem>>
        %gather3A_690 = tpu.memref_squeeze %gather3A_689 : memref<1x64x152xf32, #tpu.memory_space<vmem>> -> memref<64x152xf32, #tpu.memory_space<vmem>>
        %gather3A_691 = tpu.vector_load_idx %gather3A_690[%add3A_685, %broadcast_in_dim3A] : memref<64x152xf32, #tpu.memory_space<vmem>>[vector<16xi32>, vector<16xi32>], vector<16xf32>,
        %swap3A_692 = arith.constant 1 : i32
        %swap3A_693 = arith.constant 0 : i32
        %swap3A_694 = arith.index_cast %swap3A_692 : i32 to index
        %swap3A_695 = arith.index_cast %add3A_651 : i32 to index
        %swap3A_696 = arith.index_cast %swap3A_693 : i32 to index
        %swap3A_697 = arith.constant 96 : index
        %swap3A_698 = tpu.vector_load %arg8[%swap3A_694, %swap3A_695, %swap3A_696, %swap3A_697] {strides = array<i32>} : memref<2x152x2x128xf32, #tpu.memory_space<vmem>>, vector<16xf32>,
        tpu.vector_store %arg8[%swap3A_694, %swap3A_695, %swap3A_696, %swap3A_697], %gather3A_691 {strides = array<i32>} : memref<2x152x2x128xf32, #tpu.memory_space<vmem>>, vector<16xf32>,
        %add3A_699 = arith.constant 48 : i32
        %add3A_700 = vector.broadcast %add3A_699 : i32 to vector<16xi32>
        %add3A_701 = arith.addi %add3A_700, %iota3A : vector<16xi32>
        %gather3A_702 = arith.constant 1 : i32
        %gather3A_703 = arith.constant 0 : i32
        %gather3A_704 = arith.constant 0 : i32
        %gather3A_705 = tpu.memref_slice %arg7[%gather3A_702, %gather3A_703, %gather3A_704] : memref<2x64x152xf32, #tpu.memory_space<vmem>> -> memref<1x64x152xf32, #tpu.memory_space<vmem>>
        %gather3A_706 = tpu.memref_squeeze %gather3A_705 : memref<1x64x152xf32, #tpu.memory_space<vmem>> -> memref<64x152xf32, #tpu.memory_space<vmem>>
        %gather3A_707 = tpu.vector_load_idx %gather3A_706[%add3A_701, %broadcast_in_dim3A] : memref<64x152xf32, #tpu.memory_space<vmem>>[vector<16xi32>, vector<16xi32>], vector<16xf32>,
        %swap3A_708 = arith.constant 1 : i32
        %swap3A_709 = arith.constant 0 : i32
        %swap3A_710 = arith.index_cast %swap3A_708 : i32 to index
        %swap3A_711 = arith.index_cast %add3A_651 : i32 to index
        %swap3A_712 = arith.index_cast %swap3A_709 : i32 to index
        %swap3A_713 = arith.constant 112 : index
        %swap3A_714 = tpu.vector_load %arg8[%swap3A_710, %swap3A_711, %swap3A_712, %swap3A_713] {strides = array<i32>} : memref<2x152x2x128xf32, #tpu.memory_space<vmem>>, vector<16xf32>,
        tpu.vector_store %arg8[%swap3A_710, %swap3A_711, %swap3A_712, %swap3A_713], %gather3A_707 {strides = array<i32>} : memref<2x152x2x128xf32, #tpu.memory_space<vmem>>, vector<16xf32>,
        %mul3A_715 = arith.constant 2 : i32
        %mul3A_716 = arith.muli %scan3A_647, %mul3A_715 : i32
        %add3A_717 = arith.constant 1 : i32
        %add3A_718 = arith.addi %mul3A_716, %add3A_717 : i32
        %broadcast_in_dim3A_719 = vector.broadcast %add3A_718 : i32 to vector<16xi32>
        %add3A_720 = arith.constant 0 : i32
        %add3A_721 = vector.broadcast %add3A_720 : i32 to vector<16xi32>
        %add3A_722 = arith.addi %add3A_721, %iota3A : vector<16xi32>
        %gather3A_723 = arith.constant 1 : i32
        %gather3A_724 = arith.constant 0 : i32
        %gather3A_725 = arith.constant 0 : i32
        %gather3A_726 = tpu.memref_slice %arg7[%gather3A_723, %gather3A_724, %gather3A_725] : memref<2x64x152xf32, #tpu.memory_space<vmem>> -> memref<1x64x152xf32, #tpu.memory_space<vmem>>
        %gather3A_727 = tpu.memref_squeeze %gather3A_726 : memref<1x64x152xf32, #tpu.memory_space<vmem>> -> memref<64x152xf32, #tpu.memory_space<vmem>>
        %gather3A_728 = tpu.vector_load_idx %gather3A_727[%add3A_722, %broadcast_in_dim3A_719] : memref<64x152xf32, #tpu.memory_space<vmem>>[vector<16xi32>, vector<16xi32>], vector<16xf32>,
        %swap3A_729 = arith.constant 1 : i32
        %swap3A_730 = arith.constant 0 : i32
        %swap3A_731 = arith.index_cast %swap3A_729 : i32 to index
        %swap3A_732 = arith.index_cast %add3A_718 : i32 to index
        %swap3A_733 = arith.index_cast %swap3A_730 : i32 to index
        %swap3A_734 = arith.constant 64 : index
        %swap3A_735 = tpu.vector_load %arg8[%swap3A_731, %swap3A_732, %swap3A_733, %swap3A_734] {strides = array<i32>} : memref<2x152x2x128xf32, #tpu.memory_space<vmem>>, vector<16xf32>,
        tpu.vector_store %arg8[%swap3A_731, %swap3A_732, %swap3A_733, %swap3A_734], %gather3A_728 {strides = array<i32>} : memref<2x152x2x128xf32, #tpu.memory_space<vmem>>, vector<16xf32>,
        %add3A_736 = arith.constant 16 : i32
        %add3A_737 = vector.broadcast %add3A_736 : i32 to vector<16xi32>
        %add3A_738 = arith.addi %add3A_737, %iota3A : vector<16xi32>
        %gather3A_739 = arith.constant 1 : i32
        %gather3A_740 = arith.constant 0 : i32
        %gather3A_741 = arith.constant 0 : i32
        %gather3A_742 = tpu.memref_slice %arg7[%gather3A_739, %gather3A_740, %gather3A_741] : memref<2x64x152xf32, #tpu.memory_space<vmem>> -> memref<1x64x152xf32, #tpu.memory_space<vmem>>
        %gather3A_743 = tpu.memref_squeeze %gather3A_742 : memref<1x64x152xf32, #tpu.memory_space<vmem>> -> memref<64x152xf32, #tpu.memory_space<vmem>>
        %gather3A_744 = tpu.vector_load_idx %gather3A_743[%add3A_738, %broadcast_in_dim3A_719] : memref<64x152xf32, #tpu.memory_space<vmem>>[vector<16xi32>, vector<16xi32>], vector<16xf32>,
        %swap3A_745 = arith.constant 1 : i32
        %swap3A_746 = arith.constant 0 : i32
        %swap3A_747 = arith.index_cast %swap3A_745 : i32 to index
        %swap3A_748 = arith.index_cast %add3A_718 : i32 to index
        %swap3A_749 = arith.index_cast %swap3A_746 : i32 to index
        %swap3A_750 = arith.constant 80 : index
        %swap3A_751 = tpu.vector_load %arg8[%swap3A_747, %swap3A_748, %swap3A_749, %swap3A_750] {strides = array<i32>} : memref<2x152x2x128xf32, #tpu.memory_space<vmem>>, vector<16xf32>,
        tpu.vector_store %arg8[%swap3A_747, %swap3A_748, %swap3A_749, %swap3A_750], %gather3A_744 {strides = array<i32>} : memref<2x152x2x128xf32, #tpu.memory_space<vmem>>, vector<16xf32>,
        %add3A_752 = arith.constant 32 : i32
        %add3A_753 = vector.broadcast %add3A_752 : i32 to vector<16xi32>
        %add3A_754 = arith.addi %add3A_753, %iota3A : vector<16xi32>
        %gather3A_755 = arith.constant 1 : i32
        %gather3A_756 = arith.constant 0 : i32
        %gather3A_757 = arith.constant 0 : i32
        %gather3A_758 = tpu.memref_slice %arg7[%gather3A_755, %gather3A_756, %gather3A_757] : memref<2x64x152xf32, #tpu.memory_space<vmem>> -> memref<1x64x152xf32, #tpu.memory_space<vmem>>
        %gather3A_759 = tpu.memref_squeeze %gather3A_758 : memref<1x64x152xf32, #tpu.memory_space<vmem>> -> memref<64x152xf32, #tpu.memory_space<vmem>>
        %gather3A_760 = tpu.vector_load_idx %gather3A_759[%add3A_754, %broadcast_in_dim3A_719] : memref<64x152xf32, #tpu.memory_space<vmem>>[vector<16xi32>, vector<16xi32>], vector<16xf32>,
        %swap3A_761 = arith.constant 1 : i32
        %swap3A_762 = arith.constant 0 : i32
        %swap3A_763 = arith.index_cast %swap3A_761 : i32 to index
        %swap3A_764 = arith.index_cast %add3A_718 : i32 to index
        %swap3A_765 = arith.index_cast %swap3A_762 : i32 to index
        %swap3A_766 = arith.constant 96 : index
        %swap3A_767 = tpu.vector_load %arg8[%swap3A_763, %swap3A_764, %swap3A_765, %swap3A_766] {strides = array<i32>} : memref<2x152x2x128xf32, #tpu.memory_space<vmem>>, vector<16xf32>,
        tpu.vector_store %arg8[%swap3A_763, %swap3A_764, %swap3A_765, %swap3A_766], %gather3A_760 {strides = array<i32>} : memref<2x152x2x128xf32, #tpu.memory_space<vmem>>, vector<16xf32>,
        %add3A_768 = arith.constant 48 : i32
        %add3A_769 = vector.broadcast %add3A_768 : i32 to vector<16xi32>
        %add3A_770 = arith.addi %add3A_769, %iota3A : vector<16xi32>
        %gather3A_771 = arith.constant 1 : i32
        %gather3A_772 = arith.constant 0 : i32
        %gather3A_773 = arith.constant 0 : i32
        %gather3A_774 = tpu.memref_slice %arg7[%gather3A_771, %gather3A_772, %gather3A_773] : memref<2x64x152xf32, #tpu.memory_space<vmem>> -> memref<1x64x152xf32, #tpu.memory_space<vmem>>
        %gather3A_775 = tpu.memref_squeeze %gather3A_774 : memref<1x64x152xf32, #tpu.memory_space<vmem>> -> memref<64x152xf32, #tpu.memory_space<vmem>>
        %gather3A_776 = tpu.vector_load_idx %gather3A_775[%add3A_770, %broadcast_in_dim3A_719] : memref<64x152xf32, #tpu.memory_space<vmem>>[vector<16xi32>, vector<16xi32>], vector<16xf32>,
        %swap3A_777 = arith.constant 1 : i32
        %swap3A_778 = arith.constant 0 : i32
        %swap3A_779 = arith.index_cast %swap3A_777 : i32 to index
        %swap3A_780 = arith.index_cast %add3A_718 : i32 to index
        %swap3A_781 = arith.index_cast %swap3A_778 : i32 to index
        %swap3A_782 = arith.constant 112 : index
        %swap3A_783 = tpu.vector_load %arg8[%swap3A_779, %swap3A_780, %swap3A_781, %swap3A_782] {strides = array<i32>} : memref<2x152x2x128xf32, #tpu.memory_space<vmem>>, vector<16xf32>,
        tpu.vector_store %arg8[%swap3A_779, %swap3A_780, %swap3A_781, %swap3A_782], %gather3A_776 {strides = array<i32>} : memref<2x152x2x128xf32, #tpu.memory_space<vmem>>, vector<16xf32>,
      }
      %scan3A_514 = arith.constant 76 : i32
      %mul3A_515 = arith.constant 2 : i32
      %mul3A_516 = arith.muli %scan3A_278, %mul3A_515 : i32
      %add3A_517 = arith.constant 1 : i32
      %add3A_518 = arith.addi %mul3A_516, %add3A_517 : i32
      %mul3A_519 = arith.constant 4 : i32
      %mul3A_520 = arith.muli %add3A_518, %mul3A_519 : i32
      %add3A_521 = arith.constant 1 : i32
      %add3A_522 = arith.addi %mul3A_520, %add3A_521 : i32
      %add3A_523 = arith.constant 2 : i32
      %add3A_524 = arith.addi %add3A_522, %add3A_523 : i32
      %le3A_525 = arith.constant 799 : i32
      %le3A_526 = arith.cmpi sle, %add3A_524, %le3A_525 : i32
      %convert_element_type3A_527 = arith.extui %le3A_526 : i1 to i32
      %cond3A_528 = arith.constant 0 : i32
      %cond3A_529 = arith.cmpi ne, %convert_element_type3A_527, %cond3A_528 : i32
      scf.if %cond3A_529 {
        %mul3A_647 = arith.constant 2 : i32
        %mul3A_648 = arith.muli %mul3A_647, %scan3A_278 : i32
        %add3A_649 = arith.constant 1 : i32
        %add3A_650 = arith.addi %mul3A_648, %add3A_649 : i32
        %mul3A_651 = arith.constant 128 : i32
        %mul3A_652 = arith.muli %add3A, %mul3A_651 : i32
        %add3A_653 = arith.constant 64 : i32
        %add3A_654 = arith.addi %mul3A_652, %add3A_653 : i32
        %dma_wait3A_655 = arith.constant 3 : i32
        %dma_wait3A_656 = arith.constant 0 : i32
        %dma_wait3A_657 = tpu.memref_slice %arg5[%dma_wait3A_655, %dma_wait3A_656] : memref<4x64xi32, #tpu.memory_space<vmem>> -> memref<1x64xi32, #tpu.memory_space<vmem>>
        %dma_wait3A_658 = tpu.memref_squeeze %dma_wait3A_657 : memref<1x64xi32, #tpu.memory_space<vmem>> -> memref<64xi32, #tpu.memory_space<vmem>>
        %dma_wait3A_659 = tpu.memref_slice %arg2[%add3A_650, %add3A_654] : memref<200x4096xi32, #tpu.memory_space<hbm>> -> memref<1x64xi32, #tpu.memory_space<hbm>>
        %dma_wait3A_660 = tpu.memref_squeeze %dma_wait3A_659 : memref<1x64xi32, #tpu.memory_space<hbm>> -> memref<64xi32, #tpu.memory_space<hbm>>
        %dma_wait3A_661 = arith.constant 0 : i32
        %dma_wait3A_662 = tpu.memref_slice %arg5[%dma_wait3A_655, %dma_wait3A_661] : memref<4x64xi32, #tpu.memory_space<vmem>> -> memref<1x64xi32, #tpu.memory_space<vmem>>
        %dma_wait3A_663 = tpu.memref_squeeze %dma_wait3A_662 : memref<1x64xi32, #tpu.memory_space<vmem>> -> memref<64xi32, #tpu.memory_space<vmem>>
        %dma_wait3A_664 = tpu.memref_slice %arg2[%add3A_650, %add3A_654] : memref<200x4096xi32, #tpu.memory_space<hbm>> -> memref<1x64xi32, #tpu.memory_space<hbm>>
        %dma_wait3A_665 = tpu.memref_squeeze %dma_wait3A_664 : memref<1x64xi32, #tpu.memory_space<hbm>> -> memref<64xi32, #tpu.memory_space<hbm>>
        tpu.wait_dma2 semaphore(%arg10 : memref<!tpu.dma_semaphore, #tpu.memory_space<semaphore_mem>>) src(%dma_wait3A_665 : memref<64xi32, #tpu.memory_space<hbm>>) dst(%dma_wait3A_663 : memref<64xi32, #tpu.memory_space<vmem>>)
        %get3A_666 = arith.constant 3 : i32
        %get3A_667 = arith.index_cast %get3A_666 : i32 to index
        %get3A_668 = arith.constant 0 : index
        %get3A_669 = tpu.vector_load %arg5[%get3A_667, %get3A_668] {strides = array<i32>} : memref<4x64xi32, #tpu.memory_space<vmem>>, vector<16xi32>,
        %mul3A_670 = arith.constant 2 : i32
        %mul3A_671 = vector.broadcast %mul3A_670 : i32 to vector<16xi32>
        %mul3A_672 = arith.muli %get3A_669, %mul3A_671 : vector<16xi32>
        %add3A_673 = arith.constant 1 : i32
        %add3A_674 = vector.broadcast %add3A_673 : i32 to vector<16xi32>
        %add3A_675 = arith.addi %mul3A_672, %add3A_674 : vector<16xi32>
        %swap3A_676 = arith.constant 1 : i32
        %swap3A_677 = arith.index_cast %swap3A_676 : i32 to index
        %swap3A_678 = arith.constant 0 : index
        %swap3A_679 = tpu.vector_load %arg6[%swap3A_677, %swap3A_678] {strides = array<i32>} : memref<2x64xi32, #tpu.memory_space<vmem>>, vector<16xi32>,
        tpu.vector_store %arg6[%swap3A_677, %swap3A_678], %add3A_675 {strides = array<i32>} : memref<2x64xi32, #tpu.memory_space<vmem>>, vector<16xi32>,
        %get3A_680 = arith.constant 3 : i32
        %get3A_681 = arith.index_cast %get3A_680 : i32 to index
        %get3A_682 = arith.constant 16 : index
        %get3A_683 = tpu.vector_load %arg5[%get3A_681, %get3A_682] {strides = array<i32>} : memref<4x64xi32, #tpu.memory_space<vmem>>, vector<16xi32>,
        %mul3A_684 = arith.constant 2 : i32
        %mul3A_685 = vector.broadcast %mul3A_684 : i32 to vector<16xi32>
        %mul3A_686 = arith.muli %get3A_683, %mul3A_685 : vector<16xi32>
        %add3A_687 = arith.constant 1 : i32
        %add3A_688 = vector.broadcast %add3A_687 : i32 to vector<16xi32>
        %add3A_689 = arith.addi %mul3A_686, %add3A_688 : vector<16xi32>
        %swap3A_690 = arith.constant 1 : i32
        %swap3A_691 = arith.index_cast %swap3A_690 : i32 to index
        %swap3A_692 = arith.constant 16 : index
        %swap3A_693 = tpu.vector_load %arg6[%swap3A_691, %swap3A_692] {strides = array<i32>} : memref<2x64xi32, #tpu.memory_space<vmem>>, vector<16xi32>,
        tpu.vector_store %arg6[%swap3A_691, %swap3A_692], %add3A_689 {strides = array<i32>} : memref<2x64xi32, #tpu.memory_space<vmem>>, vector<16xi32>,
        %get3A_694 = arith.constant 3 : i32
        %get3A_695 = arith.index_cast %get3A_694 : i32 to index
        %get3A_696 = arith.constant 32 : index
        %get3A_697 = tpu.vector_load %arg5[%get3A_695, %get3A_696] {strides = array<i32>} : memref<4x64xi32, #tpu.memory_space<vmem>>, vector<16xi32>,
        %mul3A_698 = arith.constant 2 : i32
        %mul3A_699 = vector.broadcast %mul3A_698 : i32 to vector<16xi32>
        %mul3A_700 = arith.muli %get3A_697, %mul3A_699 : vector<16xi32>
        %add3A_701 = arith.constant 1 : i32
        %add3A_702 = vector.broadcast %add3A_701 : i32 to vector<16xi32>
        %add3A_703 = arith.addi %mul3A_700, %add3A_702 : vector<16xi32>
        %swap3A_704 = arith.constant 1 : i32
        %swap3A_705 = arith.index_cast %swap3A_704 : i32 to index
        %swap3A_706 = arith.constant 32 : index
        %swap3A_707 = tpu.vector_load %arg6[%swap3A_705, %swap3A_706] {strides = array<i32>} : memref<2x64xi32, #tpu.memory_space<vmem>>, vector<16xi32>,
        tpu.vector_store %arg6[%swap3A_705, %swap3A_706], %add3A_703 {strides = array<i32>} : memref<2x64xi32, #tpu.memory_space<vmem>>, vector<16xi32>,
        %get3A_708 = arith.constant 3 : i32
        %get3A_709 = arith.index_cast %get3A_708 : i32 to index
        %get3A_710 = arith.constant 48 : index
        %get3A_711 = tpu.vector_load %arg5[%get3A_709, %get3A_710] {strides = array<i32>} : memref<4x64xi32, #tpu.memory_space<vmem>>, vector<16xi32>,
        %mul3A_712 = arith.constant 2 : i32
        %mul3A_713 = vector.broadcast %mul3A_712 : i32 to vector<16xi32>
        %mul3A_714 = arith.muli %get3A_711, %mul3A_713 : vector<16xi32>
        %add3A_715 = arith.constant 1 : i32
        %add3A_716 = vector.broadcast %add3A_715 : i32 to vector<16xi32>
        %add3A_717 = arith.addi %mul3A_714, %add3A_716 : vector<16xi32>
        %swap3A_718 = arith.constant 1 : i32
        %swap3A_719 = arith.index_cast %swap3A_718 : i32 to index
        %swap3A_720 = arith.constant 48 : index
        %swap3A_721 = tpu.vector_load %arg6[%swap3A_719, %swap3A_720] {strides = array<i32>} : memref<2x64xi32, #tpu.memory_space<vmem>>, vector<16xi32>,
        tpu.vector_store %arg6[%swap3A_719, %swap3A_720], %add3A_717 {strides = array<i32>} : memref<2x64xi32, #tpu.memory_space<vmem>>, vector<16xi32>,
        %dma_start3A_722 = arith.constant 1 : i32
        %dma_start3A_723 = arith.constant 1 : i32
        %dma_start3A_724 = arith.constant 0 : i32
        %dma_start3A_725 = arith.constant 0 : i32
        %dma_start3A_726 = tpu.memref_slice %arg7[%dma_start3A_723, %dma_start3A_724, %dma_start3A_725] : memref<2x64x152xf32, #tpu.memory_space<vmem>> -> memref<1x64x152xf32, #tpu.memory_space<vmem>>
        %dma_start3A_727 = tpu.memref_squeeze %dma_start3A_726 : memref<1x64x152xf32, #tpu.memory_space<vmem>> -> memref<64x152xf32, #tpu.memory_space<vmem>>
        %dma_start3A_728 = arith.constant 0 : i32
        %dma_start3A_729 = tpu.memref_slice %arg6[%dma_start3A_722, %dma_start3A_728] : memref<2x64xi32, #tpu.memory_space<vmem>> -> memref<1x64xi32, #tpu.memory_space<vmem>>
        %dma_start3A_730 = tpu.memref_squeeze %dma_start3A_729 : memref<1x64xi32, #tpu.memory_space<vmem>> -> memref<64xi32, #tpu.memory_space<vmem>>
        %dma_start3A_731 = arith.constant 0 : i32
        %dma_start3A_732 = arith.constant 0 : i32
        %dma_start3A_733 = tpu.memref_slice %arg3[%dma_start3A_731, %dma_start3A_732] : memref<600000x152xf32, #tpu.memory_space<hbm>> -> memref<600000x152xf32, #tpu.memory_space<hbm>>
        tpu.enqueue_indirect_dma source(%dma_start3A_733 : memref<600000x152xf32, #tpu.memory_space<hbm>>) target(%dma_start3A_727 : memref<64x152xf32, #tpu.memory_space<vmem>>) offsets(%dma_start3A_730 : memref<64xi32, #tpu.memory_space<vmem>>) semaphore(%arg12 : memref<!tpu.dma_semaphore, #tpu.memory_space<semaphore_mem>>)
        %add3A_734 = arith.constant 1 : i32
        %add3A_735 = arith.addi %scan3A_278, %add3A_734 : i32
        %mul3A_736 = arith.constant 2 : i32
        %mul3A_737 = arith.muli %scan3A_278, %mul3A_736 : i32
        %add3A_738 = arith.constant 1 : i32
        %add3A_739 = arith.addi %mul3A_737, %add3A_738 : i32
        %mul3A_740 = arith.constant 4 : i32
        %mul3A_741 = arith.muli %add3A_739, %mul3A_740 : i32
        %add3A_742 = arith.constant 1 : i32
        %add3A_743 = arith.addi %mul3A_741, %add3A_742 : i32
        %add3A_744 = arith.constant 4 : i32
        %add3A_745 = arith.addi %add3A_743, %add3A_744 : i32
        %le3A_746 = arith.constant 799 : i32
        %le3A_747 = arith.cmpi sle, %add3A_745, %le3A_746 : i32
        %convert_element_type3A_748 = arith.extui %le3A_747 : i1 to i32
        %cond3A_749 = arith.constant 0 : i32
        %cond3A_750 = arith.cmpi ne, %convert_element_type3A_748, %cond3A_749 : i32
        scf.if %cond3A_750 {
          %mul3A_751 = arith.constant 2 : i32
          %mul3A_752 = arith.muli %mul3A_751, %add3A_735 : i32
          %add3A_753 = arith.constant 0 : i32
          %add3A_754 = arith.addi %mul3A_752, %add3A_753 : i32
          %mul3A_755 = arith.constant 128 : i32
          %mul3A_756 = arith.muli %add3A, %mul3A_755 : i32
          %add3A_757 = arith.constant 64 : i32
          %add3A_758 = arith.addi %mul3A_756, %add3A_757 : i32
          %dma_start3A_759 = arith.constant 1 : i32
          %dma_start3A_760 = arith.constant 0 : i32
          %dma_start3A_761 = tpu.memref_slice %arg5[%dma_start3A_759, %dma_start3A_760] : memref<4x64xi32, #tpu.memory_space<vmem>> -> memref<1x64xi32, #tpu.memory_space<vmem>>
          %dma_start3A_762 = tpu.memref_squeeze %dma_start3A_761 : memref<1x64xi32, #tpu.memory_space<vmem>> -> memref<64xi32, #tpu.memory_space<vmem>>
          %dma_start3A_763 = tpu.memref_slice %arg2[%add3A_754, %add3A_758] : memref<200x4096xi32, #tpu.memory_space<hbm>> -> memref<1x64xi32, #tpu.memory_space<hbm>>
          %dma_start3A_764 = tpu.memref_squeeze %dma_start3A_763 : memref<1x64xi32, #tpu.memory_space<hbm>> -> memref<64xi32, #tpu.memory_space<hbm>>
          %dma_start3A_765 = arith.constant 0 : i32
          %dma_start3A_766 = tpu.memref_slice %arg5[%dma_start3A_759, %dma_start3A_765] : memref<4x64xi32, #tpu.memory_space<vmem>> -> memref<1x64xi32, #tpu.memory_space<vmem>>
          %dma_start3A_767 = tpu.memref_squeeze %dma_start3A_766 : memref<1x64xi32, #tpu.memory_space<vmem>> -> memref<64xi32, #tpu.memory_space<vmem>>
          %dma_start3A_768 = tpu.memref_slice %arg2[%add3A_754, %add3A_758] : memref<200x4096xi32, #tpu.memory_space<hbm>> -> memref<1x64xi32, #tpu.memory_space<hbm>>
          %dma_start3A_769 = tpu.memref_squeeze %dma_start3A_768 : memref<1x64xi32, #tpu.memory_space<hbm>> -> memref<64xi32, #tpu.memory_space<hbm>>
          tpu.enqueue_dma source(%dma_start3A_769 : memref<64xi32, #tpu.memory_space<hbm>>) target(%dma_start3A_767 : memref<64xi32, #tpu.memory_space<vmem>>) target_semaphore(%arg10 : memref<!tpu.dma_semaphore, #tpu.memory_space<semaphore_mem>>)
        } else {
        }
      } else {
      }
      %dma_wait3A_530 = arith.constant 0 : i32
      %dma_wait3A_531 = arith.constant 0 : i32
      %dma_wait3A_532 = arith.constant 0 : i32
      %dma_wait3A_533 = arith.constant 0 : i32
      %dma_wait3A_534 = tpu.memref_slice %arg7[%dma_wait3A_531, %dma_wait3A_532, %dma_wait3A_533] : memref<2x64x152xf32, #tpu.memory_space<vmem>> -> memref<1x64x152xf32, #tpu.memory_space<vmem>>
      %dma_wait3A_535 = tpu.memref_squeeze %dma_wait3A_534 : memref<1x64x152xf32, #tpu.memory_space<vmem>> -> memref<64x152xf32, #tpu.memory_space<vmem>>
      %dma_wait3A_536 = arith.constant 0 : i32
      %dma_wait3A_537 = tpu.memref_slice %arg6[%dma_wait3A_530, %dma_wait3A_536] : memref<2x64xi32, #tpu.memory_space<vmem>> -> memref<1x64xi32, #tpu.memory_space<vmem>>
      %dma_wait3A_538 = tpu.memref_squeeze %dma_wait3A_537 : memref<1x64xi32, #tpu.memory_space<vmem>> -> memref<64xi32, #tpu.memory_space<vmem>>
      %dma_wait3A_539 = arith.constant 0 : i32
      %dma_wait3A_540 = arith.constant 0 : i32
      %dma_wait3A_541 = tpu.memref_slice %arg3[%dma_wait3A_539, %dma_wait3A_540] : memref<600000x152xf32, #tpu.memory_space<hbm>> -> memref<600000x152xf32, #tpu.memory_space<hbm>>
      tpu.wait_indirect_dma semaphore(%arg11 : memref<!tpu.dma_semaphore, #tpu.memory_space<semaphore_mem>>) src(%dma_wait3A_541 : memref<600000x152xf32, #tpu.memory_space<hbm>>) dst(%dma_wait3A_535 : memref<64x152xf32, #tpu.memory_space<vmem>>)
      %scan3A_542 = arith.constant 0 : i32
      %scan3A_543 = arith.constant 0 : i32
      %scan3A_544 = arith.constant 76 : i32
      %scan3A_545 = arith.addi %scan3A_543, %scan3A_544 : i32
      %scan3A_546 = arith.constant 1 : i32
      scf.for %scan3A_647 = %scan3A_543 to %scan3A_545 step %scan3A_546  : i32 {
        %mul3A_648 = arith.constant 2 : i32
        %mul3A_649 = arith.muli %scan3A_647, %mul3A_648 : i32
        %add3A_650 = arith.constant 0 : i32
        %add3A_651 = arith.addi %mul3A_649, %add3A_650 : i32
        %broadcast_in_dim3A = vector.broadcast %add3A_651 : i32 to vector<16xi32>
        %add3A_652 = arith.constant 0 : i32
        %add3A_653 = vector.broadcast %add3A_652 : i32 to vector<16xi32>
        %add3A_654 = arith.addi %add3A_653, %iota3A : vector<16xi32>
        %gather3A = arith.constant 0 : i32
        %gather3A_655 = arith.constant 0 : i32
        %gather3A_656 = arith.constant 0 : i32
        %gather3A_657 = tpu.memref_slice %arg7[%gather3A, %gather3A_655, %gather3A_656] : memref<2x64x152xf32, #tpu.memory_space<vmem>> -> memref<1x64x152xf32, #tpu.memory_space<vmem>>
        %gather3A_658 = tpu.memref_squeeze %gather3A_657 : memref<1x64x152xf32, #tpu.memory_space<vmem>> -> memref<64x152xf32, #tpu.memory_space<vmem>>
        %gather3A_659 = tpu.vector_load_idx %gather3A_658[%add3A_654, %broadcast_in_dim3A] : memref<64x152xf32, #tpu.memory_space<vmem>>[vector<16xi32>, vector<16xi32>], vector<16xf32>,
        %swap3A_660 = arith.constant 1 : i32
        %swap3A_661 = arith.constant 1 : i32
        %swap3A_662 = arith.index_cast %swap3A_660 : i32 to index
        %swap3A_663 = arith.index_cast %add3A_651 : i32 to index
        %swap3A_664 = arith.index_cast %swap3A_661 : i32 to index
        %swap3A_665 = arith.constant 0 : index
        %swap3A_666 = tpu.vector_load %arg8[%swap3A_662, %swap3A_663, %swap3A_664, %swap3A_665] {strides = array<i32>} : memref<2x152x2x128xf32, #tpu.memory_space<vmem>>, vector<16xf32>,
        tpu.vector_store %arg8[%swap3A_662, %swap3A_663, %swap3A_664, %swap3A_665], %gather3A_659 {strides = array<i32>} : memref<2x152x2x128xf32, #tpu.memory_space<vmem>>, vector<16xf32>,
        %add3A_667 = arith.constant 16 : i32
        %add3A_668 = vector.broadcast %add3A_667 : i32 to vector<16xi32>
        %add3A_669 = arith.addi %add3A_668, %iota3A : vector<16xi32>
        %gather3A_670 = arith.constant 0 : i32
        %gather3A_671 = arith.constant 0 : i32
        %gather3A_672 = arith.constant 0 : i32
        %gather3A_673 = tpu.memref_slice %arg7[%gather3A_670, %gather3A_671, %gather3A_672] : memref<2x64x152xf32, #tpu.memory_space<vmem>> -> memref<1x64x152xf32, #tpu.memory_space<vmem>>
        %gather3A_674 = tpu.memref_squeeze %gather3A_673 : memref<1x64x152xf32, #tpu.memory_space<vmem>> -> memref<64x152xf32, #tpu.memory_space<vmem>>
        %gather3A_675 = tpu.vector_load_idx %gather3A_674[%add3A_669, %broadcast_in_dim3A] : memref<64x152xf32, #tpu.memory_space<vmem>>[vector<16xi32>, vector<16xi32>], vector<16xf32>,
        %swap3A_676 = arith.constant 1 : i32
        %swap3A_677 = arith.constant 1 : i32
        %swap3A_678 = arith.index_cast %swap3A_676 : i32 to index
        %swap3A_679 = arith.index_cast %add3A_651 : i32 to index
        %swap3A_680 = arith.index_cast %swap3A_677 : i32 to index
        %swap3A_681 = arith.constant 16 : index
        %swap3A_682 = tpu.vector_load %arg8[%swap3A_678, %swap3A_679, %swap3A_680, %swap3A_681] {strides = array<i32>} : memref<2x152x2x128xf32, #tpu.memory_space<vmem>>, vector<16xf32>,
        tpu.vector_store %arg8[%swap3A_678, %swap3A_679, %swap3A_680, %swap3A_681], %gather3A_675 {strides = array<i32>} : memref<2x152x2x128xf32, #tpu.memory_space<vmem>>, vector<16xf32>,
        %add3A_683 = arith.constant 32 : i32
        %add3A_684 = vector.broadcast %add3A_683 : i32 to vector<16xi32>
        %add3A_685 = arith.addi %add3A_684, %iota3A : vector<16xi32>
        %gather3A_686 = arith.constant 0 : i32
        %gather3A_687 = arith.constant 0 : i32
        %gather3A_688 = arith.constant 0 : i32
        %gather3A_689 = tpu.memref_slice %arg7[%gather3A_686, %gather3A_687, %gather3A_688] : memref<2x64x152xf32, #tpu.memory_space<vmem>> -> memref<1x64x152xf32, #tpu.memory_space<vmem>>
        %gather3A_690 = tpu.memref_squeeze %gather3A_689 : memref<1x64x152xf32, #tpu.memory_space<vmem>> -> memref<64x152xf32, #tpu.memory_space<vmem>>
        %gather3A_691 = tpu.vector_load_idx %gather3A_690[%add3A_685, %broadcast_in_dim3A] : memref<64x152xf32, #tpu.memory_space<vmem>>[vector<16xi32>, vector<16xi32>], vector<16xf32>,
        %swap3A_692 = arith.constant 1 : i32
        %swap3A_693 = arith.constant 1 : i32
        %swap3A_694 = arith.index_cast %swap3A_692 : i32 to index
        %swap3A_695 = arith.index_cast %add3A_651 : i32 to index
        %swap3A_696 = arith.index_cast %swap3A_693 : i32 to index
        %swap3A_697 = arith.constant 32 : index
        %swap3A_698 = tpu.vector_load %arg8[%swap3A_694, %swap3A_695, %swap3A_696, %swap3A_697] {strides = array<i32>} : memref<2x152x2x128xf32, #tpu.memory_space<vmem>>, vector<16xf32>,
        tpu.vector_store %arg8[%swap3A_694, %swap3A_695, %swap3A_696, %swap3A_697], %gather3A_691 {strides = array<i32>} : memref<2x152x2x128xf32, #tpu.memory_space<vmem>>, vector<16xf32>,
        %add3A_699 = arith.constant 48 : i32
        %add3A_700 = vector.broadcast %add3A_699 : i32 to vector<16xi32>
        %add3A_701 = arith.addi %add3A_700, %iota3A : vector<16xi32>
        %gather3A_702 = arith.constant 0 : i32
        %gather3A_703 = arith.constant 0 : i32
        %gather3A_704 = arith.constant 0 : i32
        %gather3A_705 = tpu.memref_slice %arg7[%gather3A_702, %gather3A_703, %gather3A_704] : memref<2x64x152xf32, #tpu.memory_space<vmem>> -> memref<1x64x152xf32, #tpu.memory_space<vmem>>
        %gather3A_706 = tpu.memref_squeeze %gather3A_705 : memref<1x64x152xf32, #tpu.memory_space<vmem>> -> memref<64x152xf32, #tpu.memory_space<vmem>>
        %gather3A_707 = tpu.vector_load_idx %gather3A_706[%add3A_701, %broadcast_in_dim3A] : memref<64x152xf32, #tpu.memory_space<vmem>>[vector<16xi32>, vector<16xi32>], vector<16xf32>,
        %swap3A_708 = arith.constant 1 : i32
        %swap3A_709 = arith.constant 1 : i32
        %swap3A_710 = arith.index_cast %swap3A_708 : i32 to index
        %swap3A_711 = arith.index_cast %add3A_651 : i32 to index
        %swap3A_712 = arith.index_cast %swap3A_709 : i32 to index
        %swap3A_713 = arith.constant 48 : index
        %swap3A_714 = tpu.vector_load %arg8[%swap3A_710, %swap3A_711, %swap3A_712, %swap3A_713] {strides = array<i32>} : memref<2x152x2x128xf32, #tpu.memory_space<vmem>>, vector<16xf32>,
        tpu.vector_store %arg8[%swap3A_710, %swap3A_711, %swap3A_712, %swap3A_713], %gather3A_707 {strides = array<i32>} : memref<2x152x2x128xf32, #tpu.memory_space<vmem>>, vector<16xf32>,
        %mul3A_715 = arith.constant 2 : i32
        %mul3A_716 = arith.muli %scan3A_647, %mul3A_715 : i32
        %add3A_717 = arith.constant 1 : i32
        %add3A_718 = arith.addi %mul3A_716, %add3A_717 : i32
        %broadcast_in_dim3A_719 = vector.broadcast %add3A_718 : i32 to vector<16xi32>
        %add3A_720 = arith.constant 0 : i32
        %add3A_721 = vector.broadcast %add3A_720 : i32 to vector<16xi32>
        %add3A_722 = arith.addi %add3A_721, %iota3A : vector<16xi32>
        %gather3A_723 = arith.constant 0 : i32
        %gather3A_724 = arith.constant 0 : i32
        %gather3A_725 = arith.constant 0 : i32
        %gather3A_726 = tpu.memref_slice %arg7[%gather3A_723, %gather3A_724, %gather3A_725] : memref<2x64x152xf32, #tpu.memory_space<vmem>> -> memref<1x64x152xf32, #tpu.memory_space<vmem>>
        %gather3A_727 = tpu.memref_squeeze %gather3A_726 : memref<1x64x152xf32, #tpu.memory_space<vmem>> -> memref<64x152xf32, #tpu.memory_space<vmem>>
        %gather3A_728 = tpu.vector_load_idx %gather3A_727[%add3A_722, %broadcast_in_dim3A_719] : memref<64x152xf32, #tpu.memory_space<vmem>>[vector<16xi32>, vector<16xi32>], vector<16xf32>,
        %swap3A_729 = arith.constant 1 : i32
        %swap3A_730 = arith.constant 1 : i32
        %swap3A_731 = arith.index_cast %swap3A_729 : i32 to index
        %swap3A_732 = arith.index_cast %add3A_718 : i32 to index
        %swap3A_733 = arith.index_cast %swap3A_730 : i32 to index
        %swap3A_734 = arith.constant 0 : index
        %swap3A_735 = tpu.vector_load %arg8[%swap3A_731, %swap3A_732, %swap3A_733, %swap3A_734] {strides = array<i32>} : memref<2x152x2x128xf32, #tpu.memory_space<vmem>>, vector<16xf32>,
        tpu.vector_store %arg8[%swap3A_731, %swap3A_732, %swap3A_733, %swap3A_734], %gather3A_728 {strides = array<i32>} : memref<2x152x2x128xf32, #tpu.memory_space<vmem>>, vector<16xf32>,
        %add3A_736 = arith.constant 16 : i32
        %add3A_737 = vector.broadcast %add3A_736 : i32 to vector<16xi32>
        %add3A_738 = arith.addi %add3A_737, %iota3A : vector<16xi32>
        %gather3A_739 = arith.constant 0 : i32
        %gather3A_740 = arith.constant 0 : i32
        %gather3A_741 = arith.constant 0 : i32
        %gather3A_742 = tpu.memref_slice %arg7[%gather3A_739, %gather3A_740, %gather3A_741] : memref<2x64x152xf32, #tpu.memory_space<vmem>> -> memref<1x64x152xf32, #tpu.memory_space<vmem>>
        %gather3A_743 = tpu.memref_squeeze %gather3A_742 : memref<1x64x152xf32, #tpu.memory_space<vmem>> -> memref<64x152xf32, #tpu.memory_space<vmem>>
        %gather3A_744 = tpu.vector_load_idx %gather3A_743[%add3A_738, %broadcast_in_dim3A_719] : memref<64x152xf32, #tpu.memory_space<vmem>>[vector<16xi32>, vector<16xi32>], vector<16xf32>,
        %swap3A_745 = arith.constant 1 : i32
        %swap3A_746 = arith.constant 1 : i32
        %swap3A_747 = arith.index_cast %swap3A_745 : i32 to index
        %swap3A_748 = arith.index_cast %add3A_718 : i32 to index
        %swap3A_749 = arith.index_cast %swap3A_746 : i32 to index
        %swap3A_750 = arith.constant 16 : index
        %swap3A_751 = tpu.vector_load %arg8[%swap3A_747, %swap3A_748, %swap3A_749, %swap3A_750] {strides = array<i32>} : memref<2x152x2x128xf32, #tpu.memory_space<vmem>>, vector<16xf32>,
        tpu.vector_store %arg8[%swap3A_747, %swap3A_748, %swap3A_749, %swap3A_750], %gather3A_744 {strides = array<i32>} : memref<2x152x2x128xf32, #tpu.memory_space<vmem>>, vector<16xf32>,
        %add3A_752 = arith.constant 32 : i32
        %add3A_753 = vector.broadcast %add3A_752 : i32 to vector<16xi32>
        %add3A_754 = arith.addi %add3A_753, %iota3A : vector<16xi32>
        %gather3A_755 = arith.constant 0 : i32
        %gather3A_756 = arith.constant 0 : i32
        %gather3A_757 = arith.constant 0 : i32
        %gather3A_758 = tpu.memref_slice %arg7[%gather3A_755, %gather3A_756, %gather3A_757] : memref<2x64x152xf32, #tpu.memory_space<vmem>> -> memref<1x64x152xf32, #tpu.memory_space<vmem>>
        %gather3A_759 = tpu.memref_squeeze %gather3A_758 : memref<1x64x152xf32, #tpu.memory_space<vmem>> -> memref<64x152xf32, #tpu.memory_space<vmem>>
        %gather3A_760 = tpu.vector_load_idx %gather3A_759[%add3A_754, %broadcast_in_dim3A_719] : memref<64x152xf32, #tpu.memory_space<vmem>>[vector<16xi32>, vector<16xi32>], vector<16xf32>,
        %swap3A_761 = arith.constant 1 : i32
        %swap3A_762 = arith.constant 1 : i32
        %swap3A_763 = arith.index_cast %swap3A_761 : i32 to index
        %swap3A_764 = arith.index_cast %add3A_718 : i32 to index
        %swap3A_765 = arith.index_cast %swap3A_762 : i32 to index
        %swap3A_766 = arith.constant 32 : index
        %swap3A_767 = tpu.vector_load %arg8[%swap3A_763, %swap3A_764, %swap3A_765, %swap3A_766] {strides = array<i32>} : memref<2x152x2x128xf32, #tpu.memory_space<vmem>>, vector<16xf32>,
        tpu.vector_store %arg8[%swap3A_763, %swap3A_764, %swap3A_765, %swap3A_766], %gather3A_760 {strides = array<i32>} : memref<2x152x2x128xf32, #tpu.memory_space<vmem>>, vector<16xf32>,
        %add3A_768 = arith.constant 48 : i32
        %add3A_769 = vector.broadcast %add3A_768 : i32 to vector<16xi32>
        %add3A_770 = arith.addi %add3A_769, %iota3A : vector<16xi32>
        %gather3A_771 = arith.constant 0 : i32
        %gather3A_772 = arith.constant 0 : i32
        %gather3A_773 = arith.constant 0 : i32
        %gather3A_774 = tpu.memref_slice %arg7[%gather3A_771, %gather3A_772, %gather3A_773] : memref<2x64x152xf32, #tpu.memory_space<vmem>> -> memref<1x64x152xf32, #tpu.memory_space<vmem>>
        %gather3A_775 = tpu.memref_squeeze %gather3A_774 : memref<1x64x152xf32, #tpu.memory_space<vmem>> -> memref<64x152xf32, #tpu.memory_space<vmem>>
        %gather3A_776 = tpu.vector_load_idx %gather3A_775[%add3A_770, %broadcast_in_dim3A_719] : memref<64x152xf32, #tpu.memory_space<vmem>>[vector<16xi32>, vector<16xi32>], vector<16xf32>,
        %swap3A_777 = arith.constant 1 : i32
        %swap3A_778 = arith.constant 1 : i32
        %swap3A_779 = arith.index_cast %swap3A_777 : i32 to index
        %swap3A_780 = arith.index_cast %add3A_718 : i32 to index
        %swap3A_781 = arith.index_cast %swap3A_778 : i32 to index
        %swap3A_782 = arith.constant 48 : index
        %swap3A_783 = tpu.vector_load %arg8[%swap3A_779, %swap3A_780, %swap3A_781, %swap3A_782] {strides = array<i32>} : memref<2x152x2x128xf32, #tpu.memory_space<vmem>>, vector<16xf32>,
        tpu.vector_store %arg8[%swap3A_779, %swap3A_780, %swap3A_781, %swap3A_782], %gather3A_776 {strides = array<i32>} : memref<2x152x2x128xf32, #tpu.memory_space<vmem>>, vector<16xf32>,
      }
      %scan3A_547 = arith.constant 76 : i32
      %add3A_548 = arith.constant 1 : i32
      %add3A_549 = arith.addi %scan3A_278, %add3A_548 : i32
      %mul3A_550 = arith.constant 2 : i32
      %mul3A_551 = arith.muli %scan3A_278, %mul3A_550 : i32
      %add3A_552 = arith.constant 1 : i32
      %add3A_553 = arith.addi %mul3A_551, %add3A_552 : i32
      %mul3A_554 = arith.constant 4 : i32
      %mul3A_555 = arith.muli %add3A_553, %mul3A_554 : i32
      %add3A_556 = arith.constant 2 : i32
      %add3A_557 = arith.addi %mul3A_555, %add3A_556 : i32
      %add3A_558 = arith.constant 2 : i32
      %add3A_559 = arith.addi %add3A_557, %add3A_558 : i32
      %le3A_560 = arith.constant 799 : i32
      %le3A_561 = arith.cmpi sle, %add3A_559, %le3A_560 : i32
      %convert_element_type3A_562 = arith.extui %le3A_561 : i1 to i32
      %cond3A_563 = arith.constant 0 : i32
      %cond3A_564 = arith.cmpi ne, %convert_element_type3A_562, %cond3A_563 : i32
      scf.if %cond3A_564 {
        %mul3A_647 = arith.constant 2 : i32
        %mul3A_648 = arith.muli %mul3A_647, %add3A_549 : i32
        %add3A_649 = arith.constant 0 : i32
        %add3A_650 = arith.addi %mul3A_648, %add3A_649 : i32
        %mul3A_651 = arith.constant 128 : i32
        %mul3A_652 = arith.muli %add3A, %mul3A_651 : i32
        %add3A_653 = arith.constant 0 : i32
        %add3A_654 = arith.addi %mul3A_652, %add3A_653 : i32
        %dma_wait3A_655 = arith.constant 0 : i32
        %dma_wait3A_656 = arith.constant 0 : i32
        %dma_wait3A_657 = tpu.memref_slice %arg5[%dma_wait3A_655, %dma_wait3A_656] : memref<4x64xi32, #tpu.memory_space<vmem>> -> memref<1x64xi32, #tpu.memory_space<vmem>>
        %dma_wait3A_658 = tpu.memref_squeeze %dma_wait3A_657 : memref<1x64xi32, #tpu.memory_space<vmem>> -> memref<64xi32, #tpu.memory_space<vmem>>
        %dma_wait3A_659 = tpu.memref_slice %arg2[%add3A_650, %add3A_654] : memref<200x4096xi32, #tpu.memory_space<hbm>> -> memref<1x64xi32, #tpu.memory_space<hbm>>
        %dma_wait3A_660 = tpu.memref_squeeze %dma_wait3A_659 : memref<1x64xi32, #tpu.memory_space<hbm>> -> memref<64xi32, #tpu.memory_space<hbm>>
        %dma_wait3A_661 = arith.constant 0 : i32
        %dma_wait3A_662 = tpu.memref_slice %arg5[%dma_wait3A_655, %dma_wait3A_661] : memref<4x64xi32, #tpu.memory_space<vmem>> -> memref<1x64xi32, #tpu.memory_space<vmem>>
        %dma_wait3A_663 = tpu.memref_squeeze %dma_wait3A_662 : memref<1x64xi32, #tpu.memory_space<vmem>> -> memref<64xi32, #tpu.memory_space<vmem>>
        %dma_wait3A_664 = tpu.memref_slice %arg2[%add3A_650, %add3A_654] : memref<200x4096xi32, #tpu.memory_space<hbm>> -> memref<1x64xi32, #tpu.memory_space<hbm>>
        %dma_wait3A_665 = tpu.memref_squeeze %dma_wait3A_664 : memref<1x64xi32, #tpu.memory_space<hbm>> -> memref<64xi32, #tpu.memory_space<hbm>>
        tpu.wait_dma2 semaphore(%arg9 : memref<!tpu.dma_semaphore, #tpu.memory_space<semaphore_mem>>) src(%dma_wait3A_665 : memref<64xi32, #tpu.memory_space<hbm>>) dst(%dma_wait3A_663 : memref<64xi32, #tpu.memory_space<vmem>>)
        %get3A_666 = arith.constant 0 : i32
        %get3A_667 = arith.index_cast %get3A_666 : i32 to index
        %get3A_668 = arith.constant 0 : index
        %get3A_669 = tpu.vector_load %arg5[%get3A_667, %get3A_668] {strides = array<i32>} : memref<4x64xi32, #tpu.memory_space<vmem>>, vector<16xi32>,
        %mul3A_670 = arith.constant 2 : i32
        %mul3A_671 = vector.broadcast %mul3A_670 : i32 to vector<16xi32>
        %mul3A_672 = arith.muli %get3A_669, %mul3A_671 : vector<16xi32>
        %add3A_673 = arith.constant 0 : i32
        %add3A_674 = vector.broadcast %add3A_673 : i32 to vector<16xi32>
        %add3A_675 = arith.addi %mul3A_672, %add3A_674 : vector<16xi32>
        %swap3A_676 = arith.constant 0 : i32
        %swap3A_677 = arith.index_cast %swap3A_676 : i32 to index
        %swap3A_678 = arith.constant 0 : index
        %swap3A_679 = tpu.vector_load %arg6[%swap3A_677, %swap3A_678] {strides = array<i32>} : memref<2x64xi32, #tpu.memory_space<vmem>>, vector<16xi32>,
        tpu.vector_store %arg6[%swap3A_677, %swap3A_678], %add3A_675 {strides = array<i32>} : memref<2x64xi32, #tpu.memory_space<vmem>>, vector<16xi32>,
        %get3A_680 = arith.constant 0 : i32
        %get3A_681 = arith.index_cast %get3A_680 : i32 to index
        %get3A_682 = arith.constant 16 : index
        %get3A_683 = tpu.vector_load %arg5[%get3A_681, %get3A_682] {strides = array<i32>} : memref<4x64xi32, #tpu.memory_space<vmem>>, vector<16xi32>,
        %mul3A_684 = arith.constant 2 : i32
        %mul3A_685 = vector.broadcast %mul3A_684 : i32 to vector<16xi32>
        %mul3A_686 = arith.muli %get3A_683, %mul3A_685 : vector<16xi32>
        %add3A_687 = arith.constant 0 : i32
        %add3A_688 = vector.broadcast %add3A_687 : i32 to vector<16xi32>
        %add3A_689 = arith.addi %mul3A_686, %add3A_688 : vector<16xi32>
        %swap3A_690 = arith.constant 0 : i32
        %swap3A_691 = arith.index_cast %swap3A_690 : i32 to index
        %swap3A_692 = arith.constant 16 : index
        %swap3A_693 = tpu.vector_load %arg6[%swap3A_691, %swap3A_692] {strides = array<i32>} : memref<2x64xi32, #tpu.memory_space<vmem>>, vector<16xi32>,
        tpu.vector_store %arg6[%swap3A_691, %swap3A_692], %add3A_689 {strides = array<i32>} : memref<2x64xi32, #tpu.memory_space<vmem>>, vector<16xi32>,
        %get3A_694 = arith.constant 0 : i32
        %get3A_695 = arith.index_cast %get3A_694 : i32 to index
        %get3A_696 = arith.constant 32 : index
        %get3A_697 = tpu.vector_load %arg5[%get3A_695, %get3A_696] {strides = array<i32>} : memref<4x64xi32, #tpu.memory_space<vmem>>, vector<16xi32>,
        %mul3A_698 = arith.constant 2 : i32
        %mul3A_699 = vector.broadcast %mul3A_698 : i32 to vector<16xi32>
        %mul3A_700 = arith.muli %get3A_697, %mul3A_699 : vector<16xi32>
        %add3A_701 = arith.constant 0 : i32
        %add3A_702 = vector.broadcast %add3A_701 : i32 to vector<16xi32>
        %add3A_703 = arith.addi %mul3A_700, %add3A_702 : vector<16xi32>
        %swap3A_704 = arith.constant 0 : i32
        %swap3A_705 = arith.index_cast %swap3A_704 : i32 to index
        %swap3A_706 = arith.constant 32 : index
        %swap3A_707 = tpu.vector_load %arg6[%swap3A_705, %swap3A_706] {strides = array<i32>} : memref<2x64xi32, #tpu.memory_space<vmem>>, vector<16xi32>,
        tpu.vector_store %arg6[%swap3A_705, %swap3A_706], %add3A_703 {strides = array<i32>} : memref<2x64xi32, #tpu.memory_space<vmem>>, vector<16xi32>,
        %get3A_708 = arith.constant 0 : i32
        %get3A_709 = arith.index_cast %get3A_708 : i32 to index
        %get3A_710 = arith.constant 48 : index
        %get3A_711 = tpu.vector_load %arg5[%get3A_709, %get3A_710] {strides = array<i32>} : memref<4x64xi32, #tpu.memory_space<vmem>>, vector<16xi32>,
        %mul3A_712 = arith.constant 2 : i32
        %mul3A_713 = vector.broadcast %mul3A_712 : i32 to vector<16xi32>
        %mul3A_714 = arith.muli %get3A_711, %mul3A_713 : vector<16xi32>
        %add3A_715 = arith.constant 0 : i32
        %add3A_716 = vector.broadcast %add3A_715 : i32 to vector<16xi32>
        %add3A_717 = arith.addi %mul3A_714, %add3A_716 : vector<16xi32>
        %swap3A_718 = arith.constant 0 : i32
        %swap3A_719 = arith.index_cast %swap3A_718 : i32 to index
        %swap3A_720 = arith.constant 48 : index
        %swap3A_721 = tpu.vector_load %arg6[%swap3A_719, %swap3A_720] {strides = array<i32>} : memref<2x64xi32, #tpu.memory_space<vmem>>, vector<16xi32>,
        tpu.vector_store %arg6[%swap3A_719, %swap3A_720], %add3A_717 {strides = array<i32>} : memref<2x64xi32, #tpu.memory_space<vmem>>, vector<16xi32>,
        %dma_start3A_722 = arith.constant 0 : i32
        %dma_start3A_723 = arith.constant 0 : i32
        %dma_start3A_724 = arith.constant 0 : i32
        %dma_start3A_725 = arith.constant 0 : i32
        %dma_start3A_726 = tpu.memref_slice %arg7[%dma_start3A_723, %dma_start3A_724, %dma_start3A_725] : memref<2x64x152xf32, #tpu.memory_space<vmem>> -> memref<1x64x152xf32, #tpu.memory_space<vmem>>
        %dma_start3A_727 = tpu.memref_squeeze %dma_start3A_726 : memref<1x64x152xf32, #tpu.memory_space<vmem>> -> memref<64x152xf32, #tpu.memory_space<vmem>>
        %dma_start3A_728 = arith.constant 0 : i32
        %dma_start3A_729 = tpu.memref_slice %arg6[%dma_start3A_722, %dma_start3A_728] : memref<2x64xi32, #tpu.memory_space<vmem>> -> memref<1x64xi32, #tpu.memory_space<vmem>>
        %dma_start3A_730 = tpu.memref_squeeze %dma_start3A_729 : memref<1x64xi32, #tpu.memory_space<vmem>> -> memref<64xi32, #tpu.memory_space<vmem>>
        %dma_start3A_731 = arith.constant 0 : i32
        %dma_start3A_732 = arith.constant 0 : i32
        %dma_start3A_733 = tpu.memref_slice %arg3[%dma_start3A_731, %dma_start3A_732] : memref<600000x152xf32, #tpu.memory_space<hbm>> -> memref<600000x152xf32, #tpu.memory_space<hbm>>
        tpu.enqueue_indirect_dma source(%dma_start3A_733 : memref<600000x152xf32, #tpu.memory_space<hbm>>) target(%dma_start3A_727 : memref<64x152xf32, #tpu.memory_space<vmem>>) offsets(%dma_start3A_730 : memref<64xi32, #tpu.memory_space<vmem>>) semaphore(%arg11 : memref<!tpu.dma_semaphore, #tpu.memory_space<semaphore_mem>>)
        %add3A_734 = arith.constant 1 : i32
        %add3A_735 = arith.addi %scan3A_278, %add3A_734 : i32
        %mul3A_736 = arith.constant 2 : i32
        %mul3A_737 = arith.muli %scan3A_278, %mul3A_736 : i32
        %add3A_738 = arith.constant 1 : i32
        %add3A_739 = arith.addi %mul3A_737, %add3A_738 : i32
        %mul3A_740 = arith.constant 4 : i32
        %mul3A_741 = arith.muli %add3A_739, %mul3A_740 : i32
        %add3A_742 = arith.constant 2 : i32
        %add3A_743 = arith.addi %mul3A_741, %add3A_742 : i32
        %add3A_744 = arith.constant 4 : i32
        %add3A_745 = arith.addi %add3A_743, %add3A_744 : i32
        %le3A_746 = arith.constant 799 : i32
        %le3A_747 = arith.cmpi sle, %add3A_745, %le3A_746 : i32
        %convert_element_type3A_748 = arith.extui %le3A_747 : i1 to i32
        %cond3A_749 = arith.constant 0 : i32
        %cond3A_750 = arith.cmpi ne, %convert_element_type3A_748, %cond3A_749 : i32
        scf.if %cond3A_750 {
          %mul3A_751 = arith.constant 2 : i32
          %mul3A_752 = arith.muli %mul3A_751, %add3A_735 : i32
          %add3A_753 = arith.constant 1 : i32
          %add3A_754 = arith.addi %mul3A_752, %add3A_753 : i32
          %mul3A_755 = arith.constant 128 : i32
          %mul3A_756 = arith.muli %add3A, %mul3A_755 : i32
          %add3A_757 = arith.constant 0 : i32
          %add3A_758 = arith.addi %mul3A_756, %add3A_757 : i32
          %dma_start3A_759 = arith.constant 2 : i32
          %dma_start3A_760 = arith.constant 0 : i32
          %dma_start3A_761 = tpu.memref_slice %arg5[%dma_start3A_759, %dma_start3A_760] : memref<4x64xi32, #tpu.memory_space<vmem>> -> memref<1x64xi32, #tpu.memory_space<vmem>>
          %dma_start3A_762 = tpu.memref_squeeze %dma_start3A_761 : memref<1x64xi32, #tpu.memory_space<vmem>> -> memref<64xi32, #tpu.memory_space<vmem>>
          %dma_start3A_763 = tpu.memref_slice %arg2[%add3A_754, %add3A_758] : memref<200x4096xi32, #tpu.memory_space<hbm>> -> memref<1x64xi32, #tpu.memory_space<hbm>>
          %dma_start3A_764 = tpu.memref_squeeze %dma_start3A_763 : memref<1x64xi32, #tpu.memory_space<hbm>> -> memref<64xi32, #tpu.memory_space<hbm>>
          %dma_start3A_765 = arith.constant 0 : i32
          %dma_start3A_766 = tpu.memref_slice %arg5[%dma_start3A_759, %dma_start3A_765] : memref<4x64xi32, #tpu.memory_space<vmem>> -> memref<1x64xi32, #tpu.memory_space<vmem>>
          %dma_start3A_767 = tpu.memref_squeeze %dma_start3A_766 : memref<1x64xi32, #tpu.memory_space<vmem>> -> memref<64xi32, #tpu.memory_space<vmem>>
          %dma_start3A_768 = tpu.memref_slice %arg2[%add3A_754, %add3A_758] : memref<200x4096xi32, #tpu.memory_space<hbm>> -> memref<1x64xi32, #tpu.memory_space<hbm>>
          %dma_start3A_769 = tpu.memref_squeeze %dma_start3A_768 : memref<1x64xi32, #tpu.memory_space<hbm>> -> memref<64xi32, #tpu.memory_space<hbm>>
          tpu.enqueue_dma source(%dma_start3A_769 : memref<64xi32, #tpu.memory_space<hbm>>) target(%dma_start3A_767 : memref<64xi32, #tpu.memory_space<vmem>>) target_semaphore(%arg9 : memref<!tpu.dma_semaphore, #tpu.memory_space<semaphore_mem>>)
        } else {
        }
      } else {
      }
      %dma_wait3A_565 = arith.constant 1 : i32
      %dma_wait3A_566 = arith.constant 1 : i32
      %dma_wait3A_567 = arith.constant 0 : i32
      %dma_wait3A_568 = arith.constant 0 : i32
      %dma_wait3A_569 = tpu.memref_slice %arg7[%dma_wait3A_566, %dma_wait3A_567, %dma_wait3A_568] : memref<2x64x152xf32, #tpu.memory_space<vmem>> -> memref<1x64x152xf32, #tpu.memory_space<vmem>>
      %dma_wait3A_570 = tpu.memref_squeeze %dma_wait3A_569 : memref<1x64x152xf32, #tpu.memory_space<vmem>> -> memref<64x152xf32, #tpu.memory_space<vmem>>
      %dma_wait3A_571 = arith.constant 0 : i32
      %dma_wait3A_572 = tpu.memref_slice %arg6[%dma_wait3A_565, %dma_wait3A_571] : memref<2x64xi32, #tpu.memory_space<vmem>> -> memref<1x64xi32, #tpu.memory_space<vmem>>
      %dma_wait3A_573 = tpu.memref_squeeze %dma_wait3A_572 : memref<1x64xi32, #tpu.memory_space<vmem>> -> memref<64xi32, #tpu.memory_space<vmem>>
      %dma_wait3A_574 = arith.constant 0 : i32
      %dma_wait3A_575 = arith.constant 0 : i32
      %dma_wait3A_576 = tpu.memref_slice %arg3[%dma_wait3A_574, %dma_wait3A_575] : memref<600000x152xf32, #tpu.memory_space<hbm>> -> memref<600000x152xf32, #tpu.memory_space<hbm>>
      tpu.wait_indirect_dma semaphore(%arg12 : memref<!tpu.dma_semaphore, #tpu.memory_space<semaphore_mem>>) src(%dma_wait3A_576 : memref<600000x152xf32, #tpu.memory_space<hbm>>) dst(%dma_wait3A_570 : memref<64x152xf32, #tpu.memory_space<vmem>>)
      %scan3A_577 = arith.constant 0 : i32
      %scan3A_578 = arith.constant 0 : i32
      %scan3A_579 = arith.constant 76 : i32
      %scan3A_580 = arith.addi %scan3A_578, %scan3A_579 : i32
      %scan3A_581 = arith.constant 1 : i32
      scf.for %scan3A_647 = %scan3A_578 to %scan3A_580 step %scan3A_581  : i32 {
        %mul3A_648 = arith.constant 2 : i32
        %mul3A_649 = arith.muli %scan3A_647, %mul3A_648 : i32
        %add3A_650 = arith.constant 0 : i32
        %add3A_651 = arith.addi %mul3A_649, %add3A_650 : i32
        %broadcast_in_dim3A = vector.broadcast %add3A_651 : i32 to vector<16xi32>
        %add3A_652 = arith.constant 0 : i32
        %add3A_653 = vector.broadcast %add3A_652 : i32 to vector<16xi32>
        %add3A_654 = arith.addi %add3A_653, %iota3A : vector<16xi32>
        %gather3A = arith.constant 1 : i32
        %gather3A_655 = arith.constant 0 : i32
        %gather3A_656 = arith.constant 0 : i32
        %gather3A_657 = tpu.memref_slice %arg7[%gather3A, %gather3A_655, %gather3A_656] : memref<2x64x152xf32, #tpu.memory_space<vmem>> -> memref<1x64x152xf32, #tpu.memory_space<vmem>>
        %gather3A_658 = tpu.memref_squeeze %gather3A_657 : memref<1x64x152xf32, #tpu.memory_space<vmem>> -> memref<64x152xf32, #tpu.memory_space<vmem>>
        %gather3A_659 = tpu.vector_load_idx %gather3A_658[%add3A_654, %broadcast_in_dim3A] : memref<64x152xf32, #tpu.memory_space<vmem>>[vector<16xi32>, vector<16xi32>], vector<16xf32>,
        %swap3A_660 = arith.constant 1 : i32
        %swap3A_661 = arith.constant 1 : i32
        %swap3A_662 = arith.index_cast %swap3A_660 : i32 to index
        %swap3A_663 = arith.index_cast %add3A_651 : i32 to index
        %swap3A_664 = arith.index_cast %swap3A_661 : i32 to index
        %swap3A_665 = arith.constant 64 : index
        %swap3A_666 = tpu.vector_load %arg8[%swap3A_662, %swap3A_663, %swap3A_664, %swap3A_665] {strides = array<i32>} : memref<2x152x2x128xf32, #tpu.memory_space<vmem>>, vector<16xf32>,
        tpu.vector_store %arg8[%swap3A_662, %swap3A_663, %swap3A_664, %swap3A_665], %gather3A_659 {strides = array<i32>} : memref<2x152x2x128xf32, #tpu.memory_space<vmem>>, vector<16xf32>,
        %add3A_667 = arith.constant 16 : i32
        %add3A_668 = vector.broadcast %add3A_667 : i32 to vector<16xi32>
        %add3A_669 = arith.addi %add3A_668, %iota3A : vector<16xi32>
        %gather3A_670 = arith.constant 1 : i32
        %gather3A_671 = arith.constant 0 : i32
        %gather3A_672 = arith.constant 0 : i32
        %gather3A_673 = tpu.memref_slice %arg7[%gather3A_670, %gather3A_671, %gather3A_672] : memref<2x64x152xf32, #tpu.memory_space<vmem>> -> memref<1x64x152xf32, #tpu.memory_space<vmem>>
        %gather3A_674 = tpu.memref_squeeze %gather3A_673 : memref<1x64x152xf32, #tpu.memory_space<vmem>> -> memref<64x152xf32, #tpu.memory_space<vmem>>
        %gather3A_675 = tpu.vector_load_idx %gather3A_674[%add3A_669, %broadcast_in_dim3A] : memref<64x152xf32, #tpu.memory_space<vmem>>[vector<16xi32>, vector<16xi32>], vector<16xf32>,
        %swap3A_676 = arith.constant 1 : i32
        %swap3A_677 = arith.constant 1 : i32
        %swap3A_678 = arith.index_cast %swap3A_676 : i32 to index
        %swap3A_679 = arith.index_cast %add3A_651 : i32 to index
        %swap3A_680 = arith.index_cast %swap3A_677 : i32 to index
        %swap3A_681 = arith.constant 80 : index
        %swap3A_682 = tpu.vector_load %arg8[%swap3A_678, %swap3A_679, %swap3A_680, %swap3A_681] {strides = array<i32>} : memref<2x152x2x128xf32, #tpu.memory_space<vmem>>, vector<16xf32>,
        tpu.vector_store %arg8[%swap3A_678, %swap3A_679, %swap3A_680, %swap3A_681], %gather3A_675 {strides = array<i32>} : memref<2x152x2x128xf32, #tpu.memory_space<vmem>>, vector<16xf32>,
        %add3A_683 = arith.constant 32 : i32
        %add3A_684 = vector.broadcast %add3A_683 : i32 to vector<16xi32>
        %add3A_685 = arith.addi %add3A_684, %iota3A : vector<16xi32>
        %gather3A_686 = arith.constant 1 : i32
        %gather3A_687 = arith.constant 0 : i32
        %gather3A_688 = arith.constant 0 : i32
        %gather3A_689 = tpu.memref_slice %arg7[%gather3A_686, %gather3A_687, %gather3A_688] : memref<2x64x152xf32, #tpu.memory_space<vmem>> -> memref<1x64x152xf32, #tpu.memory_space<vmem>>
        %gather3A_690 = tpu.memref_squeeze %gather3A_689 : memref<1x64x152xf32, #tpu.memory_space<vmem>> -> memref<64x152xf32, #tpu.memory_space<vmem>>
        %gather3A_691 = tpu.vector_load_idx %gather3A_690[%add3A_685, %broadcast_in_dim3A] : memref<64x152xf32, #tpu.memory_space<vmem>>[vector<16xi32>, vector<16xi32>], vector<16xf32>,
        %swap3A_692 = arith.constant 1 : i32
        %swap3A_693 = arith.constant 1 : i32
        %swap3A_694 = arith.index_cast %swap3A_692 : i32 to index
        %swap3A_695 = arith.index_cast %add3A_651 : i32 to index
        %swap3A_696 = arith.index_cast %swap3A_693 : i32 to index
        %swap3A_697 = arith.constant 96 : index
        %swap3A_698 = tpu.vector_load %arg8[%swap3A_694, %swap3A_695, %swap3A_696, %swap3A_697] {strides = array<i32>} : memref<2x152x2x128xf32, #tpu.memory_space<vmem>>, vector<16xf32>,
        tpu.vector_store %arg8[%swap3A_694, %swap3A_695, %swap3A_696, %swap3A_697], %gather3A_691 {strides = array<i32>} : memref<2x152x2x128xf32, #tpu.memory_space<vmem>>, vector<16xf32>,
        %add3A_699 = arith.constant 48 : i32
        %add3A_700 = vector.broadcast %add3A_699 : i32 to vector<16xi32>
        %add3A_701 = arith.addi %add3A_700, %iota3A : vector<16xi32>
        %gather3A_702 = arith.constant 1 : i32
        %gather3A_703 = arith.constant 0 : i32
        %gather3A_704 = arith.constant 0 : i32
        %gather3A_705 = tpu.memref_slice %arg7[%gather3A_702, %gather3A_703, %gather3A_704] : memref<2x64x152xf32, #tpu.memory_space<vmem>> -> memref<1x64x152xf32, #tpu.memory_space<vmem>>
        %gather3A_706 = tpu.memref_squeeze %gather3A_705 : memref<1x64x152xf32, #tpu.memory_space<vmem>> -> memref<64x152xf32, #tpu.memory_space<vmem>>
        %gather3A_707 = tpu.vector_load_idx %gather3A_706[%add3A_701, %broadcast_in_dim3A] : memref<64x152xf32, #tpu.memory_space<vmem>>[vector<16xi32>, vector<16xi32>], vector<16xf32>,
        %swap3A_708 = arith.constant 1 : i32
        %swap3A_709 = arith.constant 1 : i32
        %swap3A_710 = arith.index_cast %swap3A_708 : i32 to index
        %swap3A_711 = arith.index_cast %add3A_651 : i32 to index
        %swap3A_712 = arith.index_cast %swap3A_709 : i32 to index
        %swap3A_713 = arith.constant 112 : index
        %swap3A_714 = tpu.vector_load %arg8[%swap3A_710, %swap3A_711, %swap3A_712, %swap3A_713] {strides = array<i32>} : memref<2x152x2x128xf32, #tpu.memory_space<vmem>>, vector<16xf32>,
        tpu.vector_store %arg8[%swap3A_710, %swap3A_711, %swap3A_712, %swap3A_713], %gather3A_707 {strides = array<i32>} : memref<2x152x2x128xf32, #tpu.memory_space<vmem>>, vector<16xf32>,
        %mul3A_715 = arith.constant 2 : i32
        %mul3A_716 = arith.muli %scan3A_647, %mul3A_715 : i32
        %add3A_717 = arith.constant 1 : i32
        %add3A_718 = arith.addi %mul3A_716, %add3A_717 : i32
        %broadcast_in_dim3A_719 = vector.broadcast %add3A_718 : i32 to vector<16xi32>
        %add3A_720 = arith.constant 0 : i32
        %add3A_721 = vector.broadcast %add3A_720 : i32 to vector<16xi32>
        %add3A_722 = arith.addi %add3A_721, %iota3A : vector<16xi32>
        %gather3A_723 = arith.constant 1 : i32
        %gather3A_724 = arith.constant 0 : i32
        %gather3A_725 = arith.constant 0 : i32
        %gather3A_726 = tpu.memref_slice %arg7[%gather3A_723, %gather3A_724, %gather3A_725] : memref<2x64x152xf32, #tpu.memory_space<vmem>> -> memref<1x64x152xf32, #tpu.memory_space<vmem>>
        %gather3A_727 = tpu.memref_squeeze %gather3A_726 : memref<1x64x152xf32, #tpu.memory_space<vmem>> -> memref<64x152xf32, #tpu.memory_space<vmem>>
        %gather3A_728 = tpu.vector_load_idx %gather3A_727[%add3A_722, %broadcast_in_dim3A_719] : memref<64x152xf32, #tpu.memory_space<vmem>>[vector<16xi32>, vector<16xi32>], vector<16xf32>,
        %swap3A_729 = arith.constant 1 : i32
        %swap3A_730 = arith.constant 1 : i32
        %swap3A_731 = arith.index_cast %swap3A_729 : i32 to index
        %swap3A_732 = arith.index_cast %add3A_718 : i32 to index
        %swap3A_733 = arith.index_cast %swap3A_730 : i32 to index
        %swap3A_734 = arith.constant 64 : index
        %swap3A_735 = tpu.vector_load %arg8[%swap3A_731, %swap3A_732, %swap3A_733, %swap3A_734] {strides = array<i32>} : memref<2x152x2x128xf32, #tpu.memory_space<vmem>>, vector<16xf32>,
        tpu.vector_store %arg8[%swap3A_731, %swap3A_732, %swap3A_733, %swap3A_734], %gather3A_728 {strides = array<i32>} : memref<2x152x2x128xf32, #tpu.memory_space<vmem>>, vector<16xf32>,
        %add3A_736 = arith.constant 16 : i32
        %add3A_737 = vector.broadcast %add3A_736 : i32 to vector<16xi32>
        %add3A_738 = arith.addi %add3A_737, %iota3A : vector<16xi32>
        %gather3A_739 = arith.constant 1 : i32
        %gather3A_740 = arith.constant 0 : i32
        %gather3A_741 = arith.constant 0 : i32
        %gather3A_742 = tpu.memref_slice %arg7[%gather3A_739, %gather3A_740, %gather3A_741] : memref<2x64x152xf32, #tpu.memory_space<vmem>> -> memref<1x64x152xf32, #tpu.memory_space<vmem>>
        %gather3A_743 = tpu.memref_squeeze %gather3A_742 : memref<1x64x152xf32, #tpu.memory_space<vmem>> -> memref<64x152xf32, #tpu.memory_space<vmem>>
        %gather3A_744 = tpu.vector_load_idx %gather3A_743[%add3A_738, %broadcast_in_dim3A_719] : memref<64x152xf32, #tpu.memory_space<vmem>>[vector<16xi32>, vector<16xi32>], vector<16xf32>,
        %swap3A_745 = arith.constant 1 : i32
        %swap3A_746 = arith.constant 1 : i32
        %swap3A_747 = arith.index_cast %swap3A_745 : i32 to index
        %swap3A_748 = arith.index_cast %add3A_718 : i32 to index
        %swap3A_749 = arith.index_cast %swap3A_746 : i32 to index
        %swap3A_750 = arith.constant 80 : index
        %swap3A_751 = tpu.vector_load %arg8[%swap3A_747, %swap3A_748, %swap3A_749, %swap3A_750] {strides = array<i32>} : memref<2x152x2x128xf32, #tpu.memory_space<vmem>>, vector<16xf32>,
        tpu.vector_store %arg8[%swap3A_747, %swap3A_748, %swap3A_749, %swap3A_750], %gather3A_744 {strides = array<i32>} : memref<2x152x2x128xf32, #tpu.memory_space<vmem>>, vector<16xf32>,
        %add3A_752 = arith.constant 32 : i32
        %add3A_753 = vector.broadcast %add3A_752 : i32 to vector<16xi32>
        %add3A_754 = arith.addi %add3A_753, %iota3A : vector<16xi32>
        %gather3A_755 = arith.constant 1 : i32
        %gather3A_756 = arith.constant 0 : i32
        %gather3A_757 = arith.constant 0 : i32
        %gather3A_758 = tpu.memref_slice %arg7[%gather3A_755, %gather3A_756, %gather3A_757] : memref<2x64x152xf32, #tpu.memory_space<vmem>> -> memref<1x64x152xf32, #tpu.memory_space<vmem>>
        %gather3A_759 = tpu.memref_squeeze %gather3A_758 : memref<1x64x152xf32, #tpu.memory_space<vmem>> -> memref<64x152xf32, #tpu.memory_space<vmem>>
        %gather3A_760 = tpu.vector_load_idx %gather3A_759[%add3A_754, %broadcast_in_dim3A_719] : memref<64x152xf32, #tpu.memory_space<vmem>>[vector<16xi32>, vector<16xi32>], vector<16xf32>,
        %swap3A_761 = arith.constant 1 : i32
        %swap3A_762 = arith.constant 1 : i32
        %swap3A_763 = arith.index_cast %swap3A_761 : i32 to index
        %swap3A_764 = arith.index_cast %add3A_718 : i32 to index
        %swap3A_765 = arith.index_cast %swap3A_762 : i32 to index
        %swap3A_766 = arith.constant 96 : index
        %swap3A_767 = tpu.vector_load %arg8[%swap3A_763, %swap3A_764, %swap3A_765, %swap3A_766] {strides = array<i32>} : memref<2x152x2x128xf32, #tpu.memory_space<vmem>>, vector<16xf32>,
        tpu.vector_store %arg8[%swap3A_763, %swap3A_764, %swap3A_765, %swap3A_766], %gather3A_760 {strides = array<i32>} : memref<2x152x2x128xf32, #tpu.memory_space<vmem>>, vector<16xf32>,
        %add3A_768 = arith.constant 48 : i32
        %add3A_769 = vector.broadcast %add3A_768 : i32 to vector<16xi32>
        %add3A_770 = arith.addi %add3A_769, %iota3A : vector<16xi32>
        %gather3A_771 = arith.constant 1 : i32
        %gather3A_772 = arith.constant 0 : i32
        %gather3A_773 = arith.constant 0 : i32
        %gather3A_774 = tpu.memref_slice %arg7[%gather3A_771, %gather3A_772, %gather3A_773] : memref<2x64x152xf32, #tpu.memory_space<vmem>> -> memref<1x64x152xf32, #tpu.memory_space<vmem>>
        %gather3A_775 = tpu.memref_squeeze %gather3A_774 : memref<1x64x152xf32, #tpu.memory_space<vmem>> -> memref<64x152xf32, #tpu.memory_space<vmem>>
        %gather3A_776 = tpu.vector_load_idx %gather3A_775[%add3A_770, %broadcast_in_dim3A_719] : memref<64x152xf32, #tpu.memory_space<vmem>>[vector<16xi32>, vector<16xi32>], vector<16xf32>,
        %swap3A_777 = arith.constant 1 : i32
        %swap3A_778 = arith.constant 1 : i32
        %swap3A_779 = arith.index_cast %swap3A_777 : i32 to index
        %swap3A_780 = arith.index_cast %add3A_718 : i32 to index
        %swap3A_781 = arith.index_cast %swap3A_778 : i32 to index
        %swap3A_782 = arith.constant 112 : index
        %swap3A_783 = tpu.vector_load %arg8[%swap3A_779, %swap3A_780, %swap3A_781, %swap3A_782] {strides = array<i32>} : memref<2x152x2x128xf32, #tpu.memory_space<vmem>>, vector<16xf32>,
        tpu.vector_store %arg8[%swap3A_779, %swap3A_780, %swap3A_781, %swap3A_782], %gather3A_776 {strides = array<i32>} : memref<2x152x2x128xf32, #tpu.memory_space<vmem>>, vector<16xf32>,
      }
      %scan3A_582 = arith.constant 76 : i32
      %add3A_583 = arith.constant 1 : i32
      %add3A_584 = arith.addi %scan3A_278, %add3A_583 : i32
      %mul3A_585 = arith.constant 2 : i32
      %mul3A_586 = arith.muli %scan3A_278, %mul3A_585 : i32
      %add3A_587 = arith.constant 1 : i32
      %add3A_588 = arith.addi %mul3A_586, %add3A_587 : i32
      %mul3A_589 = arith.constant 4 : i32
      %mul3A_590 = arith.muli %add3A_588, %mul3A_589 : i32
      %add3A_591 = arith.constant 3 : i32
      %add3A_592 = arith.addi %mul3A_590, %add3A_591 : i32
      %add3A_593 = arith.constant 2 : i32
      %add3A_594 = arith.addi %add3A_592, %add3A_593 : i32
      %le3A_595 = arith.constant 799 : i32
      %le3A_596 = arith.cmpi sle, %add3A_594, %le3A_595 : i32
      %convert_element_type3A_597 = arith.extui %le3A_596 : i1 to i32
      %cond3A_598 = arith.constant 0 : i32
      %cond3A_599 = arith.cmpi ne, %convert_element_type3A_597, %cond3A_598 : i32
      scf.if %cond3A_599 {
        %mul3A_647 = arith.constant 2 : i32
        %mul3A_648 = arith.muli %mul3A_647, %add3A_584 : i32
        %add3A_649 = arith.constant 0 : i32
        %add3A_650 = arith.addi %mul3A_648, %add3A_649 : i32
        %mul3A_651 = arith.constant 128 : i32
        %mul3A_652 = arith.muli %add3A, %mul3A_651 : i32
        %add3A_653 = arith.constant 64 : i32
        %add3A_654 = arith.addi %mul3A_652, %add3A_653 : i32
        %dma_wait3A_655 = arith.constant 1 : i32
        %dma_wait3A_656 = arith.constant 0 : i32
        %dma_wait3A_657 = tpu.memref_slice %arg5[%dma_wait3A_655, %dma_wait3A_656] : memref<4x64xi32, #tpu.memory_space<vmem>> -> memref<1x64xi32, #tpu.memory_space<vmem>>
        %dma_wait3A_658 = tpu.memref_squeeze %dma_wait3A_657 : memref<1x64xi32, #tpu.memory_space<vmem>> -> memref<64xi32, #tpu.memory_space<vmem>>
        %dma_wait3A_659 = tpu.memref_slice %arg2[%add3A_650, %add3A_654] : memref<200x4096xi32, #tpu.memory_space<hbm>> -> memref<1x64xi32, #tpu.memory_space<hbm>>
        %dma_wait3A_660 = tpu.memref_squeeze %dma_wait3A_659 : memref<1x64xi32, #tpu.memory_space<hbm>> -> memref<64xi32, #tpu.memory_space<hbm>>
        %dma_wait3A_661 = arith.constant 0 : i32
        %dma_wait3A_662 = tpu.memref_slice %arg5[%dma_wait3A_655, %dma_wait3A_661] : memref<4x64xi32, #tpu.memory_space<vmem>> -> memref<1x64xi32, #tpu.memory_space<vmem>>
        %dma_wait3A_663 = tpu.memref_squeeze %dma_wait3A_662 : memref<1x64xi32, #tpu.memory_space<vmem>> -> memref<64xi32, #tpu.memory_space<vmem>>
        %dma_wait3A_664 = tpu.memref_slice %arg2[%add3A_650, %add3A_654] : memref<200x4096xi32, #tpu.memory_space<hbm>> -> memref<1x64xi32, #tpu.memory_space<hbm>>
        %dma_wait3A_665 = tpu.memref_squeeze %dma_wait3A_664 : memref<1x64xi32, #tpu.memory_space<hbm>> -> memref<64xi32, #tpu.memory_space<hbm>>
        tpu.wait_dma2 semaphore(%arg10 : memref<!tpu.dma_semaphore, #tpu.memory_space<semaphore_mem>>) src(%dma_wait3A_665 : memref<64xi32, #tpu.memory_space<hbm>>) dst(%dma_wait3A_663 : memref<64xi32, #tpu.memory_space<vmem>>)
        %get3A_666 = arith.constant 1 : i32
        %get3A_667 = arith.index_cast %get3A_666 : i32 to index
        %get3A_668 = arith.constant 0 : index
        %get3A_669 = tpu.vector_load %arg5[%get3A_667, %get3A_668] {strides = array<i32>} : memref<4x64xi32, #tpu.memory_space<vmem>>, vector<16xi32>,
        %mul3A_670 = arith.constant 2 : i32
        %mul3A_671 = vector.broadcast %mul3A_670 : i32 to vector<16xi32>
        %mul3A_672 = arith.muli %get3A_669, %mul3A_671 : vector<16xi32>
        %add3A_673 = arith.constant 0 : i32
        %add3A_674 = vector.broadcast %add3A_673 : i32 to vector<16xi32>
        %add3A_675 = arith.addi %mul3A_672, %add3A_674 : vector<16xi32>
        %swap3A_676 = arith.constant 1 : i32
        %swap3A_677 = arith.index_cast %swap3A_676 : i32 to index
        %swap3A_678 = arith.constant 0 : index
        %swap3A_679 = tpu.vector_load %arg6[%swap3A_677, %swap3A_678] {strides = array<i32>} : memref<2x64xi32, #tpu.memory_space<vmem>>, vector<16xi32>,
        tpu.vector_store %arg6[%swap3A_677, %swap3A_678], %add3A_675 {strides = array<i32>} : memref<2x64xi32, #tpu.memory_space<vmem>>, vector<16xi32>,
        %get3A_680 = arith.constant 1 : i32
        %get3A_681 = arith.index_cast %get3A_680 : i32 to index
        %get3A_682 = arith.constant 16 : index
        %get3A_683 = tpu.vector_load %arg5[%get3A_681, %get3A_682] {strides = array<i32>} : memref<4x64xi32, #tpu.memory_space<vmem>>, vector<16xi32>,
        %mul3A_684 = arith.constant 2 : i32
        %mul3A_685 = vector.broadcast %mul3A_684 : i32 to vector<16xi32>
        %mul3A_686 = arith.muli %get3A_683, %mul3A_685 : vector<16xi32>
        %add3A_687 = arith.constant 0 : i32
        %add3A_688 = vector.broadcast %add3A_687 : i32 to vector<16xi32>
        %add3A_689 = arith.addi %mul3A_686, %add3A_688 : vector<16xi32>
        %swap3A_690 = arith.constant 1 : i32
        %swap3A_691 = arith.index_cast %swap3A_690 : i32 to index
        %swap3A_692 = arith.constant 16 : index
        %swap3A_693 = tpu.vector_load %arg6[%swap3A_691, %swap3A_692] {strides = array<i32>} : memref<2x64xi32, #tpu.memory_space<vmem>>, vector<16xi32>,
        tpu.vector_store %arg6[%swap3A_691, %swap3A_692], %add3A_689 {strides = array<i32>} : memref<2x64xi32, #tpu.memory_space<vmem>>, vector<16xi32>,
        %get3A_694 = arith.constant 1 : i32
        %get3A_695 = arith.index_cast %get3A_694 : i32 to index
        %get3A_696 = arith.constant 32 : index
        %get3A_697 = tpu.vector_load %arg5[%get3A_695, %get3A_696] {strides = array<i32>} : memref<4x64xi32, #tpu.memory_space<vmem>>, vector<16xi32>,
        %mul3A_698 = arith.constant 2 : i32
        %mul3A_699 = vector.broadcast %mul3A_698 : i32 to vector<16xi32>
        %mul3A_700 = arith.muli %get3A_697, %mul3A_699 : vector<16xi32>
        %add3A_701 = arith.constant 0 : i32
        %add3A_702 = vector.broadcast %add3A_701 : i32 to vector<16xi32>
        %add3A_703 = arith.addi %mul3A_700, %add3A_702 : vector<16xi32>
        %swap3A_704 = arith.constant 1 : i32
        %swap3A_705 = arith.index_cast %swap3A_704 : i32 to index
        %swap3A_706 = arith.constant 32 : index
        %swap3A_707 = tpu.vector_load %arg6[%swap3A_705, %swap3A_706] {strides = array<i32>} : memref<2x64xi32, #tpu.memory_space<vmem>>, vector<16xi32>,
        tpu.vector_store %arg6[%swap3A_705, %swap3A_706], %add3A_703 {strides = array<i32>} : memref<2x64xi32, #tpu.memory_space<vmem>>, vector<16xi32>,
        %get3A_708 = arith.constant 1 : i32
        %get3A_709 = arith.index_cast %get3A_708 : i32 to index
        %get3A_710 = arith.constant 48 : index
        %get3A_711 = tpu.vector_load %arg5[%get3A_709, %get3A_710] {strides = array<i32>} : memref<4x64xi32, #tpu.memory_space<vmem>>, vector<16xi32>,
        %mul3A_712 = arith.constant 2 : i32
        %mul3A_713 = vector.broadcast %mul3A_712 : i32 to vector<16xi32>
        %mul3A_714 = arith.muli %get3A_711, %mul3A_713 : vector<16xi32>
        %add3A_715 = arith.constant 0 : i32
        %add3A_716 = vector.broadcast %add3A_715 : i32 to vector<16xi32>
        %add3A_717 = arith.addi %mul3A_714, %add3A_716 : vector<16xi32>
        %swap3A_718 = arith.constant 1 : i32
        %swap3A_719 = arith.index_cast %swap3A_718 : i32 to index
        %swap3A_720 = arith.constant 48 : index
        %swap3A_721 = tpu.vector_load %arg6[%swap3A_719, %swap3A_720] {strides = array<i32>} : memref<2x64xi32, #tpu.memory_space<vmem>>, vector<16xi32>,
        tpu.vector_store %arg6[%swap3A_719, %swap3A_720], %add3A_717 {strides = array<i32>} : memref<2x64xi32, #tpu.memory_space<vmem>>, vector<16xi32>,
        %dma_start3A_722 = arith.constant 1 : i32
        %dma_start3A_723 = arith.constant 1 : i32
        %dma_start3A_724 = arith.constant 0 : i32
        %dma_start3A_725 = arith.constant 0 : i32
        %dma_start3A_726 = tpu.memref_slice %arg7[%dma_start3A_723, %dma_start3A_724, %dma_start3A_725] : memref<2x64x152xf32, #tpu.memory_space<vmem>> -> memref<1x64x152xf32, #tpu.memory_space<vmem>>
        %dma_start3A_727 = tpu.memref_squeeze %dma_start3A_726 : memref<1x64x152xf32, #tpu.memory_space<vmem>> -> memref<64x152xf32, #tpu.memory_space<vmem>>
        %dma_start3A_728 = arith.constant 0 : i32
        %dma_start3A_729 = tpu.memref_slice %arg6[%dma_start3A_722, %dma_start3A_728] : memref<2x64xi32, #tpu.memory_space<vmem>> -> memref<1x64xi32, #tpu.memory_space<vmem>>
        %dma_start3A_730 = tpu.memref_squeeze %dma_start3A_729 : memref<1x64xi32, #tpu.memory_space<vmem>> -> memref<64xi32, #tpu.memory_space<vmem>>
        %dma_start3A_731 = arith.constant 0 : i32
        %dma_start3A_732 = arith.constant 0 : i32
        %dma_start3A_733 = tpu.memref_slice %arg3[%dma_start3A_731, %dma_start3A_732] : memref<600000x152xf32, #tpu.memory_space<hbm>> -> memref<600000x152xf32, #tpu.memory_space<hbm>>
        tpu.enqueue_indirect_dma source(%dma_start3A_733 : memref<600000x152xf32, #tpu.memory_space<hbm>>) target(%dma_start3A_727 : memref<64x152xf32, #tpu.memory_space<vmem>>) offsets(%dma_start3A_730 : memref<64xi32, #tpu.memory_space<vmem>>) semaphore(%arg12 : memref<!tpu.dma_semaphore, #tpu.memory_space<semaphore_mem>>)
        %add3A_734 = arith.constant 1 : i32
        %add3A_735 = arith.addi %scan3A_278, %add3A_734 : i32
        %mul3A_736 = arith.constant 2 : i32
        %mul3A_737 = arith.muli %scan3A_278, %mul3A_736 : i32
        %add3A_738 = arith.constant 1 : i32
        %add3A_739 = arith.addi %mul3A_737, %add3A_738 : i32
        %mul3A_740 = arith.constant 4 : i32
        %mul3A_741 = arith.muli %add3A_739, %mul3A_740 : i32
        %add3A_742 = arith.constant 3 : i32
        %add3A_743 = arith.addi %mul3A_741, %add3A_742 : i32
        %add3A_744 = arith.constant 4 : i32
        %add3A_745 = arith.addi %add3A_743, %add3A_744 : i32
        %le3A_746 = arith.constant 799 : i32
        %le3A_747 = arith.cmpi sle, %add3A_745, %le3A_746 : i32
        %convert_element_type3A_748 = arith.extui %le3A_747 : i1 to i32
        %cond3A_749 = arith.constant 0 : i32
        %cond3A_750 = arith.cmpi ne, %convert_element_type3A_748, %cond3A_749 : i32
        scf.if %cond3A_750 {
          %mul3A_751 = arith.constant 2 : i32
          %mul3A_752 = arith.muli %mul3A_751, %add3A_735 : i32
          %add3A_753 = arith.constant 1 : i32
          %add3A_754 = arith.addi %mul3A_752, %add3A_753 : i32
          %mul3A_755 = arith.constant 128 : i32
          %mul3A_756 = arith.muli %add3A, %mul3A_755 : i32
          %add3A_757 = arith.constant 64 : i32
          %add3A_758 = arith.addi %mul3A_756, %add3A_757 : i32
          %dma_start3A_759 = arith.constant 3 : i32
          %dma_start3A_760 = arith.constant 0 : i32
          %dma_start3A_761 = tpu.memref_slice %arg5[%dma_start3A_759, %dma_start3A_760] : memref<4x64xi32, #tpu.memory_space<vmem>> -> memref<1x64xi32, #tpu.memory_space<vmem>>
          %dma_start3A_762 = tpu.memref_squeeze %dma_start3A_761 : memref<1x64xi32, #tpu.memory_space<vmem>> -> memref<64xi32, #tpu.memory_space<vmem>>
          %dma_start3A_763 = tpu.memref_slice %arg2[%add3A_754, %add3A_758] : memref<200x4096xi32, #tpu.memory_space<hbm>> -> memref<1x64xi32, #tpu.memory_space<hbm>>
          %dma_start3A_764 = tpu.memref_squeeze %dma_start3A_763 : memref<1x64xi32, #tpu.memory_space<hbm>> -> memref<64xi32, #tpu.memory_space<hbm>>
          %dma_start3A_765 = arith.constant 0 : i32
          %dma_start3A_766 = tpu.memref_slice %arg5[%dma_start3A_759, %dma_start3A_765] : memref<4x64xi32, #tpu.memory_space<vmem>> -> memref<1x64xi32, #tpu.memory_space<vmem>>
          %dma_start3A_767 = tpu.memref_squeeze %dma_start3A_766 : memref<1x64xi32, #tpu.memory_space<vmem>> -> memref<64xi32, #tpu.memory_space<vmem>>
          %dma_start3A_768 = tpu.memref_slice %arg2[%add3A_754, %add3A_758] : memref<200x4096xi32, #tpu.memory_space<hbm>> -> memref<1x64xi32, #tpu.memory_space<hbm>>
          %dma_start3A_769 = tpu.memref_squeeze %dma_start3A_768 : memref<1x64xi32, #tpu.memory_space<hbm>> -> memref<64xi32, #tpu.memory_space<hbm>>
          tpu.enqueue_dma source(%dma_start3A_769 : memref<64xi32, #tpu.memory_space<hbm>>) target(%dma_start3A_767 : memref<64xi32, #tpu.memory_space<vmem>>) target_semaphore(%arg10 : memref<!tpu.dma_semaphore, #tpu.memory_space<semaphore_mem>>)
        } else {
        }
      } else {
      }
      %jit3A_600 = arith.constant 4 : i32
      %div3A_601 = arith.divsi %scan3A_278, %jit3A_600 : i32
      %sign3A_602 = arith.constant 0 : i32
      %sign3A_603 = arith.cmpi sgt, %scan3A_278, %sign3A_602 : i32
      %sign3A_604 = arith.extui %sign3A_603 : i1 to i32
      %sign3A_605 = arith.constant 0 : i32
      %sign3A_606 = arith.cmpi slt, %scan3A_278, %sign3A_605 : i32
      %sign3A_607 = arith.extui %sign3A_606 : i1 to i32
      %sign3A_608 = arith.subi %sign3A_604, %sign3A_607 : i32
      %sign3A_609 = arith.constant 0 : i32
      %sign3A_610 = arith.cmpi sgt, %jit3A_600, %sign3A_609 : i32
      %sign3A_611 = arith.extui %sign3A_610 : i1 to i32
      %sign3A_612 = arith.constant 0 : i32
      %sign3A_613 = arith.cmpi slt, %jit3A_600, %sign3A_612 : i32
      %sign3A_614 = arith.extui %sign3A_613 : i1 to i32
      %sign3A_615 = arith.subi %sign3A_611, %sign3A_614 : i32
      %ne3A_616 = arith.cmpi ne, %sign3A_608, %sign3A_615 : i32
      %rem3A_617 = arith.remsi %scan3A_278, %jit3A_600 : i32
      %ne3A_618 = arith.constant 0 : i32
      %ne3A_619 = arith.cmpi ne, %rem3A_617, %ne3A_618 : i32
      %and3A_620 = arith.andi %ne3A_616, %ne3A_619 : i1
      %sub3A_621 = arith.constant 1 : i32
      %sub3A_622 = arith.subi %div3A_601, %sub3A_621 : i32
      %select_n3A_623 = arith.select %and3A_620, %sub3A_622, %div3A_601 : i32
      %rem3A_624 = arith.constant 4 : i32
      %rem3A_625 = arith.remsi %scan3A_278, %rem3A_624 : i32
      %mul3A_626 = arith.constant 2 : i32
      %mul3A_627 = arith.muli %mul3A_626, %rem3A_625 : i32
      %dma_start3A_628 = arith.constant 1 : i32
      %dma_start3A_629 = arith.constant 0 : i32
      %dma_start3A_630 = arith.constant 0 : i32
      %dma_start3A_631 = arith.constant 0 : i32
      %dma_start3A_632 = tpu.memref_slice %arg8[%dma_start3A_628, %dma_start3A_629, %dma_start3A_630, %dma_start3A_631] : memref<2x152x2x128xf32, #tpu.memory_space<vmem>> -> memref<1x148x2x128xf32, #tpu.memory_space<vmem>>
      %dma_start3A_633 = tpu.memref_squeeze %dma_start3A_632 : memref<1x148x2x128xf32, #tpu.memory_space<vmem>> -> memref<148x2x128xf32, #tpu.memory_space<vmem>>
      %dma_start3A_634 = arith.constant 152 : i32
      %dma_start3A_635 = arith.constant 0 : i32
      %dma_start3A_636 = tpu.memref_slice %arg4[%dma_start3A_634, %select_n3A_623, %add3A, %mul3A_627, %dma_start3A_635] : memref<300x25x32x8x128xf32, #tpu.memory_space<hbm>> -> memref<148x1x1x2x128xf32, #tpu.memory_space<hbm>>
      %dma_start3A_637 = tpu.memref_squeeze %dma_start3A_636 : memref<148x1x1x2x128xf32, #tpu.memory_space<hbm>> -> memref<148x2x128xf32, #tpu.memory_space<hbm>>
      %dma_start3A_638 = arith.constant 152 : i32
      %dma_start3A_639 = arith.constant 0 : i32
      %dma_start3A_640 = tpu.memref_slice %arg4[%dma_start3A_638, %select_n3A_623, %add3A, %mul3A_627, %dma_start3A_639] : memref<300x25x32x8x128xf32, #tpu.memory_space<hbm>> -> memref<148x1x1x2x128xf32, #tpu.memory_space<hbm>>
      %dma_start3A_641 = tpu.memref_squeeze %dma_start3A_640 : memref<148x1x1x2x128xf32, #tpu.memory_space<hbm>> -> memref<148x2x128xf32, #tpu.memory_space<hbm>>
      %dma_start3A_642 = arith.constant 0 : i32
      %dma_start3A_643 = arith.constant 0 : i32
      %dma_start3A_644 = arith.constant 0 : i32
      %dma_start3A_645 = tpu.memref_slice %arg8[%dma_start3A_628, %dma_start3A_642, %dma_start3A_643, %dma_start3A_644] : memref<2x152x2x128xf32, #tpu.memory_space<vmem>> -> memref<1x148x2x128xf32, #tpu.memory_space<vmem>>
      %dma_start3A_646 = tpu.memref_squeeze %dma_start3A_645 : memref<1x148x2x128xf32, #tpu.memory_space<vmem>> -> memref<148x2x128xf32, #tpu.memory_space<vmem>>
      tpu.enqueue_dma source(%dma_start3A_646 : memref<148x2x128xf32, #tpu.memory_space<vmem>>) target(%dma_start3A_641 : memref<148x2x128xf32, #tpu.memory_space<hbm>>) target_semaphore(%arg14 : memref<!tpu.dma_semaphore, #tpu.memory_space<semaphore_mem>>)
    }
    %scan3A_233 = arith.constant 100 : i32
    %dma_wait3A_234 = arith.constant 0 : i32
    %dma_wait3A_235 = arith.constant 24 : i32
    %dma_wait3A_236 = arith.constant 0 : i32
    %dma_wait3A_237 = arith.constant 0 : i32
    %dma_wait3A_238 = arith.constant 0 : i32
    %dma_wait3A_239 = tpu.memref_slice %arg8[%dma_wait3A_234, %dma_wait3A_236, %dma_wait3A_237, %dma_wait3A_238] : memref<2x152x2x128xf32, #tpu.memory_space<vmem>> -> memref<1x152x2x128xf32, #tpu.memory_space<vmem>>
    %dma_wait3A_240 = tpu.memref_squeeze %dma_wait3A_239 : memref<1x152x2x128xf32, #tpu.memory_space<vmem>> -> memref<152x2x128xf32, #tpu.memory_space<vmem>>
    %dma_wait3A_241 = arith.constant 0 : i32
    %dma_wait3A_242 = arith.constant 6 : i32
    %dma_wait3A_243 = arith.constant 0 : i32
    %dma_wait3A_244 = tpu.memref_slice %arg4[%dma_wait3A_241, %dma_wait3A_235, %add3A, %dma_wait3A_242, %dma_wait3A_243] : memref<300x25x32x8x128xf32, #tpu.memory_space<hbm>> -> memref<152x1x1x2x128xf32, #tpu.memory_space<hbm>>
    %dma_wait3A_245 = tpu.memref_squeeze %dma_wait3A_244 : memref<152x1x1x2x128xf32, #tpu.memory_space<hbm>> -> memref<152x2x128xf32, #tpu.memory_space<hbm>>
    %dma_wait3A_246 = arith.constant 0 : i32
    %dma_wait3A_247 = arith.constant 6 : i32
    %dma_wait3A_248 = arith.constant 0 : i32
    %dma_wait3A_249 = tpu.memref_slice %arg4[%dma_wait3A_246, %dma_wait3A_235, %add3A, %dma_wait3A_247, %dma_wait3A_248] : memref<300x25x32x8x128xf32, #tpu.memory_space<hbm>> -> memref<152x1x1x2x128xf32, #tpu.memory_space<hbm>>
    %dma_wait3A_250 = tpu.memref_squeeze %dma_wait3A_249 : memref<152x1x1x2x128xf32, #tpu.memory_space<hbm>> -> memref<152x2x128xf32, #tpu.memory_space<hbm>>
    %dma_wait3A_251 = arith.constant 0 : i32
    %dma_wait3A_252 = arith.constant 0 : i32
    %dma_wait3A_253 = arith.constant 0 : i32
    %dma_wait3A_254 = tpu.memref_slice %arg8[%dma_wait3A_234, %dma_wait3A_251, %dma_wait3A_252, %dma_wait3A_253] : memref<2x152x2x128xf32, #tpu.memory_space<vmem>> -> memref<1x152x2x128xf32, #tpu.memory_space<vmem>>
    %dma_wait3A_255 = tpu.memref_squeeze %dma_wait3A_254 : memref<1x152x2x128xf32, #tpu.memory_space<vmem>> -> memref<152x2x128xf32, #tpu.memory_space<vmem>>
    tpu.wait_dma2 semaphore(%arg13 : memref<!tpu.dma_semaphore, #tpu.memory_space<semaphore_mem>>) src(%dma_wait3A_255 : memref<152x2x128xf32, #tpu.memory_space<vmem>>) dst(%dma_wait3A_250 : memref<152x2x128xf32, #tpu.memory_space<hbm>>)
    %dma_wait3A_256 = arith.constant 1 : i32
    %dma_wait3A_257 = arith.constant 24 : i32
    %dma_wait3A_258 = arith.constant 0 : i32
    %dma_wait3A_259 = arith.constant 0 : i32
    %dma_wait3A_260 = arith.constant 0 : i32
    %dma_wait3A_261 = tpu.memref_slice %arg8[%dma_wait3A_256, %dma_wait3A_258, %dma_wait3A_259, %dma_wait3A_260] : memref<2x152x2x128xf32, #tpu.memory_space<vmem>> -> memref<1x148x2x128xf32, #tpu.memory_space<vmem>>
    %dma_wait3A_262 = tpu.memref_squeeze %dma_wait3A_261 : memref<1x148x2x128xf32, #tpu.memory_space<vmem>> -> memref<148x2x128xf32, #tpu.memory_space<vmem>>
    %dma_wait3A_263 = arith.constant 152 : i32
    %dma_wait3A_264 = arith.constant 6 : i32
    %dma_wait3A_265 = arith.constant 0 : i32
    %dma_wait3A_266 = tpu.memref_slice %arg4[%dma_wait3A_263, %dma_wait3A_257, %add3A, %dma_wait3A_264, %dma_wait3A_265] : memref<300x25x32x8x128xf32, #tpu.memory_space<hbm>> -> memref<148x1x1x2x128xf32, #tpu.memory_space<hbm>>
    %dma_wait3A_267 = tpu.memref_squeeze %dma_wait3A_266 : memref<148x1x1x2x128xf32, #tpu.memory_space<hbm>> -> memref<148x2x128xf32, #tpu.memory_space<hbm>>
    %dma_wait3A_268 = arith.constant 152 : i32
    %dma_wait3A_269 = arith.constant 6 : i32
    %dma_wait3A_270 = arith.constant 0 : i32
    %dma_wait3A_271 = tpu.memref_slice %arg4[%dma_wait3A_268, %dma_wait3A_257, %add3A, %dma_wait3A_269, %dma_wait3A_270] : memref<300x25x32x8x128xf32, #tpu.memory_space<hbm>> -> memref<148x1x1x2x128xf32, #tpu.memory_space<hbm>>
    %dma_wait3A_272 = tpu.memref_squeeze %dma_wait3A_271 : memref<148x1x1x2x128xf32, #tpu.memory_space<hbm>> -> memref<148x2x128xf32, #tpu.memory_space<hbm>>
    %dma_wait3A_273 = arith.constant 0 : i32
    %dma_wait3A_274 = arith.constant 0 : i32
    %dma_wait3A_275 = arith.constant 0 : i32
    %dma_wait3A_276 = tpu.memref_slice %arg8[%dma_wait3A_256, %dma_wait3A_273, %dma_wait3A_274, %dma_wait3A_275] : memref<2x152x2x128xf32, #tpu.memory_space<vmem>> -> memref<1x148x2x128xf32, #tpu.memory_space<vmem>>
    %dma_wait3A_277 = tpu.memref_squeeze %dma_wait3A_276 : memref<1x148x2x128xf32, #tpu.memory_space<vmem>> -> memref<148x2x128xf32, #tpu.memory_space<vmem>>
    tpu.wait_dma2 semaphore(%arg14 : memref<!tpu.dma_semaphore, #tpu.memory_space<semaphore_mem>>) src(%dma_wait3A_277 : memref<148x2x128xf32, #tpu.memory_space<vmem>>) dst(%dma_wait3A_272 : memref<148x2x128xf32, #tpu.memory_space<hbm>>)
    return
  }
}

</mosaic_0001>

<sc_bundles>
// kernel: kernel.3.cloned.1.call-start
scs
__scs_entry_jumppad:
0x0: {  	(pc) =	sbr.rel $0x88, $3  }
0x1: {  	(tag) =	ssettag $0x0;
	lr =	simm.s32 $0x1  }
0x2: {  	[smem:$0x3F9F] =	sst lr;
	_ =	strace $0xD0000000  }
0x3: {  	_ = 	snop  }
0x4: {  	_ = 	snop  }
0x5: {  	_ = 	snop  }
0x6: {  	_ = 	snop  }
0x7: {  	_ = 	snop  }
__scs_overlays_trampoline_lowered:
0x8: {  	[smem:$0x3FAE] =	sst s0  }
0x9: {  	[smem:$0x3FAF] =	sst s1  }
0xa: {  	[smem:$0x3FB0] =	sst s2  }
0xb: {  	[smem:$0x3FB1] =	sst s3  }
0xc: {  	[smem:$0x3FB2] =	sst s4  }
0xd: {  	[smem:$0x3FB3] =	sst s5  }
0xe: {  	[smem:$0x3FB4] =	sst s6  }
0xf: {  	[smem:$0x3FB5] =	sst s7  }
0x10: {  	[smem:$0x3FB6] =	sst s8  }
0x11: {  	[smem:$0x3FB7] =	sst s9;
	s0 =	simm.s32 @!p0 $0x0  }
0x12: {  	s1 =	sld [smem:$0x3F9D];
	s0 =	simm.s32 @p0 $0x1  }
0x13: {  	[smem:$0x3FB8] =	sst s0;
	s0 =	simm.s32 @!p1 $0x0  }
0x14: {  	s2 =	sld [smem:$0x3F9C];
	s0 =	simm.s32 @p1 $0x1  }
0x15: {  	[smem:$0x3FB9] =	sst s0;
	s0 =	simm.s32 @!p2 $0x0  }
0x16: {  	s3 =	sld [smem:$0x3FDB];
	s0 =	simm.s32 @p2 $0x1  }
0x17: {  	s4 =	simm.s32 $0x1BF5;
	[smem:$0x3FBB] =	sst s0  }
0x18: {  	s0 =	sld [smem:$0x3F9E];
	_ =	swait.ge [sflag:s4], $0x0  }
0x19: {  	s7 =	sld [smem:$0x3F9F]  }
0x1a: {  	s8 =	sadd.s32 $0xFFFFE003, lr  }
0x1b: {  	s9 =	sadd.s32 $0xFFFFFEF7, lr;
	s5 =	simm.s32 $0xFFFFFFFF;
	p2 =	slt.u32 s8, $0xFFFFF086  }
0x1c: {  	p1 =	slt.u32 s9, $0xF7A;
	s5 =	simm.s32 @!p2 $0x0  }
0x1d: {  	s5 =	simm.s32 @p1 $0x1;
	p0 =	seq.s32 s7, s2  }
0x1e: {  	s7 =	smul.u32 @!p0 $0xF7A, s2;
	p2 =	seq.s32 @!p0 s5, $0x0  }
0x1f: {  	s9 =	smul.u32 $0xF7A, s1;
	s8 =	simm.s32 @!p0 $0x1BF5;
	p2 =	por !p2, p0  }
0x20: {  	[sflag:s8] =	ssyncset.s32 @!p0 $0xFFFFF086;
	s6 =	sadd.s32 @!p0 s3, s7;
	s7 =	simm.s32 @!p0 $0x108  }
0x21: {  	s3 =	sadd.s32 s3, s9;
	s6 =	sadd.s32 @!p0 $0x88, s6;
	s7 =	simm.s32 @p2 $0x1082  }
0x22: {  	[simem:s7], [sflag:s8] =	dma.local @!p0 [hbm:s6], $0xF7A  }
0x23: {  	s9 =	sor.u32 $0xD0000000, s2;
	s6 =	simm.s32 $0x108;
	_ =	swait.ge @!p0 [sflag:s8], $0x0  }
0x24: {  	s3 =	sadd.s32 $0x88, s3;
	s6 =	simm.s32 @!p1 $0x1082;
	[sflag:s4] =	ssyncset.s32 $0xFFFFF086  }
0x25: {  	[simem:s6], [sflag:s4] =	dma.local [hbm:s3], $0xF7A  }
0x26: {  	[smem:$0x3F9F] =	sst s1;
	(tag) =	ssettag s2;
	_ =	strace s9  }
0x27: {  	s1 =	sld [smem:$0x3FAF]  }
0x28: {  	s2 =	sld [smem:$0x3FB0]  }
0x29: {  	s4 =	sld [smem:$0x3FB2]  }
0x2a: {  	p0 =	seq.s32 s5, $0x0;
	s5 =	sld [smem:$0x3FB3]  }
0x2b: {  	s6 =	sld [smem:$0x3FB4]  }
0x2c: {  	s7 =	sld [smem:$0x3FB5]  }
0x2d: {  	s3 =	simm.s32 $0x108;
	s8 =	sld [smem:$0x3FB6]  }
0x2e: {  	s3 =	simm.s32 @!p0 $0x1082;
	s9 =	sld [smem:$0x3FB7]  }
0x2f: {  	lr =	sadd.s32 s0, s3;
	s0 =	sld [smem:$0x3FAE]  }
0x30: {  	s3 =	sld [smem:$0x3FB1]  }
0x31: {  	[smem:$0x3FBA] =	sst s10  }
0x32: {  	s10 =	sld [smem:$0x3FB8];
	_ =	sdelay $0x3  }
0x33: {  	p0 =	seq.s32 s10, $0x1;
	s10 =	sld [smem:$0x3FBA];
	_ =	sdelay $0x3  }
0x34: {  	[smem:$0x3FBA] =	sst s10  }
0x35: {  	s10 =	sld [smem:$0x3FB9];
	_ =	sdelay $0x3  }
0x36: {  	p1 =	seq.s32 s10, $0x1;
	s10 =	sld [smem:$0x3FBA];
	_ =	sdelay $0x3  }
0x37: {  	[smem:$0x3FBA] =	sst s10  }
0x38: {  	s10 =	sld [smem:$0x3FBB]  }
0x39: {  	_ = 	snop;
	(pc) =	sbr.ind lr, $3  }
0x3a: {  	_ = 	snop  }
0x3b: {  	_ = 	snop  }
0x3c: {  	p2 =	seq.s32 s10, $0x1;
	s10 =	sld [smem:$0x3FBA]  }
0x3d: {  	_ =	shalt  }
0x3e: {  	_ =	shalt  }
0x3f: {  	_ =	shalt  }
0x40: {  	_ =	shalt  }
0x41: {  	_ =	shalt  }
0x42: {  	_ =	shalt  }
0x43: {  	_ =	shalt  }
0x44: {  	_ =	shalt  }
0x45: {  	_ =	shalt  }
0x46: {  	_ =	shalt  }
0x47: {  	_ =	shalt  }
0x48: {  	_ =	shalt  }
0x49: {  	_ =	shalt  }
0x4a: {  	_ =	shalt  }
0x4b: {  	_ =	shalt  }
0x4c: {  	_ =	shalt  }
0x4d: {  	_ =	shalt  }
0x4e: {  	_ =	shalt  }
0x4f: {  	_ =	shalt  }
0x50: {  	_ =	shalt  }
0x51: {  	_ =	shalt  }
0x52: {  	_ =	shalt  }
0x53: {  	_ =	shalt  }
0x54: {  	_ =	shalt  }
0x55: {  	_ =	shalt  }
0x56: {  	_ =	shalt  }
0x57: {  	_ =	shalt  }
0x58: {  	_ =	shalt  }
0x59: {  	_ =	shalt  }
0x5a: {  	_ =	shalt  }
0x5b: {  	_ =	shalt  }
0x5c: {  	_ =	shalt  }
0x5d: {  	_ =	shalt  }
0x5e: {  	_ =	shalt  }
0x5f: {  	_ =	shalt  }
0x60: {  	_ =	shalt  }
0x61: {  	_ =	shalt  }
0x62: {  	_ =	shalt  }
0x63: {  	_ =	shalt  }
0x64: {  	_ =	shalt  }
0x65: {  	_ =	shalt  }
0x66: {  	_ =	shalt  }
0x67: {  	_ =	shalt  }
0x68: {  	_ =	shalt  }
0x69: {  	_ =	shalt  }
0x6a: {  	_ =	shalt  }
0x6b: {  	_ =	shalt  }
0x6c: {  	_ =	shalt  }
0x6d: {  	_ =	shalt  }
0x6e: {  	_ =	shalt  }
0x6f: {  	_ =	shalt  }
0x70: {  	_ =	shalt  }
0x71: {  	_ =	shalt  }
0x72: {  	_ =	shalt  }
0x73: {  	_ =	shalt  }
0x74: {  	_ =	shalt  }
0x75: {  	_ =	shalt  }
0x76: {  	_ =	shalt  }
0x77: {  	_ =	shalt  }
0x78: {  	_ =	shalt  }
0x79: {  	_ =	shalt  }
0x7a: {  	_ =	shalt  }
0x7b: {  	_ =	shalt  }
0x7c: {  	_ =	shalt  }
0x7d: {  	_ =	shalt  }
0x7e: {  	_ =	shalt  }
0x7f: {  	_ =	shalt  }
0x80: {  	_ =	shalt  }
0x81: {  	_ =	shalt  }
0x82: {  	_ =	shalt  }
0x83: {  	_ =	shalt  }
0x84: {  	_ =	shalt  }
0x85: {  	_ =	shalt  }
0x86: {  	_ =	shalt  }
0x87: {  	_ =	shalt  }
.Lfunc_end0:
.L_simem_size_0:
called_computation.1_lowered:
.L_overlay_start_0:
0x88: {  	s2 =	sld [smem:$0x3FD9]  }
0x89: {  	s3 =	sld [smem:$0x3FFE];
	_ =	sdelay $0x1  }
0x8a: {  	s1 =	srdreg.scid  }
0x8b: {  	s0 =	sand.u32 $0x1, s1  }
0x8c: {  	s17 =	sshll.u32 s0, $0xA;
	s2 =	sadd.s32 s3, s2  }
0x8d: {  	s2 =	sadd.s32 s2, s17  }
0x8e: {  	[smem:$0x3FC6] =	sst s2  }
0x8f: {  	_ = 	snop  }
0x90: {  	s2 =	sld [smem:$0x3FD0];
	(tm) =	ssettm $0x1  }
0x91: {  	s18 =	sld [smem:$0x3FFB];
	_ =	sdelay $0x3  }
0x92: {  	_ =	strace s18  }
0x93: {  	s3 =	sld [smem:$0x3FFC];
	_ =	sdelay $0x3  }
0x94: {  	_ =	strace s3  }
0x95: {  	s3 =	sld [smem:$0x3FFD];
	_ =	sdelay $0x3  }
0x96: {  	_ =	strace s3  }
0x97: {  	_ =	strace $0x8FFFFFFF  }
0x98: {  	s19 =	sld [smem:$0x3FDB];
	_ =	sdelay $0x1  }
0x99: {  	s4 =	simm.s32 $_scs_section_size  }
0x9a: {  	s5 =	simm.s32 $_size__tile_overlayer_lowered;
	s6 =	simm.s32 $_tile_overlayer_lowered  }
0x9b: {  	s22 =	simm.s32 $0x1BFF;
	s21 =	sshll.u32 s6, $0x1;
	s3 =	sadd.s32 s4, s19  }
0x9c: {  	s7 =	simm.s32 $0x0;
	s20 =	sshll.u32 s5, $0x1;
	s5 =	sadd.s32 s21, s3  }
0x9d: {  	[timem:s7], [sflag:s22] =	dma.local [hbm:s5], s20  }
0x9e: {  	_ =	swait.ge [sflag:s22], s20  }
0x9f: {  	s4 =	ssub.s32 $0x0, s20;
	[sflag:s22] =	ssyncset.done $0x0  }
0xa0: {  	[sflag:s22] =	ssyncadd.s32 s4;
	_ =	sdelay $0x1  }
0xa1: {  	s23 =	simm.s32 $0x1B8B  }
0xa2: {  	_ =	swait.ge [sflag:s23], $0x1  }
0xa3: {  	[sflag:s23] =	ssyncset.done $0x0  }
0xa4: {  	s25 =	simm.s32 $0x1B8E;
	s24 =	sld [smem:$0x3FFE];
	[sflag:s23] =	ssyncadd.s32 $0xFFFFFFFF  }
0xa5: {  	s26 =	simm.s32 $execute0_lowered;
	[smem:$0x3FD2] =	sst s25  }
0xa6: {  	s5 =	sshll.u32 s26, $0x1;
	_ =	strace $0x80000049;
	[dreg:$0x1] =	wrdreg $0xFFFFFFFF  }
0xa7: {  	s28 =	simm.s32 $_size_execute0_lowered;
	s3 =	sadd.s32 s3, s5;
	[dreg:$0x0] =	wrdreg $0x0  }
0xa8: {  	s5 =	sshll.u32 s28, $0x1;
	[dreg:$0x2] =	wrdreg s3  }
0xa9: {  	[dreg:$0x3] =	wrdreg s5  }
0xaa: {  	[dreg:$0x4] =	wrdreg $0xC0  }
0xab: {  	_ =	task [dreg:s7], $0x5FFFF  }
0xac: {  	[dreg:$0x1] =	wrdreg $0xFFFFFFFF  }
0xad: {  	[dreg:$0x0] =	wrdreg $0x60  }
0xae: {  	[dreg:$0x2] =	wrdreg s24  }
0xaf: {  	[dreg:$0x3] =	wrdreg s2  }
0xb0: {  	[dreg:$0x4] =	wrdreg $0x9  }
0xb1: {  	_ =	task.clear_ibuf [dreg:s7], $0x5FFFF;
	_ =	strace $0x90000049  }
0xb2: {  	s29 =	simm.s32 $0x9;
	_ =	strace $0x8000004B  }
0xb3: {  	_ =	swait.ge [sflag:s29], $0x1  }
0xb4: {  	[sflag:s29] =	ssyncadd.s32 $0xFFFFFFFF  }
0xb5: {  	_ =	strace $0x9000004B  }
0xb6: {  	_ =	sfence  }
0xb7: {  	s30 =	sld [smem:$0x0];
	_ =	sdelay $0x2  }
0xb8: {  	s31 =	sshll.u32 s1, $0xD;
	s1 =	sshrl.u32 s1, $0x2  }
0xb9: {  	s3 =	sand.u32 $0x4000, s31;
	s1 =	sadd.s32 s1, s30  }
0xba: {  	s0 =	sor.u32 s3, s0;
	s1 =	sshll.u32 s1, $0x11  }
0xbb: {  	s0 =	sor.u32 s1, s0  }
0xbc: {  	s0 =	sadd.s32 $0x8F2B, s0  }
0xbd: {  	[sflag:s0] =	ssyncadd.remote.s32 $0x1  }
0xbe: {  	_ =	sfence.sel $0xFFFF  }
0xbf: {  	[dreg:$0x0] =	wrdreg $0xFFFFFFFF;
	(pc) =	sbr.abs _section_cstart, $3  }
0xc0: {  	[dreg:$0x1] =	wrdreg $0xFFFFFFFF  }
0xc1: {  	_ =	task.clear_ibuf [dreg:s7], $0x2FFFF;
	_ =	strace $0x9FFFFFFF  }
0xc2: {  	(tm) =	ssettm $0x7FFFFFFF  }
0xc3: {  	_ =	shalt  }
tec
execute0_lowered:
.L_overlay_start_1:
0x0: {  	(tag) =	ssettag $0x1  }
0x1: {  	s0 =	rddreg [dreg:$0x0];
	s3 =	simm.s32 $0x0  }
0x2: {  	s1 =	srdreg.scid;
	s2 =	stileid.u32;
	s17 =	simm.s32 $0x40  }
0x3: {  	s18 =	simm.s32 $0x80;
	s19 =	simm.s32 $0xC0;
	s20 =	simm.s32 $0x1  }
0x4: {  	s21 =	simm.s32 $0x100;
	s28 =	simm.s32 $0x4;
	s29 =	simm.s32 $0xC8000  }
0x5: {  	s30 =	simm.s32 $0x4D80;
	s31 =	simm.s32 $0xE580;
	[smem:$0x7FF] =	sst s3  }
0x6: {  	s1 =	sand.u32 $0x1, s1;
	s2 =	sshll.u32 s2, $0x1;
	s4 =	sadd.s32 $0xDBC400, s0  }
0x7: {  	s5 =	sadd.s32 $0xA00, s0;
	s9 =	sadd.s32 $0xDBC600, s0;
	s7 =	ssub.s32 $0x2, s1  }
0x8: {  	_ =	strace $0x8000004A;
	s1 =	sor.u32 s1, s2;
	s22 =	sshrl.u32 s7, $0x1  }
0x9: {  	s6 =	sshll.u32 s1, $0x7;
	s8 =	sshll.u32 s1, $0x4;
	s15 =	sshll.u32 s1, $0xA  }
0xa: {  	s2 =	ssub.s32 s7, s22;
	s7 =	sor.u32 $0x40, s6;
	s11 =	sadd.s32 s4, s8  }
0xb: {  	s24 =	sadd.s32 s8, s9;
	s13 =	sor.u32 $0x2000, s6;
	s14 =	sor.u32 $0x2040, s6  }
0xc: {  	s22 =	simm.s32 $0x180;
	s10 =	sshrl.u32 s7, $0x3;
	[dreg:$0x5] =	wrdreg s24  }
0xd: {  	v0 =	vlaneseq.u32;
	[dreg:$0x3] =	wrdreg s11;
	s25 =	sadd.s32 $0x208, s11;
	s26 =	smax.u32 s2, $0x1  }
0xe: {  	v0 =	vmul.u32 $0x98, v0;
	s24 =	simm.s32 $0x140;
	s2 =	simm.s32 $0x0;
	[dreg:$0x6] =	wrdreg s25  }
0xf: {  	s23 =	sadd.s32 s4, s10;
	[dreg:$0x7] =	wrdreg s26;
	s25 =	simm.s32 $0x2780  }
0x10: {  	v1 =	vadd.s32 $0x980, v0;
	v2 =	vadd.s32 $0x1300, v0;
	v3 =	vadd.s32 $0x1C80, v0;
	s26 =	simm.s32 $0x3;
	[dreg:$0x4] =	wrdreg s23;
	s23 =	simm.s32 $0x2  }
.LBB2_1:
0x11: {  	[dreg:$0x8] =	wrdreg s2  }
0x12: {  	s0 =	rddreg [dreg:$0x3]  }
0x13: {  	[tilespmem:s3], [sflag:$0x1] =	stream.linear.gather [hbm4b:s0+s3], $0x40, $0x38;
	[tilespmem:$0x17D80] =	vst v63  }
0x14: {  	s11 =	rddreg [dreg:$0x4]  }
0x15: {  	[tilespmem:s17], [sflag:$0x2] =	stream.linear.gather [hbm4b:s11+s3], $0x40, $0x38;
	[tilespmem:$0x17D80] =	vst v63  }
0x16: {  	s12 =	rddreg [dreg:$0x5]  }
0x17: {  	[tilespmem:s18], [sflag:$0x1] =	stream.linear.gather [hbm4b:s12+s3], $0x40, $0x38;
	[tilespmem:$0x17D80] =	vst v63  }
0x18: {  	s16 =	rddreg [dreg:$0x6]  }
0x19: {  	[tilespmem:s19], [sflag:$0x2] =	stream.linear.gather [hbm4b:s16+s3], $0x40, $0x38;
	[tilespmem:$0x17D80] =	vst v63  }
0x1a: {  	_ =	swait.ge [sflag:s20], $0x40  }
0x1b: {  	[sflag:s20] =	ssyncset.done $0x0  }
0x1c: {  	[sflag:s20] =	ssyncadd.s32 $0xFFFFFFC0  }
0x1d: {  	v4 =	vld [tilespmem:$0x0]  }
0x1e: {  	v5 =	vld [tilespmem:$0x10]  }
0x1f: {  	v6 =	vld [tilespmem:$0x20]  }
0x20: {  	v7 =	vld [tilespmem:$0x30];
	_ =	sdelay $0x1  }
0x21: {  	v4 =	vshll.u32 v4, $0x1  }
0x22: {  	[tilespmem:$0x100] =	vst v4;
	v4 =	vshll.u32 v5, $0x1  }
0x23: {  	[tilespmem:$0x110] =	vst v4;
	v4 =	vshll.u32 v6, $0x1  }
0x24: {  	[tilespmem:$0x120] =	vst v4;
	v4 =	vshll.u32 v7, $0x1  }
0x25: {  	[tilespmem:$0x130] =	vst v4  }
0x26: {  	[tilespmem:s22], [sflag:$0x3] =	stream.indirect.gather [hbm4b:s5+s17], $0x98, s21, s17, $0xb8;
	[tilespmem:$0x17D80] =	vst v63  }
0x27: {  	_ =	swait.ge [sflag:s23], $0x40  }
0x28: {  	[sflag:s23] =	ssyncset.done $0x0  }
0x29: {  	[sflag:s23] =	ssyncadd.s32 $0xFFFFFFC0  }
0x2a: {  	v4 =	vld [tilespmem:$0x40]  }
0x2b: {  	v5 =	vld [tilespmem:$0x50]  }
0x2c: {  	v62 =	vld [tilespmem:$0x60]  }
0x2d: {  	v63 =	vld [tilespmem:$0x70];
	_ =	sdelay $0x1  }
0x2e: {  	v4 =	vshll.u32 v4, $0x1  }
0x2f: {  	[tilespmem:$0x140] =	vst v4;
	v4 =	vshll.u32 v5, $0x1  }
0x30: {  	[tilespmem:$0x150] =	vst v4;
	v4 =	vshll.u32 v62, $0x1  }
0x31: {  	[tilespmem:$0x160] =	vst v4;
	v4 =	vshll.u32 v63, $0x1  }
0x32: {  	s11 =	simm.s32 $0x0;
	[tilespmem:$0x170] =	vst v4  }
0x33: {  	[tilespmem:s25], [sflag:$0x4] =	stream.indirect.gather [hbm4b:s5+s17], $0x98, s24, s17, $0xb8;
	[tilespmem:$0x17D80] =	vst v63  }
.LBB2_2:
0x34: {  	p0 =	seq.s32 s11, $0x0;
	s0 =	simm.s32 $0x0  }
0x35: {  	s1 =	simm.s32 @!p0 $0x5;
	v4 =	vmov s0  }
0x36: {  	_ =	swait.ge @!p0 [sflag:s1], $0x9800;
	v4 =	vand.u32 $0xFE, v4  }
0x37: {  	[sflag:s1] =	ssyncset.done @!p0 $0x0;
	v5 =	vadd.s32 v0, v4  }
0x38: {  	[sflag:s1] =	ssyncadd.s32 @!p0 $0xFFFF6800  }
0x39: {  	_ =	swait.ge [sflag:s26], $0x2600  }
0x3a: {  	[sflag:s26] =	ssyncset.done $0x0  }
0x3b: {  	[sflag:s26] =	ssyncadd.s32 $0xFFFFDA00  }
0x3c: {  	v5 =	vld.idx.msk [tilespmem:v5+s22+$0x0], $0xffff  }
0x3d: {  	v6 =	vadd.s32 v1, v4;
	_ =	sdelay $0x2  }
0x3e: {  	s8 =	simm.s32 $0x4E80  }
0x3f: {  	[tilespmem:s8+$0xFFFFFF00] =	vst v5  }
0x40: {  	v5 =	vld.idx.msk [tilespmem:v6+s22+$0x0], $0xffff  }
0x41: {  	v6 =	vadd.s32 v2, v4;
	_ =	sdelay $0x3  }
0x42: {  	[tilespmem:s8+$0xFFFFFF10] =	vst v5  }
0x43: {  	v5 =	vld.idx.msk [tilespmem:v6+s22+$0x0], $0xffff  }
0x44: {  	v4 =	vadd.s32 v3, v4;
	_ =	sdelay $0x2  }
0x45: {  	s16 =	simm.s32 $0x1  }
0x46: {  	[tilespmem:s8+$0xFFFFFF20] =	vst v5;
	v5 =	vmov s16  }
0x47: {  	v4 =	vld.idx.msk [tilespmem:v4+s22+$0x0], $0xffff;
	v5 =	vand.u32 $0xFF, v5  }
0x48: {  	v6 =	vadd.s32 v0, v5;
	_ =	sdelay $0x3  }
0x49: {  	[tilespmem:s8+$0xFFFFFF30] =	vst v4  }
0x4a: {  	v4 =	vld.idx.msk [tilespmem:v6+s22+$0x0], $0xffff  }
0x4b: {  	v6 =	vadd.s32 v1, v5;
	_ =	sdelay $0x3  }
0x4c: {  	[tilespmem:s8+$0x0] =	vst v4  }
0x4d: {  	v4 =	vld.idx.msk [tilespmem:v6+s22+$0x0], $0xffff  }
0x4e: {  	v6 =	vadd.s32 v2, v5;
	_ =	sdelay $0x3  }
0x4f: {  	[tilespmem:s8+$0x10] =	vst v4  }
0x50: {  	v6 =	vld.idx.msk [tilespmem:v6+s22+$0x0], $0xffff  }
0x51: {  	v4 =	vadd.s32 v3, v5;
	_ =	sdelay $0x3  }
0x52: {  	s10 =	simm.s32 $0x2;
	s2 =	simm.s32 $0x5;
	s0 =	simm.s32 $0x3;
	[tilespmem:s8+$0x20] =	vst v6  }
.LBB2_3:
0x53: {  	p1 =	sne.s32 s2, $0x97;
	v5 =	vmov s10;
	v4 =	vld.idx.msk [tilespmem:v4+s22+$0x0], $0xffff  }
0x54: {  	v5 =	vand.u32 $0xFE, v5  }
0x55: {  	v6 =	vadd.s32 v0, v5;
	_ =	sdelay $0x3  }
0x56: {  	[tilespmem:s8+$0x30] =	vst v4  }
0x57: {  	v4 =	vld.idx.msk [tilespmem:v6+s22+$0x0], $0xffff;
	_ =	sdelay $0x1  }
0x58: {  	v6 =	vadd.s32 v1, v5;
	_ =	sdelay $0x2  }
0x59: {  	s8 =	sadd.s32 $0x200, s8  }
0x5a: {  	[tilespmem:s8+$0xFFFFFF00] =	vst v4  }
0x5b: {  	v4 =	vld.idx.msk [tilespmem:v6+s22+$0x0], $0xffff;
	_ =	sdelay $0x1  }
0x5c: {  	v6 =	vadd.s32 v2, v5;
	_ =	sdelay $0x3  }
0x5d: {  	[tilespmem:s8+$0xFFFFFF10] =	vst v4  }
0x5e: {  	v4 =	vld.idx.msk [tilespmem:v6+s22+$0x0], $0xffff;
	_ =	sdelay $0x1  }
0x5f: {  	v5 =	vadd.s32 v3, v5;
	_ =	sdelay $0x3  }
0x60: {  	[tilespmem:s8+$0xFFFFFF20] =	vst v4  }
0x61: {  	v4 =	vld.idx.msk [tilespmem:v5+s22+$0x0], $0xffff;
	v5 =	vmov s0;
	s0 =	smov.u32 s2  }
0x62: {  	v5 =	vand.u32 $0xFF, v5  }
0x63: {  	v6 =	vadd.s32 v0, v5;
	_ =	sdelay $0x3  }
0x64: {  	[tilespmem:s8+$0xFFFFFF30] =	vst v4  }
0x65: {  	v4 =	vld.idx.msk [tilespmem:v6+s22+$0x0], $0xffff;
	_ =	sdelay $0x1  }
0x66: {  	v6 =	vadd.s32 v1, v5;
	_ =	sdelay $0x3  }
0x67: {  	[tilespmem:s8+$0x0] =	vst v4  }
0x68: {  	v4 =	vld.idx.msk [tilespmem:v6+s22+$0x0], $0xffff;
	_ =	sdelay $0x1  }
0x69: {  	v6 =	vadd.s32 v2, v5;
	_ =	sdelay $0x3  }
0x6a: {  	[tilespmem:s8+$0x10] =	vst v4  }
0x6b: {  	v6 =	vld.idx.msk [tilespmem:v6+s22+$0x0], $0xffff;
	_ =	sdelay $0x1  }
.Ltmp0:
0x6c: {  	v4 =	vadd.s32 v3, v5;
	(pc) =	sbr.rel @p1 .LBB2_3-.Ltmp0, $2  }
0x6d: {  	_ =	sdelay $0x2  }
0x6e: {  	s2 =	sadd.s32 $0x2, s2;
	s10 =	sadd.s32 $0xFFFFFFFF, s0;
	[tilespmem:s8+$0x20] =	vst v6  }
0x6f: {  	_ =	sdelay $0x2  }
0x70: {  	v5 =	vmov s10  }
0x71: {  	v4 =	vld.idx.msk [tilespmem:v4+s22+$0x0], $0xffff;
	v5 =	vand.u32 $0xFE, v5  }
0x72: {  	v6 =	vadd.s32 v0, v5;
	_ =	sdelay $0x3  }
0x73: {  	[tilespmem:s8+$0x30] =	vst v4  }
0x74: {  	v4 =	vld.idx.msk [tilespmem:v6+s22+$0x0], $0xffff  }
0x75: {  	v6 =	vadd.s32 v1, v5;
	_ =	sdelay $0x2  }
0x76: {  	s1 =	sadd.s32 $0x200, s8  }
0x77: {  	[tilespmem:s1+$0xFFFFFF00] =	vst v4  }
0x78: {  	v4 =	vld.idx.msk [tilespmem:v6+s22+$0x0], $0xffff  }
0x79: {  	v6 =	vadd.s32 v2, v5;
	_ =	sdelay $0x3  }
0x7a: {  	[tilespmem:s1+$0xFFFFFF10] =	vst v4  }
0x7b: {  	v4 =	vld.idx.msk [tilespmem:v6+s22+$0x0], $0xffff  }
0x7c: {  	v5 =	vadd.s32 v3, v5;
	_ =	sdelay $0x3  }
0x7d: {  	[tilespmem:s1+$0xFFFFFF20] =	vst v4;
	v4 =	vmov s0  }
0x7e: {  	v5 =	vld.idx.msk [tilespmem:v5+s22+$0x0], $0xffff;
	v4 =	vand.u32 $0xFF, v4  }
0x7f: {  	v6 =	vadd.s32 v0, v4;
	_ =	sdelay $0x3  }
0x80: {  	[tilespmem:s1+$0xFFFFFF30] =	vst v5  }
0x81: {  	v5 =	vld.idx.msk [tilespmem:v6+s22+$0x0], $0xffff  }
0x82: {  	v6 =	vadd.s32 v1, v4;
	_ =	sdelay $0x3  }
0x83: {  	[tilespmem:s1+$0x0] =	vst v5  }
0x84: {  	v5 =	vld.idx.msk [tilespmem:v6+s22+$0x0], $0xffff  }
0x85: {  	v6 =	vadd.s32 v2, v4;
	_ =	sdelay $0x3  }
0x86: {  	[tilespmem:s1+$0x10] =	vst v5  }
0x87: {  	v5 =	vld.idx.msk [tilespmem:v6+s22+$0x0], $0xffff  }
0x88: {  	v4 =	vadd.s32 v3, v4;
	_ =	sdelay $0x3  }
0x89: {  	[tilespmem:s1+$0x20] =	vst v5  }
0x8a: {  	v4 =	vld.idx.msk [tilespmem:v4+s22+$0x0], $0xffff;
	_ =	sdelay $0x4  }
0x8b: {  	[tilespmem:s1+$0x30] =	vst v4;
	s1 =	simm.s32 $0x1  }
0x8c: {  	_ =	swait.ge [sflag:s1], $0x40  }
0x8d: {  	[sflag:s1] =	ssyncset.done $0x0  }
0x8e: {  	[sflag:s1] =	ssyncadd.s32 $0xFFFFFFC0  }
0x8f: {  	v4 =	vld [tilespmem:$0x80]  }
0x90: {  	v5 =	vld [tilespmem:$0x90]  }
0x91: {  	v6 =	vld [tilespmem:$0xA0]  }
0x92: {  	v7 =	vld [tilespmem:$0xB0];
	_ =	sdelay $0x1  }
0x93: {  	v4 =	vshll.u32 v4, $0x1  }
0x94: {  	[tilespmem:$0x100] =	vst v4;
	v4 =	vshll.u32 v5, $0x1  }
0x95: {  	s12 =	sshll.u32 s11, $0xD;
	[tilespmem:$0x110] =	vst v4;
	v4 =	vshll.u32 v6, $0x1  }
0x96: {  	s2 =	sor.u32 s6, s12;
	s8 =	simm.s32 $0x0;
	[tilespmem:$0x120] =	vst v4;
	v4 =	vshll.u32 v7, $0x1  }
0x97: {  	s16 =	sshrl.u32 s2, $0x3;
	[tilespmem:$0x130] =	vst v4;
	v4 =	vmov s8  }
0x98: {  	[tilespmem:s22], [sflag:$0x3] =	stream.indirect.gather [hbm4b:s5+s17], $0x98, s21, s17, $0xb8;
	v4 =	vand.u32 $0xFE, v4;
	[tilespmem:$0x17D80] =	vst v63  }
0x99: {  	s10 =	sadd.s32 s4, s16;
	v5 =	vadd.s32 v0, v4  }
0x9a: {  	[tilespmem:s3], [sflag:$0x1] =	stream.linear.gather [hbm4b:s10+s3], $0x40, $0x38;
	[tilespmem:$0x17D80] =	vst v63  }
0x9b: {  	_ =	swait.ge [sflag:s28], $0x2600  }
0x9c: {  	[sflag:s28] =	ssyncset.done $0x0  }
0x9d: {  	[sflag:s28] =	ssyncadd.s32 $0xFFFFDA00  }
0x9e: {  	v5 =	vld.idx.msk [tilespmem:v5+s25+$0x0], $0xffff  }
0x9f: {  	v6 =	vadd.s32 v1, v4;
	_ =	sdelay $0x2  }
0xa0: {  	s0 =	simm.s32 $0x4EC0  }
0xa1: {  	[tilespmem:s0+$0xFFFFFF00] =	vst v5  }
0xa2: {  	v5 =	vld.idx.msk [tilespmem:v6+s25+$0x0], $0xffff  }
0xa3: {  	v6 =	vadd.s32 v2, v4;
	_ =	sdelay $0x3  }
0xa4: {  	[tilespmem:s0+$0xFFFFFF10] =	vst v5  }
0xa5: {  	v5 =	vld.idx.msk [tilespmem:v6+s25+$0x0], $0xffff  }
0xa6: {  	v4 =	vadd.s32 v3, v4;
	_ =	sdelay $0x3  }
0xa7: {  	[tilespmem:s0+$0xFFFFFF20] =	vst v5;
	v5 =	vmov s1  }
0xa8: {  	v4 =	vld.idx.msk [tilespmem:v4+s25+$0x0], $0xffff;
	v5 =	vand.u32 $0xFF, v5  }
0xa9: {  	v6 =	vadd.s32 v0, v5;
	_ =	sdelay $0x3  }
0xaa: {  	[tilespmem:s0+$0xFFFFFF30] =	vst v4  }
0xab: {  	v4 =	vld.idx.msk [tilespmem:v6+s25+$0x0], $0xffff  }
0xac: {  	v6 =	vadd.s32 v1, v5;
	_ =	sdelay $0x3  }
0xad: {  	[tilespmem:s0+$0x0] =	vst v4  }
0xae: {  	v4 =	vld.idx.msk [tilespmem:v6+s25+$0x0], $0xffff  }
0xaf: {  	v6 =	vadd.s32 v2, v5;
	_ =	sdelay $0x3  }
0xb0: {  	[tilespmem:s0+$0x10] =	vst v4  }
0xb1: {  	v6 =	vld.idx.msk [tilespmem:v6+s25+$0x0], $0xffff  }
0xb2: {  	v4 =	vadd.s32 v3, v5;
	_ =	sdelay $0x3  }
0xb3: {  	s2 =	simm.s32 $0x5;
	s8 =	simm.s32 $0x3;
	s10 =	simm.s32 $0x2;
	[tilespmem:s0+$0x20] =	vst v6  }
.LBB2_5:
0xb4: {  	p1 =	sne.s32 s2, $0x97;
	v5 =	vmov s10;
	v4 =	vld.idx.msk [tilespmem:v4+s25+$0x0], $0xffff  }
0xb5: {  	v5 =	vand.u32 $0xFE, v5  }
0xb6: {  	v6 =	vadd.s32 v0, v5;
	_ =	sdelay $0x3  }
0xb7: {  	[tilespmem:s0+$0x30] =	vst v4  }
0xb8: {  	v4 =	vld.idx.msk [tilespmem:v6+s25+$0x0], $0xffff;
	_ =	sdelay $0x1  }
0xb9: {  	v6 =	vadd.s32 v1, v5;
	_ =	sdelay $0x2  }
0xba: {  	s0 =	sadd.s32 $0x200, s0  }
0xbb: {  	[tilespmem:s0+$0xFFFFFF00] =	vst v4  }
0xbc: {  	v4 =	vld.idx.msk [tilespmem:v6+s25+$0x0], $0xffff;
	_ =	sdelay $0x1  }
0xbd: {  	v6 =	vadd.s32 v2, v5;
	_ =	sdelay $0x3  }
0xbe: {  	[tilespmem:s0+$0xFFFFFF10] =	vst v4  }
0xbf: {  	v4 =	vld.idx.msk [tilespmem:v6+s25+$0x0], $0xffff;
	_ =	sdelay $0x1  }
0xc0: {  	v5 =	vadd.s32 v3, v5;
	_ =	sdelay $0x3  }
0xc1: {  	[tilespmem:s0+$0xFFFFFF20] =	vst v4  }
0xc2: {  	v4 =	vld.idx.msk [tilespmem:v5+s25+$0x0], $0xffff;
	v5 =	vmov s8;
	s8 =	smov.u32 s2  }
0xc3: {  	v5 =	vand.u32 $0xFF, v5  }
0xc4: {  	v6 =	vadd.s32 v0, v5;
	_ =	sdelay $0x3  }
0xc5: {  	[tilespmem:s0+$0xFFFFFF30] =	vst v4  }
0xc6: {  	v4 =	vld.idx.msk [tilespmem:v6+s25+$0x0], $0xffff;
	_ =	sdelay $0x1  }
0xc7: {  	v6 =	vadd.s32 v1, v5;
	_ =	sdelay $0x3  }
0xc8: {  	[tilespmem:s0+$0x0] =	vst v4  }
0xc9: {  	v4 =	vld.idx.msk [tilespmem:v6+s25+$0x0], $0xffff;
	_ =	sdelay $0x1  }
0xca: {  	v6 =	vadd.s32 v2, v5;
	_ =	sdelay $0x3  }
0xcb: {  	[tilespmem:s0+$0x10] =	vst v4  }
0xcc: {  	v6 =	vld.idx.msk [tilespmem:v6+s25+$0x0], $0xffff;
	_ =	sdelay $0x1  }
.Ltmp1:
0xcd: {  	v4 =	vadd.s32 v3, v5;
	(pc) =	sbr.rel @p1 .LBB2_5-.Ltmp1, $2  }
0xce: {  	_ =	sdelay $0x2  }
0xcf: {  	s2 =	sadd.s32 $0x2, s2;
	s10 =	sadd.s32 $0xFFFFFFFF, s8;
	[tilespmem:s0+$0x20] =	vst v6  }
0xd0: {  	_ =	sdelay $0x2  }
0xd1: {  	v5 =	vmov s10  }
0xd2: {  	v4 =	vld.idx.msk [tilespmem:v4+s25+$0x0], $0xffff;
	v5 =	vand.u32 $0xFE, v5  }
0xd3: {  	v6 =	vadd.s32 v0, v5;
	_ =	sdelay $0x3  }
0xd4: {  	[tilespmem:s0+$0x30] =	vst v4  }
0xd5: {  	v4 =	vld.idx.msk [tilespmem:v6+s25+$0x0], $0xffff  }
0xd6: {  	v6 =	vadd.s32 v1, v5;
	_ =	sdelay $0x2  }
0xd7: {  	s2 =	sadd.s32 $0x200, s0  }
0xd8: {  	[tilespmem:s2+$0xFFFFFF00] =	vst v4  }
0xd9: {  	v4 =	vld.idx.msk [tilespmem:v6+s25+$0x0], $0xffff  }
0xda: {  	v6 =	vadd.s32 v2, v5;
	_ =	sdelay $0x3  }
0xdb: {  	[tilespmem:s2+$0xFFFFFF10] =	vst v4  }
0xdc: {  	v4 =	vld.idx.msk [tilespmem:v6+s25+$0x0], $0xffff  }
0xdd: {  	v5 =	vadd.s32 v3, v5;
	_ =	sdelay $0x3  }
0xde: {  	[tilespmem:s2+$0xFFFFFF20] =	vst v4;
	v4 =	vmov s8  }
0xdf: {  	v5 =	vld.idx.msk [tilespmem:v5+s25+$0x0], $0xffff;
	v4 =	vand.u32 $0xFF, v4  }
0xe0: {  	v6 =	vadd.s32 v0, v4;
	_ =	sdelay $0x3  }
0xe1: {  	[tilespmem:s2+$0xFFFFFF30] =	vst v5  }
0xe2: {  	v5 =	vld.idx.msk [tilespmem:v6+s25+$0x0], $0xffff  }
0xe3: {  	v6 =	vadd.s32 v1, v4;
	_ =	sdelay $0x3  }
0xe4: {  	[tilespmem:s2+$0x0] =	vst v5  }
0xe5: {  	v5 =	vld.idx.msk [tilespmem:v6+s25+$0x0], $0xffff  }
0xe6: {  	v6 =	vadd.s32 v2, v4;
	_ =	sdelay $0x3  }
0xe7: {  	[tilespmem:s2+$0x10] =	vst v5  }
0xe8: {  	v5 =	vld.idx.msk [tilespmem:v6+s25+$0x0], $0xffff  }
0xe9: {  	v4 =	vadd.s32 v3, v4;
	_ =	sdelay $0x3  }
0xea: {  	[tilespmem:s2+$0x20] =	vst v5  }
0xeb: {  	v4 =	vld.idx.msk [tilespmem:v4+s25+$0x0], $0xffff;
	_ =	sdelay $0x4  }
0xec: {  	[tilespmem:s2+$0x30] =	vst v4  }
0xed: {  	_ =	swait.ge [sflag:s23], $0x40  }
0xee: {  	[sflag:s23] =	ssyncset.done $0x0  }
0xef: {  	[sflag:s23] =	ssyncadd.s32 $0xFFFFFFC0  }
0xf0: {  	v4 =	vld [tilespmem:$0xC0]  }
0xf1: {  	v5 =	vld [tilespmem:$0xD0]  }
0xf2: {  	v6 =	vld [tilespmem:$0xE0]  }
0xf3: {  	v7 =	vld [tilespmem:$0xF0];
	_ =	sdelay $0x1  }
0xf4: {  	v4 =	vshll.u32 v4, $0x1  }
0xf5: {  	[tilespmem:$0x140] =	vst v4;
	v4 =	vshll.u32 v5, $0x1  }
0xf6: {  	[tilespmem:$0x150] =	vst v4;
	v4 =	vshll.u32 v6, $0x1  }
0xf7: {  	s10 =	simm.s32 $0x0;
	s1 =	sor.u32 s7, s12;
	[tilespmem:$0x160] =	vst v4;
	v4 =	vshll.u32 v7, $0x1  }
0xf8: {  	s8 =	sshrl.u32 s1, $0x3;
	[tilespmem:$0x170] =	vst v4;
	v4 =	vmov s10  }
0xf9: {  	[tilespmem:s25], [sflag:$0x4] =	stream.indirect.gather [hbm4b:s5+s17], $0x98, s24, s17, $0xb8;
	v4 =	vand.u32 $0xFE, v4;
	[tilespmem:$0x17D80] =	vst v63  }
0xfa: {  	s2 =	sadd.s32 s4, s8;
	v5 =	vadd.s32 v0, v4  }
0xfb: {  	[tilespmem:s17], [sflag:$0x2] =	stream.linear.gather [hbm4b:s2+s3], $0x40, $0x38;
	[tilespmem:$0x17D80] =	vst v63  }
0xfc: {  	_ =	swait.ge [sflag:s26], $0x2600  }
0xfd: {  	[sflag:s26] =	ssyncset.done $0x0  }
0xfe: {  	[sflag:s26] =	ssyncadd.s32 $0xFFFFDA00  }
0xff: {  	v5 =	vld.idx.msk [tilespmem:v5+s22+$0x0], $0xffff  }
0x100: {  	v6 =	vadd.s32 v1, v4;
	_ =	sdelay $0x2  }
0x101: {  	s0 =	simm.s32 $0x4F00  }
0x102: {  	[tilespmem:s0+$0xFFFFFF00] =	vst v5  }
0x103: {  	v5 =	vld.idx.msk [tilespmem:v6+s22+$0x0], $0xffff  }
0x104: {  	v6 =	vadd.s32 v2, v4;
	_ =	sdelay $0x3  }
0x105: {  	[tilespmem:s0+$0xFFFFFF10] =	vst v5  }
0x106: {  	v5 =	vld.idx.msk [tilespmem:v6+s22+$0x0], $0xffff  }
0x107: {  	v4 =	vadd.s32 v3, v4;
	_ =	sdelay $0x2  }
0x108: {  	s10 =	simm.s32 $0x1  }
0x109: {  	[tilespmem:s0+$0xFFFFFF20] =	vst v5;
	v5 =	vmov s10  }
0x10a: {  	v4 =	vld.idx.msk [tilespmem:v4+s22+$0x0], $0xffff;
	v5 =	vand.u32 $0xFF, v5  }
0x10b: {  	v6 =	vadd.s32 v0, v5;
	_ =	sdelay $0x3  }
0x10c: {  	[tilespmem:s0+$0xFFFFFF30] =	vst v4  }
0x10d: {  	v4 =	vld.idx.msk [tilespmem:v6+s22+$0x0], $0xffff  }
0x10e: {  	v6 =	vadd.s32 v1, v5;
	_ =	sdelay $0x3  }
0x10f: {  	[tilespmem:s0+$0x0] =	vst v4  }
0x110: {  	v4 =	vld.idx.msk [tilespmem:v6+s22+$0x0], $0xffff  }
0x111: {  	v6 =	vadd.s32 v2, v5;
	_ =	sdelay $0x3  }
0x112: {  	[tilespmem:s0+$0x10] =	vst v4  }
0x113: {  	v6 =	vld.idx.msk [tilespmem:v6+s22+$0x0], $0xffff  }
0x114: {  	v4 =	vadd.s32 v3, v5;
	_ =	sdelay $0x3  }
0x115: {  	s1 =	simm.s32 $0x2;
	s2 =	simm.s32 $0x3;
	s10 =	simm.s32 $0x5;
	[tilespmem:s0+$0x20] =	vst v6  }
.LBB2_7:
0x116: {  	p1 =	sne.s32 s10, $0x97;
	v5 =	vmov s1;
	v4 =	vld.idx.msk [tilespmem:v4+s22+$0x0], $0xffff  }
0x117: {  	v5 =	vand.u32 $0xFE, v5  }
0x118: {  	v6 =	vadd.s32 v0, v5;
	_ =	sdelay $0x3  }
0x119: {  	[tilespmem:s0+$0x30] =	vst v4  }
0x11a: {  	v4 =	vld.idx.msk [tilespmem:v6+s22+$0x0], $0xffff;
	_ =	sdelay $0x1  }
0x11b: {  	v6 =	vadd.s32 v1, v5;
	_ =	sdelay $0x2  }
0x11c: {  	s0 =	sadd.s32 $0x200, s0  }
0x11d: {  	[tilespmem:s0+$0xFFFFFF00] =	vst v4  }
0x11e: {  	v4 =	vld.idx.msk [tilespmem:v6+s22+$0x0], $0xffff;
	_ =	sdelay $0x1  }
0x11f: {  	v6 =	vadd.s32 v2, v5;
	_ =	sdelay $0x3  }
0x120: {  	[tilespmem:s0+$0xFFFFFF10] =	vst v4  }
0x121: {  	v4 =	vld.idx.msk [tilespmem:v6+s22+$0x0], $0xffff;
	_ =	sdelay $0x1  }
0x122: {  	v5 =	vadd.s32 v3, v5;
	_ =	sdelay $0x3  }
0x123: {  	[tilespmem:s0+$0xFFFFFF20] =	vst v4  }
0x124: {  	v4 =	vld.idx.msk [tilespmem:v5+s22+$0x0], $0xffff;
	v5 =	vmov s2;
	s2 =	smov.u32 s10  }
0x125: {  	v5 =	vand.u32 $0xFF, v5  }
0x126: {  	v6 =	vadd.s32 v0, v5;
	_ =	sdelay $0x3  }
0x127: {  	[tilespmem:s0+$0xFFFFFF30] =	vst v4  }
0x128: {  	v4 =	vld.idx.msk [tilespmem:v6+s22+$0x0], $0xffff;
	_ =	sdelay $0x1  }
0x129: {  	v6 =	vadd.s32 v1, v5;
	_ =	sdelay $0x3  }
0x12a: {  	[tilespmem:s0+$0x0] =	vst v4  }
0x12b: {  	v4 =	vld.idx.msk [tilespmem:v6+s22+$0x0], $0xffff;
	_ =	sdelay $0x1  }
0x12c: {  	v6 =	vadd.s32 v2, v5;
	_ =	sdelay $0x3  }
0x12d: {  	[tilespmem:s0+$0x10] =	vst v4  }
0x12e: {  	v6 =	vld.idx.msk [tilespmem:v6+s22+$0x0], $0xffff;
	_ =	sdelay $0x1  }
.Ltmp2:
0x12f: {  	v4 =	vadd.s32 v3, v5;
	(pc) =	sbr.rel @p1 .LBB2_7-.Ltmp2, $2  }
0x130: {  	_ =	sdelay $0x2  }
0x131: {  	s10 =	sadd.s32 $0x2, s10;
	s1 =	sadd.s32 $0xFFFFFFFF, s2;
	[tilespmem:s0+$0x20] =	vst v6  }
0x132: {  	_ =	sdelay $0x2  }
0x133: {  	v5 =	vmov s1  }
0x134: {  	v4 =	vld.idx.msk [tilespmem:v4+s22+$0x0], $0xffff;
	v5 =	vand.u32 $0xFE, v5  }
0x135: {  	v6 =	vadd.s32 v0, v5;
	_ =	sdelay $0x3  }
0x136: {  	[tilespmem:s0+$0x30] =	vst v4  }
0x137: {  	v4 =	vld.idx.msk [tilespmem:v6+s22+$0x0], $0xffff  }
0x138: {  	v6 =	vadd.s32 v1, v5;
	_ =	sdelay $0x2  }
0x139: {  	s1 =	sadd.s32 $0x200, s0  }
0x13a: {  	[tilespmem:s1+$0xFFFFFF00] =	vst v4  }
0x13b: {  	v4 =	vld.idx.msk [tilespmem:v6+s22+$0x0], $0xffff  }
0x13c: {  	v6 =	vadd.s32 v2, v5;
	_ =	sdelay $0x3  }
0x13d: {  	[tilespmem:s1+$0xFFFFFF10] =	vst v4  }
0x13e: {  	v4 =	vld.idx.msk [tilespmem:v6+s22+$0x0], $0xffff  }
0x13f: {  	v5 =	vadd.s32 v3, v5;
	_ =	sdelay $0x3  }
0x140: {  	[tilespmem:s1+$0xFFFFFF20] =	vst v4;
	v4 =	vmov s2  }
0x141: {  	v5 =	vld.idx.msk [tilespmem:v5+s22+$0x0], $0xffff;
	v4 =	vand.u32 $0xFF, v4  }
0x142: {  	v6 =	vadd.s32 v0, v4;
	_ =	sdelay $0x3  }
0x143: {  	[tilespmem:s1+$0xFFFFFF30] =	vst v5  }
0x144: {  	v5 =	vld.idx.msk [tilespmem:v6+s22+$0x0], $0xffff  }
0x145: {  	v6 =	vadd.s32 v1, v4;
	_ =	sdelay $0x3  }
0x146: {  	[tilespmem:s1+$0x0] =	vst v5  }
0x147: {  	v5 =	vld.idx.msk [tilespmem:v6+s22+$0x0], $0xffff  }
0x148: {  	v6 =	vadd.s32 v2, v4;
	_ =	sdelay $0x3  }
0x149: {  	[tilespmem:s1+$0x10] =	vst v5  }
0x14a: {  	v5 =	vld.idx.msk [tilespmem:v6+s22+$0x0], $0xffff  }
0x14b: {  	v4 =	vadd.s32 v3, v4;
	_ =	sdelay $0x3  }
0x14c: {  	[tilespmem:s1+$0x20] =	vst v5  }
0x14d: {  	v4 =	vld.idx.msk [tilespmem:v4+s22+$0x0], $0xffff;
	_ =	sdelay $0x4  }
0x14e: {  	s2 =	simm.s32 $0x1;
	[tilespmem:s1+$0x30] =	vst v4  }
0x14f: {  	_ =	swait.ge [sflag:s2], $0x40  }
0x150: {  	[sflag:s2] =	ssyncset.done $0x0  }
0x151: {  	[sflag:s2] =	ssyncadd.s32 $0xFFFFFFC0  }
0x152: {  	v4 =	vld [tilespmem:$0x0]  }
0x153: {  	v5 =	vld [tilespmem:$0x10]  }
0x154: {  	v6 =	vld [tilespmem:$0x20]  }
0x155: {  	v7 =	vld [tilespmem:$0x30];
	_ =	sdelay $0x1  }
0x156: {  	v4 =	vshll.u32 v4, $0x1  }
0x157: {  	v5 =	vshll.u32 v5, $0x1;
	v4 =	vor.u32 $0x1, v4  }
0x158: {  	[tilespmem:$0x100] =	vst v4;
	v4 =	vor.u32 $0x1, v5;
	v5 =	vshll.u32 v6, $0x1  }
0x159: {  	[tilespmem:$0x110] =	vst v4;
	v4 =	vor.u32 $0x1, v5;
	v5 =	vshll.u32 v7, $0x1  }
0x15a: {  	s10 =	simm.s32 $0x0;
	[tilespmem:$0x120] =	vst v4;
	v4 =	vor.u32 $0x1, v5  }
0x15b: {  	[tilespmem:$0x130] =	vst v4;
	v4 =	vmov s10  }
0x15c: {  	[tilespmem:s22], [sflag:$0x3] =	stream.indirect.gather [hbm4b:s5+s17], $0x98, s21, s17, $0xb8;
	v4 =	vand.u32 $0xFE, v4;
	[tilespmem:$0x17D80] =	vst v63  }
0x15d: {  	s16 =	sadd.s32 s16, s9;
	v5 =	vadd.s32 v0, v4  }
0x15e: {  	[tilespmem:s18], [sflag:$0x1] =	stream.linear.gather [hbm4b:s16+s3], $0x40, $0x38;
	[tilespmem:$0x17D80] =	vst v63  }
0x15f: {  	_ =	swait.ge [sflag:s28], $0x2600  }
0x160: {  	[sflag:s28] =	ssyncset.done $0x0  }
0x161: {  	[sflag:s28] =	ssyncadd.s32 $0xFFFFDA00  }
0x162: {  	v5 =	vld.idx.msk [tilespmem:v5+s25+$0x0], $0xffff  }
0x163: {  	v6 =	vadd.s32 v1, v4;
	_ =	sdelay $0x2  }
0x164: {  	s0 =	simm.s32 $0x4F40  }
0x165: {  	[tilespmem:s0+$0xFFFFFF00] =	vst v5  }
0x166: {  	v5 =	vld.idx.msk [tilespmem:v6+s25+$0x0], $0xffff  }
0x167: {  	v6 =	vadd.s32 v2, v4;
	_ =	sdelay $0x3  }
0x168: {  	[tilespmem:s0+$0xFFFFFF10] =	vst v5  }
0x169: {  	v5 =	vld.idx.msk [tilespmem:v6+s25+$0x0], $0xffff  }
0x16a: {  	v4 =	vadd.s32 v3, v4;
	_ =	sdelay $0x3  }
0x16b: {  	[tilespmem:s0+$0xFFFFFF20] =	vst v5;
	v5 =	vmov s2  }
0x16c: {  	v4 =	vld.idx.msk [tilespmem:v4+s25+$0x0], $0xffff;
	v5 =	vand.u32 $0xFF, v5  }
0x16d: {  	v6 =	vadd.s32 v0, v5;
	_ =	sdelay $0x3  }
0x16e: {  	[tilespmem:s0+$0xFFFFFF30] =	vst v4  }
0x16f: {  	v4 =	vld.idx.msk [tilespmem:v6+s25+$0x0], $0xffff  }
0x170: {  	v6 =	vadd.s32 v1, v5;
	_ =	sdelay $0x3  }
0x171: {  	[tilespmem:s0+$0x0] =	vst v4  }
0x172: {  	v4 =	vld.idx.msk [tilespmem:v6+s25+$0x0], $0xffff  }
0x173: {  	v6 =	vadd.s32 v2, v5;
	_ =	sdelay $0x3  }
0x174: {  	[tilespmem:s0+$0x10] =	vst v4  }
0x175: {  	v6 =	vld.idx.msk [tilespmem:v6+s25+$0x0], $0xffff  }
0x176: {  	v4 =	vadd.s32 v3, v5;
	_ =	sdelay $0x3  }
0x177: {  	s1 =	simm.s32 $0x2;
	s10 =	simm.s32 $0x5;
	s2 =	simm.s32 $0x3;
	[tilespmem:s0+$0x20] =	vst v6  }
.LBB2_9:
0x178: {  	p1 =	sne.s32 s10, $0x97;
	v5 =	vmov s1;
	v4 =	vld.idx.msk [tilespmem:v4+s25+$0x0], $0xffff  }
0x179: {  	v5 =	vand.u32 $0xFE, v5  }
0x17a: {  	v6 =	vadd.s32 v0, v5;
	_ =	sdelay $0x3  }
0x17b: {  	[tilespmem:s0+$0x30] =	vst v4  }
0x17c: {  	v4 =	vld.idx.msk [tilespmem:v6+s25+$0x0], $0xffff;
	_ =	sdelay $0x1  }
0x17d: {  	v6 =	vadd.s32 v1, v5;
	_ =	sdelay $0x2  }
0x17e: {  	s0 =	sadd.s32 $0x200, s0  }
0x17f: {  	[tilespmem:s0+$0xFFFFFF00] =	vst v4  }
0x180: {  	v4 =	vld.idx.msk [tilespmem:v6+s25+$0x0], $0xffff;
	_ =	sdelay $0x1  }
0x181: {  	v6 =	vadd.s32 v2, v5;
	_ =	sdelay $0x3  }
0x182: {  	[tilespmem:s0+$0xFFFFFF10] =	vst v4  }
0x183: {  	v4 =	vld.idx.msk [tilespmem:v6+s25+$0x0], $0xffff;
	_ =	sdelay $0x1  }
0x184: {  	v5 =	vadd.s32 v3, v5;
	_ =	sdelay $0x3  }
0x185: {  	[tilespmem:s0+$0xFFFFFF20] =	vst v4  }
0x186: {  	v4 =	vld.idx.msk [tilespmem:v5+s25+$0x0], $0xffff;
	v5 =	vmov s2;
	s2 =	smov.u32 s10  }
0x187: {  	v5 =	vand.u32 $0xFF, v5  }
0x188: {  	v6 =	vadd.s32 v0, v5;
	_ =	sdelay $0x3  }
0x189: {  	[tilespmem:s0+$0xFFFFFF30] =	vst v4  }
0x18a: {  	v4 =	vld.idx.msk [tilespmem:v6+s25+$0x0], $0xffff;
	_ =	sdelay $0x1  }
0x18b: {  	v6 =	vadd.s32 v1, v5;
	_ =	sdelay $0x3  }
0x18c: {  	[tilespmem:s0+$0x0] =	vst v4  }
0x18d: {  	v4 =	vld.idx.msk [tilespmem:v6+s25+$0x0], $0xffff;
	_ =	sdelay $0x1  }
0x18e: {  	v6 =	vadd.s32 v2, v5;
	_ =	sdelay $0x3  }
0x18f: {  	[tilespmem:s0+$0x10] =	vst v4  }
0x190: {  	v6 =	vld.idx.msk [tilespmem:v6+s25+$0x0], $0xffff;
	_ =	sdelay $0x1  }
.Ltmp3:
0x191: {  	v4 =	vadd.s32 v3, v5;
	(pc) =	sbr.rel @p1 .LBB2_9-.Ltmp3, $2  }
0x192: {  	_ =	sdelay $0x2  }
0x193: {  	s10 =	sadd.s32 $0x2, s10;
	s1 =	sadd.s32 $0xFFFFFFFF, s2;
	[tilespmem:s0+$0x20] =	vst v6  }
0x194: {  	_ =	sdelay $0x2  }
0x195: {  	v5 =	vmov s1  }
0x196: {  	v4 =	vld.idx.msk [tilespmem:v4+s25+$0x0], $0xffff;
	v5 =	vand.u32 $0xFE, v5  }
0x197: {  	v6 =	vadd.s32 v0, v5;
	_ =	sdelay $0x3  }
0x198: {  	[tilespmem:s0+$0x30] =	vst v4  }
0x199: {  	v4 =	vld.idx.msk [tilespmem:v6+s25+$0x0], $0xffff  }
0x19a: {  	v6 =	vadd.s32 v1, v5;
	_ =	sdelay $0x2  }
0x19b: {  	s1 =	sadd.s32 $0x200, s0  }
0x19c: {  	[tilespmem:s1+$0xFFFFFF00] =	vst v4  }
0x19d: {  	v4 =	vld.idx.msk [tilespmem:v6+s25+$0x0], $0xffff  }
0x19e: {  	v6 =	vadd.s32 v2, v5;
	_ =	sdelay $0x3  }
0x19f: {  	[tilespmem:s1+$0xFFFFFF10] =	vst v4  }
0x1a0: {  	v4 =	vld.idx.msk [tilespmem:v6+s25+$0x0], $0xffff  }
0x1a1: {  	v5 =	vadd.s32 v3, v5;
	_ =	sdelay $0x3  }
0x1a2: {  	[tilespmem:s1+$0xFFFFFF20] =	vst v4;
	v4 =	vmov s2  }
0x1a3: {  	v5 =	vld.idx.msk [tilespmem:v5+s25+$0x0], $0xffff;
	v4 =	vand.u32 $0xFF, v4  }
0x1a4: {  	v6 =	vadd.s32 v0, v4;
	_ =	sdelay $0x3  }
0x1a5: {  	[tilespmem:s1+$0xFFFFFF30] =	vst v5  }
0x1a6: {  	v5 =	vld.idx.msk [tilespmem:v6+s25+$0x0], $0xffff  }
0x1a7: {  	v6 =	vadd.s32 v1, v4;
	_ =	sdelay $0x3  }
0x1a8: {  	[tilespmem:s1+$0x0] =	vst v5  }
0x1a9: {  	v5 =	vld.idx.msk [tilespmem:v6+s25+$0x0], $0xffff  }
0x1aa: {  	v6 =	vadd.s32 v2, v4;
	_ =	sdelay $0x3  }
0x1ab: {  	[tilespmem:s1+$0x10] =	vst v5  }
0x1ac: {  	v5 =	vld.idx.msk [tilespmem:v6+s25+$0x0], $0xffff  }
0x1ad: {  	v4 =	vadd.s32 v3, v4;
	_ =	sdelay $0x3  }
0x1ae: {  	[tilespmem:s1+$0x20] =	vst v5  }
0x1af: {  	v4 =	vld.idx.msk [tilespmem:v4+s25+$0x0], $0xffff;
	_ =	sdelay $0x4  }
0x1b0: {  	[tilespmem:s1+$0x30] =	vst v4  }
0x1b1: {  	_ =	swait.ge [sflag:s23], $0x40  }
0x1b2: {  	[sflag:s23] =	ssyncset.done $0x0  }
0x1b3: {  	[sflag:s23] =	ssyncadd.s32 $0xFFFFFFC0  }
0x1b4: {  	v4 =	vld [tilespmem:$0x40]  }
0x1b5: {  	v5 =	vld [tilespmem:$0x50]  }
0x1b6: {  	v6 =	vld [tilespmem:$0x60]  }
0x1b7: {  	v7 =	vld [tilespmem:$0x70];
	_ =	sdelay $0x1  }
0x1b8: {  	v4 =	vshll.u32 v4, $0x1  }
0x1b9: {  	v5 =	vshll.u32 v5, $0x1;
	v4 =	vor.u32 $0x1, v4  }
0x1ba: {  	[tilespmem:$0x140] =	vst v4;
	v4 =	vor.u32 $0x1, v5;
	v5 =	vshll.u32 v6, $0x1  }
0x1bb: {  	[tilespmem:$0x150] =	vst v4;
	v4 =	vor.u32 $0x1, v5;
	v5 =	vshll.u32 v7, $0x1  }
0x1bc: {  	[tilespmem:$0x160] =	vst v4;
	v4 =	vor.u32 $0x1, v5  }
0x1bd: {  	s8 =	sor.u32 $0x200, s8;
	[tilespmem:$0x170] =	vst v4  }
0x1be: {  	[tilespmem:s25], [sflag:$0x4] =	stream.indirect.gather [hbm4b:s5+s17], $0x98, s24, s17, $0xb8;
	[tilespmem:$0x17D80] =	vst v63  }
0x1bf: {  	s10 =	sand.u32 $0xF8000, s12;
	s16 =	sshll.u32 s11, $0x8;
	s0 =	sadd.s32 s4, s8  }
0x1c0: {  	[tilespmem:s19], [sflag:$0x2] =	stream.linear.gather [hbm4b:s0+s3], $0x40, $0x38;
	[tilespmem:$0x17D80] =	vst v63  }
0x1c1: {  	s1 =	sand.u32 $0x300, s16;
	s0 =	sor.u32 s15, s10  }
0x1c2: {  	s0 =	sor.u32 s1, s0  }
0x1c3: {  	s2 =	rddreg [dreg:$0x1];
	s0 =	sshrl.u32 s0, $0x3  }
0x1c4: {  	s8 =	simm.s32 $0x0;
	s1 =	simm.s32 @!p0 $0x6;
	s16 =	sadd.s32 s2, s0  }
0x1c5: {  	v4 =	vmov s8;
	[hbm4b:s16+s21] =	stream.strided.scatter [tilespmem:s30], [sflag:$0x5], $0x9800, s29, s21, $0x38;
	[tilespmem:$0x17D80] =	vst v63  }
0x1c6: {  	v4 =	vand.u32 $0xFE, v4;
	_ =	swait.ge @!p0 [sflag:s1], $0x9400  }
0x1c7: {  	v5 =	vadd.s32 v0, v4;
	[sflag:s1] =	ssyncset.done @!p0 $0x0  }
0x1c8: {  	[sflag:s1] =	ssyncadd.s32 @!p0 $0xFFFF6C00  }
0x1c9: {  	_ =	swait.ge [sflag:s26], $0x2600  }
0x1ca: {  	[sflag:s26] =	ssyncset.done $0x0  }
0x1cb: {  	[sflag:s26] =	ssyncadd.s32 $0xFFFFDA00  }
0x1cc: {  	v5 =	vld.idx.msk [tilespmem:v5+s22+$0x0], $0xffff  }
0x1cd: {  	v6 =	vadd.s32 v1, v4;
	_ =	sdelay $0x2  }
0x1ce: {  	s0 =	simm.s32 $0x0  }
0x1cf: {  	[tilespmem:s0+$0xE580] =	vst v5  }
0x1d0: {  	v5 =	vld.idx.msk [tilespmem:v6+s22+$0x0], $0xffff  }
0x1d1: {  	v6 =	vadd.s32 v2, v4;
	_ =	sdelay $0x3  }
0x1d2: {  	[tilespmem:s0+$0xE590] =	vst v5  }
0x1d3: {  	v5 =	vld.idx.msk [tilespmem:v6+s22+$0x0], $0xffff  }
0x1d4: {  	v4 =	vadd.s32 v3, v4;
	_ =	sdelay $0x2  }
0x1d5: {  	s10 =	simm.s32 $0x1  }
0x1d6: {  	[tilespmem:s0+$0xE5A0] =	vst v5;
	v5 =	vmov s10  }
0x1d7: {  	v4 =	vld.idx.msk [tilespmem:v4+s22+$0x0], $0xffff;
	v5 =	vand.u32 $0xFF, v5  }
0x1d8: {  	v6 =	vadd.s32 v0, v5;
	_ =	sdelay $0x3  }
0x1d9: {  	[tilespmem:s0+$0xE5B0] =	vst v4  }
0x1da: {  	v4 =	vld.idx.msk [tilespmem:v6+s22+$0x0], $0xffff  }
0x1db: {  	v6 =	vadd.s32 v1, v5;
	_ =	sdelay $0x3  }
0x1dc: {  	[tilespmem:s0+$0xE680] =	vst v4  }
0x1dd: {  	v4 =	vld.idx.msk [tilespmem:v6+s22+$0x0], $0xffff  }
0x1de: {  	v6 =	vadd.s32 v2, v5;
	_ =	sdelay $0x3  }
0x1df: {  	[tilespmem:s0+$0xE690] =	vst v4  }
0x1e0: {  	v6 =	vld.idx.msk [tilespmem:v6+s22+$0x0], $0xffff  }
0x1e1: {  	v4 =	vadd.s32 v3, v5;
	_ =	sdelay $0x2  }
0x1e2: {  	s8 =	simm.s32 $0x3  }
0x1e3: {  	s2 =	simm.s32 $0x800;
	s1 =	simm.s32 $0x2;
	s10 =	simm.s32 $0x1000;
	[tilespmem:s0+$0xE6A0] =	vst v6  }
.LBB2_11:
0x1e4: {  	p0 =	sne.s32 s10, $0x25800;
	v5 =	vmov s1;
	v4 =	vld.idx.msk [tilespmem:v4+s22+$0x0], $0xffff  }
0x1e5: {  	v5 =	vand.u32 $0xFE, v5  }
0x1e6: {  	v6 =	vadd.s32 v0, v5;
	_ =	sdelay $0x3  }
0x1e7: {  	[tilespmem:s0+$0xE6B0] =	vst v4  }
0x1e8: {  	v4 =	vld.idx.msk [tilespmem:v6+s22+$0x0], $0xffff;
	_ =	sdelay $0x1  }
0x1e9: {  	v6 =	vadd.s32 v1, v5;
	_ =	sdelay $0x2  }
0x1ea: {  	s0 =	sshra.s32 s2, $0x2;
	s2 =	smov.u32 s10  }
0x1eb: {  	[tilespmem:s0+$0xE580] =	vst v4  }
0x1ec: {  	v4 =	vld.idx.msk [tilespmem:v6+s22+$0x0], $0xffff;
	_ =	sdelay $0x1  }
0x1ed: {  	v6 =	vadd.s32 v2, v5;
	_ =	sdelay $0x3  }
0x1ee: {  	[tilespmem:s0+$0xE590] =	vst v4  }
0x1ef: {  	v4 =	vld.idx.msk [tilespmem:v6+s22+$0x0], $0xffff;
	_ =	sdelay $0x1  }
0x1f0: {  	v5 =	vadd.s32 v3, v5;
	_ =	sdelay $0x3  }
0x1f1: {  	[tilespmem:s0+$0xE5A0] =	vst v4  }
0x1f2: {  	v4 =	vld.idx.msk [tilespmem:v5+s22+$0x0], $0xffff;
	v5 =	vmov s8  }
0x1f3: {  	v5 =	vand.u32 $0xFF, v5  }
0x1f4: {  	v6 =	vadd.s32 v0, v5;
	_ =	sdelay $0x3  }
0x1f5: {  	[tilespmem:s0+$0xE5B0] =	vst v4  }
0x1f6: {  	v4 =	vld.idx.msk [tilespmem:v6+s22+$0x0], $0xffff;
	_ =	sdelay $0x1  }
0x1f7: {  	v6 =	vadd.s32 v1, v5;
	_ =	sdelay $0x3  }
0x1f8: {  	[tilespmem:s0+$0xE680] =	vst v4  }
0x1f9: {  	v4 =	vld.idx.msk [tilespmem:v6+s22+$0x0], $0xffff;
	_ =	sdelay $0x1  }
0x1fa: {  	v6 =	vadd.s32 v2, v5;
	_ =	sdelay $0x3  }
0x1fb: {  	[tilespmem:s0+$0xE690] =	vst v4  }
0x1fc: {  	v6 =	vld.idx.msk [tilespmem:v6+s22+$0x0], $0xffff;
	_ =	sdelay $0x1  }
.Ltmp4:
0x1fd: {  	v4 =	vadd.s32 v3, v5;
	(pc) =	sbr.rel @p0 .LBB2_11-.Ltmp4, $3  }
0x1fe: {  	_ =	sdelay $0x1  }
0x1ff: {  	s8 =	sadd.s32 $0x2, s8  }
0x200: {  	s10 =	sadd.s32 $0x800, s10;
	s1 =	sadd.s32 $0xFFFFFFFF, s8;
	[tilespmem:s0+$0xE6A0] =	vst v6  }
0x201: {  	_ =	sdelay $0x2  }
0x202: {  	v5 =	vmov s1  }
0x203: {  	v4 =	vld.idx.msk [tilespmem:v4+s22+$0x0], $0xffff;
	v5 =	vand.u32 $0xFE, v5  }
0x204: {  	v6 =	vadd.s32 v0, v5;
	_ =	sdelay $0x3  }
0x205: {  	[tilespmem:s0+$0xE6B0] =	vst v4  }
0x206: {  	v4 =	vld.idx.msk [tilespmem:v6+s22+$0x0], $0xffff  }
0x207: {  	v6 =	vadd.s32 v1, v5;
	_ =	sdelay $0x2  }
0x208: {  	s2 =	sshra.s32 s2, $0x2  }
0x209: {  	[tilespmem:s2+$0xE580] =	vst v4  }
0x20a: {  	v4 =	vld.idx.msk [tilespmem:v6+s22+$0x0], $0xffff  }
0x20b: {  	v6 =	vadd.s32 v2, v5;
	_ =	sdelay $0x3  }
0x20c: {  	[tilespmem:s2+$0xE590] =	vst v4  }
0x20d: {  	v4 =	vld.idx.msk [tilespmem:v6+s22+$0x0], $0xffff  }
0x20e: {  	v5 =	vadd.s32 v3, v5;
	_ =	sdelay $0x3  }
0x20f: {  	[tilespmem:s2+$0xE5A0] =	vst v4;
	v4 =	vmov s8  }
0x210: {  	v5 =	vld.idx.msk [tilespmem:v5+s22+$0x0], $0xffff;
	v4 =	vand.u32 $0xFF, v4  }
0x211: {  	v6 =	vadd.s32 v0, v4;
	_ =	sdelay $0x3  }
0x212: {  	[tilespmem:s2+$0xE5B0] =	vst v5  }
0x213: {  	v5 =	vld.idx.msk [tilespmem:v6+s22+$0x0], $0xffff  }
0x214: {  	v6 =	vadd.s32 v1, v4;
	_ =	sdelay $0x3  }
0x215: {  	[tilespmem:s2+$0xE680] =	vst v5  }
0x216: {  	v5 =	vld.idx.msk [tilespmem:v6+s22+$0x0], $0xffff  }
0x217: {  	v6 =	vadd.s32 v2, v4;
	_ =	sdelay $0x3  }
0x218: {  	[tilespmem:s2+$0xE690] =	vst v5  }
0x219: {  	v5 =	vld.idx.msk [tilespmem:v6+s22+$0x0], $0xffff  }
0x21a: {  	v4 =	vadd.s32 v3, v4;
	_ =	sdelay $0x3  }
0x21b: {  	[tilespmem:s2+$0xE6A0] =	vst v5  }
0x21c: {  	v4 =	vld.idx.msk [tilespmem:v4+s22+$0x0], $0xffff;
	_ =	sdelay $0x4  }
0x21d: {  	[tilespmem:s2+$0xE6B0] =	vst v4  }
0x21e: {  	_ =	swait.ge [sflag:s20], $0x40  }
0x21f: {  	[sflag:s20] =	ssyncset.done $0x0  }
0x220: {  	[sflag:s20] =	ssyncadd.s32 $0xFFFFFFC0  }
0x221: {  	v4 =	vld [tilespmem:$0x80]  }
0x222: {  	v5 =	vld [tilespmem:$0x90]  }
0x223: {  	v6 =	vld [tilespmem:$0xA0]  }
0x224: {  	v7 =	vld [tilespmem:$0xB0];
	_ =	sdelay $0x1  }
0x225: {  	v4 =	vshll.u32 v4, $0x1  }
0x226: {  	v5 =	vshll.u32 v5, $0x1;
	v4 =	vor.u32 $0x1, v4  }
0x227: {  	[tilespmem:$0x100] =	vst v4;
	v4 =	vor.u32 $0x1, v5;
	v5 =	vshll.u32 v6, $0x1  }
0x228: {  	p0 =	seq.s32 s11, $0x63;
	[tilespmem:$0x110] =	vst v4;
	v4 =	vor.u32 $0x1, v5;
	v5 =	vshll.u32 v7, $0x1  }
0x229: {  	s1 =	sadd.s32 @!p0 s13, s12;
	s8 =	simm.s32 $0x0;
	[tilespmem:$0x120] =	vst v4;
	v4 =	vor.u32 $0x1, v5  }
0x22a: {  	s0 =	sshrl.u32 @!p0 s1, $0x3;
	[tilespmem:$0x130] =	vst v4;
	v4 =	vmov s8  }
0x22b: {  	[tilespmem:s22], [sflag:$0x3] =	stream.indirect.gather [hbm4b:s5+s17], $0x98, s21, s17, $0xb8;
	v4 =	vand.u32 $0xFE, v4;
	[tilespmem:$0x17D80] =	vst v63  }
0x22c: {  	s1 =	simm.s32 @!p0 $0x0;
	s0 =	sadd.s32 @!p0 s4, s0;
	v5 =	vadd.s32 v0, v4  }
0x22d: {  	[tilespmem:s1], [sflag:$0x1] =	stream.linear.gather @!p0 [hbm4b:s0+s1], $0x40, $0x38;
	[tilespmem:$0x17D80] =	vst v63  }
0x22e: {  	_ =	swait.ge [sflag:s28], $0x2600  }
0x22f: {  	[sflag:s28] =	ssyncset.done $0x0  }
0x230: {  	[sflag:s28] =	ssyncadd.s32 $0xFFFFDA00  }
0x231: {  	v5 =	vld.idx.msk [tilespmem:v5+s25+$0x0], $0xffff  }
0x232: {  	v6 =	vadd.s32 v1, v4;
	_ =	sdelay $0x2  }
0x233: {  	s0 =	simm.s32 $0x0  }
0x234: {  	[tilespmem:s0+$0xE5C0] =	vst v5  }
0x235: {  	v5 =	vld.idx.msk [tilespmem:v6+s25+$0x0], $0xffff  }
0x236: {  	v6 =	vadd.s32 v2, v4;
	_ =	sdelay $0x3  }
0x237: {  	[tilespmem:s0+$0xE5D0] =	vst v5  }
0x238: {  	v5 =	vld.idx.msk [tilespmem:v6+s25+$0x0], $0xffff  }
0x239: {  	v4 =	vadd.s32 v3, v4;
	_ =	sdelay $0x2  }
0x23a: {  	s10 =	simm.s32 $0x1  }
0x23b: {  	[tilespmem:s0+$0xE5E0] =	vst v5;
	v5 =	vmov s10  }
0x23c: {  	v4 =	vld.idx.msk [tilespmem:v4+s25+$0x0], $0xffff;
	v5 =	vand.u32 $0xFF, v5  }
0x23d: {  	v6 =	vadd.s32 v0, v5;
	_ =	sdelay $0x3  }
0x23e: {  	[tilespmem:s0+$0xE5F0] =	vst v4  }
0x23f: {  	v4 =	vld.idx.msk [tilespmem:v6+s25+$0x0], $0xffff  }
0x240: {  	v6 =	vadd.s32 v1, v5;
	_ =	sdelay $0x3  }
0x241: {  	[tilespmem:s0+$0xE6C0] =	vst v4  }
0x242: {  	v4 =	vld.idx.msk [tilespmem:v6+s25+$0x0], $0xffff  }
0x243: {  	v6 =	vadd.s32 v2, v5;
	_ =	sdelay $0x3  }
0x244: {  	[tilespmem:s0+$0xE6D0] =	vst v4  }
0x245: {  	v6 =	vld.idx.msk [tilespmem:v6+s25+$0x0], $0xffff  }
0x246: {  	v4 =	vadd.s32 v3, v5;
	_ =	sdelay $0x2  }
0x247: {  	s2 =	simm.s32 $0x800  }
0x248: {  	s8 =	simm.s32 $0x3;
	s1 =	simm.s32 $0x2;
	s10 =	simm.s32 $0x1000;
	[tilespmem:s0+$0xE6E0] =	vst v6  }
.LBB2_13:
0x249: {  	p1 =	sne.s32 s10, $0x25800;
	v5 =	vmov s1;
	v4 =	vld.idx.msk [tilespmem:v4+s25+$0x0], $0xffff  }
0x24a: {  	v5 =	vand.u32 $0xFE, v5  }
0x24b: {  	v6 =	vadd.s32 v0, v5;
	_ =	sdelay $0x3  }
0x24c: {  	[tilespmem:s0+$0xE6F0] =	vst v4  }
0x24d: {  	v4 =	vld.idx.msk [tilespmem:v6+s25+$0x0], $0xffff;
	_ =	sdelay $0x1  }
0x24e: {  	v6 =	vadd.s32 v1, v5;
	_ =	sdelay $0x2  }
0x24f: {  	s0 =	sshra.s32 s2, $0x2;
	s2 =	smov.u32 s10  }
0x250: {  	[tilespmem:s0+$0xE5C0] =	vst v4  }
0x251: {  	v4 =	vld.idx.msk [tilespmem:v6+s25+$0x0], $0xffff;
	_ =	sdelay $0x1  }
0x252: {  	v6 =	vadd.s32 v2, v5;
	_ =	sdelay $0x3  }
0x253: {  	[tilespmem:s0+$0xE5D0] =	vst v4  }
0x254: {  	v4 =	vld.idx.msk [tilespmem:v6+s25+$0x0], $0xffff;
	_ =	sdelay $0x1  }
0x255: {  	v5 =	vadd.s32 v3, v5;
	_ =	sdelay $0x3  }
0x256: {  	[tilespmem:s0+$0xE5E0] =	vst v4  }
0x257: {  	v4 =	vld.idx.msk [tilespmem:v5+s25+$0x0], $0xffff;
	v5 =	vmov s8  }
0x258: {  	v5 =	vand.u32 $0xFF, v5  }
0x259: {  	v6 =	vadd.s32 v0, v5;
	_ =	sdelay $0x3  }
0x25a: {  	[tilespmem:s0+$0xE5F0] =	vst v4  }
0x25b: {  	v4 =	vld.idx.msk [tilespmem:v6+s25+$0x0], $0xffff;
	_ =	sdelay $0x1  }
0x25c: {  	v6 =	vadd.s32 v1, v5;
	_ =	sdelay $0x3  }
0x25d: {  	[tilespmem:s0+$0xE6C0] =	vst v4  }
0x25e: {  	v4 =	vld.idx.msk [tilespmem:v6+s25+$0x0], $0xffff;
	_ =	sdelay $0x1  }
0x25f: {  	v6 =	vadd.s32 v2, v5;
	_ =	sdelay $0x3  }
0x260: {  	[tilespmem:s0+$0xE6D0] =	vst v4  }
0x261: {  	v6 =	vld.idx.msk [tilespmem:v6+s25+$0x0], $0xffff;
	_ =	sdelay $0x1  }
.Ltmp5:
0x262: {  	v4 =	vadd.s32 v3, v5;
	(pc) =	sbr.rel @p1 .LBB2_13-.Ltmp5, $3  }
0x263: {  	_ =	sdelay $0x1  }
0x264: {  	s8 =	sadd.s32 $0x2, s8  }
0x265: {  	s10 =	sadd.s32 $0x800, s10;
	s1 =	sadd.s32 $0xFFFFFFFF, s8;
	[tilespmem:s0+$0xE6E0] =	vst v6  }
0x266: {  	_ =	sdelay $0x2  }
0x267: {  	v5 =	vmov s1  }
0x268: {  	v4 =	vld.idx.msk [tilespmem:v4+s25+$0x0], $0xffff;
	v5 =	vand.u32 $0xFE, v5  }
0x269: {  	v6 =	vadd.s32 v0, v5;
	_ =	sdelay $0x3  }
0x26a: {  	[tilespmem:s0+$0xE6F0] =	vst v4  }
0x26b: {  	v4 =	vld.idx.msk [tilespmem:v6+s25+$0x0], $0xffff  }
0x26c: {  	v6 =	vadd.s32 v1, v5;
	_ =	sdelay $0x2  }
0x26d: {  	s2 =	sshra.s32 s2, $0x2  }
0x26e: {  	[tilespmem:s2+$0xE5C0] =	vst v4  }
0x26f: {  	v4 =	vld.idx.msk [tilespmem:v6+s25+$0x0], $0xffff  }
0x270: {  	v6 =	vadd.s32 v2, v5;
	_ =	sdelay $0x3  }
0x271: {  	[tilespmem:s2+$0xE5D0] =	vst v4  }
0x272: {  	v4 =	vld.idx.msk [tilespmem:v6+s25+$0x0], $0xffff  }
0x273: {  	v5 =	vadd.s32 v3, v5;
	_ =	sdelay $0x3  }
0x274: {  	[tilespmem:s2+$0xE5E0] =	vst v4;
	v4 =	vmov s8  }
0x275: {  	v5 =	vld.idx.msk [tilespmem:v5+s25+$0x0], $0xffff;
	v4 =	vand.u32 $0xFF, v4  }
0x276: {  	v6 =	vadd.s32 v0, v4;
	_ =	sdelay $0x3  }
0x277: {  	[tilespmem:s2+$0xE5F0] =	vst v5  }
0x278: {  	v5 =	vld.idx.msk [tilespmem:v6+s25+$0x0], $0xffff  }
0x279: {  	v6 =	vadd.s32 v1, v4;
	_ =	sdelay $0x3  }
0x27a: {  	[tilespmem:s2+$0xE6C0] =	vst v5  }
0x27b: {  	v5 =	vld.idx.msk [tilespmem:v6+s25+$0x0], $0xffff  }
0x27c: {  	v6 =	vadd.s32 v2, v4;
	_ =	sdelay $0x3  }
0x27d: {  	[tilespmem:s2+$0xE6D0] =	vst v5  }
0x27e: {  	v5 =	vld.idx.msk [tilespmem:v6+s25+$0x0], $0xffff  }
0x27f: {  	v4 =	vadd.s32 v3, v4;
	_ =	sdelay $0x3  }
0x280: {  	[tilespmem:s2+$0xE6E0] =	vst v5  }
0x281: {  	v4 =	vld.idx.msk [tilespmem:v4+s25+$0x0], $0xffff;
	_ =	sdelay $0x4  }
0x282: {  	[tilespmem:s2+$0xE6F0] =	vst v4  }
0x283: {  	_ =	swait.ge [sflag:s23], $0x40  }
0x284: {  	[sflag:s23] =	ssyncset.done $0x0  }
0x285: {  	[sflag:s23] =	ssyncadd.s32 $0xFFFFFFC0  }
0x286: {  	v4 =	vld [tilespmem:$0xC0]  }
0x287: {  	v5 =	vld [tilespmem:$0xD0]  }
0x288: {  	v6 =	vld [tilespmem:$0xE0]  }
0x289: {  	v7 =	vld [tilespmem:$0xF0];
	_ =	sdelay $0x1  }
0x28a: {  	v4 =	vshll.u32 v4, $0x1  }
0x28b: {  	v5 =	vshll.u32 v5, $0x1;
	v4 =	vor.u32 $0x1, v4  }
0x28c: {  	[tilespmem:$0x140] =	vst v4;
	v4 =	vor.u32 $0x1, v5;
	v5 =	vshll.u32 v6, $0x1  }
0x28d: {  	[tilespmem:$0x150] =	vst v4;
	v4 =	vor.u32 $0x1, v5;
	v5 =	vshll.u32 v7, $0x1  }
0x28e: {  	s10 =	simm.s32 $0x0;
	s1 =	sadd.s32 @!p0 s14, s12;
	[tilespmem:$0x160] =	vst v4;
	v4 =	vor.u32 $0x1, v5  }
0x28f: {  	s0 =	sshrl.u32 @!p0 s1, $0x3;
	[tilespmem:$0x170] =	vst v4;
	v4 =	vmov s10  }
0x290: {  	[tilespmem:s25], [sflag:$0x4] =	stream.indirect.gather [hbm4b:s5+s17], $0x98, s24, s17, $0xb8;
	v4 =	vand.u32 $0xFE, v4;
	[tilespmem:$0x17D80] =	vst v63  }
0x291: {  	s1 =	simm.s32 @!p0 $0x0;
	s0 =	sadd.s32 @!p0 s4, s0;
	s2 =	simm.s32 @!p0 $0x40;
	v5 =	vadd.s32 v0, v4  }
0x292: {  	[tilespmem:s2], [sflag:$0x2] =	stream.linear.gather @!p0 [hbm4b:s0+s1], $0x40, $0x38;
	[tilespmem:$0x17D80] =	vst v63  }
0x293: {  	_ =	swait.ge [sflag:s26], $0x2600  }
0x294: {  	[sflag:s26] =	ssyncset.done $0x0  }
0x295: {  	[sflag:s26] =	ssyncadd.s32 $0xFFFFDA00  }
0x296: {  	v5 =	vld.idx.msk [tilespmem:v5+s22+$0x0], $0xffff  }
0x297: {  	v6 =	vadd.s32 v1, v4;
	_ =	sdelay $0x2  }
0x298: {  	s0 =	simm.s32 $0x0  }
0x299: {  	[tilespmem:s0+$0xE600] =	vst v5  }
0x29a: {  	v5 =	vld.idx.msk [tilespmem:v6+s22+$0x0], $0xffff  }
0x29b: {  	v6 =	vadd.s32 v2, v4;
	_ =	sdelay $0x3  }
0x29c: {  	[tilespmem:s0+$0xE610] =	vst v5  }
0x29d: {  	v5 =	vld.idx.msk [tilespmem:v6+s22+$0x0], $0xffff  }
0x29e: {  	v4 =	vadd.s32 v3, v4;
	_ =	sdelay $0x2  }
0x29f: {  	s12 =	simm.s32 $0x1  }
0x2a0: {  	[tilespmem:s0+$0xE620] =	vst v5;
	v5 =	vmov s12  }
0x2a1: {  	v4 =	vld.idx.msk [tilespmem:v4+s22+$0x0], $0xffff;
	v5 =	vand.u32 $0xFF, v5  }
0x2a2: {  	v6 =	vadd.s32 v0, v5;
	_ =	sdelay $0x3  }
0x2a3: {  	[tilespmem:s0+$0xE630] =	vst v4  }
0x2a4: {  	v4 =	vld.idx.msk [tilespmem:v6+s22+$0x0], $0xffff  }
0x2a5: {  	v6 =	vadd.s32 v1, v5;
	_ =	sdelay $0x3  }
0x2a6: {  	[tilespmem:s0+$0xE700] =	vst v4  }
0x2a7: {  	v4 =	vld.idx.msk [tilespmem:v6+s22+$0x0], $0xffff  }
0x2a8: {  	v6 =	vadd.s32 v2, v5;
	_ =	sdelay $0x3  }
0x2a9: {  	[tilespmem:s0+$0xE710] =	vst v4  }
0x2aa: {  	v6 =	vld.idx.msk [tilespmem:v6+s22+$0x0], $0xffff  }
0x2ab: {  	v4 =	vadd.s32 v3, v5;
	_ =	sdelay $0x2  }
0x2ac: {  	s8 =	simm.s32 $0x3  }
0x2ad: {  	s10 =	simm.s32 $0x1000;
	s2 =	simm.s32 $0x800;
	s1 =	simm.s32 $0x2;
	[tilespmem:s0+$0xE720] =	vst v6  }
.LBB2_15:
0x2ae: {  	p1 =	sne.s32 s10, $0x25800;
	v5 =	vmov s1;
	v4 =	vld.idx.msk [tilespmem:v4+s22+$0x0], $0xffff  }
0x2af: {  	v5 =	vand.u32 $0xFE, v5  }
0x2b0: {  	v6 =	vadd.s32 v0, v5;
	_ =	sdelay $0x3  }
0x2b1: {  	[tilespmem:s0+$0xE730] =	vst v4  }
0x2b2: {  	v4 =	vld.idx.msk [tilespmem:v6+s22+$0x0], $0xffff;
	_ =	sdelay $0x1  }
0x2b3: {  	v6 =	vadd.s32 v1, v5;
	_ =	sdelay $0x2  }
0x2b4: {  	s0 =	sshra.s32 s2, $0x2;
	s2 =	smov.u32 s10  }
0x2b5: {  	[tilespmem:s0+$0xE600] =	vst v4  }
0x2b6: {  	v4 =	vld.idx.msk [tilespmem:v6+s22+$0x0], $0xffff;
	_ =	sdelay $0x1  }
0x2b7: {  	v6 =	vadd.s32 v2, v5;
	_ =	sdelay $0x3  }
0x2b8: {  	[tilespmem:s0+$0xE610] =	vst v4  }
0x2b9: {  	v4 =	vld.idx.msk [tilespmem:v6+s22+$0x0], $0xffff;
	_ =	sdelay $0x1  }
0x2ba: {  	v5 =	vadd.s32 v3, v5;
	_ =	sdelay $0x3  }
0x2bb: {  	[tilespmem:s0+$0xE620] =	vst v4  }
0x2bc: {  	v4 =	vld.idx.msk [tilespmem:v5+s22+$0x0], $0xffff;
	v5 =	vmov s8  }
0x2bd: {  	v5 =	vand.u32 $0xFF, v5  }
0x2be: {  	v6 =	vadd.s32 v0, v5;
	_ =	sdelay $0x3  }
0x2bf: {  	[tilespmem:s0+$0xE630] =	vst v4  }
0x2c0: {  	v4 =	vld.idx.msk [tilespmem:v6+s22+$0x0], $0xffff;
	_ =	sdelay $0x1  }
0x2c1: {  	v6 =	vadd.s32 v1, v5;
	_ =	sdelay $0x3  }
0x2c2: {  	[tilespmem:s0+$0xE700] =	vst v4  }
0x2c3: {  	v4 =	vld.idx.msk [tilespmem:v6+s22+$0x0], $0xffff;
	_ =	sdelay $0x1  }
0x2c4: {  	v6 =	vadd.s32 v2, v5;
	_ =	sdelay $0x3  }
0x2c5: {  	[tilespmem:s0+$0xE710] =	vst v4  }
0x2c6: {  	v6 =	vld.idx.msk [tilespmem:v6+s22+$0x0], $0xffff;
	_ =	sdelay $0x1  }
.Ltmp6:
0x2c7: {  	v4 =	vadd.s32 v3, v5;
	(pc) =	sbr.rel @p1 .LBB2_15-.Ltmp6, $3  }
0x2c8: {  	_ =	sdelay $0x1  }
0x2c9: {  	s8 =	sadd.s32 $0x2, s8  }
0x2ca: {  	s10 =	sadd.s32 $0x800, s10;
	s1 =	sadd.s32 $0xFFFFFFFF, s8;
	[tilespmem:s0+$0xE720] =	vst v6  }
0x2cb: {  	_ =	sdelay $0x2  }
0x2cc: {  	v5 =	vmov s1  }
0x2cd: {  	v4 =	vld.idx.msk [tilespmem:v4+s22+$0x0], $0xffff;
	v5 =	vand.u32 $0xFE, v5  }
0x2ce: {  	v6 =	vadd.s32 v0, v5;
	_ =	sdelay $0x3  }
0x2cf: {  	[tilespmem:s0+$0xE730] =	vst v4  }
0x2d0: {  	v4 =	vld.idx.msk [tilespmem:v6+s22+$0x0], $0xffff  }
0x2d1: {  	v6 =	vadd.s32 v1, v5;
	_ =	sdelay $0x2  }
0x2d2: {  	s2 =	sshra.s32 s2, $0x2  }
0x2d3: {  	[tilespmem:s2+$0xE600] =	vst v4  }
0x2d4: {  	v4 =	vld.idx.msk [tilespmem:v6+s22+$0x0], $0xffff  }
0x2d5: {  	v6 =	vadd.s32 v2, v5;
	_ =	sdelay $0x3  }
0x2d6: {  	[tilespmem:s2+$0xE610] =	vst v4  }
0x2d7: {  	v4 =	vld.idx.msk [tilespmem:v6+s22+$0x0], $0xffff  }
0x2d8: {  	v5 =	vadd.s32 v3, v5;
	_ =	sdelay $0x3  }
0x2d9: {  	[tilespmem:s2+$0xE620] =	vst v4;
	v4 =	vmov s8  }
0x2da: {  	v5 =	vld.idx.msk [tilespmem:v5+s22+$0x0], $0xffff;
	v4 =	vand.u32 $0xFF, v4  }
0x2db: {  	v6 =	vadd.s32 v0, v4;
	_ =	sdelay $0x3  }
0x2dc: {  	[tilespmem:s2+$0xE630] =	vst v5  }
0x2dd: {  	v5 =	vld.idx.msk [tilespmem:v6+s22+$0x0], $0xffff  }
0x2de: {  	v6 =	vadd.s32 v1, v4;
	_ =	sdelay $0x3  }
0x2df: {  	[tilespmem:s2+$0xE700] =	vst v5  }
0x2e0: {  	v5 =	vld.idx.msk [tilespmem:v6+s22+$0x0], $0xffff  }
0x2e1: {  	v6 =	vadd.s32 v2, v4;
	_ =	sdelay $0x3  }
0x2e2: {  	[tilespmem:s2+$0xE710] =	vst v5  }
0x2e3: {  	v5 =	vld.idx.msk [tilespmem:v6+s22+$0x0], $0xffff  }
0x2e4: {  	v4 =	vadd.s32 v3, v4;
	_ =	sdelay $0x3  }
0x2e5: {  	[tilespmem:s2+$0xE720] =	vst v5  }
0x2e6: {  	v4 =	vld.idx.msk [tilespmem:v4+s22+$0x0], $0xffff;
	_ =	sdelay $0x4  }
0x2e7: {  	s0 =	simm.s32 @!p0 $0x1;
	[tilespmem:s2+$0xE730] =	vst v4  }
0x2e8: {  	_ =	swait.ge @!p0 [sflag:s0], $0x40  }
0x2e9: {  	[sflag:s0] =	ssyncset.done @!p0 $0x0  }
0x2ea: {  	[sflag:s0] =	ssyncadd.s32 @!p0 $0xFFFFFFC0  }
0x2eb: {  	v4 =	vld @!p0 [tilespmem:$0x0]  }
0x2ec: {  	v5 =	vld @!p0 [tilespmem:$0x10]  }
0x2ed: {  	v6 =	vld @!p0 [tilespmem:$0x20]  }
0x2ee: {  	v7 =	vld @!p0 [tilespmem:$0x30];
	_ =	sdelay $0x1  }
0x2ef: {  	v4 =	vshll.u32 @!p0 v4, $0x1  }
0x2f0: {  	[tilespmem:$0x100] =	vst @!p0 v4;
	v4 =	vshll.u32 @!p0 v5, $0x1  }
0x2f1: {  	[tilespmem:$0x110] =	vst @!p0 v4;
	v4 =	vshll.u32 @!p0 v6, $0x1  }
0x2f2: {  	s11 =	sadd.s32 $0x1, s11;
	s1 =	simm.s32 @!p0 $0x100;
	s10 =	simm.s32 $0x0;
	[tilespmem:$0x120] =	vst @!p0 v4;
	v4 =	vshll.u32 @!p0 v7, $0x1  }
0x2f3: {  	s8 =	sshll.u32 @!p0 s11, $0xD;
	s2 =	simm.s32 @!p0 $0x180;
	s0 =	simm.s32 @!p0 $0x40;
	[tilespmem:$0x130] =	vst @!p0 v4  }
0x2f4: {  	[tilespmem:s2], [sflag:$0x3] =	stream.indirect.gather @!p0 [hbm4b:s5+s0], $0x98, s1, s0, $0xb8;
	[tilespmem:$0x17D80] =	vst v63  }
0x2f5: {  	v4 =	vmov s10;
	s1 =	sor.u32 @!p0 s6, s8  }
0x2f6: {  	v4 =	vand.u32 $0xFE, v4;
	s0 =	sshrl.u32 @!p0 s1, $0x3  }
0x2f7: {  	s2 =	simm.s32 @!p0 $0x80;
	s1 =	simm.s32 @!p0 $0x0;
	v5 =	vadd.s32 v0, v4;
	s0 =	sadd.s32 @!p0 s0, s9  }
0x2f8: {  	[tilespmem:s2], [sflag:$0x1] =	stream.linear.gather @!p0 [hbm4b:s0+s1], $0x40, $0x38;
	[tilespmem:$0x17D80] =	vst v63  }
0x2f9: {  	_ =	swait.ge [sflag:s28], $0x2600  }
0x2fa: {  	[sflag:s28] =	ssyncset.done $0x0  }
0x2fb: {  	[sflag:s28] =	ssyncadd.s32 $0xFFFFDA00  }
0x2fc: {  	v5 =	vld.idx.msk [tilespmem:v5+s25+$0x0], $0xffff  }
0x2fd: {  	v6 =	vadd.s32 v1, v4;
	_ =	sdelay $0x2  }
0x2fe: {  	s0 =	simm.s32 $0x0  }
0x2ff: {  	[tilespmem:s0+$0xE640] =	vst v5  }
0x300: {  	v5 =	vld.idx.msk [tilespmem:v6+s25+$0x0], $0xffff  }
0x301: {  	v6 =	vadd.s32 v2, v4;
	_ =	sdelay $0x3  }
0x302: {  	[tilespmem:s0+$0xE650] =	vst v5  }
0x303: {  	v5 =	vld.idx.msk [tilespmem:v6+s25+$0x0], $0xffff  }
0x304: {  	v4 =	vadd.s32 v3, v4;
	_ =	sdelay $0x2  }
0x305: {  	s12 =	simm.s32 $0x1  }
0x306: {  	[tilespmem:s0+$0xE660] =	vst v5;
	v5 =	vmov s12  }
0x307: {  	v4 =	vld.idx.msk [tilespmem:v4+s25+$0x0], $0xffff;
	v5 =	vand.u32 $0xFF, v5  }
0x308: {  	v6 =	vadd.s32 v0, v5;
	_ =	sdelay $0x3  }
0x309: {  	[tilespmem:s0+$0xE670] =	vst v4  }
0x30a: {  	v4 =	vld.idx.msk [tilespmem:v6+s25+$0x0], $0xffff  }
0x30b: {  	v6 =	vadd.s32 v1, v5;
	_ =	sdelay $0x3  }
0x30c: {  	[tilespmem:s0+$0xE740] =	vst v4  }
0x30d: {  	v4 =	vld.idx.msk [tilespmem:v6+s25+$0x0], $0xffff  }
0x30e: {  	v6 =	vadd.s32 v2, v5;
	_ =	sdelay $0x3  }
0x30f: {  	[tilespmem:s0+$0xE750] =	vst v4  }
0x310: {  	v6 =	vld.idx.msk [tilespmem:v6+s25+$0x0], $0xffff  }
0x311: {  	v4 =	vadd.s32 v3, v5;
	_ =	sdelay $0x2  }
0x312: {  	s10 =	simm.s32 $0x1000  }
0x313: {  	s2 =	simm.s32 $0x800;
	s1 =	simm.s32 $0x2;
	s12 =	simm.s32 $0x3;
	[tilespmem:s0+$0xE760] =	vst v6  }
.LBB2_17:
0x314: {  	p1 =	sne.s32 s10, $0x25800;
	v5 =	vmov s1;
	v4 =	vld.idx.msk [tilespmem:v4+s25+$0x0], $0xffff  }
0x315: {  	v5 =	vand.u32 $0xFE, v5  }
0x316: {  	v6 =	vadd.s32 v0, v5;
	_ =	sdelay $0x3  }
0x317: {  	[tilespmem:s0+$0xE770] =	vst v4  }
0x318: {  	v4 =	vld.idx.msk [tilespmem:v6+s25+$0x0], $0xffff;
	_ =	sdelay $0x1  }
0x319: {  	v6 =	vadd.s32 v1, v5;
	_ =	sdelay $0x2  }
0x31a: {  	s0 =	sshra.s32 s2, $0x2;
	s2 =	smov.u32 s10  }
0x31b: {  	[tilespmem:s0+$0xE640] =	vst v4  }
0x31c: {  	v4 =	vld.idx.msk [tilespmem:v6+s25+$0x0], $0xffff;
	_ =	sdelay $0x1  }
0x31d: {  	v6 =	vadd.s32 v2, v5;
	_ =	sdelay $0x3  }
0x31e: {  	[tilespmem:s0+$0xE650] =	vst v4  }
0x31f: {  	v4 =	vld.idx.msk [tilespmem:v6+s25+$0x0], $0xffff;
	_ =	sdelay $0x1  }
0x320: {  	v5 =	vadd.s32 v3, v5;
	_ =	sdelay $0x3  }
0x321: {  	[tilespmem:s0+$0xE660] =	vst v4  }
0x322: {  	v4 =	vld.idx.msk [tilespmem:v5+s25+$0x0], $0xffff;
	v5 =	vmov s12  }
0x323: {  	v5 =	vand.u32 $0xFF, v5  }
0x324: {  	v6 =	vadd.s32 v0, v5;
	_ =	sdelay $0x3  }
0x325: {  	[tilespmem:s0+$0xE670] =	vst v4  }
0x326: {  	v4 =	vld.idx.msk [tilespmem:v6+s25+$0x0], $0xffff;
	_ =	sdelay $0x1  }
0x327: {  	v6 =	vadd.s32 v1, v5;
	_ =	sdelay $0x3  }
0x328: {  	[tilespmem:s0+$0xE740] =	vst v4  }
0x329: {  	v4 =	vld.idx.msk [tilespmem:v6+s25+$0x0], $0xffff;
	_ =	sdelay $0x1  }
0x32a: {  	v6 =	vadd.s32 v2, v5;
	_ =	sdelay $0x3  }
0x32b: {  	[tilespmem:s0+$0xE750] =	vst v4  }
0x32c: {  	v6 =	vld.idx.msk [tilespmem:v6+s25+$0x0], $0xffff;
	_ =	sdelay $0x1  }
.Ltmp7:
0x32d: {  	v4 =	vadd.s32 v3, v5;
	(pc) =	sbr.rel @p1 .LBB2_17-.Ltmp7, $3  }
0x32e: {  	_ =	sdelay $0x1  }
0x32f: {  	s12 =	sadd.s32 $0x2, s12  }
0x330: {  	s10 =	sadd.s32 $0x800, s10;
	s1 =	sadd.s32 $0xFFFFFFFF, s12;
	[tilespmem:s0+$0xE760] =	vst v6  }
0x331: {  	_ =	sdelay $0x2  }
0x332: {  	v5 =	vmov s1  }
0x333: {  	v4 =	vld.idx.msk [tilespmem:v4+s25+$0x0], $0xffff;
	v5 =	vand.u32 $0xFE, v5  }
0x334: {  	v6 =	vadd.s32 v0, v5;
	_ =	sdelay $0x3  }
0x335: {  	[tilespmem:s0+$0xE770] =	vst v4  }
0x336: {  	v4 =	vld.idx.msk [tilespmem:v6+s25+$0x0], $0xffff  }
0x337: {  	v59 =	vadd.s32 v1, v5;
	_ =	sdelay $0x2  }
0x338: {  	s10 =	sshra.s32 s2, $0x2  }
0x339: {  	[tilespmem:s10+$0xE640] =	vst v4  }
0x33a: {  	v4 =	vld.idx.msk [tilespmem:v59+s25+$0x0], $0xffff  }
0x33b: {  	v60 =	vadd.s32 v2, v5;
	_ =	sdelay $0x3  }
0x33c: {  	[tilespmem:s10+$0xE650] =	vst v4  }
0x33d: {  	v4 =	vld.idx.msk [tilespmem:v60+s25+$0x0], $0xffff  }
0x33e: {  	v5 =	vadd.s32 v3, v5;
	_ =	sdelay $0x3  }
0x33f: {  	[tilespmem:s10+$0xE660] =	vst v4;
	v4 =	vmov s12  }
0x340: {  	v5 =	vld.idx.msk [tilespmem:v5+s25+$0x0], $0xffff;
	v4 =	vand.u32 $0xFF, v4  }
0x341: {  	v61 =	vadd.s32 v0, v4;
	_ =	sdelay $0x3  }
0x342: {  	[tilespmem:s10+$0xE670] =	vst v5  }
0x343: {  	v5 =	vld.idx.msk [tilespmem:v61+s25+$0x0], $0xffff  }
0x344: {  	v62 =	vadd.s32 v1, v4;
	_ =	sdelay $0x3  }
0x345: {  	[tilespmem:s10+$0xE740] =	vst v5  }
0x346: {  	v5 =	vld.idx.msk [tilespmem:v62+s25+$0x0], $0xffff  }
0x347: {  	v63 =	vadd.s32 v2, v4;
	_ =	sdelay $0x3  }
0x348: {  	[tilespmem:s10+$0xE750] =	vst v5  }
0x349: {  	v5 =	vld.idx.msk [tilespmem:v63+s25+$0x0], $0xffff  }
0x34a: {  	v4 =	vadd.s32 v3, v4;
	_ =	sdelay $0x3  }
0x34b: {  	[tilespmem:s10+$0xE760] =	vst v5  }
0x34c: {  	v4 =	vld.idx.msk [tilespmem:v4+s25+$0x0], $0xffff;
	_ =	sdelay $0x4  }
0x34d: {  	s0 =	simm.s32 @!p0 $0x2;
	[tilespmem:s10+$0xE770] =	vst v4  }
0x34e: {  	_ =	swait.ge @!p0 [sflag:s0], $0x40  }
0x34f: {  	[sflag:s0] =	ssyncset.done @!p0 $0x0  }
0x350: {  	[sflag:s0] =	ssyncadd.s32 @!p0 $0xFFFFFFC0  }
0x351: {  	v4 =	vld @!p0 [tilespmem:$0x40]  }
0x352: {  	v5 =	vld @!p0 [tilespmem:$0x50]  }
0x353: {  	v6 =	vld @!p0 [tilespmem:$0x60]  }
0x354: {  	v7 =	vld @!p0 [tilespmem:$0x70];
	_ =	sdelay $0x1  }
0x355: {  	v4 =	vshll.u32 @!p0 v4, $0x1  }
0x356: {  	[tilespmem:$0x140] =	vst @!p0 v4;
	v4 =	vshll.u32 @!p0 v5, $0x1  }
0x357: {  	[tilespmem:$0x150] =	vst @!p0 v4;
	v4 =	vshll.u32 @!p0 v6, $0x1  }
0x358: {  	[tilespmem:$0x160] =	vst @!p0 v4;
	v4 =	vshll.u32 @!p0 v7, $0x1  }
0x359: {  	s1 =	simm.s32 @!p0 $0x140;
	s2 =	simm.s32 @!p0 $0x2780;
	s0 =	simm.s32 @!p0 $0x40;
	[tilespmem:$0x170] =	vst @!p0 v4  }
0x35a: {  	[tilespmem:s2], [sflag:$0x4] =	stream.indirect.gather @!p0 [hbm4b:s5+s0], $0x98, s1, s0, $0xb8;
	[tilespmem:$0x17D80] =	vst v63  }
0x35b: {  	s0 =	sor.u32 @!p0 s7, s8  }
0x35c: {  	s0 =	sshrl.u32 @!p0 s0, $0x3  }
0x35d: {  	s0 =	sadd.s32 @!p0 s0, s4  }
0x35e: {  	s1 =	simm.s32 @!p0 $0x0;
	s2 =	simm.s32 @!p0 $0xC0;
	s0 =	sadd.s32 @!p0 $0x200, s0  }
0x35f: {  	[tilespmem:s2], [sflag:$0x2] =	stream.linear.gather @!p0 [hbm4b:s0+s1], $0x40, $0x38;
	[tilespmem:$0x17D80] =	vst v63  }
0x360: {  	p0 =	sne.s32 s11, $0x64  }
.Ltmp8:
0x361: {  	_ = 	snop;
	(pc) =	sbr.rel @p0 .LBB2_2-.Ltmp8, $3  }
0x362: {  	_ =	sdelay $0x1  }
0x363: {  	s16 =	sadd.s32 $0xED8000, s16  }
0x364: {  	[hbm4b:s16+s21] =	stream.strided.scatter [tilespmem:s31], [sflag:$0x6], $0x9400, s29, s21, $0x38;
	[tilespmem:$0x17D80] =	vst v63  }
0x365: {  	s0 =	simm.s32 $0x5  }
0x366: {  	_ =	swait.ge [sflag:s0], $0x9800  }
0x367: {  	[sflag:s0] =	ssyncset.done $0x0  }
0x368: {  	s1 =	simm.s32 $0x6;
	[sflag:s0] =	ssyncadd.s32 $0xFFFF6800  }
0x369: {  	_ =	swait.ge [sflag:s1], $0x9400  }
0x36a: {  	s2 =	rddreg [dreg:$0x8]  }
0x36b: {  	s16 =	rddreg [dreg:$0x7];
	s2 =	sadd.s32 $0x1, s2  }
0x36c: {  	p0 =	sne.s32 s2, s16  }
.Ltmp9:
0x36d: {  	_ = 	snop;
	(pc) =	sbr.rel @p0 .LBB2_1-.Ltmp9, $3  }
0x36e: {  	_ =	sdelay $0x1  }
0x36f: {  	[sflag:s1] =	ssyncset.done $0x0  }
0x370: {  	[sflag:s1] =	ssyncadd.s32 $0xFFFF6C00  }
0x371: {  	_ =	sfence.sel $0x180000  }
0x372: {  	[bflag:$0x0] =	sbarrier.arrive $0xFFFF  }
0x373: {  	_ =	strace $0x9000004A  }
0x374: {  	s0 =	stileid.u32;
	[bflag:$0x2] =	sbarrier.arrive $0xFFFF  }
0x375: {  	p0 =	sne.s32 s0, $0x0;
	s0 =	rddreg [dreg:$0x2]  }
0x376: {  	s0 =	sadd.s32 @!p0 $0x100000, s0  }
0x377: {  	[sflag:s0] =	ssyncadd.tile.s32 @!p0 $0x1;
	_ =	shalt  }
.Lfunc_end2:
_tile_overlayer_lowered:
.L_overlay_start_2:
0x378: {  	(tag) =	ssettag $0x2  }
0x379: {  	s0 =	rddreg [dreg:$0x0];
	s2 =	stileid.u32  }
0x37a: {  	s1 =	rddreg [dreg:$0x1];
	p0 =	sne.s32 s2, $0x0  }
0x37b: {  	s3 =	rddreg [dreg:$0x2];
	[bflag:$0x3] =	sbarrier.arrive $0xFFFF;
	s2 =	simm.s32 @!p0 $0x1C07  }
0x37c: {  	[timem:s3], [sflag:s2] =	dma.local @!p0 [hbm:s0], s1  }
0x37d: {  	s0 =	simm.s32 @!p0 $0x7  }
0x37e: {  	_ =	swait.ge @!p0 [sflag:s0], s1  }
0x37f: {  	s1 =	ssub.s32 @!p0 $0x0, s1;
	[sflag:s0] =	ssyncset.done @!p0 $0x0  }
0x380: {  	[sflag:s0] =	ssyncadd.s32 @!p0 s1  }
0x381: {  	[bflag:$0x3] =	sbarrier.arrive $0xFFFF  }
0x382: {  	_ =	shalt  }

// kernel: sparse-core-data-format-call.cloned.1.call-start
scs
called_computation_lowered:
.L_overlay_start_0:
0x0: {  	s2 =	sld [smem:$0x3FD9]  }
0x1: {  	s3 =	sld [smem:$0x3FFE];
	_ =	sdelay $0x1  }
0x2: {  	s1 =	srdreg.scid  }
0x3: {  	s0 =	sand.u32 $0x1, s1  }
0x4: {  	s18 =	sshll.u32 s0, $0xA;
	s2 =	sadd.s32 s3, s2  }
0x5: {  	s2 =	sadd.s32 s2, s18  }
0x6: {  	[smem:$0x3FC6] =	sst s2  }
0x7: {  	_ = 	snop  }
0x8: {  	s2 =	sld [smem:$0x3FC8];
	(tm) =	ssettm $0x1  }
0x9: {  	s19 =	sld [smem:$0x3FFB];
	_ =	sdelay $0x3  }
0xa: {  	_ =	strace s19  }
0xb: {  	s3 =	sld [smem:$0x3FFC];
	_ =	sdelay $0x3  }
0xc: {  	_ =	strace s3  }
0xd: {  	s3 =	sld [smem:$0x3FFD];
	_ =	sdelay $0x3  }
0xe: {  	_ =	strace s3  }
0xf: {  	_ =	strace $0x8FFFFFFF  }
0x10: {  	s20 =	sld [smem:$0x3FDB];
	_ =	sdelay $0x1  }
0x11: {  	s4 =	simm.s32 $_scs_section_size  }
0x12: {  	s5 =	simm.s32 $_size__tile_overlayer_lowered;
	s6 =	simm.s32 $_tile_overlayer_lowered  }
0x13: {  	s23 =	simm.s32 $0x1BFF;
	s22 =	sshll.u32 s6, $0x1;
	s3 =	sadd.s32 s4, s20  }
0x14: {  	s7 =	simm.s32 $0x0;
	s21 =	sshll.u32 s5, $0x1;
	s5 =	sadd.s32 s22, s3  }
0x15: {  	[timem:s7], [sflag:s23] =	dma.local [hbm:s5], s21  }
0x16: {  	_ =	swait.ge [sflag:s23], s21  }
0x17: {  	s4 =	ssub.s32 $0x0, s21;
	[sflag:s23] =	ssyncset.done $0x0  }
0x18: {  	[sflag:s23] =	ssyncadd.s32 s4;
	_ =	sdelay $0x1  }
0x19: {  	s24 =	simm.s32 $0x1B8B  }
0x1a: {  	_ =	swait.ge [sflag:s24], $0x1  }
0x1b: {  	[sflag:s24] =	ssyncset.done $0x0  }
0x1c: {  	s26 =	simm.s32 $0x1B8E;
	s25 =	sld [smem:$0x3FFE];
	[sflag:s24] =	ssyncadd.s32 $0xFFFFFFFF  }
0x1d: {  	s27 =	simm.s32 $execute0_lowered;
	[smem:$0x3FD2] =	sst s26  }
0x1e: {  	s5 =	sshll.u32 s27, $0x1;
	_ =	strace $0x80000046;
	[dreg:$0x1] =	wrdreg $0xFFFFFFFF  }
0x1f: {  	s28 =	simm.s32 $_size_execute0_lowered;
	s3 =	sadd.s32 s3, s5;
	[dreg:$0x0] =	wrdreg $0x0  }
0x20: {  	s5 =	sshll.u32 s28, $0x1;
	[dreg:$0x2] =	wrdreg s3  }
0x21: {  	[dreg:$0x3] =	wrdreg s5  }
0x22: {  	[dreg:$0x4] =	wrdreg $0xC0  }
0x23: {  	_ =	task [dreg:s7], $0x5FFFF  }
0x24: {  	[dreg:$0x1] =	wrdreg $0xFFFFFFFF  }
0x25: {  	[dreg:$0x0] =	wrdreg $0x60  }
0x26: {  	[dreg:$0x2] =	wrdreg s2  }
0x27: {  	[dreg:$0x3] =	wrdreg s25  }
0x28: {  	[dreg:$0x4] =	wrdreg $0x9  }
0x29: {  	_ =	task.clear_ibuf [dreg:s7], $0x5FFFF;
	_ =	strace $0x90000046  }
0x2a: {  	s29 =	simm.s32 $0x9;
	_ =	strace $0x80000048  }
0x2b: {  	_ =	swait.ge [sflag:s29], $0x1  }
0x2c: {  	[sflag:s29] =	ssyncadd.s32 $0xFFFFFFFF  }
0x2d: {  	_ =	strace $0x90000048  }
0x2e: {  	_ =	sfence  }
0x2f: {  	s30 =	sld [smem:$0x0];
	_ =	sdelay $0x2  }
0x30: {  	s31 =	sshll.u32 s1, $0xD;
	s1 =	sshrl.u32 s1, $0x2  }
0x31: {  	s3 =	sand.u32 $0x4000, s31;
	s1 =	sadd.s32 s1, s30  }
0x32: {  	s0 =	sor.u32 s3, s0;
	s1 =	sshll.u32 s1, $0x11  }
0x33: {  	s0 =	sor.u32 s1, s0  }
0x34: {  	s0 =	sadd.s32 $0x8F2B, s0  }
0x35: {  	[sflag:s0] =	ssyncadd.remote.s32 $0x1  }
0x36: {  	_ =	sfence.sel $0xFFFF  }
0x37: {  	[dreg:$0x0] =	wrdreg $0xFFFFFFFF;
	(pc) =	sbr.abs _section_cstart, $3  }
0x38: {  	[dreg:$0x1] =	wrdreg $0xFFFFFFFF  }
0x39: {  	_ =	task.clear_ibuf [dreg:s7], $0x2FFFF;
	_ =	strace $0x9FFFFFFF  }
0x3a: {  	(tm) =	ssettm $0x7FFFFFFF  }
0x3b: {  	_ =	shalt  }
tec
execute0_lowered:
.L_overlay_start_1:
0x0: {  	(tag) =	ssettag $0x1  }
0x1: {  	s0 =	srdreg.scid  }
0x2: {  	s0 =	sshll.u32 s0, $0x4  }
0x3: {  	s1 =	stileid.u32;
	s0 =	sand.u32 $0x10, s0  }
0x4: {  	s0 =	sor.u32 s1, s0  }
0x5: {  	s10 =	sshll.u32 s0, $0x7  }
0x6: {  	s29 =	rddreg [dreg:$0x1];
	s0 =	ssub.s32 $0x49380, s10  }
0x7: {  	_ =	strace $0x80000047;
	s2 =	simm.s32 $0x1;
	s0 =	sshrl.u32 s0, $0xC  }
0x8: {  	s30 =	simm.s32 $0x2;
	s14 =	simm.s32 $0x0;
	s0 =	smul.u32 $0x3, s0  }
.Ltmp0:
0x9: {  	s9 =	simm.s32 $0x0;
	s1 =	sadd.s32 $0xA00, s29;
	(pc) =	sbr.rel .LBB1_1-.Ltmp0, $4  }
0xa: {  	s8 =	simm.s32 $0x0;
	s11 =	simm.s32 $0x0;
	[dreg:$0x4] =	wrdreg s1  }
0xb: {  	s12 =	simm.s32 $0x0;
	[dreg:$0x3] =	wrdreg s10;
	s31 =	sadd.s32 $0x3, s0  }
0xc: {  	[sflag:s2] =	ssyncpa.u1 $0x0;
	s7 =	sadd.s32 $0x4, s0;
	[dreg:$0x5] =	wrdreg s31  }
0xd: {  	s13 =	simm.s32 $0x0;
	[sflag:s30] =	ssyncpa.u1 $0x0;
	[dreg:$0x6] =	wrdreg s7  }
.LBB1_12:
0xe: {  	s8 =	rddreg [dreg:$0x7];
	s1 =	sshll.u32 s11, $0x3  }
0xf: {  	s26 =	sand.u32 $0x7F, s11;
	s5 =	rddreg [dreg:$0xb];
	s0 =	sshrl.u32 s8, $0x3  }
0x10: {  	s4 =	smov.u32 s11;
	s6 =	rddreg [dreg:$0xa];
	s0 =	smul.u32 $0xC00, s0  }
0x11: {  	s30 =	rddreg [dreg:$0x4];
	s1 =	sand.u32 $0xFFFFFC00, s1;
	s2 =	sshll.u32 s8, $0x7  }
0x12: {  	s31 =	simm.s32 $0xC00;
	s25 =	sand.u32 $0x380, s2;
	s0 =	sadd.s32 s1, s0  }
0x13: {  	p0 =	sgt.s32 s8, $0x49360;
	s2 =	smov.u32 s8;
	s0 =	sor.u32 s25, s0  }
0x14: {  	s2 =	simm.s32 @!p0 $0x49360;
	s1 =	sor.u32 s26, s0;
	s0 =	smulhi.u32 $0xAAAAAAAB, s0  }
0x15: {  	s7 =	rddreg [dreg:$0x6];
	p0 =	sgt.s32 s11, $0x100;
	s2 =	sadd.s32 s5, s2  }
0x16: {  	s4 =	simm.s32 @!p0 $0x100;
	s3 =	smulhi.u32 $0xAAAAAAAB, s1;
	s0 =	sshrl.u32 s0, $0x8  }
0x17: {  	s4 =	sadd.s32 s6, s4;
	s28 =	sadd.s32 $0xFFFB6CA0, s2;
	s27 =	smulhi.u32 $0x1BF6477, s0  }
0x18: {  	s2 =	ssub.s32 $0x493E0, s2;
	p0 =	sgt.s32 s28, $0x7F;
	s3 =	sshrl.u32 s3, $0x8  }
0x19: {  	s29 =	sadd.s32 $0xFFFFFF00, s4;
	s3 =	smul.u32 $0x180, s3;
	s5 =	sshrl.u32 s27, $0xB  }
0x1a: {  	s4 =	ssub.s32 $0x180, s4;
	p1 =	sgt.s32 s29, $0x7F;
	s5 =	smul.u32 $0x493E0, s5  }
0x1b: {  	s9 =	rddreg [dreg:$0x8];
	s2 =	simm.s32 @p0 $0x0;
	s4 =	simm.s32 @p1 $0x0  }
0x1c: {  	s2 =	smul.u32 s4, s2;
	s1 =	ssub.s32 s1, s3;
	s0 =	ssub.s32 s0, s5  }
0x1d: {  	s3 =	sshrl.u32 s1, $0x3;
	s1 =	sand.u32 $0x7, s1;
	s0 =	smul.u32 $0x30, s0  }
0x1e: {  	s14 =	rddreg [dreg:$0x9];
	s3 =	sadd.s32 s30, s3;
	s1 =	sshll.u32 s1, $0x12  }
0x1f: {  	s2 =	sand.u32 $0x3FFFFFFF, s2;
	s1 =	sor.u32 $0x400, s1;
	s0 =	sadd.s32 s0, s3  }
0x20: {  	[hbm4b:s0+s1] =	stream.strided.scatter [tilespmem:s17], [sflag:$0x2], s2, s31, s1, $0x20;
	[tilespmem:$0x10100] =	vst v63  }
.LBB1_13:
0x21: {  	p0 =	slt.u32 s13, $0x2  }
0x22: {  	s1 =	smov.u32 s14;
	s2 =	smov.u32 s9;
	p1 =	sgt.s32 @!p0 s14, $0x49360  }
0x23: {  	s0 =	sshra.s32 @!p0 s14, $0x1F;
	p2 =	sgt.s32 @!p0 s9, $0x100;
	s3 =	sshra.s32 @!p0 s9, $0x1F  }
0x24: {  	p1 =	por !p1, p0;
	s0 =	sand.u32 @!p0 s0, s14;
	p2 =	por !p2, p0  }
0x25: {  	s3 =	sand.u32 @!p0 s3, s9;
	s1 =	simm.s32 @p1 $0x49360;
	s2 =	simm.s32 @p2 $0x100  }
0x26: {  	s0 =	ssub.s32 @!p0 s1, s0;
	s1 =	ssub.s32 @!p0 s2, s3  }
0x27: {  	s2 =	sadd.s32 @!p0 $0xFFFB6CA0, s0;
	s3 =	sadd.s32 @!p0 $0xFFFFFF00, s1  }
0x28: {  	s0 =	ssub.s32 @!p0 $0x493E0, s0;
	p1 =	sgt.s32 @!p0 s2, $0x7F;
	p2 =	sgt.s32 @!p0 s3, $0x7F  }
0x29: {  	s1 =	ssub.s32 @!p0 $0x180, s1;
	p1 =	por !p1, p0;
	p2 =	por !p2, p0  }
0x2a: {  	s0 =	simm.s32 @!p1 $0x0;
	s1 =	simm.s32 @!p2 $0x0  }
0x2b: {  	s0 =	smul.u32 @!p0 s1, s0  }
0x2c: {  	s4 =	smov.u32 s12  }
0x2d: {  	s2 =	simm.s32 @!p0 $0x2;
	s1 =	sadd.s32 $0x1000, s10;
	s0 =	sand.u32 @!p0 $0x3FFFFFFF, s0  }
0x2e: {  	s3 =	sadd.s32 $0x80, s12;
	p1 =	sgt.s32 s1, $0x493DF;
	_ =	swait.ge @!p0 [sflag:s2], s0  }
0x2f: {  	s4 =	smov.u32 @p1 s3;
	s3 =	rddreg [dreg:$0x3]  }
0x30: {  	s1 =	smov.u32 @p1 s3;
	p1 =	sgt.s32 s4, $0x12B  }
0x31: {  	s4 =	simm.s32 @p1 $0x0;
	p1 =	sne.s32 s13, s7  }
.Ltmp1:
0x32: {  	_ = 	snop;
	(pc) =	sbr.rel @!p1 .LBB1_14-.Ltmp1, $4  }
0x33: {  	s14 =	smov.u32 s8  }
0x34: {  	s9 =	smov.u32 s11;
	s0 =	ssub.s32 @!p0 $0x0, s0;
	[sflag:s2] =	ssyncset.done @!p0 $0x0  }
0x35: {  	s8 =	smov.u32 s10;
	s11 =	smov.u32 s12;
	[sflag:s2] =	ssyncadd.s32 @!p0 s0  }
0x36: {  	s13 =	sadd.s32 $0x1, s13;
	s10 =	smov.u32 s1;
	s12 =	smov.u32 s4  }
.LBB1_1:
0x37: {  	s0 =	rddreg [dreg:$0x5]  }
0x38: {  	p0 =	sge.u32 s13, s0  }
0x39: {  	s0 =	sshrl.u32 @!p0 s12, $0x3  }
0x3a: {  	s1 =	sshll.u32 @!p0 s10, $0x3;
	s0 =	smul.u32 @!p0 $0x24A000, s0  }
0x3b: {  	s1 =	sand.u32 @!p0 $0xFFFFFC00, s1  }
0x3c: {  	s0 =	sadd.s32 @!p0 s0, s1  }
0x3d: {  	s1 =	smulhi.u32 @!p0 $0xDFAC1F75, s0;
	_ =	sdelay $0x1  }
0x3e: {  	s5 =	smov.u32 s10;
	s1 =	sshrl.u32 @!p0 s1, $0x12  }
0x3f: {  	s2 =	sshll.u32 @!p0 s12, $0x7;
	p1 =	sgt.s32 @!p0 s12, $0xB0;
	s3 =	smul.u32 @!p0 $0x6BCB, s1  }
0x40: {  	s4 =	sand.u32 @!p0 $0x7F, s10;
	s2 =	sand.u32 @!p0 $0x380, s2;
	p1 =	por !p1, p0  }
0x41: {  	s2 =	sor.u32 @!p0 s4, s2;
	s4 =	sshra.s32 @!p0 s12, $0x1F;
	s3 =	sshrl.u32 @!p0 s3, $0x17  }
0x42: {  	s0 =	sor.u32 @!p0 s0, s2;
	s2 =	smul.u32 @!p0 $0x130, s3;
	s3 =	smov.u32 s12  }
0x43: {  	s4 =	sand.u32 @!p0 s4, s12;
	s3 =	simm.s32 @p1 $0xB0;
	p1 =	sgt.s32 @!p0 s10, $0x49380  }
0x44: {  	s6 =	sshra.s32 @!p0 s10, $0x1F;
	p1 =	por !p1, p0;
	s3 =	ssub.s32 @!p0 s3, s4  }
0x45: {  	s4 =	sand.u32 @!p0 s6, s10;
	s1 =	ssub.s32 @!p0 s1, s2;
	s5 =	simm.s32 @p1 $0x49380  }
0x46: {  	s6 =	smulhi.u32 @!p0 $0xDFAC1F75, s0;
	s1 =	sand.u32 @!p0 $0xFFFF, s1;
	s4 =	ssub.s32 @!p0 s5, s4  }
0x47: {  	s5 =	sadd.s32 @!p0 $0xFFFFFF50, s3;
	s3 =	ssub.s32 @!p0 $0x130, s3;
	s1 =	smul.u32 @!p0 $0x9280, s1  }
0x48: {  	p1 =	sgt.s32 @!p0 s5, $0x7F;
	s2 =	sadd.s32 @!p0 $0xFFFB6C80, s4;
	s5 =	sshrl.u32 @!p0 s6, $0x12  }
0x49: {  	s4 =	ssub.s32 @!p0 $0x49400, s4;
	p2 =	sgt.s32 @!p0 s2, $0x7F;
	s2 =	sxor.u32 @!p0 $0xFFFFFFFF, s13  }
0x4a: {  	s5 =	smul.u32 @!p0 $0x49400, s5;
	p1 =	por !p1, p0;
	p2 =	por !p2, p0  }
0x4b: {  	s2 =	sshll.u32 @!p0 s2, $0xE;
	s3 =	simm.s32 @!p1 $0x0;
	s4 =	simm.s32 @!p2 $0x0  }
0x4c: {  	s2 =	sand.u32 @!p0 $0x4000, s2;
	s0 =	ssub.s32 @!p0 s0, s5;
	s3 =	smul.u32 @!p0 s3, s4  }
0x4d: {  	s5 =	rddreg [dreg:$0x0];
	s4 =	sshrl.u32 @!p0 s0, $0x3;
	s0 =	sand.u32 @!p0 $0x7, s0  }
0x4e: {  	s4 =	sadd.s32 @!p0 s5, s4;
	s0 =	sshll.u32 @!p0 s0, $0x12;
	s3 =	sand.u32 @!p0 $0x3FFFFFFF, s3  }
0x4f: {  	s1 =	sadd.s32 @!p0 s1, s4;
	s0 =	sor.u32 @!p0 $0x400, s0;
	s4 =	simm.s32 @!p0 $0x24A000  }
0x50: {  	[tilespmem:s2], [sflag:$0x1] =	stream.strided.gather @!p0 [hbm4b:s1+s0], s3, s4, s0, $0x38;
	[tilespmem:$0x10100] =	vst v63  }
0x51: {  	p0 =	seq.s32 s13, $0x0  }
0x52: {  	p1 =	sge.u32 @!p0 s13, s7  }
0x53: {  	p0 =	por p0, p1  }
.Ltmp2:
0x54: {  	_ = 	snop;
	(pc) =	sbr.rel @p0 .LBB1_13-.Ltmp2, $1  }
0x55: {  	_ =	sdelay $0x3  }
0x56: {  	s0 =	ssub.s32 $0x0, s11;
	s1 =	sshra.s32 s11, $0x1F;
	p0 =	sgt.s32 s11, $0xB0  }
0x57: {  	s2 =	smov.u32 s11;
	s25 =	ssub.s32 $0x0, s8;
	s26 =	sshra.s32 s8, $0x1F  }
0x58: {  	s3 =	smov.u32 s8;
	s2 =	simm.s32 @!p0 $0xB0;
	p0 =	sgt.s32 s8, $0x49380  }
0x59: {  	s4 =	sand.u32 s0, s1;
	s1 =	sand.u32 s25, s26;
	s3 =	simm.s32 @!p0 $0x49380  }
0x5a: {  	s2 =	sadd.s32 s4, s2;
	[dreg:$0xb] =	wrdreg s1;
	s1 =	sadd.s32 s1, s3  }
0x5b: {  	s27 =	sadd.s32 $0xFFFFFF50, s2;
	s2 =	ssub.s32 $0x130, s2;
	s28 =	sadd.s32 $0xFFFB6C80, s1  }
0x5c: {  	p0 =	sgt.s32 s27, $0x7F;
	s0 =	ssub.s32 $0x49400, s1;
	p1 =	sgt.s32 s28, $0x7F  }
0x5d: {  	s2 =	simm.s32 @p0 $0x0;
	s0 =	simm.s32 @p1 $0x0  }
0x5e: {  	s29 =	smul.u32 s2, s0;
	s2 =	sadd.s32 $0x80, s11  }
0x5f: {  	p0 =	slt.s32 s2, $0x12C  }
0x60: {  	s2 =	simm.s32 @!p0 $0x12C  }
0x61: {  	[dreg:$0x9] =	wrdreg s14;
	s19 =	ssub.s32 s2, s11  }
0x62: {  	[dreg:$0x8] =	wrdreg s9;
	p0 =	slt.s32 s19, $0x1  }
.Ltmp3:
0x63: {  	[dreg:$0x7] =	wrdreg s8;
	s30 =	simm.s32 $0x1;
	(pc) =	sbr.rel @p0 .LBB1_12-.Ltmp3, $4  }
0x64: {  	[dreg:$0xa] =	wrdreg s4;
	s0 =	sand.u32 $0x1, s13;
	s1 =	sand.u32 $0x3FFFFFFF, s29  }
0x65: {  	s31 =	smul.u32 $0x4080, s0;
	_ =	swait.ge [sflag:s30], s1  }
0x66: {  	s1 =	ssub.s32 $0x0, s1;
	[sflag:s30] =	ssyncset.done $0x0  }
0x67: {  	s17 =	sor.u32 $0x8000, s31;
	[sflag:s30] =	ssyncadd.s32 s1  }
0x68: {  	s2 =	rddreg [dreg:$0x7]  }
0x69: {  	s1 =	sadd.s32 $0x80, s2  }
0x6a: {  	p0 =	slt.s32 s1, $0x493E0  }
.Ltmp4:
0x6b: {  	s1 =	simm.s32 @!p0 $0x493E0;
	(pc) =	sbr.rel .LBB1_4-.Ltmp4, $4  }
0x6c: {  	s22 =	sshll.u32 s0, $0xE;
	s1 =	ssub.s32 s1, s2  }
0x6d: {  	s24 =	simm.s32 $0x0;
	s25 =	simm.s32 $0x400;
	s1 =	sadd.s32 $0xF, s1  }
0x6e: {  	s20 =	sand.u32 $0xFFFFFFF0, s1;
	s21 =	sand.u32 $0xFFFFFF00, s1;
	s31 =	sshll.u32 s1, $0x3  }
0x6f: {  	p0 =	slt.s32 s1, $0x100;
	s23 =	sand.u32 $0xFFFFF800, s31;
	p1 =	sge.s32 s21, s20  }
.LBB1_11:
0x70: {  	s24 =	sadd.s32 $0x1, s24  }
0x71: {  	p2 =	sne.s32 s24, s19  }
.Ltmp5:
0x72: {  	_ = 	snop;
	(pc) =	sbr.rel @!p2 .LBB1_12-.Ltmp5, $2  }
0x73: {  	_ =	sdelay $0x2  }
0x74: {  	s25 =	sadd.s32 $0x80, s25  }
.LBB1_4:
.Ltmp6:
0x75: {  	(pc) =	sbr.rel @p0 .LBB1_8-.Ltmp6, $2  }
0x76: {  	_ =	sdelay $0x2  }
0x77: {  	s26 =	sshll.u32 s24, $0x7;
	s27 =	sand.u32 $0x7F, s24  }
0x78: {  	s0 =	sshll.u32 s24, $0x3  }
0x79: {  	s5 =	sand.u32 $0x380, s26;
	s3 =	sshrl.u32 s0, $0x7  }
0x7a: {  	s2 =	sadd.s32 $0x800, s0;
	s6 =	sadd.s32 $0x1000, s0;
	s18 =	sadd.s32 s5, s22  }
0x7b: {  	s9 =	sadd.s32 $0x1800, s0;
	s16 =	sadd.s32 $0x2800, s0;
	s7 =	sadd.s32 $0x3000, s0  }
0x7c: {  	s0 =	sadd.s32 $0x3800, s0;
	s1 =	sand.u32 $0x78, s3;
	s2 =	sshrl.u32 s2, $0x7  }
0x7d: {  	s8 =	sshrl.u32 s6, $0x7;
	s6 =	sshrl.u32 s9, $0x7;
	s9 =	sshrl.u32 s0, $0x7  }
0x7e: {  	v0 =	vmov s18;
	s18 =	sand.u32 $0x3C00, s25;
	s4 =	smul.u32 $0x204, s1;
	s2 =	sand.u32 $0x78, s2  }
0x7f: {  	s5 =	sand.u32 $0x78, s8;
	s14 =	sand.u32 $0x78, s6;
	s2 =	smul.u32 $0x204, s2  }
0x80: {  	s1 =	sxor.u32 $0x40, s1;
	s8 =	sshrl.u32 s7, $0x7;
	s5 =	smul.u32 $0x204, s5  }
0x81: {  	s7 =	sadd.s32 $0x30, s3;
	s1 =	smul.u32 $0x204, s1;
	s4 =	sshrl.u32 s4, $0x2  }
0x82: {  	s4 =	sadd.s32 s4, s17;
	s2 =	sshrl.u32 s2, $0x2;
	s15 =	sshrl.u32 s5, $0x2  }
0x83: {  	s5 =	sshrl.u32 s16, $0x7;
	s1 =	sshrl.u32 s1, $0x2;
	s16 =	sadd.s32 $0x20, s3  }
0x84: {  	s2 =	sadd.s32 s2, s17;
	s28 =	sadd.s32 s27, s4;
	s4 =	sadd.s32 s15, s17  }
0x85: {  	s6 =	sadd.s32 s1, s17;
	s29 =	sadd.s32 s27, s2;
	s2 =	smul.u32 $0x204, s14  }
0x86: {  	s15 =	sadd.s32 $0x10, s3;
	s30 =	sadd.s32 s27, s4;
	s4 =	sand.u32 $0x78, s5  }
0x87: {  	s5 =	sand.u32 $0x78, s15;
	s4 =	smul.u32 $0x204, s4;
	s2 =	sshrl.u32 s2, $0x2  }
0x88: {  	s31 =	sadd.s32 s27, s6;
	s5 =	smul.u32 $0x204, s5;
	s2 =	sadd.s32 s2, s17  }
0x89: {  	s4 =	sshrl.u32 s4, $0x2;
	s1 =	sadd.s32 s27, s2;
	s2 =	sand.u32 $0x78, s8  }
0x8a: {  	s14 =	sand.u32 $0x78, s9;
	s4 =	sadd.s32 s4, s17;
	s2 =	smul.u32 $0x204, s2  }
0x8b: {  	s6 =	sand.u32 $0x78, s16;
	s5 =	sshrl.u32 s5, $0x2;
	s0 =	sadd.s32 s27, s4  }
0x8c: {  	s4 =	smul.u32 $0x204, s14;
	s14 =	sadd.s32 $0x60, s3;
	s2 =	sshrl.u32 s2, $0x2  }
0x8d: {  	s5 =	sadd.s32 s5, s17;
	s14 =	sand.u32 $0x78, s14;
	s2 =	sadd.s32 s2, s17  }
0x8e: {  	s4 =	sshrl.u32 s4, $0x2;
	s14 =	smul.u32 $0x204, s14;
	s8 =	sadd.s32 s27, s2  }
0x8f: {  	s2 =	sadd.s32 s4, s17;
	s4 =	smul.u32 $0x204, s6;
	s6 =	sand.u32 $0x78, s7  }
0x90: {  	s7 =	sadd.s32 $0x50, s3;
	s3 =	sadd.s32 $0x70, s3;
	s14 =	sshrl.u32 s14, $0x2  }
0x91: {  	s6 =	smul.u32 $0x204, s6;
	s7 =	sand.u32 $0x78, s7;
	s3 =	sand.u32 $0x78, s3  }
0x92: {  	v1 =	vld.idx.msk [tilespmem:v0+s18+$0x0 ss:$0x1], $0xffff;
	s14 =	sadd.s32 s14, s17;
	s4 =	sshrl.u32 s4, $0x2;
	s7 =	smul.u32 $0x204, s7  }
0x93: {  	s3 =	smul.u32 $0x204, s3;
	s6 =	sshrl.u32 s6, $0x2;
	s4 =	sadd.s32 s4, s17  }
0x94: {  	s15 =	sadd.s32 s6, s17;
	s6 =	sadd.s32 s27, s5;
	s5 =	sadd.s32 s27, s4  }
0x95: {  	s7 =	sshrl.u32 s7, $0x2;
	s3 =	sshrl.u32 s3, $0x2;
	s4 =	sadd.s32 s27, s15  }
0x96: {  	s7 =	sadd.s32 s7, s17;
	s9 =	sadd.s32 s3, s17;
	s15 =	sadd.s32 $0xFFFFFC00, s25  }
0x97: {  	[tilespmem:s28+$0x0 ss:$0x81] =	vst.msk $0xffff, v1;
	v1 =	vld.idx.msk [tilespmem:v0+s18+$0x20 ss:$0x1], $0xffff;
	s3 =	sadd.s32 s27, s7;
	s7 =	sadd.s32 s27, s14;
	s14 =	sand.u32 $0x3C00, s15  }
0x98: {  	v2 =	vld.idx.msk [tilespmem:v0+s14+$0x70 ss:$0x1], $0xffff  }
0x99: {  	v3 =	vld.idx.msk [tilespmem:v0+s14+$0x0 ss:$0x1], $0xffff  }
0x9a: {  	v4 =	vld.idx.msk [tilespmem:v0+s14+$0x10 ss:$0x1], $0xffff  }
0x9b: {  	v5 =	vld.idx.msk [tilespmem:v0+s14+$0x20 ss:$0x1], $0xffff  }
0x9c: {  	s2 =	sadd.s32 s27, s2;
	v6 =	vld.idx.msk [tilespmem:v0+s14+$0x30 ss:$0x1], $0xffff  }
0x9d: {  	v7 =	vld.idx.msk [tilespmem:v0+s14+$0x40 ss:$0x1], $0xffff;
	[tilespmem:s2+$0x0 ss:$0x81] =	vst.msk $0xffff, v2  }
0x9e: {  	v8 =	vld.idx.msk [tilespmem:v0+s14+$0x50 ss:$0x1], $0xffff;
	[tilespmem:s28+$0x0 ss:$0x81] =	vst.msk $0xffff, v3  }
0x9f: {  	p2 =	sgt.s32 s21, $0x100;
	v9 =	vld.idx.msk [tilespmem:v0+s14+$0x60 ss:$0x1], $0xffff;
	[tilespmem:s29+$0x0 ss:$0x81] =	vst.msk $0xffff, v4  }
.Ltmp7:
0xa0: {  	v4 =	vld.idx.msk [tilespmem:v0+s18+$0x10 ss:$0x1], $0xffff;
	[tilespmem:s30+$0x0 ss:$0x81] =	vst.msk $0xffff, v5;
	(pc) =	sbr.rel @!p2 .LBB1_7-.Ltmp7, $4  }
0xa1: {  	[tilespmem:s1+$0x0 ss:$0x81] =	vst.msk $0xffff, v6;
	v2 =	vld.idx.msk [tilespmem:v0+s18+$0x30 ss:$0x1], $0xffff  }
0xa2: {  	[tilespmem:s31+$0x0 ss:$0x81] =	vst.msk $0xffff, v7;
	v3 =	vld.idx.msk [tilespmem:v0+s18+$0x40 ss:$0x1], $0xffff  }
0xa3: {  	[tilespmem:s0+$0x0 ss:$0x81] =	vst.msk $0xffff, v8;
	v5 =	vld.idx.msk [tilespmem:v0+s18+$0x50 ss:$0x1], $0xffff  }
0xa4: {  	s16 =	sadd.s32 s27, s9;
	s15 =	sadd.s32 $0x800, s25;
	s14 =	simm.s32 $0x100;
	[tilespmem:s8+$0x0 ss:$0x81] =	vst.msk $0xffff, v9;
	v6 =	vld.idx.msk [tilespmem:v0+s18+$0x60 ss:$0x1], $0xffff  }
.LBB1_6:
0xa5: {  	s9 =	sadd.s32 $0xFFFFFC00, s15;
	s14 =	sadd.s32 $0x100, s14;
	[tilespmem:s6+$0x0 ss:$0x81] =	vst.msk $0xffff, v4;
	v4 =	vld.idx.msk [tilespmem:v0+s18+$0x70 ss:$0x1], $0xffff;
	s18 =	sand.u32 $0x3C00, s15  }
0xa6: {  	s9 =	sand.u32 $0x3C00, s9;
	v7 =	vld.idx.msk [tilespmem:v0+s18+$0x0 ss:$0x1], $0xffff;
	p2 =	slt.s32 s14, s21;
	[tilespmem:s5+$0x0 ss:$0x81] =	vst.msk $0xffff, v1  }
0xa7: {  	v1 =	vld.idx.msk [tilespmem:v0+s9+$0x70 ss:$0x1], $0xffff;
	[tilespmem:s4+$0x0 ss:$0x81] =	vst.msk $0xffff, v2  }
0xa8: {  	v2 =	vld.idx.msk [tilespmem:v0+s9+$0x0 ss:$0x1], $0xffff;
	[tilespmem:s31+$0x0 ss:$0x81] =	vst.msk $0xffff, v3  }
0xa9: {  	v3 =	vld.idx.msk [tilespmem:v0+s9+$0x10 ss:$0x1], $0xffff;
	[tilespmem:s3+$0x0 ss:$0x81] =	vst.msk $0xffff, v5  }
0xaa: {  	v5 =	vld.idx.msk [tilespmem:v0+s9+$0x20 ss:$0x1], $0xffff;
	[tilespmem:s7+$0x0 ss:$0x81] =	vst.msk $0xffff, v6  }
0xab: {  	v6 =	vld.idx.msk [tilespmem:v0+s9+$0x30 ss:$0x1], $0xffff;
	[tilespmem:s16+$0x0 ss:$0x81] =	vst.msk $0xffff, v4  }
0xac: {  	v8 =	vld.idx.msk [tilespmem:v0+s9+$0x40 ss:$0x1], $0xffff;
	[tilespmem:s28+$0x0 ss:$0x81] =	vst.msk $0xffff, v7  }
0xad: {  	v7 =	vld.idx.msk [tilespmem:v0+s9+$0x50 ss:$0x1], $0xffff;
	[tilespmem:s2+$0x0 ss:$0x81] =	vst.msk $0xffff, v1  }
0xae: {  	[tilespmem:s28+$0x0 ss:$0x81] =	vst.msk $0xffff, v2;
	v9 =	vld.idx.msk [tilespmem:v0+s9+$0x60 ss:$0x1], $0xffff  }
0xaf: {  	[tilespmem:s29+$0x0 ss:$0x81] =	vst.msk $0xffff, v3;
	v4 =	vld.idx.msk [tilespmem:v0+s18+$0x10 ss:$0x1], $0xffff  }
.Ltmp8:
0xb0: {  	[tilespmem:s30+$0x0 ss:$0x81] =	vst.msk $0xffff, v5;
	v1 =	vld.idx.msk [tilespmem:v0+s18+$0x20 ss:$0x1], $0xffff;
	(pc) =	sbr.rel @p2 .LBB1_6-.Ltmp8, $4  }
0xb1: {  	[tilespmem:s1+$0x0 ss:$0x81] =	vst.msk $0xffff, v6;
	v2 =	vld.idx.msk [tilespmem:v0+s18+$0x30 ss:$0x1], $0xffff  }
0xb2: {  	[tilespmem:s31+$0x0 ss:$0x81] =	vst.msk $0xffff, v8;
	v3 =	vld.idx.msk [tilespmem:v0+s18+$0x40 ss:$0x1], $0xffff  }
0xb3: {  	[tilespmem:s0+$0x0 ss:$0x81] =	vst.msk $0xffff, v7;
	v5 =	vld.idx.msk [tilespmem:v0+s18+$0x50 ss:$0x1], $0xffff  }
0xb4: {  	s15 =	sadd.s32 $0x800, s15;
	[tilespmem:s8+$0x0 ss:$0x81] =	vst.msk $0xffff, v9;
	v6 =	vld.idx.msk [tilespmem:v0+s18+$0x60 ss:$0x1], $0xffff  }
.LBB1_7:
0xb5: {  	_ =	sdelay $0x2  }
0xb6: {  	[tilespmem:s6+$0x0 ss:$0x81] =	vst.msk $0xffff, v4  }
0xb7: {  	v0 =	vld.idx.msk [tilespmem:v0+s18+$0x70 ss:$0x1], $0xffff;
	[tilespmem:s5+$0x0 ss:$0x81] =	vst.msk $0xffff, v1  }
0xb8: {  	[tilespmem:s4+$0x0 ss:$0x81] =	vst.msk $0xffff, v2  }
0xb9: {  	[tilespmem:s31+$0x0 ss:$0x81] =	vst.msk $0xffff, v3  }
0xba: {  	[tilespmem:s3+$0x0 ss:$0x81] =	vst.msk $0xffff, v5  }
0xbb: {  	[tilespmem:s7+$0x0 ss:$0x81] =	vst.msk $0xffff, v6  }
0xbc: {  	[tilespmem:s16+$0x0 ss:$0x81] =	vst.msk $0xffff, v0  }
.LBB1_8:
.Ltmp9:
0xbd: {  	(pc) =	sbr.rel @p1 .LBB1_11-.Ltmp9, $1  }
0xbe: {  	_ =	sdelay $0x3  }
0xbf: {  	s1 =	sand.u32 $0x380, s26;
	s0 =	sshrl.u32 s24, $0x4;
	s2 =	sadd.s32 s27, s17  }
0xc0: {  	s3 =	smov.u32 s23;
	s4 =	smov.u32 s21;
	s1 =	sadd.s32 s1, s22  }
.LBB1_10:
0xc1: {  	s5 =	sand.u32 $0x3C00, s3  }
0xc2: {  	s5 =	sadd.s32 s26, s5  }
0xc3: {  	s5 =	sand.u32 $0x3C00, s5  }
0xc4: {  	s6 =	sand.u32 $0x70, s4;
	s30 =	sadd.s32 s4, s0;
	s5 =	sadd.s32 s5, s1  }
0xc5: {  	s4 =	sadd.s32 $0x10, s4;
	s31 =	sand.u32 $0x78, s30;
	s5 =	sadd.s32 s6, s5  }
0xc6: {  	p2 =	slt.s32 s4, s20;
	v0 =	vld [tilespmem:s5+$0x0];
	s5 =	smul.u32 $0x204, s31  }
.Ltmp10:
0xc7: {  	_ = 	snop;
	(pc) =	sbr.rel @p2 .LBB1_10-.Ltmp10, $4  }
0xc8: {  	_ = 	snop  }
0xc9: {  	s5 =	sshrl.u32 s5, $0x2  }
0xca: {  	s5 =	sadd.s32 s5, s2  }
0xcb: {  	s3 =	sadd.s32 $0x80, s3;
	[tilespmem:s5+$0x0 ss:$0x81] =	vst.msk $0xffff, v0  }
.Ltmp11:
0xcc: {  	_ = 	snop;
	(pc) =	sbr.rel .LBB1_11-.Ltmp11, $1  }
0xcd: {  	_ =	sdelay $0x3  }
.LBB1_14:
0xce: {  	_ =	sfence.sel $0x180000  }
0xcf: {  	s0 =	simm.s32 $0x1;
	[bflag:$0x0] =	sbarrier.arrive $0xFFFF  }
0xd0: {  	s30 =	simm.s32 $0x2;
	[sflag:s0] =	ssyncpa.u1 $0x1  }
0xd1: {  	[sflag:s30] =	ssyncpa.u1 $0x1  }
0xd2: {  	_ =	strace $0x90000047  }
0xd3: {  	s31 =	stileid.u32;
	[bflag:$0x2] =	sbarrier.arrive $0xFFFF  }
0xd4: {  	p0 =	sne.s32 s31, $0x0;
	s0 =	rddreg [dreg:$0x2]  }
0xd5: {  	s0 =	sadd.s32 @!p0 $0x100000, s0  }
0xd6: {  	[sflag:s0] =	ssyncadd.tile.s32 @!p0 $0x1;
	_ =	shalt  }
.Lfunc_end1:
_tile_overlayer_lowered:
.L_overlay_start_2:
0xd7: {  	(tag) =	ssettag $0x2  }
0xd8: {  	s0 =	rddreg [dreg:$0x0];
	s2 =	stileid.u32  }
0xd9: {  	s1 =	rddreg [dreg:$0x1];
	p0 =	sne.s32 s2, $0x0  }
0xda: {  	s3 =	rddreg [dreg:$0x2];
	[bflag:$0x3] =	sbarrier.arrive $0xFFFF;
	s2 =	simm.s32 @!p0 $0x1C01  }
0xdb: {  	[timem:s3], [sflag:s2] =	dma.local @!p0 [hbm:s0], s1  }
0xdc: {  	s0 =	simm.s32 @!p0 $0x1  }
0xdd: {  	_ =	swait.ge @!p0 [sflag:s0], s1  }
0xde: {  	s1 =	ssub.s32 @!p0 $0x0, s1;
	[sflag:s0] =	ssyncset.done @!p0 $0x0  }
0xdf: {  	[sflag:s0] =	ssyncadd.s32 @!p0 s1  }
0xe0: {  	[bflag:$0x3] =	sbarrier.arrive $0xFFFF  }
0xe1: {  	_ =	shalt  }

</sc_bundles>
